<compile_context>
chip_gen: v7x
topology: tpu7x:2x2x1
jax: 0.10.2.dev20260603
libtpu: 0.0.44.dev20260713+nightly
codegen_flags: <defaults>
</compile_context>

<pallas_src>
import functools

import jax
import jax.numpy as jnp
from jax import lax
from jax.experimental import pallas as pl
from jax.experimental.pallas import tpu as pltpu
from jax.experimental.pallas import tpu_sc as plsc

B, L, V, D = 1024, 200, 1000000, 64
NC, NS = 2, 16
NW = NC * NS
BPW = B // NW
NCOMB = 3 * L
NWIN = L // 16


@functools.partial(
    pl.kernel,
    out_type=jax.ShapeDtypeStruct((B * L, D), jnp.float32),
    mesh=plsc.VectorSubcoreMesh(core_axis_name="c", subcore_axis_name="s"),
    scratch_types=[
        pltpu.VMEM((BPW, L), jnp.int32),
        pltpu.VMEM((BPW, L), jnp.int32),
        pltpu.VMEM((3, D), jnp.float32),
        pltpu.VMEM((NCOMB * D,), jnp.float32),
        pltpu.VMEM((L, D), jnp.float32),
        pltpu.VMEM((L, D), jnp.float32),
        pltpu.SMEM((L,), jnp.int32),
        pltpu.SMEM((L,), jnp.int32),
        pltpu.SemaphoreType.DMA,
        pltpu.SemaphoreType.DMA,
        pltpu.SemaphoreType.DMA,
        pltpu.SemaphoreType.DMA,
    ],
)
def _sc_embed(x_h, seg_h, table_h, segt_h, pos_h, out_h,
              xv, sv, segt_v, comb_v, buf0, buf1, sm0, sm1,
              gsem0, gsem1, osem0, osem1):
    cid = lax.axis_index("c")
    sid = lax.axis_index("s")
    wid = sid * NC + cid
    bbase = pl.multiple_of(wid * BPW, BPW)

    pltpu.sync_copy(x_h.at[pl.ds(bbase, BPW), :], xv)
    pltpu.sync_copy(seg_h.at[pl.ds(bbase, BPW), :], sv)
    pltpu.sync_copy(segt_h, segt_v)
    pltpu.sync_copy(pos_h.at[pl.ds(0, L), :], buf0)

    def comb_body(l, carry):
        cbase = pl.multiple_of(3 * l * D, D)
        for s in range(3):
            for q in range(D // 16):
                pv = buf0[l, pl.ds(q * 16, 16)]
                tv = segt_v[s, pl.ds(q * 16, 16)]
                comb_v[pl.ds(cbase + s * D + q * 16, 16)] = pv + tv
        return carry

    lax.fori_loop(0, L, comb_body, 0)

    bufs = (buf0, buf1)
    stash = (sm0, sm1)
    gsems = (gsem0, gsem1)
    osems = (osem0, osem1)

    def fetch(bb, slot):
        buf, sm = bufs[slot], stash[slot]

        def win_body(w, carry):
            for u in range(2):
                wstart = pl.multiple_of((w * 2 + u) * 16, 16)
                xvec = xv[bb, pl.ds(wstart, 16)]
                svec = sv[bb, pl.ds(wstart, 16)]
                pvec = xvec * 4 + svec
                for i in range(16):
                    p = pvec[i]
                    pltpu.async_copy(table_h.at[p >> 2], buf.at[wstart + i],
                                     gsems[slot])
                    sm[wstart + i] = p & 3
            return carry

        lax.fori_loop(0, NWIN // 2, win_body, 0)
        xvec = xv[bb, pl.ds(L - 16, 16)]
        svec = sv[bb, pl.ds(L - 16, 16)]
        pvec = xvec * 4 + svec
        for i in range(8, 16):
            p = pvec[i]
            pltpu.async_copy(table_h.at[p >> 2], buf.at[L - 16 + i],
                             gsems[slot])
            sm[L - 16 + i] = p & 3

    def process(bb, slot):
        buf, sm = bufs[slot], stash[slot]
        pltpu.make_async_copy(out_h.at[pl.ds(0, L), :], buf, gsems[slot]).wait()

        def add_body(jj, carry):
            for u in range(4):
                j = jj * 4 + u
                aoff = pl.multiple_of((3 * j + sm[j]) * D, D)
                for q in range(D // 16):
                    av = comb_v[pl.ds(aoff + q * 16, 16)]
                    plsc.addupdate(buf.at[j, pl.ds(q * 16, 16)], av)
            return carry

        lax.fori_loop(0, L // 4, add_body, 0)
        pltpu.async_copy(buf, out_h.at[pl.ds((bbase + bb) * L, L), :], osems[slot])

    def drain_out(slot):
        pltpu.make_async_copy(bufs[slot], out_h.at[pl.ds(0, L), :], osems[slot]).wait()

    fetch(0, 0)

    def pair_body(h, carry):
        bb = h * 2

        @pl.when(h > 0)
        def _():
            drain_out(1)
        fetch(bb + 1, 1)
        process(bb, 0)
        process(bb + 1, 1)

        drain_out(0)

        @pl.when(h + 1 < BPW // 2)
        def _():
            fetch(bb + 2, 0)
        return carry

    lax.fori_loop(0, BPW // 2, pair_body, 0)
    drain_out(1)


def kernel(x, segment_info, table, seg_table, pos):
    out = _sc_embed(x.astype(jnp.int32), segment_info.astype(jnp.int32),
                    table, seg_table, pos)
    return out.reshape(B, L, D)

# --- scband reference (transcript-rebuilt; emitter-appended) ---
"""Pipeline reference for scband-bertembedding-block-6700148981783 (READ-ONLY COPY).

The authoritative reference and input builder live on the scoring server;
editing this copy changes nothing except your own understanding.
"""

import jax, jax.numpy as jnp
import numpy as np

B, L, V, D, M = 1024, 200, 1000000, 64, 512

def _make_pos(max_seq_len, dim):
    units = 10000.0 ** (2.0 * np.arange(dim // 2) / dim)
    p = np.arange(max_seq_len, dtype=np.float64)[:, None]
    pos = np.zeros((max_seq_len, dim), dtype=np.float32)
    pos[:, 0::2] = np.sin(p / units[None, :]).astype(np.float32)
    pos[:, 1::2] = np.cos(p / units[None, :]).astype(np.float32)
    return jnp.asarray(pos)

def setup_inputs(seed: int = 0) -> dict:
    key = jax.random.key(seed)
    k1, k2, k3, k4 = jax.random.split(key, 4)
    x = jax.random.randint(k1, (B, L), 0, V, dtype=jnp.int64)
    segment_info = jax.random.randint(k2, (B, L), 0, 3, dtype=jnp.int64)
    table = jax.random.normal(k3, (V, D), dtype=jnp.float32) * 0.02
    seg_table = jax.random.normal(k4, (3, D), dtype=jnp.float32) * 0.02
    pos = _make_pos(M, D)
    return {"x": x, "segment_info": segment_info, "table": table, "seg_table": seg_table, "pos": pos}

def reference(x, segment_info, table, seg_table, pos):
    out = jnp.take(table, x, axis=0)
    seq_len = x.shape[1]
    out = out + pos[:seq_len, :][None, :, :]
    out = out + jnp.take(seg_table, segment_info, axis=0)
    return out

if __name__ == "__main__":
    import jax
    _d = setup_inputs()
    print(jax.jit(kernel)(*tuple(_d.values())))

</pallas_src>

<mosaic_0001>
#map = affine_map<(d0, d1) -> (0, 0)>
module attributes {stable_mosaic.version = 14 : i64} {
  func.func @_sc_embed(%arg0: i32, %arg1: i32, %arg2: memref<1024x200xi32, #tpu.memory_space<hbm>>, %arg3: memref<1024x200xi32, #tpu.memory_space<hbm>>, %arg4: memref<1000000x64xf32, #tpu.memory_space<hbm>>, %arg5: memref<3x64xf32, #tpu.memory_space<hbm>>, %arg6: memref<512x64xf32, #tpu.memory_space<hbm>>, %arg7: memref<204800x64xf32, #tpu.memory_space<hbm>>, %arg8: memref<32x200xi32, #tpu.memory_space<vmem>>, %arg9: memref<32x200xi32, #tpu.memory_space<vmem>>, %arg10: memref<3x64xf32, #tpu.memory_space<vmem>>, %arg11: memref<38400xf32, #tpu.memory_space<vmem>>, %arg12: memref<200x64xf32, #tpu.memory_space<vmem>>, %arg13: memref<200x64xf32, #tpu.memory_space<vmem>>, %arg14: memref<200xi32, #tpu.memory_space<smem>>, %arg15: memref<200xi32, #tpu.memory_space<smem>>, %arg16: memref<!tpu.dma_semaphore, #tpu.memory_space<semaphore_mem>>, %arg17: memref<!tpu.dma_semaphore, #tpu.memory_space<semaphore_mem>>, %arg18: memref<!tpu.dma_semaphore, #tpu.memory_space<semaphore_mem>>, %arg19: memref<!tpu.dma_semaphore, #tpu.memory_space<semaphore_mem>>) attributes {dimension_semantics = [#tpu.dimension_semantics<core_parallel>, #tpu.dimension_semantics<subcore_parallel>], iteration_bounds = array<i64: 2, 16>, scalar_prefetch = 0 : i64, scratch_operands = 12 : i64, tpu.core_type = #tpu.core_type<sc_vector_subcore>, window_params = [{transform_indices = #map}, {transform_indices = #map}, {transform_indices = #map}, {transform_indices = #map}, {transform_indices = #map}, {transform_indices = #map}]} {
    %mul3A = arith.constant 2 : i32
    %mul3A_0 = arith.muli %arg1, %mul3A : i32
    %add3A = arith.addi %mul3A_0, %arg0 : i32
    %mul3A_1 = arith.constant 32 : i32
    %mul3A_2 = arith.muli %add3A, %mul3A_1 : i32
    %multiple_of3A = tpu.assume_multiple %mul3A_2, 32 : i32
    "tpu.region"() ({
      %run_scoped3A = tpu.sem_alloc : memref<!tpu.dma_semaphore, #tpu.memory_space<semaphore_mem>>
      %dma_start3A_208 = arith.constant 0 : i32
      %dma_start3A_209 = tpu.memref_slice %arg2[%multiple_of3A, %dma_start3A_208] : memref<1024x200xi32, #tpu.memory_space<hbm>> -> memref<32x200xi32, #tpu.memory_space<hbm>>
      %dma_start3A_210 = arith.constant 0 : i32
      %dma_start3A_211 = tpu.memref_slice %arg2[%multiple_of3A, %dma_start3A_210] : memref<1024x200xi32, #tpu.memory_space<hbm>> -> memref<32x200xi32, #tpu.memory_space<hbm>>
      tpu.enqueue_dma source(%dma_start3A_211 : memref<32x200xi32, #tpu.memory_space<hbm>>) target(%arg8 : memref<32x200xi32, #tpu.memory_space<vmem>>) target_semaphore(%run_scoped3A : memref<!tpu.dma_semaphore, #tpu.memory_space<semaphore_mem>>)
      %dma_wait3A_212 = arith.constant 0 : i32
      %dma_wait3A_213 = tpu.memref_slice %arg2[%multiple_of3A, %dma_wait3A_212] : memref<1024x200xi32, #tpu.memory_space<hbm>> -> memref<32x200xi32, #tpu.memory_space<hbm>>
      %dma_wait3A_214 = arith.constant 0 : i32
      %dma_wait3A_215 = tpu.memref_slice %arg2[%multiple_of3A, %dma_wait3A_214] : memref<1024x200xi32, #tpu.memory_space<hbm>> -> memref<32x200xi32, #tpu.memory_space<hbm>>
      tpu.wait_dma2 semaphore(%run_scoped3A : memref<!tpu.dma_semaphore, #tpu.memory_space<semaphore_mem>>) src(%dma_wait3A_215 : memref<32x200xi32, #tpu.memory_space<hbm>>) dst(%arg8 : memref<32x200xi32, #tpu.memory_space<vmem>>)
      tpu.yield
    }) : () -> ()
    "tpu.region"() ({
      %run_scoped3A = tpu.sem_alloc : memref<!tpu.dma_semaphore, #tpu.memory_space<semaphore_mem>>
      %dma_start3A_208 = arith.constant 0 : i32
      %dma_start3A_209 = tpu.memref_slice %arg3[%multiple_of3A, %dma_start3A_208] : memref<1024x200xi32, #tpu.memory_space<hbm>> -> memref<32x200xi32, #tpu.memory_space<hbm>>
      %dma_start3A_210 = arith.constant 0 : i32
      %dma_start3A_211 = tpu.memref_slice %arg3[%multiple_of3A, %dma_start3A_210] : memref<1024x200xi32, #tpu.memory_space<hbm>> -> memref<32x200xi32, #tpu.memory_space<hbm>>
      tpu.enqueue_dma source(%dma_start3A_211 : memref<32x200xi32, #tpu.memory_space<hbm>>) target(%arg9 : memref<32x200xi32, #tpu.memory_space<vmem>>) target_semaphore(%run_scoped3A : memref<!tpu.dma_semaphore, #tpu.memory_space<semaphore_mem>>)
      %dma_wait3A_212 = arith.constant 0 : i32
      %dma_wait3A_213 = tpu.memref_slice %arg3[%multiple_of3A, %dma_wait3A_212] : memref<1024x200xi32, #tpu.memory_space<hbm>> -> memref<32x200xi32, #tpu.memory_space<hbm>>
      %dma_wait3A_214 = arith.constant 0 : i32
      %dma_wait3A_215 = tpu.memref_slice %arg3[%multiple_of3A, %dma_wait3A_214] : memref<1024x200xi32, #tpu.memory_space<hbm>> -> memref<32x200xi32, #tpu.memory_space<hbm>>
      tpu.wait_dma2 semaphore(%run_scoped3A : memref<!tpu.dma_semaphore, #tpu.memory_space<semaphore_mem>>) src(%dma_wait3A_215 : memref<32x200xi32, #tpu.memory_space<hbm>>) dst(%arg9 : memref<32x200xi32, #tpu.memory_space<vmem>>)
      tpu.yield
    }) : () -> ()
    "tpu.region"() ({
      %run_scoped3A = tpu.sem_alloc : memref<!tpu.dma_semaphore, #tpu.memory_space<semaphore_mem>>
      tpu.enqueue_dma source(%arg5 : memref<3x64xf32, #tpu.memory_space<hbm>>) target(%arg10 : memref<3x64xf32, #tpu.memory_space<vmem>>) target_semaphore(%run_scoped3A : memref<!tpu.dma_semaphore, #tpu.memory_space<semaphore_mem>>)
      tpu.wait_dma2 semaphore(%run_scoped3A : memref<!tpu.dma_semaphore, #tpu.memory_space<semaphore_mem>>) src(%arg5 : memref<3x64xf32, #tpu.memory_space<hbm>>) dst(%arg10 : memref<3x64xf32, #tpu.memory_space<vmem>>)
      tpu.yield
    }) : () -> ()
    "tpu.region"() ({
      %run_scoped3A = tpu.sem_alloc : memref<!tpu.dma_semaphore, #tpu.memory_space<semaphore_mem>>
      %dma_start3A_208 = arith.constant 0 : i32
      %dma_start3A_209 = arith.constant 0 : i32
      %dma_start3A_210 = tpu.memref_slice %arg6[%dma_start3A_208, %dma_start3A_209] : memref<512x64xf32, #tpu.memory_space<hbm>> -> memref<200x64xf32, #tpu.memory_space<hbm>>
      %dma_start3A_211 = arith.constant 0 : i32
      %dma_start3A_212 = arith.constant 0 : i32
      %dma_start3A_213 = tpu.memref_slice %arg6[%dma_start3A_211, %dma_start3A_212] : memref<512x64xf32, #tpu.memory_space<hbm>> -> memref<200x64xf32, #tpu.memory_space<hbm>>
      tpu.enqueue_dma source(%dma_start3A_213 : memref<200x64xf32, #tpu.memory_space<hbm>>) target(%arg12 : memref<200x64xf32, #tpu.memory_space<vmem>>) target_semaphore(%run_scoped3A : memref<!tpu.dma_semaphore, #tpu.memory_space<semaphore_mem>>)
      %dma_wait3A_214 = arith.constant 0 : i32
      %dma_wait3A_215 = arith.constant 0 : i32
      %dma_wait3A_216 = tpu.memref_slice %arg6[%dma_wait3A_214, %dma_wait3A_215] : memref<512x64xf32, #tpu.memory_space<hbm>> -> memref<200x64xf32, #tpu.memory_space<hbm>>
      %dma_wait3A_217 = arith.constant 0 : i32
      %dma_wait3A_218 = arith.constant 0 : i32
      %dma_wait3A_219 = tpu.memref_slice %arg6[%dma_wait3A_217, %dma_wait3A_218] : memref<512x64xf32, #tpu.memory_space<hbm>> -> memref<200x64xf32, #tpu.memory_space<hbm>>
      tpu.wait_dma2 semaphore(%run_scoped3A : memref<!tpu.dma_semaphore, #tpu.memory_space<semaphore_mem>>) src(%dma_wait3A_219 : memref<200x64xf32, #tpu.memory_space<hbm>>) dst(%arg12 : memref<200x64xf32, #tpu.memory_space<vmem>>)
      tpu.yield
    }) : () -> ()
    %scan3A = arith.constant 0 : i32
    %scan3A_3 = arith.constant 0 : i32
    %scan3A_4 = arith.constant 200 : i32
    %scan3A_5 = arith.addi %scan3A_3, %scan3A_4 : i32
    %scan3A_6 = arith.constant 1 : i32
    scf.for %scan3A_208 = %scan3A_3 to %scan3A_5 step %scan3A_6  : i32 {
      %mul3A_209 = arith.constant 3 : i32
      %mul3A_210 = arith.muli %mul3A_209, %scan3A_208 : i32
      %mul3A_211 = arith.constant 64 : i32
      %mul3A_212 = arith.muli %mul3A_210, %mul3A_211 : i32
      %multiple_of3A_213 = tpu.assume_multiple %mul3A_212, 64 : i32
      %get3A_214 = arith.index_cast %scan3A_208 : i32 to index
      %get3A_215 = arith.constant 0 : index
      %get3A_216 = tpu.vector_load %arg12[%get3A_214, %get3A_215] {strides = array<i32>} : memref<200x64xf32, #tpu.memory_space<vmem>>, vector<1x16xf32>,
      %get3A_217 = vector.shape_cast %get3A_216 : vector<1x16xf32> to vector<16xf32>
      %get3A_218 = arith.constant 0 : i32
      %get3A_219 = arith.index_cast %get3A_218 : i32 to index
      %get3A_220 = arith.constant 0 : index
      %get3A_221 = tpu.vector_load %arg10[%get3A_219, %get3A_220] {strides = array<i32>} : memref<3x64xf32, #tpu.memory_space<vmem>>, vector<1x16xf32>,
      %get3A_222 = vector.shape_cast %get3A_221 : vector<1x16xf32> to vector<16xf32>
      %add3A_223 = arith.addf %get3A_217, %get3A_222 : vector<16xf32>
      %add3A_224 = arith.constant 0 : i32
      %add3A_225 = arith.addi %multiple_of3A_213, %add3A_224 : i32
      %add3A_226 = arith.constant 0 : i32
      %add3A_227 = arith.addi %add3A_225, %add3A_226 : i32
      %swap3A_228 = arith.index_cast %add3A_227 : i32 to index
      %swap3A_229 = tpu.vector_load %arg11[%swap3A_228] {strides = array<i32>} : memref<38400xf32, #tpu.memory_space<vmem>>, vector<16xf32>,
      %swap3A_230 = vector.shape_cast %swap3A_229 : vector<16xf32> to vector<16xf32>
      %swap3A_231 = vector.shape_cast %add3A_223 : vector<16xf32> to vector<16xf32>
      tpu.vector_store %arg11[%swap3A_228], %swap3A_231 {strides = array<i32>} : memref<38400xf32, #tpu.memory_space<vmem>>, vector<16xf32>,
      %get3A_232 = arith.index_cast %scan3A_208 : i32 to index
      %get3A_233 = arith.constant 16 : index
      %get3A_234 = tpu.vector_load %arg12[%get3A_232, %get3A_233] {strides = array<i32>} : memref<200x64xf32, #tpu.memory_space<vmem>>, vector<1x16xf32>,
      %get3A_235 = vector.shape_cast %get3A_234 : vector<1x16xf32> to vector<16xf32>
      %get3A_236 = arith.constant 0 : i32
      %get3A_237 = arith.index_cast %get3A_236 : i32 to index
      %get3A_238 = arith.constant 16 : index
      %get3A_239 = tpu.vector_load %arg10[%get3A_237, %get3A_238] {strides = array<i32>} : memref<3x64xf32, #tpu.memory_space<vmem>>, vector<1x16xf32>,
      %get3A_240 = vector.shape_cast %get3A_239 : vector<1x16xf32> to vector<16xf32>
      %add3A_241 = arith.addf %get3A_235, %get3A_240 : vector<16xf32>
      %add3A_242 = arith.constant 0 : i32
      %add3A_243 = arith.addi %multiple_of3A_213, %add3A_242 : i32
      %add3A_244 = arith.constant 16 : i32
      %add3A_245 = arith.addi %add3A_243, %add3A_244 : i32
      %swap3A_246 = arith.index_cast %add3A_245 : i32 to index
      %swap3A_247 = tpu.vector_load %arg11[%swap3A_246] {strides = array<i32>} : memref<38400xf32, #tpu.memory_space<vmem>>, vector<16xf32>,
      %swap3A_248 = vector.shape_cast %swap3A_247 : vector<16xf32> to vector<16xf32>
      %swap3A_249 = vector.shape_cast %add3A_241 : vector<16xf32> to vector<16xf32>
      tpu.vector_store %arg11[%swap3A_246], %swap3A_249 {strides = array<i32>} : memref<38400xf32, #tpu.memory_space<vmem>>, vector<16xf32>,
      %get3A_250 = arith.index_cast %scan3A_208 : i32 to index
      %get3A_251 = arith.constant 32 : index
      %get3A_252 = tpu.vector_load %arg12[%get3A_250, %get3A_251] {strides = array<i32>} : memref<200x64xf32, #tpu.memory_space<vmem>>, vector<1x16xf32>,
      %get3A_253 = vector.shape_cast %get3A_252 : vector<1x16xf32> to vector<16xf32>
      %get3A_254 = arith.constant 0 : i32
      %get3A_255 = arith.index_cast %get3A_254 : i32 to index
      %get3A_256 = arith.constant 32 : index
      %get3A_257 = tpu.vector_load %arg10[%get3A_255, %get3A_256] {strides = array<i32>} : memref<3x64xf32, #tpu.memory_space<vmem>>, vector<1x16xf32>,
      %get3A_258 = vector.shape_cast %get3A_257 : vector<1x16xf32> to vector<16xf32>
      %add3A_259 = arith.addf %get3A_253, %get3A_258 : vector<16xf32>
      %add3A_260 = arith.constant 0 : i32
      %add3A_261 = arith.addi %multiple_of3A_213, %add3A_260 : i32
      %add3A_262 = arith.constant 32 : i32
      %add3A_263 = arith.addi %add3A_261, %add3A_262 : i32
      %swap3A_264 = arith.index_cast %add3A_263 : i32 to index
      %swap3A_265 = tpu.vector_load %arg11[%swap3A_264] {strides = array<i32>} : memref<38400xf32, #tpu.memory_space<vmem>>, vector<16xf32>,
      %swap3A_266 = vector.shape_cast %swap3A_265 : vector<16xf32> to vector<16xf32>
      %swap3A_267 = vector.shape_cast %add3A_259 : vector<16xf32> to vector<16xf32>
      tpu.vector_store %arg11[%swap3A_264], %swap3A_267 {strides = array<i32>} : memref<38400xf32, #tpu.memory_space<vmem>>, vector<16xf32>,
      %get3A_268 = arith.index_cast %scan3A_208 : i32 to index
      %get3A_269 = arith.constant 48 : index
      %get3A_270 = tpu.vector_load %arg12[%get3A_268, %get3A_269] {strides = array<i32>} : memref<200x64xf32, #tpu.memory_space<vmem>>, vector<1x16xf32>,
      %get3A_271 = vector.shape_cast %get3A_270 : vector<1x16xf32> to vector<16xf32>
      %get3A_272 = arith.constant 0 : i32
      %get3A_273 = arith.index_cast %get3A_272 : i32 to index
      %get3A_274 = arith.constant 48 : index
      %get3A_275 = tpu.vector_load %arg10[%get3A_273, %get3A_274] {strides = array<i32>} : memref<3x64xf32, #tpu.memory_space<vmem>>, vector<1x16xf32>,
      %get3A_276 = vector.shape_cast %get3A_275 : vector<1x16xf32> to vector<16xf32>
      %add3A_277 = arith.addf %get3A_271, %get3A_276 : vector<16xf32>
      %add3A_278 = arith.constant 0 : i32
      %add3A_279 = arith.addi %multiple_of3A_213, %add3A_278 : i32
      %add3A_280 = arith.constant 48 : i32
      %add3A_281 = arith.addi %add3A_279, %add3A_280 : i32
      %swap3A_282 = arith.index_cast %add3A_281 : i32 to index
      %swap3A_283 = tpu.vector_load %arg11[%swap3A_282] {strides = array<i32>} : memref<38400xf32, #tpu.memory_space<vmem>>, vector<16xf32>,
      %swap3A_284 = vector.shape_cast %swap3A_283 : vector<16xf32> to vector<16xf32>
      %swap3A_285 = vector.shape_cast %add3A_277 : vector<16xf32> to vector<16xf32>
      tpu.vector_store %arg11[%swap3A_282], %swap3A_285 {strides = array<i32>} : memref<38400xf32, #tpu.memory_space<vmem>>, vector<16xf32>,
      %get3A_286 = arith.index_cast %scan3A_208 : i32 to index
      %get3A_287 = arith.constant 0 : index
      %get3A_288 = tpu.vector_load %arg12[%get3A_286, %get3A_287] {strides = array<i32>} : memref<200x64xf32, #tpu.memory_space<vmem>>, vector<1x16xf32>,
      %get3A_289 = vector.shape_cast %get3A_288 : vector<1x16xf32> to vector<16xf32>
      %get3A_290 = arith.constant 1 : i32
      %get3A_291 = arith.index_cast %get3A_290 : i32 to index
      %get3A_292 = arith.constant 0 : index
      %get3A_293 = tpu.vector_load %arg10[%get3A_291, %get3A_292] {strides = array<i32>} : memref<3x64xf32, #tpu.memory_space<vmem>>, vector<1x16xf32>,
      %get3A_294 = vector.shape_cast %get3A_293 : vector<1x16xf32> to vector<16xf32>
      %add3A_295 = arith.addf %get3A_289, %get3A_294 : vector<16xf32>
      %add3A_296 = arith.constant 64 : i32
      %add3A_297 = arith.addi %multiple_of3A_213, %add3A_296 : i32
      %add3A_298 = arith.constant 0 : i32
      %add3A_299 = arith.addi %add3A_297, %add3A_298 : i32
      %swap3A_300 = arith.index_cast %add3A_299 : i32 to index
      %swap3A_301 = tpu.vector_load %arg11[%swap3A_300] {strides = array<i32>} : memref<38400xf32, #tpu.memory_space<vmem>>, vector<16xf32>,
      %swap3A_302 = vector.shape_cast %swap3A_301 : vector<16xf32> to vector<16xf32>
      %swap3A_303 = vector.shape_cast %add3A_295 : vector<16xf32> to vector<16xf32>
      tpu.vector_store %arg11[%swap3A_300], %swap3A_303 {strides = array<i32>} : memref<38400xf32, #tpu.memory_space<vmem>>, vector<16xf32>,
      %get3A_304 = arith.index_cast %scan3A_208 : i32 to index
      %get3A_305 = arith.constant 16 : index
      %get3A_306 = tpu.vector_load %arg12[%get3A_304, %get3A_305] {strides = array<i32>} : memref<200x64xf32, #tpu.memory_space<vmem>>, vector<1x16xf32>,
      %get3A_307 = vector.shape_cast %get3A_306 : vector<1x16xf32> to vector<16xf32>
      %get3A_308 = arith.constant 1 : i32
      %get3A_309 = arith.index_cast %get3A_308 : i32 to index
      %get3A_310 = arith.constant 16 : index
      %get3A_311 = tpu.vector_load %arg10[%get3A_309, %get3A_310] {strides = array<i32>} : memref<3x64xf32, #tpu.memory_space<vmem>>, vector<1x16xf32>,
      %get3A_312 = vector.shape_cast %get3A_311 : vector<1x16xf32> to vector<16xf32>
      %add3A_313 = arith.addf %get3A_307, %get3A_312 : vector<16xf32>
      %add3A_314 = arith.constant 64 : i32
      %add3A_315 = arith.addi %multiple_of3A_213, %add3A_314 : i32
      %add3A_316 = arith.constant 16 : i32
      %add3A_317 = arith.addi %add3A_315, %add3A_316 : i32
      %swap3A_318 = arith.index_cast %add3A_317 : i32 to index
      %swap3A_319 = tpu.vector_load %arg11[%swap3A_318] {strides = array<i32>} : memref<38400xf32, #tpu.memory_space<vmem>>, vector<16xf32>,
      %swap3A_320 = vector.shape_cast %swap3A_319 : vector<16xf32> to vector<16xf32>
      %swap3A_321 = vector.shape_cast %add3A_313 : vector<16xf32> to vector<16xf32>
      tpu.vector_store %arg11[%swap3A_318], %swap3A_321 {strides = array<i32>} : memref<38400xf32, #tpu.memory_space<vmem>>, vector<16xf32>,
      %get3A_322 = arith.index_cast %scan3A_208 : i32 to index
      %get3A_323 = arith.constant 32 : index
      %get3A_324 = tpu.vector_load %arg12[%get3A_322, %get3A_323] {strides = array<i32>} : memref<200x64xf32, #tpu.memory_space<vmem>>, vector<1x16xf32>,
      %get3A_325 = vector.shape_cast %get3A_324 : vector<1x16xf32> to vector<16xf32>
      %get3A_326 = arith.constant 1 : i32
      %get3A_327 = arith.index_cast %get3A_326 : i32 to index
      %get3A_328 = arith.constant 32 : index
      %get3A_329 = tpu.vector_load %arg10[%get3A_327, %get3A_328] {strides = array<i32>} : memref<3x64xf32, #tpu.memory_space<vmem>>, vector<1x16xf32>,
      %get3A_330 = vector.shape_cast %get3A_329 : vector<1x16xf32> to vector<16xf32>
      %add3A_331 = arith.addf %get3A_325, %get3A_330 : vector<16xf32>
      %add3A_332 = arith.constant 64 : i32
      %add3A_333 = arith.addi %multiple_of3A_213, %add3A_332 : i32
      %add3A_334 = arith.constant 32 : i32
      %add3A_335 = arith.addi %add3A_333, %add3A_334 : i32
      %swap3A_336 = arith.index_cast %add3A_335 : i32 to index
      %swap3A_337 = tpu.vector_load %arg11[%swap3A_336] {strides = array<i32>} : memref<38400xf32, #tpu.memory_space<vmem>>, vector<16xf32>,
      %swap3A_338 = vector.shape_cast %swap3A_337 : vector<16xf32> to vector<16xf32>
      %swap3A_339 = vector.shape_cast %add3A_331 : vector<16xf32> to vector<16xf32>
      tpu.vector_store %arg11[%swap3A_336], %swap3A_339 {strides = array<i32>} : memref<38400xf32, #tpu.memory_space<vmem>>, vector<16xf32>,
      %get3A_340 = arith.index_cast %scan3A_208 : i32 to index
      %get3A_341 = arith.constant 48 : index
      %get3A_342 = tpu.vector_load %arg12[%get3A_340, %get3A_341] {strides = array<i32>} : memref<200x64xf32, #tpu.memory_space<vmem>>, vector<1x16xf32>,
      %get3A_343 = vector.shape_cast %get3A_342 : vector<1x16xf32> to vector<16xf32>
      %get3A_344 = arith.constant 1 : i32
      %get3A_345 = arith.index_cast %get3A_344 : i32 to index
      %get3A_346 = arith.constant 48 : index
      %get3A_347 = tpu.vector_load %arg10[%get3A_345, %get3A_346] {strides = array<i32>} : memref<3x64xf32, #tpu.memory_space<vmem>>, vector<1x16xf32>,
      %get3A_348 = vector.shape_cast %get3A_347 : vector<1x16xf32> to vector<16xf32>
      %add3A_349 = arith.addf %get3A_343, %get3A_348 : vector<16xf32>
      %add3A_350 = arith.constant 64 : i32
      %add3A_351 = arith.addi %multiple_of3A_213, %add3A_350 : i32
      %add3A_352 = arith.constant 48 : i32
      %add3A_353 = arith.addi %add3A_351, %add3A_352 : i32
      %swap3A_354 = arith.index_cast %add3A_353 : i32 to index
      %swap3A_355 = tpu.vector_load %arg11[%swap3A_354] {strides = array<i32>} : memref<38400xf32, #tpu.memory_space<vmem>>, vector<16xf32>,
      %swap3A_356 = vector.shape_cast %swap3A_355 : vector<16xf32> to vector<16xf32>
      %swap3A_357 = vector.shape_cast %add3A_349 : vector<16xf32> to vector<16xf32>
      tpu.vector_store %arg11[%swap3A_354], %swap3A_357 {strides = array<i32>} : memref<38400xf32, #tpu.memory_space<vmem>>, vector<16xf32>,
      %get3A_358 = arith.index_cast %scan3A_208 : i32 to index
      %get3A_359 = arith.constant 0 : index
      %get3A_360 = tpu.vector_load %arg12[%get3A_358, %get3A_359] {strides = array<i32>} : memref<200x64xf32, #tpu.memory_space<vmem>>, vector<1x16xf32>,
      %get3A_361 = vector.shape_cast %get3A_360 : vector<1x16xf32> to vector<16xf32>
      %get3A_362 = arith.constant 2 : i32
      %get3A_363 = arith.index_cast %get3A_362 : i32 to index
      %get3A_364 = arith.constant 0 : index
      %get3A_365 = tpu.vector_load %arg10[%get3A_363, %get3A_364] {strides = array<i32>} : memref<3x64xf32, #tpu.memory_space<vmem>>, vector<1x16xf32>,
      %get3A_366 = vector.shape_cast %get3A_365 : vector<1x16xf32> to vector<16xf32>
      %add3A_367 = arith.addf %get3A_361, %get3A_366 : vector<16xf32>
      %add3A_368 = arith.constant 128 : i32
      %add3A_369 = arith.addi %multiple_of3A_213, %add3A_368 : i32
      %add3A_370 = arith.constant 0 : i32
      %add3A_371 = arith.addi %add3A_369, %add3A_370 : i32
      %swap3A_372 = arith.index_cast %add3A_371 : i32 to index
      %swap3A_373 = tpu.vector_load %arg11[%swap3A_372] {strides = array<i32>} : memref<38400xf32, #tpu.memory_space<vmem>>, vector<16xf32>,
      %swap3A_374 = vector.shape_cast %swap3A_373 : vector<16xf32> to vector<16xf32>
      %swap3A_375 = vector.shape_cast %add3A_367 : vector<16xf32> to vector<16xf32>
      tpu.vector_store %arg11[%swap3A_372], %swap3A_375 {strides = array<i32>} : memref<38400xf32, #tpu.memory_space<vmem>>, vector<16xf32>,
      %get3A_376 = arith.index_cast %scan3A_208 : i32 to index
      %get3A_377 = arith.constant 16 : index
      %get3A_378 = tpu.vector_load %arg12[%get3A_376, %get3A_377] {strides = array<i32>} : memref<200x64xf32, #tpu.memory_space<vmem>>, vector<1x16xf32>,
      %get3A_379 = vector.shape_cast %get3A_378 : vector<1x16xf32> to vector<16xf32>
      %get3A_380 = arith.constant 2 : i32
      %get3A_381 = arith.index_cast %get3A_380 : i32 to index
      %get3A_382 = arith.constant 16 : index
      %get3A_383 = tpu.vector_load %arg10[%get3A_381, %get3A_382] {strides = array<i32>} : memref<3x64xf32, #tpu.memory_space<vmem>>, vector<1x16xf32>,
      %get3A_384 = vector.shape_cast %get3A_383 : vector<1x16xf32> to vector<16xf32>
      %add3A_385 = arith.addf %get3A_379, %get3A_384 : vector<16xf32>
      %add3A_386 = arith.constant 128 : i32
      %add3A_387 = arith.addi %multiple_of3A_213, %add3A_386 : i32
      %add3A_388 = arith.constant 16 : i32
      %add3A_389 = arith.addi %add3A_387, %add3A_388 : i32
      %swap3A_390 = arith.index_cast %add3A_389 : i32 to index
      %swap3A_391 = tpu.vector_load %arg11[%swap3A_390] {strides = array<i32>} : memref<38400xf32, #tpu.memory_space<vmem>>, vector<16xf32>,
      %swap3A_392 = vector.shape_cast %swap3A_391 : vector<16xf32> to vector<16xf32>
      %swap3A_393 = vector.shape_cast %add3A_385 : vector<16xf32> to vector<16xf32>
      tpu.vector_store %arg11[%swap3A_390], %swap3A_393 {strides = array<i32>} : memref<38400xf32, #tpu.memory_space<vmem>>, vector<16xf32>,
      %get3A_394 = arith.index_cast %scan3A_208 : i32 to index
      %get3A_395 = arith.constant 32 : index
      %get3A_396 = tpu.vector_load %arg12[%get3A_394, %get3A_395] {strides = array<i32>} : memref<200x64xf32, #tpu.memory_space<vmem>>, vector<1x16xf32>,
      %get3A_397 = vector.shape_cast %get3A_396 : vector<1x16xf32> to vector<16xf32>
      %get3A_398 = arith.constant 2 : i32
      %get3A_399 = arith.index_cast %get3A_398 : i32 to index
      %get3A_400 = arith.constant 32 : index
      %get3A_401 = tpu.vector_load %arg10[%get3A_399, %get3A_400] {strides = array<i32>} : memref<3x64xf32, #tpu.memory_space<vmem>>, vector<1x16xf32>,
      %get3A_402 = vector.shape_cast %get3A_401 : vector<1x16xf32> to vector<16xf32>
      %add3A_403 = arith.addf %get3A_397, %get3A_402 : vector<16xf32>
      %add3A_404 = arith.constant 128 : i32
      %add3A_405 = arith.addi %multiple_of3A_213, %add3A_404 : i32
      %add3A_406 = arith.constant 32 : i32
      %add3A_407 = arith.addi %add3A_405, %add3A_406 : i32
      %swap3A_408 = arith.index_cast %add3A_407 : i32 to index
      %swap3A_409 = tpu.vector_load %arg11[%swap3A_408] {strides = array<i32>} : memref<38400xf32, #tpu.memory_space<vmem>>, vector<16xf32>,
      %swap3A_410 = vector.shape_cast %swap3A_409 : vector<16xf32> to vector<16xf32>
      %swap3A_411 = vector.shape_cast %add3A_403 : vector<16xf32> to vector<16xf32>
      tpu.vector_store %arg11[%swap3A_408], %swap3A_411 {strides = array<i32>} : memref<38400xf32, #tpu.memory_space<vmem>>, vector<16xf32>,
      %get3A_412 = arith.index_cast %scan3A_208 : i32 to index
      %get3A_413 = arith.constant 48 : index
      %get3A_414 = tpu.vector_load %arg12[%get3A_412, %get3A_413] {strides = array<i32>} : memref<200x64xf32, #tpu.memory_space<vmem>>, vector<1x16xf32>,
      %get3A_415 = vector.shape_cast %get3A_414 : vector<1x16xf32> to vector<16xf32>
      %get3A_416 = arith.constant 2 : i32
      %get3A_417 = arith.index_cast %get3A_416 : i32 to index
      %get3A_418 = arith.constant 48 : index
      %get3A_419 = tpu.vector_load %arg10[%get3A_417, %get3A_418] {strides = array<i32>} : memref<3x64xf32, #tpu.memory_space<vmem>>, vector<1x16xf32>,
      %get3A_420 = vector.shape_cast %get3A_419 : vector<1x16xf32> to vector<16xf32>
      %add3A_421 = arith.addf %get3A_415, %get3A_420 : vector<16xf32>
      %add3A_422 = arith.constant 128 : i32
      %add3A_423 = arith.addi %multiple_of3A_213, %add3A_422 : i32
      %add3A_424 = arith.constant 48 : i32
      %add3A_425 = arith.addi %add3A_423, %add3A_424 : i32
      %swap3A_426 = arith.index_cast %add3A_425 : i32 to index
      %swap3A_427 = tpu.vector_load %arg11[%swap3A_426] {strides = array<i32>} : memref<38400xf32, #tpu.memory_space<vmem>>, vector<16xf32>,
      %swap3A_428 = vector.shape_cast %swap3A_427 : vector<16xf32> to vector<16xf32>
      %swap3A_429 = vector.shape_cast %add3A_421 : vector<16xf32> to vector<16xf32>
      tpu.vector_store %arg11[%swap3A_426], %swap3A_429 {strides = array<i32>} : memref<38400xf32, #tpu.memory_space<vmem>>, vector<16xf32>,
    }
    %scan3A_7 = arith.constant 200 : i32
    %scan3A_8 = arith.constant 0 : i32
    %scan3A_9 = arith.constant 0 : i32
    %scan3A_10 = arith.constant 6 : i32
    %scan3A_11 = arith.addi %scan3A_9, %scan3A_10 : i32
    %scan3A_12 = arith.constant 1 : i32
    scf.for %scan3A_208 = %scan3A_9 to %scan3A_11 step %scan3A_12  : i32 {
      %mul3A_209 = arith.constant 2 : i32
      %mul3A_210 = arith.muli %scan3A_208, %mul3A_209 : i32
      %add3A_211 = arith.constant 0 : i32
      %add3A_212 = arith.addi %mul3A_210, %add3A_211 : i32
      %mul3A_213 = arith.constant 16 : i32
      %mul3A_214 = arith.muli %add3A_212, %mul3A_213 : i32
      %multiple_of3A_215 = tpu.assume_multiple %mul3A_214, 16 : i32
      %get3A_216 = arith.constant 0 : i32
      %get3A_217 = arith.index_cast %get3A_216 : i32 to index
      %get3A_218 = arith.index_cast %multiple_of3A_215 : i32 to index
      %get3A_219 = tpu.vector_load %arg8[%get3A_217, %get3A_218] {strides = array<i32>} : memref<32x200xi32, #tpu.memory_space<vmem>>, vector<1x16xi32>,
      %get3A_220 = vector.shape_cast %get3A_219 : vector<1x16xi32> to vector<16xi32>
      %get3A_221 = arith.constant 0 : i32
      %get3A_222 = arith.index_cast %get3A_221 : i32 to index
      %get3A_223 = arith.index_cast %multiple_of3A_215 : i32 to index
      %get3A_224 = tpu.vector_load %arg9[%get3A_222, %get3A_223] {strides = array<i32>} : memref<32x200xi32, #tpu.memory_space<vmem>>, vector<1x16xi32>,
      %get3A_225 = vector.shape_cast %get3A_224 : vector<1x16xi32> to vector<16xi32>
      %mul3A_226 = arith.constant 4 : i32
      %mul3A_227 = vector.broadcast %mul3A_226 : i32 to vector<16xi32>
      %mul3A_228 = arith.muli %get3A_220, %mul3A_227 : vector<16xi32>
      %add3A_229 = arith.addi %mul3A_228, %get3A_225 : vector<16xi32>
      %slice3A_230 = vector.extract_strided_slice %add3A_229 {offsets = [0], sizes = [1], strides = [1]} : vector<16xi32> to vector<1xi32>
      %squeeze3A_231 = vector.extract %slice3A_230[0] : i32 from vector<1xi32>
      %shift_right_arithmetic3A_232 = arith.constant 2 : i32
      %shift_right_arithmetic3A_233 = arith.shrsi %squeeze3A_231, %shift_right_arithmetic3A_232 : i32
      %add3A_234 = arith.constant 0 : i32
      %add3A_235 = arith.addi %multiple_of3A_215, %add3A_234 : i32
      %dma_start3A_236 = arith.constant 0 : i32
      %dma_start3A_237 = tpu.memref_slice %arg12[%add3A_235, %dma_start3A_236] : memref<200x64xf32, #tpu.memory_space<vmem>> -> memref<1x64xf32, #tpu.memory_space<vmem>>
      %dma_start3A_238 = tpu.memref_squeeze %dma_start3A_237 : memref<1x64xf32, #tpu.memory_space<vmem>> -> memref<64xf32, #tpu.memory_space<vmem>>
      %dma_start3A_239 = arith.constant 0 : i32
      %dma_start3A_240 = tpu.memref_slice %arg4[%shift_right_arithmetic3A_233, %dma_start3A_239] : memref<1000000x64xf32, #tpu.memory_space<hbm>> -> memref<1x64xf32, #tpu.memory_space<hbm>>
      %dma_start3A_241 = tpu.memref_squeeze %dma_start3A_240 : memref<1x64xf32, #tpu.memory_space<hbm>> -> memref<64xf32, #tpu.memory_space<hbm>>
      %dma_start3A_242 = arith.constant 0 : i32
      %dma_start3A_243 = tpu.memref_slice %arg12[%add3A_235, %dma_start3A_242] : memref<200x64xf32, #tpu.memory_space<vmem>> -> memref<1x64xf32, #tpu.memory_space<vmem>>
      %dma_start3A_244 = tpu.memref_squeeze %dma_start3A_243 : memref<1x64xf32, #tpu.memory_space<vmem>> -> memref<64xf32, #tpu.memory_space<vmem>>
      %dma_start3A_245 = arith.constant 0 : i32
      %dma_start3A_246 = tpu.memref_slice %arg4[%shift_right_arithmetic3A_233, %dma_start3A_245] : memref<1000000x64xf32, #tpu.memory_space<hbm>> -> memref<1x64xf32, #tpu.memory_space<hbm>>
      %dma_start3A_247 = tpu.memref_squeeze %dma_start3A_246 : memref<1x64xf32, #tpu.memory_space<hbm>> -> memref<64xf32, #tpu.memory_space<hbm>>
      tpu.enqueue_dma source(%dma_start3A_247 : memref<64xf32, #tpu.memory_space<hbm>>) target(%dma_start3A_244 : memref<64xf32, #tpu.memory_space<vmem>>) target_semaphore(%arg16 : memref<!tpu.dma_semaphore, #tpu.memory_space<semaphore_mem>>)
      %and3A_248 = arith.constant 3 : i32
      %and3A_249 = arith.andi %squeeze3A_231, %and3A_248 : i32
      %add3A_250 = arith.constant 0 : i32
      %add3A_251 = arith.addi %multiple_of3A_215, %add3A_250 : i32
      %swap3A_252 = arith.index_cast %add3A_251 : i32 to index
      %swap3A_253 = memref.load %arg14[%swap3A_252] : memref<200xi32, #tpu.memory_space<smem>>
      memref.store %and3A_249, %arg14[%swap3A_252] : memref<200xi32, #tpu.memory_space<smem>>
      %slice3A_254 = vector.extract_strided_slice %add3A_229 {offsets = [1], sizes = [1], strides = [1]} : vector<16xi32> to vector<1xi32>
      %squeeze3A_255 = vector.extract %slice3A_254[0] : i32 from vector<1xi32>
      %shift_right_arithmetic3A_256 = arith.constant 2 : i32
      %shift_right_arithmetic3A_257 = arith.shrsi %squeeze3A_255, %shift_right_arithmetic3A_256 : i32
      %add3A_258 = arith.constant 1 : i32
      %add3A_259 = arith.addi %multiple_of3A_215, %add3A_258 : i32
      %dma_start3A_260 = arith.constant 0 : i32
      %dma_start3A_261 = tpu.memref_slice %arg12[%add3A_259, %dma_start3A_260] : memref<200x64xf32, #tpu.memory_space<vmem>> -> memref<1x64xf32, #tpu.memory_space<vmem>>
      %dma_start3A_262 = tpu.memref_squeeze %dma_start3A_261 : memref<1x64xf32, #tpu.memory_space<vmem>> -> memref<64xf32, #tpu.memory_space<vmem>>
      %dma_start3A_263 = arith.constant 0 : i32
      %dma_start3A_264 = tpu.memref_slice %arg4[%shift_right_arithmetic3A_257, %dma_start3A_263] : memref<1000000x64xf32, #tpu.memory_space<hbm>> -> memref<1x64xf32, #tpu.memory_space<hbm>>
      %dma_start3A_265 = tpu.memref_squeeze %dma_start3A_264 : memref<1x64xf32, #tpu.memory_space<hbm>> -> memref<64xf32, #tpu.memory_space<hbm>>
      %dma_start3A_266 = arith.constant 0 : i32
      %dma_start3A_267 = tpu.memref_slice %arg12[%add3A_259, %dma_start3A_266] : memref<200x64xf32, #tpu.memory_space<vmem>> -> memref<1x64xf32, #tpu.memory_space<vmem>>
      %dma_start3A_268 = tpu.memref_squeeze %dma_start3A_267 : memref<1x64xf32, #tpu.memory_space<vmem>> -> memref<64xf32, #tpu.memory_space<vmem>>
      %dma_start3A_269 = arith.constant 0 : i32
      %dma_start3A_270 = tpu.memref_slice %arg4[%shift_right_arithmetic3A_257, %dma_start3A_269] : memref<1000000x64xf32, #tpu.memory_space<hbm>> -> memref<1x64xf32, #tpu.memory_space<hbm>>
      %dma_start3A_271 = tpu.memref_squeeze %dma_start3A_270 : memref<1x64xf32, #tpu.memory_space<hbm>> -> memref<64xf32, #tpu.memory_space<hbm>>
      tpu.enqueue_dma source(%dma_start3A_271 : memref<64xf32, #tpu.memory_space<hbm>>) target(%dma_start3A_268 : memref<64xf32, #tpu.memory_space<vmem>>) target_semaphore(%arg16 : memref<!tpu.dma_semaphore, #tpu.memory_space<semaphore_mem>>)
      %and3A_272 = arith.constant 3 : i32
      %and3A_273 = arith.andi %squeeze3A_255, %and3A_272 : i32
      %add3A_274 = arith.constant 1 : i32
      %add3A_275 = arith.addi %multiple_of3A_215, %add3A_274 : i32
      %swap3A_276 = arith.index_cast %add3A_275 : i32 to index
      %swap3A_277 = memref.load %arg14[%swap3A_276] : memref<200xi32, #tpu.memory_space<smem>>
      memref.store %and3A_273, %arg14[%swap3A_276] : memref<200xi32, #tpu.memory_space<smem>>
      %slice3A_278 = vector.extract_strided_slice %add3A_229 {offsets = [2], sizes = [1], strides = [1]} : vector<16xi32> to vector<1xi32>
      %squeeze3A_279 = vector.extract %slice3A_278[0] : i32 from vector<1xi32>
      %shift_right_arithmetic3A_280 = arith.constant 2 : i32
      %shift_right_arithmetic3A_281 = arith.shrsi %squeeze3A_279, %shift_right_arithmetic3A_280 : i32
      %add3A_282 = arith.constant 2 : i32
      %add3A_283 = arith.addi %multiple_of3A_215, %add3A_282 : i32
      %dma_start3A_284 = arith.constant 0 : i32
      %dma_start3A_285 = tpu.memref_slice %arg12[%add3A_283, %dma_start3A_284] : memref<200x64xf32, #tpu.memory_space<vmem>> -> memref<1x64xf32, #tpu.memory_space<vmem>>
      %dma_start3A_286 = tpu.memref_squeeze %dma_start3A_285 : memref<1x64xf32, #tpu.memory_space<vmem>> -> memref<64xf32, #tpu.memory_space<vmem>>
      %dma_start3A_287 = arith.constant 0 : i32
      %dma_start3A_288 = tpu.memref_slice %arg4[%shift_right_arithmetic3A_281, %dma_start3A_287] : memref<1000000x64xf32, #tpu.memory_space<hbm>> -> memref<1x64xf32, #tpu.memory_space<hbm>>
      %dma_start3A_289 = tpu.memref_squeeze %dma_start3A_288 : memref<1x64xf32, #tpu.memory_space<hbm>> -> memref<64xf32, #tpu.memory_space<hbm>>
      %dma_start3A_290 = arith.constant 0 : i32
      %dma_start3A_291 = tpu.memref_slice %arg12[%add3A_283, %dma_start3A_290] : memref<200x64xf32, #tpu.memory_space<vmem>> -> memref<1x64xf32, #tpu.memory_space<vmem>>
      %dma_start3A_292 = tpu.memref_squeeze %dma_start3A_291 : memref<1x64xf32, #tpu.memory_space<vmem>> -> memref<64xf32, #tpu.memory_space<vmem>>
      %dma_start3A_293 = arith.constant 0 : i32
      %dma_start3A_294 = tpu.memref_slice %arg4[%shift_right_arithmetic3A_281, %dma_start3A_293] : memref<1000000x64xf32, #tpu.memory_space<hbm>> -> memref<1x64xf32, #tpu.memory_space<hbm>>
      %dma_start3A_295 = tpu.memref_squeeze %dma_start3A_294 : memref<1x64xf32, #tpu.memory_space<hbm>> -> memref<64xf32, #tpu.memory_space<hbm>>
      tpu.enqueue_dma source(%dma_start3A_295 : memref<64xf32, #tpu.memory_space<hbm>>) target(%dma_start3A_292 : memref<64xf32, #tpu.memory_space<vmem>>) target_semaphore(%arg16 : memref<!tpu.dma_semaphore, #tpu.memory_space<semaphore_mem>>)
      %and3A_296 = arith.constant 3 : i32
      %and3A_297 = arith.andi %squeeze3A_279, %and3A_296 : i32
      %add3A_298 = arith.constant 2 : i32
      %add3A_299 = arith.addi %multiple_of3A_215, %add3A_298 : i32
      %swap3A_300 = arith.index_cast %add3A_299 : i32 to index
      %swap3A_301 = memref.load %arg14[%swap3A_300] : memref<200xi32, #tpu.memory_space<smem>>
      memref.store %and3A_297, %arg14[%swap3A_300] : memref<200xi32, #tpu.memory_space<smem>>
      %slice3A_302 = vector.extract_strided_slice %add3A_229 {offsets = [3], sizes = [1], strides = [1]} : vector<16xi32> to vector<1xi32>
      %squeeze3A_303 = vector.extract %slice3A_302[0] : i32 from vector<1xi32>
      %shift_right_arithmetic3A_304 = arith.constant 2 : i32
      %shift_right_arithmetic3A_305 = arith.shrsi %squeeze3A_303, %shift_right_arithmetic3A_304 : i32
      %add3A_306 = arith.constant 3 : i32
      %add3A_307 = arith.addi %multiple_of3A_215, %add3A_306 : i32
      %dma_start3A_308 = arith.constant 0 : i32
      %dma_start3A_309 = tpu.memref_slice %arg12[%add3A_307, %dma_start3A_308] : memref<200x64xf32, #tpu.memory_space<vmem>> -> memref<1x64xf32, #tpu.memory_space<vmem>>
      %dma_start3A_310 = tpu.memref_squeeze %dma_start3A_309 : memref<1x64xf32, #tpu.memory_space<vmem>> -> memref<64xf32, #tpu.memory_space<vmem>>
      %dma_start3A_311 = arith.constant 0 : i32
      %dma_start3A_312 = tpu.memref_slice %arg4[%shift_right_arithmetic3A_305, %dma_start3A_311] : memref<1000000x64xf32, #tpu.memory_space<hbm>> -> memref<1x64xf32, #tpu.memory_space<hbm>>
      %dma_start3A_313 = tpu.memref_squeeze %dma_start3A_312 : memref<1x64xf32, #tpu.memory_space<hbm>> -> memref<64xf32, #tpu.memory_space<hbm>>
      %dma_start3A_314 = arith.constant 0 : i32
      %dma_start3A_315 = tpu.memref_slice %arg12[%add3A_307, %dma_start3A_314] : memref<200x64xf32, #tpu.memory_space<vmem>> -> memref<1x64xf32, #tpu.memory_space<vmem>>
      %dma_start3A_316 = tpu.memref_squeeze %dma_start3A_315 : memref<1x64xf32, #tpu.memory_space<vmem>> -> memref<64xf32, #tpu.memory_space<vmem>>
      %dma_start3A_317 = arith.constant 0 : i32
      %dma_start3A_318 = tpu.memref_slice %arg4[%shift_right_arithmetic3A_305, %dma_start3A_317] : memref<1000000x64xf32, #tpu.memory_space<hbm>> -> memref<1x64xf32, #tpu.memory_space<hbm>>
      %dma_start3A_319 = tpu.memref_squeeze %dma_start3A_318 : memref<1x64xf32, #tpu.memory_space<hbm>> -> memref<64xf32, #tpu.memory_space<hbm>>
      tpu.enqueue_dma source(%dma_start3A_319 : memref<64xf32, #tpu.memory_space<hbm>>) target(%dma_start3A_316 : memref<64xf32, #tpu.memory_space<vmem>>) target_semaphore(%arg16 : memref<!tpu.dma_semaphore, #tpu.memory_space<semaphore_mem>>)
      %and3A_320 = arith.constant 3 : i32
      %and3A_321 = arith.andi %squeeze3A_303, %and3A_320 : i32
      %add3A_322 = arith.constant 3 : i32
      %add3A_323 = arith.addi %multiple_of3A_215, %add3A_322 : i32
      %swap3A_324 = arith.index_cast %add3A_323 : i32 to index
      %swap3A_325 = memref.load %arg14[%swap3A_324] : memref<200xi32, #tpu.memory_space<smem>>
      memref.store %and3A_321, %arg14[%swap3A_324] : memref<200xi32, #tpu.memory_space<smem>>
      %slice3A_326 = vector.extract_strided_slice %add3A_229 {offsets = [4], sizes = [1], strides = [1]} : vector<16xi32> to vector<1xi32>
      %squeeze3A_327 = vector.extract %slice3A_326[0] : i32 from vector<1xi32>
      %shift_right_arithmetic3A_328 = arith.constant 2 : i32
      %shift_right_arithmetic3A_329 = arith.shrsi %squeeze3A_327, %shift_right_arithmetic3A_328 : i32
      %add3A_330 = arith.constant 4 : i32
      %add3A_331 = arith.addi %multiple_of3A_215, %add3A_330 : i32
      %dma_start3A_332 = arith.constant 0 : i32
      %dma_start3A_333 = tpu.memref_slice %arg12[%add3A_331, %dma_start3A_332] : memref<200x64xf32, #tpu.memory_space<vmem>> -> memref<1x64xf32, #tpu.memory_space<vmem>>
      %dma_start3A_334 = tpu.memref_squeeze %dma_start3A_333 : memref<1x64xf32, #tpu.memory_space<vmem>> -> memref<64xf32, #tpu.memory_space<vmem>>
      %dma_start3A_335 = arith.constant 0 : i32
      %dma_start3A_336 = tpu.memref_slice %arg4[%shift_right_arithmetic3A_329, %dma_start3A_335] : memref<1000000x64xf32, #tpu.memory_space<hbm>> -> memref<1x64xf32, #tpu.memory_space<hbm>>
      %dma_start3A_337 = tpu.memref_squeeze %dma_start3A_336 : memref<1x64xf32, #tpu.memory_space<hbm>> -> memref<64xf32, #tpu.memory_space<hbm>>
      %dma_start3A_338 = arith.constant 0 : i32
      %dma_start3A_339 = tpu.memref_slice %arg12[%add3A_331, %dma_start3A_338] : memref<200x64xf32, #tpu.memory_space<vmem>> -> memref<1x64xf32, #tpu.memory_space<vmem>>
      %dma_start3A_340 = tpu.memref_squeeze %dma_start3A_339 : memref<1x64xf32, #tpu.memory_space<vmem>> -> memref<64xf32, #tpu.memory_space<vmem>>
      %dma_start3A_341 = arith.constant 0 : i32
      %dma_start3A_342 = tpu.memref_slice %arg4[%shift_right_arithmetic3A_329, %dma_start3A_341] : memref<1000000x64xf32, #tpu.memory_space<hbm>> -> memref<1x64xf32, #tpu.memory_space<hbm>>
      %dma_start3A_343 = tpu.memref_squeeze %dma_start3A_342 : memref<1x64xf32, #tpu.memory_space<hbm>> -> memref<64xf32, #tpu.memory_space<hbm>>
      tpu.enqueue_dma source(%dma_start3A_343 : memref<64xf32, #tpu.memory_space<hbm>>) target(%dma_start3A_340 : memref<64xf32, #tpu.memory_space<vmem>>) target_semaphore(%arg16 : memref<!tpu.dma_semaphore, #tpu.memory_space<semaphore_mem>>)
      %and3A_344 = arith.constant 3 : i32
      %and3A_345 = arith.andi %squeeze3A_327, %and3A_344 : i32
      %add3A_346 = arith.constant 4 : i32
      %add3A_347 = arith.addi %multiple_of3A_215, %add3A_346 : i32
      %swap3A_348 = arith.index_cast %add3A_347 : i32 to index
      %swap3A_349 = memref.load %arg14[%swap3A_348] : memref<200xi32, #tpu.memory_space<smem>>
      memref.store %and3A_345, %arg14[%swap3A_348] : memref<200xi32, #tpu.memory_space<smem>>
      %slice3A_350 = vector.extract_strided_slice %add3A_229 {offsets = [5], sizes = [1], strides = [1]} : vector<16xi32> to vector<1xi32>
      %squeeze3A_351 = vector.extract %slice3A_350[0] : i32 from vector<1xi32>
      %shift_right_arithmetic3A_352 = arith.constant 2 : i32
      %shift_right_arithmetic3A_353 = arith.shrsi %squeeze3A_351, %shift_right_arithmetic3A_352 : i32
      %add3A_354 = arith.constant 5 : i32
      %add3A_355 = arith.addi %multiple_of3A_215, %add3A_354 : i32
      %dma_start3A_356 = arith.constant 0 : i32
      %dma_start3A_357 = tpu.memref_slice %arg12[%add3A_355, %dma_start3A_356] : memref<200x64xf32, #tpu.memory_space<vmem>> -> memref<1x64xf32, #tpu.memory_space<vmem>>
      %dma_start3A_358 = tpu.memref_squeeze %dma_start3A_357 : memref<1x64xf32, #tpu.memory_space<vmem>> -> memref<64xf32, #tpu.memory_space<vmem>>
      %dma_start3A_359 = arith.constant 0 : i32
      %dma_start3A_360 = tpu.memref_slice %arg4[%shift_right_arithmetic3A_353, %dma_start3A_359] : memref<1000000x64xf32, #tpu.memory_space<hbm>> -> memref<1x64xf32, #tpu.memory_space<hbm>>
      %dma_start3A_361 = tpu.memref_squeeze %dma_start3A_360 : memref<1x64xf32, #tpu.memory_space<hbm>> -> memref<64xf32, #tpu.memory_space<hbm>>
      %dma_start3A_362 = arith.constant 0 : i32
      %dma_start3A_363 = tpu.memref_slice %arg12[%add3A_355, %dma_start3A_362] : memref<200x64xf32, #tpu.memory_space<vmem>> -> memref<1x64xf32, #tpu.memory_space<vmem>>
      %dma_start3A_364 = tpu.memref_squeeze %dma_start3A_363 : memref<1x64xf32, #tpu.memory_space<vmem>> -> memref<64xf32, #tpu.memory_space<vmem>>
      %dma_start3A_365 = arith.constant 0 : i32
      %dma_start3A_366 = tpu.memref_slice %arg4[%shift_right_arithmetic3A_353, %dma_start3A_365] : memref<1000000x64xf32, #tpu.memory_space<hbm>> -> memref<1x64xf32, #tpu.memory_space<hbm>>
      %dma_start3A_367 = tpu.memref_squeeze %dma_start3A_366 : memref<1x64xf32, #tpu.memory_space<hbm>> -> memref<64xf32, #tpu.memory_space<hbm>>
      tpu.enqueue_dma source(%dma_start3A_367 : memref<64xf32, #tpu.memory_space<hbm>>) target(%dma_start3A_364 : memref<64xf32, #tpu.memory_space<vmem>>) target_semaphore(%arg16 : memref<!tpu.dma_semaphore, #tpu.memory_space<semaphore_mem>>)
      %and3A_368 = arith.constant 3 : i32
      %and3A_369 = arith.andi %squeeze3A_351, %and3A_368 : i32
      %add3A_370 = arith.constant 5 : i32
      %add3A_371 = arith.addi %multiple_of3A_215, %add3A_370 : i32
      %swap3A_372 = arith.index_cast %add3A_371 : i32 to index
      %swap3A_373 = memref.load %arg14[%swap3A_372] : memref<200xi32, #tpu.memory_space<smem>>
      memref.store %and3A_369, %arg14[%swap3A_372] : memref<200xi32, #tpu.memory_space<smem>>
      %slice3A_374 = vector.extract_strided_slice %add3A_229 {offsets = [6], sizes = [1], strides = [1]} : vector<16xi32> to vector<1xi32>
      %squeeze3A_375 = vector.extract %slice3A_374[0] : i32 from vector<1xi32>
      %shift_right_arithmetic3A_376 = arith.constant 2 : i32
      %shift_right_arithmetic3A_377 = arith.shrsi %squeeze3A_375, %shift_right_arithmetic3A_376 : i32
      %add3A_378 = arith.constant 6 : i32
      %add3A_379 = arith.addi %multiple_of3A_215, %add3A_378 : i32
      %dma_start3A_380 = arith.constant 0 : i32
      %dma_start3A_381 = tpu.memref_slice %arg12[%add3A_379, %dma_start3A_380] : memref<200x64xf32, #tpu.memory_space<vmem>> -> memref<1x64xf32, #tpu.memory_space<vmem>>
      %dma_start3A_382 = tpu.memref_squeeze %dma_start3A_381 : memref<1x64xf32, #tpu.memory_space<vmem>> -> memref<64xf32, #tpu.memory_space<vmem>>
      %dma_start3A_383 = arith.constant 0 : i32
      %dma_start3A_384 = tpu.memref_slice %arg4[%shift_right_arithmetic3A_377, %dma_start3A_383] : memref<1000000x64xf32, #tpu.memory_space<hbm>> -> memref<1x64xf32, #tpu.memory_space<hbm>>
      %dma_start3A_385 = tpu.memref_squeeze %dma_start3A_384 : memref<1x64xf32, #tpu.memory_space<hbm>> -> memref<64xf32, #tpu.memory_space<hbm>>
      %dma_start3A_386 = arith.constant 0 : i32
      %dma_start3A_387 = tpu.memref_slice %arg12[%add3A_379, %dma_start3A_386] : memref<200x64xf32, #tpu.memory_space<vmem>> -> memref<1x64xf32, #tpu.memory_space<vmem>>
      %dma_start3A_388 = tpu.memref_squeeze %dma_start3A_387 : memref<1x64xf32, #tpu.memory_space<vmem>> -> memref<64xf32, #tpu.memory_space<vmem>>
      %dma_start3A_389 = arith.constant 0 : i32
      %dma_start3A_390 = tpu.memref_slice %arg4[%shift_right_arithmetic3A_377, %dma_start3A_389] : memref<1000000x64xf32, #tpu.memory_space<hbm>> -> memref<1x64xf32, #tpu.memory_space<hbm>>
      %dma_start3A_391 = tpu.memref_squeeze %dma_start3A_390 : memref<1x64xf32, #tpu.memory_space<hbm>> -> memref<64xf32, #tpu.memory_space<hbm>>
      tpu.enqueue_dma source(%dma_start3A_391 : memref<64xf32, #tpu.memory_space<hbm>>) target(%dma_start3A_388 : memref<64xf32, #tpu.memory_space<vmem>>) target_semaphore(%arg16 : memref<!tpu.dma_semaphore, #tpu.memory_space<semaphore_mem>>)
      %and3A_392 = arith.constant 3 : i32
      %and3A_393 = arith.andi %squeeze3A_375, %and3A_392 : i32
      %add3A_394 = arith.constant 6 : i32
      %add3A_395 = arith.addi %multiple_of3A_215, %add3A_394 : i32
      %swap3A_396 = arith.index_cast %add3A_395 : i32 to index
      %swap3A_397 = memref.load %arg14[%swap3A_396] : memref<200xi32, #tpu.memory_space<smem>>
      memref.store %and3A_393, %arg14[%swap3A_396] : memref<200xi32, #tpu.memory_space<smem>>
      %slice3A_398 = vector.extract_strided_slice %add3A_229 {offsets = [7], sizes = [1], strides = [1]} : vector<16xi32> to vector<1xi32>
      %squeeze3A_399 = vector.extract %slice3A_398[0] : i32 from vector<1xi32>
      %shift_right_arithmetic3A_400 = arith.constant 2 : i32
      %shift_right_arithmetic3A_401 = arith.shrsi %squeeze3A_399, %shift_right_arithmetic3A_400 : i32
      %add3A_402 = arith.constant 7 : i32
      %add3A_403 = arith.addi %multiple_of3A_215, %add3A_402 : i32
      %dma_start3A_404 = arith.constant 0 : i32
      %dma_start3A_405 = tpu.memref_slice %arg12[%add3A_403, %dma_start3A_404] : memref<200x64xf32, #tpu.memory_space<vmem>> -> memref<1x64xf32, #tpu.memory_space<vmem>>
      %dma_start3A_406 = tpu.memref_squeeze %dma_start3A_405 : memref<1x64xf32, #tpu.memory_space<vmem>> -> memref<64xf32, #tpu.memory_space<vmem>>
      %dma_start3A_407 = arith.constant 0 : i32
      %dma_start3A_408 = tpu.memref_slice %arg4[%shift_right_arithmetic3A_401, %dma_start3A_407] : memref<1000000x64xf32, #tpu.memory_space<hbm>> -> memref<1x64xf32, #tpu.memory_space<hbm>>
      %dma_start3A_409 = tpu.memref_squeeze %dma_start3A_408 : memref<1x64xf32, #tpu.memory_space<hbm>> -> memref<64xf32, #tpu.memory_space<hbm>>
      %dma_start3A_410 = arith.constant 0 : i32
      %dma_start3A_411 = tpu.memref_slice %arg12[%add3A_403, %dma_start3A_410] : memref<200x64xf32, #tpu.memory_space<vmem>> -> memref<1x64xf32, #tpu.memory_space<vmem>>
      %dma_start3A_412 = tpu.memref_squeeze %dma_start3A_411 : memref<1x64xf32, #tpu.memory_space<vmem>> -> memref<64xf32, #tpu.memory_space<vmem>>
      %dma_start3A_413 = arith.constant 0 : i32
      %dma_start3A_414 = tpu.memref_slice %arg4[%shift_right_arithmetic3A_401, %dma_start3A_413] : memref<1000000x64xf32, #tpu.memory_space<hbm>> -> memref<1x64xf32, #tpu.memory_space<hbm>>
      %dma_start3A_415 = tpu.memref_squeeze %dma_start3A_414 : memref<1x64xf32, #tpu.memory_space<hbm>> -> memref<64xf32, #tpu.memory_space<hbm>>
      tpu.enqueue_dma source(%dma_start3A_415 : memref<64xf32, #tpu.memory_space<hbm>>) target(%dma_start3A_412 : memref<64xf32, #tpu.memory_space<vmem>>) target_semaphore(%arg16 : memref<!tpu.dma_semaphore, #tpu.memory_space<semaphore_mem>>)
      %and3A_416 = arith.constant 3 : i32
      %and3A_417 = arith.andi %squeeze3A_399, %and3A_416 : i32
      %add3A_418 = arith.constant 7 : i32
      %add3A_419 = arith.addi %multiple_of3A_215, %add3A_418 : i32
      %swap3A_420 = arith.index_cast %add3A_419 : i32 to index
      %swap3A_421 = memref.load %arg14[%swap3A_420] : memref<200xi32, #tpu.memory_space<smem>>
      memref.store %and3A_417, %arg14[%swap3A_420] : memref<200xi32, #tpu.memory_space<smem>>
      %slice3A_422 = vector.extract_strided_slice %add3A_229 {offsets = [8], sizes = [1], strides = [1]} : vector<16xi32> to vector<1xi32>
      %squeeze3A_423 = vector.extract %slice3A_422[0] : i32 from vector<1xi32>
      %shift_right_arithmetic3A_424 = arith.constant 2 : i32
      %shift_right_arithmetic3A_425 = arith.shrsi %squeeze3A_423, %shift_right_arithmetic3A_424 : i32
      %add3A_426 = arith.constant 8 : i32
      %add3A_427 = arith.addi %multiple_of3A_215, %add3A_426 : i32
      %dma_start3A_428 = arith.constant 0 : i32
      %dma_start3A_429 = tpu.memref_slice %arg12[%add3A_427, %dma_start3A_428] : memref<200x64xf32, #tpu.memory_space<vmem>> -> memref<1x64xf32, #tpu.memory_space<vmem>>
      %dma_start3A_430 = tpu.memref_squeeze %dma_start3A_429 : memref<1x64xf32, #tpu.memory_space<vmem>> -> memref<64xf32, #tpu.memory_space<vmem>>
      %dma_start3A_431 = arith.constant 0 : i32
      %dma_start3A_432 = tpu.memref_slice %arg4[%shift_right_arithmetic3A_425, %dma_start3A_431] : memref<1000000x64xf32, #tpu.memory_space<hbm>> -> memref<1x64xf32, #tpu.memory_space<hbm>>
      %dma_start3A_433 = tpu.memref_squeeze %dma_start3A_432 : memref<1x64xf32, #tpu.memory_space<hbm>> -> memref<64xf32, #tpu.memory_space<hbm>>
      %dma_start3A_434 = arith.constant 0 : i32
      %dma_start3A_435 = tpu.memref_slice %arg12[%add3A_427, %dma_start3A_434] : memref<200x64xf32, #tpu.memory_space<vmem>> -> memref<1x64xf32, #tpu.memory_space<vmem>>
      %dma_start3A_436 = tpu.memref_squeeze %dma_start3A_435 : memref<1x64xf32, #tpu.memory_space<vmem>> -> memref<64xf32, #tpu.memory_space<vmem>>
      %dma_start3A_437 = arith.constant 0 : i32
      %dma_start3A_438 = tpu.memref_slice %arg4[%shift_right_arithmetic3A_425, %dma_start3A_437] : memref<1000000x64xf32, #tpu.memory_space<hbm>> -> memref<1x64xf32, #tpu.memory_space<hbm>>
      %dma_start3A_439 = tpu.memref_squeeze %dma_start3A_438 : memref<1x64xf32, #tpu.memory_space<hbm>> -> memref<64xf32, #tpu.memory_space<hbm>>
      tpu.enqueue_dma source(%dma_start3A_439 : memref<64xf32, #tpu.memory_space<hbm>>) target(%dma_start3A_436 : memref<64xf32, #tpu.memory_space<vmem>>) target_semaphore(%arg16 : memref<!tpu.dma_semaphore, #tpu.memory_space<semaphore_mem>>)
      %and3A_440 = arith.constant 3 : i32
      %and3A_441 = arith.andi %squeeze3A_423, %and3A_440 : i32
      %add3A_442 = arith.constant 8 : i32
      %add3A_443 = arith.addi %multiple_of3A_215, %add3A_442 : i32
      %swap3A_444 = arith.index_cast %add3A_443 : i32 to index
      %swap3A_445 = memref.load %arg14[%swap3A_444] : memref<200xi32, #tpu.memory_space<smem>>
      memref.store %and3A_441, %arg14[%swap3A_444] : memref<200xi32, #tpu.memory_space<smem>>
      %slice3A_446 = vector.extract_strided_slice %add3A_229 {offsets = [9], sizes = [1], strides = [1]} : vector<16xi32> to vector<1xi32>
      %squeeze3A_447 = vector.extract %slice3A_446[0] : i32 from vector<1xi32>
      %shift_right_arithmetic3A_448 = arith.constant 2 : i32
      %shift_right_arithmetic3A_449 = arith.shrsi %squeeze3A_447, %shift_right_arithmetic3A_448 : i32
      %add3A_450 = arith.constant 9 : i32
      %add3A_451 = arith.addi %multiple_of3A_215, %add3A_450 : i32
      %dma_start3A_452 = arith.constant 0 : i32
      %dma_start3A_453 = tpu.memref_slice %arg12[%add3A_451, %dma_start3A_452] : memref<200x64xf32, #tpu.memory_space<vmem>> -> memref<1x64xf32, #tpu.memory_space<vmem>>
      %dma_start3A_454 = tpu.memref_squeeze %dma_start3A_453 : memref<1x64xf32, #tpu.memory_space<vmem>> -> memref<64xf32, #tpu.memory_space<vmem>>
      %dma_start3A_455 = arith.constant 0 : i32
      %dma_start3A_456 = tpu.memref_slice %arg4[%shift_right_arithmetic3A_449, %dma_start3A_455] : memref<1000000x64xf32, #tpu.memory_space<hbm>> -> memref<1x64xf32, #tpu.memory_space<hbm>>
      %dma_start3A_457 = tpu.memref_squeeze %dma_start3A_456 : memref<1x64xf32, #tpu.memory_space<hbm>> -> memref<64xf32, #tpu.memory_space<hbm>>
      %dma_start3A_458 = arith.constant 0 : i32
      %dma_start3A_459 = tpu.memref_slice %arg12[%add3A_451, %dma_start3A_458] : memref<200x64xf32, #tpu.memory_space<vmem>> -> memref<1x64xf32, #tpu.memory_space<vmem>>
      %dma_start3A_460 = tpu.memref_squeeze %dma_start3A_459 : memref<1x64xf32, #tpu.memory_space<vmem>> -> memref<64xf32, #tpu.memory_space<vmem>>
      %dma_start3A_461 = arith.constant 0 : i32
      %dma_start3A_462 = tpu.memref_slice %arg4[%shift_right_arithmetic3A_449, %dma_start3A_461] : memref<1000000x64xf32, #tpu.memory_space<hbm>> -> memref<1x64xf32, #tpu.memory_space<hbm>>
      %dma_start3A_463 = tpu.memref_squeeze %dma_start3A_462 : memref<1x64xf32, #tpu.memory_space<hbm>> -> memref<64xf32, #tpu.memory_space<hbm>>
      tpu.enqueue_dma source(%dma_start3A_463 : memref<64xf32, #tpu.memory_space<hbm>>) target(%dma_start3A_460 : memref<64xf32, #tpu.memory_space<vmem>>) target_semaphore(%arg16 : memref<!tpu.dma_semaphore, #tpu.memory_space<semaphore_mem>>)
      %and3A_464 = arith.constant 3 : i32
      %and3A_465 = arith.andi %squeeze3A_447, %and3A_464 : i32
      %add3A_466 = arith.constant 9 : i32
      %add3A_467 = arith.addi %multiple_of3A_215, %add3A_466 : i32
      %swap3A_468 = arith.index_cast %add3A_467 : i32 to index
      %swap3A_469 = memref.load %arg14[%swap3A_468] : memref<200xi32, #tpu.memory_space<smem>>
      memref.store %and3A_465, %arg14[%swap3A_468] : memref<200xi32, #tpu.memory_space<smem>>
      %slice3A_470 = vector.extract_strided_slice %add3A_229 {offsets = [10], sizes = [1], strides = [1]} : vector<16xi32> to vector<1xi32>
      %squeeze3A_471 = vector.extract %slice3A_470[0] : i32 from vector<1xi32>
      %shift_right_arithmetic3A_472 = arith.constant 2 : i32
      %shift_right_arithmetic3A_473 = arith.shrsi %squeeze3A_471, %shift_right_arithmetic3A_472 : i32
      %add3A_474 = arith.constant 10 : i32
      %add3A_475 = arith.addi %multiple_of3A_215, %add3A_474 : i32
      %dma_start3A_476 = arith.constant 0 : i32
      %dma_start3A_477 = tpu.memref_slice %arg12[%add3A_475, %dma_start3A_476] : memref<200x64xf32, #tpu.memory_space<vmem>> -> memref<1x64xf32, #tpu.memory_space<vmem>>
      %dma_start3A_478 = tpu.memref_squeeze %dma_start3A_477 : memref<1x64xf32, #tpu.memory_space<vmem>> -> memref<64xf32, #tpu.memory_space<vmem>>
      %dma_start3A_479 = arith.constant 0 : i32
      %dma_start3A_480 = tpu.memref_slice %arg4[%shift_right_arithmetic3A_473, %dma_start3A_479] : memref<1000000x64xf32, #tpu.memory_space<hbm>> -> memref<1x64xf32, #tpu.memory_space<hbm>>
      %dma_start3A_481 = tpu.memref_squeeze %dma_start3A_480 : memref<1x64xf32, #tpu.memory_space<hbm>> -> memref<64xf32, #tpu.memory_space<hbm>>
      %dma_start3A_482 = arith.constant 0 : i32
      %dma_start3A_483 = tpu.memref_slice %arg12[%add3A_475, %dma_start3A_482] : memref<200x64xf32, #tpu.memory_space<vmem>> -> memref<1x64xf32, #tpu.memory_space<vmem>>
      %dma_start3A_484 = tpu.memref_squeeze %dma_start3A_483 : memref<1x64xf32, #tpu.memory_space<vmem>> -> memref<64xf32, #tpu.memory_space<vmem>>
      %dma_start3A_485 = arith.constant 0 : i32
      %dma_start3A_486 = tpu.memref_slice %arg4[%shift_right_arithmetic3A_473, %dma_start3A_485] : memref<1000000x64xf32, #tpu.memory_space<hbm>> -> memref<1x64xf32, #tpu.memory_space<hbm>>
      %dma_start3A_487 = tpu.memref_squeeze %dma_start3A_486 : memref<1x64xf32, #tpu.memory_space<hbm>> -> memref<64xf32, #tpu.memory_space<hbm>>
      tpu.enqueue_dma source(%dma_start3A_487 : memref<64xf32, #tpu.memory_space<hbm>>) target(%dma_start3A_484 : memref<64xf32, #tpu.memory_space<vmem>>) target_semaphore(%arg16 : memref<!tpu.dma_semaphore, #tpu.memory_space<semaphore_mem>>)
      %and3A_488 = arith.constant 3 : i32
      %and3A_489 = arith.andi %squeeze3A_471, %and3A_488 : i32
      %add3A_490 = arith.constant 10 : i32
      %add3A_491 = arith.addi %multiple_of3A_215, %add3A_490 : i32
      %swap3A_492 = arith.index_cast %add3A_491 : i32 to index
      %swap3A_493 = memref.load %arg14[%swap3A_492] : memref<200xi32, #tpu.memory_space<smem>>
      memref.store %and3A_489, %arg14[%swap3A_492] : memref<200xi32, #tpu.memory_space<smem>>
      %slice3A_494 = vector.extract_strided_slice %add3A_229 {offsets = [11], sizes = [1], strides = [1]} : vector<16xi32> to vector<1xi32>
      %squeeze3A_495 = vector.extract %slice3A_494[0] : i32 from vector<1xi32>
      %shift_right_arithmetic3A_496 = arith.constant 2 : i32
      %shift_right_arithmetic3A_497 = arith.shrsi %squeeze3A_495, %shift_right_arithmetic3A_496 : i32
      %add3A_498 = arith.constant 11 : i32
      %add3A_499 = arith.addi %multiple_of3A_215, %add3A_498 : i32
      %dma_start3A_500 = arith.constant 0 : i32
      %dma_start3A_501 = tpu.memref_slice %arg12[%add3A_499, %dma_start3A_500] : memref<200x64xf32, #tpu.memory_space<vmem>> -> memref<1x64xf32, #tpu.memory_space<vmem>>
      %dma_start3A_502 = tpu.memref_squeeze %dma_start3A_501 : memref<1x64xf32, #tpu.memory_space<vmem>> -> memref<64xf32, #tpu.memory_space<vmem>>
      %dma_start3A_503 = arith.constant 0 : i32
      %dma_start3A_504 = tpu.memref_slice %arg4[%shift_right_arithmetic3A_497, %dma_start3A_503] : memref<1000000x64xf32, #tpu.memory_space<hbm>> -> memref<1x64xf32, #tpu.memory_space<hbm>>
      %dma_start3A_505 = tpu.memref_squeeze %dma_start3A_504 : memref<1x64xf32, #tpu.memory_space<hbm>> -> memref<64xf32, #tpu.memory_space<hbm>>
      %dma_start3A_506 = arith.constant 0 : i32
      %dma_start3A_507 = tpu.memref_slice %arg12[%add3A_499, %dma_start3A_506] : memref<200x64xf32, #tpu.memory_space<vmem>> -> memref<1x64xf32, #tpu.memory_space<vmem>>
      %dma_start3A_508 = tpu.memref_squeeze %dma_start3A_507 : memref<1x64xf32, #tpu.memory_space<vmem>> -> memref<64xf32, #tpu.memory_space<vmem>>
      %dma_start3A_509 = arith.constant 0 : i32
      %dma_start3A_510 = tpu.memref_slice %arg4[%shift_right_arithmetic3A_497, %dma_start3A_509] : memref<1000000x64xf32, #tpu.memory_space<hbm>> -> memref<1x64xf32, #tpu.memory_space<hbm>>
      %dma_start3A_511 = tpu.memref_squeeze %dma_start3A_510 : memref<1x64xf32, #tpu.memory_space<hbm>> -> memref<64xf32, #tpu.memory_space<hbm>>
      tpu.enqueue_dma source(%dma_start3A_511 : memref<64xf32, #tpu.memory_space<hbm>>) target(%dma_start3A_508 : memref<64xf32, #tpu.memory_space<vmem>>) target_semaphore(%arg16 : memref<!tpu.dma_semaphore, #tpu.memory_space<semaphore_mem>>)
      %and3A_512 = arith.constant 3 : i32
      %and3A_513 = arith.andi %squeeze3A_495, %and3A_512 : i32
      %add3A_514 = arith.constant 11 : i32
      %add3A_515 = arith.addi %multiple_of3A_215, %add3A_514 : i32
      %swap3A_516 = arith.index_cast %add3A_515 : i32 to index
      %swap3A_517 = memref.load %arg14[%swap3A_516] : memref<200xi32, #tpu.memory_space<smem>>
      memref.store %and3A_513, %arg14[%swap3A_516] : memref<200xi32, #tpu.memory_space<smem>>
      %slice3A_518 = vector.extract_strided_slice %add3A_229 {offsets = [12], sizes = [1], strides = [1]} : vector<16xi32> to vector<1xi32>
      %squeeze3A_519 = vector.extract %slice3A_518[0] : i32 from vector<1xi32>
      %shift_right_arithmetic3A_520 = arith.constant 2 : i32
      %shift_right_arithmetic3A_521 = arith.shrsi %squeeze3A_519, %shift_right_arithmetic3A_520 : i32
      %add3A_522 = arith.constant 12 : i32
      %add3A_523 = arith.addi %multiple_of3A_215, %add3A_522 : i32
      %dma_start3A_524 = arith.constant 0 : i32
      %dma_start3A_525 = tpu.memref_slice %arg12[%add3A_523, %dma_start3A_524] : memref<200x64xf32, #tpu.memory_space<vmem>> -> memref<1x64xf32, #tpu.memory_space<vmem>>
      %dma_start3A_526 = tpu.memref_squeeze %dma_start3A_525 : memref<1x64xf32, #tpu.memory_space<vmem>> -> memref<64xf32, #tpu.memory_space<vmem>>
      %dma_start3A_527 = arith.constant 0 : i32
      %dma_start3A_528 = tpu.memref_slice %arg4[%shift_right_arithmetic3A_521, %dma_start3A_527] : memref<1000000x64xf32, #tpu.memory_space<hbm>> -> memref<1x64xf32, #tpu.memory_space<hbm>>
      %dma_start3A_529 = tpu.memref_squeeze %dma_start3A_528 : memref<1x64xf32, #tpu.memory_space<hbm>> -> memref<64xf32, #tpu.memory_space<hbm>>
      %dma_start3A_530 = arith.constant 0 : i32
      %dma_start3A_531 = tpu.memref_slice %arg12[%add3A_523, %dma_start3A_530] : memref<200x64xf32, #tpu.memory_space<vmem>> -> memref<1x64xf32, #tpu.memory_space<vmem>>
      %dma_start3A_532 = tpu.memref_squeeze %dma_start3A_531 : memref<1x64xf32, #tpu.memory_space<vmem>> -> memref<64xf32, #tpu.memory_space<vmem>>
      %dma_start3A_533 = arith.constant 0 : i32
      %dma_start3A_534 = tpu.memref_slice %arg4[%shift_right_arithmetic3A_521, %dma_start3A_533] : memref<1000000x64xf32, #tpu.memory_space<hbm>> -> memref<1x64xf32, #tpu.memory_space<hbm>>
      %dma_start3A_535 = tpu.memref_squeeze %dma_start3A_534 : memref<1x64xf32, #tpu.memory_space<hbm>> -> memref<64xf32, #tpu.memory_space<hbm>>
      tpu.enqueue_dma source(%dma_start3A_535 : memref<64xf32, #tpu.memory_space<hbm>>) target(%dma_start3A_532 : memref<64xf32, #tpu.memory_space<vmem>>) target_semaphore(%arg16 : memref<!tpu.dma_semaphore, #tpu.memory_space<semaphore_mem>>)
      %and3A_536 = arith.constant 3 : i32
      %and3A_537 = arith.andi %squeeze3A_519, %and3A_536 : i32
      %add3A_538 = arith.constant 12 : i32
      %add3A_539 = arith.addi %multiple_of3A_215, %add3A_538 : i32
      %swap3A_540 = arith.index_cast %add3A_539 : i32 to index
      %swap3A_541 = memref.load %arg14[%swap3A_540] : memref<200xi32, #tpu.memory_space<smem>>
      memref.store %and3A_537, %arg14[%swap3A_540] : memref<200xi32, #tpu.memory_space<smem>>
      %slice3A_542 = vector.extract_strided_slice %add3A_229 {offsets = [13], sizes = [1], strides = [1]} : vector<16xi32> to vector<1xi32>
      %squeeze3A_543 = vector.extract %slice3A_542[0] : i32 from vector<1xi32>
      %shift_right_arithmetic3A_544 = arith.constant 2 : i32
      %shift_right_arithmetic3A_545 = arith.shrsi %squeeze3A_543, %shift_right_arithmetic3A_544 : i32
      %add3A_546 = arith.constant 13 : i32
      %add3A_547 = arith.addi %multiple_of3A_215, %add3A_546 : i32
      %dma_start3A_548 = arith.constant 0 : i32
      %dma_start3A_549 = tpu.memref_slice %arg12[%add3A_547, %dma_start3A_548] : memref<200x64xf32, #tpu.memory_space<vmem>> -> memref<1x64xf32, #tpu.memory_space<vmem>>
      %dma_start3A_550 = tpu.memref_squeeze %dma_start3A_549 : memref<1x64xf32, #tpu.memory_space<vmem>> -> memref<64xf32, #tpu.memory_space<vmem>>
      %dma_start3A_551 = arith.constant 0 : i32
      %dma_start3A_552 = tpu.memref_slice %arg4[%shift_right_arithmetic3A_545, %dma_start3A_551] : memref<1000000x64xf32, #tpu.memory_space<hbm>> -> memref<1x64xf32, #tpu.memory_space<hbm>>
      %dma_start3A_553 = tpu.memref_squeeze %dma_start3A_552 : memref<1x64xf32, #tpu.memory_space<hbm>> -> memref<64xf32, #tpu.memory_space<hbm>>
      %dma_start3A_554 = arith.constant 0 : i32
      %dma_start3A_555 = tpu.memref_slice %arg12[%add3A_547, %dma_start3A_554] : memref<200x64xf32, #tpu.memory_space<vmem>> -> memref<1x64xf32, #tpu.memory_space<vmem>>
      %dma_start3A_556 = tpu.memref_squeeze %dma_start3A_555 : memref<1x64xf32, #tpu.memory_space<vmem>> -> memref<64xf32, #tpu.memory_space<vmem>>
      %dma_start3A_557 = arith.constant 0 : i32
      %dma_start3A_558 = tpu.memref_slice %arg4[%shift_right_arithmetic3A_545, %dma_start3A_557] : memref<1000000x64xf32, #tpu.memory_space<hbm>> -> memref<1x64xf32, #tpu.memory_space<hbm>>
      %dma_start3A_559 = tpu.memref_squeeze %dma_start3A_558 : memref<1x64xf32, #tpu.memory_space<hbm>> -> memref<64xf32, #tpu.memory_space<hbm>>
      tpu.enqueue_dma source(%dma_start3A_559 : memref<64xf32, #tpu.memory_space<hbm>>) target(%dma_start3A_556 : memref<64xf32, #tpu.memory_space<vmem>>) target_semaphore(%arg16 : memref<!tpu.dma_semaphore, #tpu.memory_space<semaphore_mem>>)
      %and3A_560 = arith.constant 3 : i32
      %and3A_561 = arith.andi %squeeze3A_543, %and3A_560 : i32
      %add3A_562 = arith.constant 13 : i32
      %add3A_563 = arith.addi %multiple_of3A_215, %add3A_562 : i32
      %swap3A_564 = arith.index_cast %add3A_563 : i32 to index
      %swap3A_565 = memref.load %arg14[%swap3A_564] : memref<200xi32, #tpu.memory_space<smem>>
      memref.store %and3A_561, %arg14[%swap3A_564] : memref<200xi32, #tpu.memory_space<smem>>
      %slice3A_566 = vector.extract_strided_slice %add3A_229 {offsets = [14], sizes = [1], strides = [1]} : vector<16xi32> to vector<1xi32>
      %squeeze3A_567 = vector.extract %slice3A_566[0] : i32 from vector<1xi32>
      %shift_right_arithmetic3A_568 = arith.constant 2 : i32
      %shift_right_arithmetic3A_569 = arith.shrsi %squeeze3A_567, %shift_right_arithmetic3A_568 : i32
      %add3A_570 = arith.constant 14 : i32
      %add3A_571 = arith.addi %multiple_of3A_215, %add3A_570 : i32
      %dma_start3A_572 = arith.constant 0 : i32
      %dma_start3A_573 = tpu.memref_slice %arg12[%add3A_571, %dma_start3A_572] : memref<200x64xf32, #tpu.memory_space<vmem>> -> memref<1x64xf32, #tpu.memory_space<vmem>>
      %dma_start3A_574 = tpu.memref_squeeze %dma_start3A_573 : memref<1x64xf32, #tpu.memory_space<vmem>> -> memref<64xf32, #tpu.memory_space<vmem>>
      %dma_start3A_575 = arith.constant 0 : i32
      %dma_start3A_576 = tpu.memref_slice %arg4[%shift_right_arithmetic3A_569, %dma_start3A_575] : memref<1000000x64xf32, #tpu.memory_space<hbm>> -> memref<1x64xf32, #tpu.memory_space<hbm>>
      %dma_start3A_577 = tpu.memref_squeeze %dma_start3A_576 : memref<1x64xf32, #tpu.memory_space<hbm>> -> memref<64xf32, #tpu.memory_space<hbm>>
      %dma_start3A_578 = arith.constant 0 : i32
      %dma_start3A_579 = tpu.memref_slice %arg12[%add3A_571, %dma_start3A_578] : memref<200x64xf32, #tpu.memory_space<vmem>> -> memref<1x64xf32, #tpu.memory_space<vmem>>
      %dma_start3A_580 = tpu.memref_squeeze %dma_start3A_579 : memref<1x64xf32, #tpu.memory_space<vmem>> -> memref<64xf32, #tpu.memory_space<vmem>>
      %dma_start3A_581 = arith.constant 0 : i32
      %dma_start3A_582 = tpu.memref_slice %arg4[%shift_right_arithmetic3A_569, %dma_start3A_581] : memref<1000000x64xf32, #tpu.memory_space<hbm>> -> memref<1x64xf32, #tpu.memory_space<hbm>>
      %dma_start3A_583 = tpu.memref_squeeze %dma_start3A_582 : memref<1x64xf32, #tpu.memory_space<hbm>> -> memref<64xf32, #tpu.memory_space<hbm>>
      tpu.enqueue_dma source(%dma_start3A_583 : memref<64xf32, #tpu.memory_space<hbm>>) target(%dma_start3A_580 : memref<64xf32, #tpu.memory_space<vmem>>) target_semaphore(%arg16 : memref<!tpu.dma_semaphore, #tpu.memory_space<semaphore_mem>>)
      %and3A_584 = arith.constant 3 : i32
      %and3A_585 = arith.andi %squeeze3A_567, %and3A_584 : i32
      %add3A_586 = arith.constant 14 : i32
      %add3A_587 = arith.addi %multiple_of3A_215, %add3A_586 : i32
      %swap3A_588 = arith.index_cast %add3A_587 : i32 to index
      %swap3A_589 = memref.load %arg14[%swap3A_588] : memref<200xi32, #tpu.memory_space<smem>>
      memref.store %and3A_585, %arg14[%swap3A_588] : memref<200xi32, #tpu.memory_space<smem>>
      %slice3A_590 = vector.extract_strided_slice %add3A_229 {offsets = [15], sizes = [1], strides = [1]} : vector<16xi32> to vector<1xi32>
      %squeeze3A_591 = vector.extract %slice3A_590[0] : i32 from vector<1xi32>
      %shift_right_arithmetic3A_592 = arith.constant 2 : i32
      %shift_right_arithmetic3A_593 = arith.shrsi %squeeze3A_591, %shift_right_arithmetic3A_592 : i32
      %add3A_594 = arith.constant 15 : i32
      %add3A_595 = arith.addi %multiple_of3A_215, %add3A_594 : i32
      %dma_start3A_596 = arith.constant 0 : i32
      %dma_start3A_597 = tpu.memref_slice %arg12[%add3A_595, %dma_start3A_596] : memref<200x64xf32, #tpu.memory_space<vmem>> -> memref<1x64xf32, #tpu.memory_space<vmem>>
      %dma_start3A_598 = tpu.memref_squeeze %dma_start3A_597 : memref<1x64xf32, #tpu.memory_space<vmem>> -> memref<64xf32, #tpu.memory_space<vmem>>
      %dma_start3A_599 = arith.constant 0 : i32
      %dma_start3A_600 = tpu.memref_slice %arg4[%shift_right_arithmetic3A_593, %dma_start3A_599] : memref<1000000x64xf32, #tpu.memory_space<hbm>> -> memref<1x64xf32, #tpu.memory_space<hbm>>
      %dma_start3A_601 = tpu.memref_squeeze %dma_start3A_600 : memref<1x64xf32, #tpu.memory_space<hbm>> -> memref<64xf32, #tpu.memory_space<hbm>>
      %dma_start3A_602 = arith.constant 0 : i32
      %dma_start3A_603 = tpu.memref_slice %arg12[%add3A_595, %dma_start3A_602] : memref<200x64xf32, #tpu.memory_space<vmem>> -> memref<1x64xf32, #tpu.memory_space<vmem>>
      %dma_start3A_604 = tpu.memref_squeeze %dma_start3A_603 : memref<1x64xf32, #tpu.memory_space<vmem>> -> memref<64xf32, #tpu.memory_space<vmem>>
      %dma_start3A_605 = arith.constant 0 : i32
      %dma_start3A_606 = tpu.memref_slice %arg4[%shift_right_arithmetic3A_593, %dma_start3A_605] : memref<1000000x64xf32, #tpu.memory_space<hbm>> -> memref<1x64xf32, #tpu.memory_space<hbm>>
      %dma_start3A_607 = tpu.memref_squeeze %dma_start3A_606 : memref<1x64xf32, #tpu.memory_space<hbm>> -> memref<64xf32, #tpu.memory_space<hbm>>
      tpu.enqueue_dma source(%dma_start3A_607 : memref<64xf32, #tpu.memory_space<hbm>>) target(%dma_start3A_604 : memref<64xf32, #tpu.memory_space<vmem>>) target_semaphore(%arg16 : memref<!tpu.dma_semaphore, #tpu.memory_space<semaphore_mem>>)
      %and3A_608 = arith.constant 3 : i32
      %and3A_609 = arith.andi %squeeze3A_591, %and3A_608 : i32
      %add3A_610 = arith.constant 15 : i32
      %add3A_611 = arith.addi %multiple_of3A_215, %add3A_610 : i32
      %swap3A_612 = arith.index_cast %add3A_611 : i32 to index
      %swap3A_613 = memref.load %arg14[%swap3A_612] : memref<200xi32, #tpu.memory_space<smem>>
      memref.store %and3A_609, %arg14[%swap3A_612] : memref<200xi32, #tpu.memory_space<smem>>
      %mul3A_614 = arith.constant 2 : i32
      %mul3A_615 = arith.muli %scan3A_208, %mul3A_614 : i32
      %add3A_616 = arith.constant 1 : i32
      %add3A_617 = arith.addi %mul3A_615, %add3A_616 : i32
      %mul3A_618 = arith.constant 16 : i32
      %mul3A_619 = arith.muli %add3A_617, %mul3A_618 : i32
      %multiple_of3A_620 = tpu.assume_multiple %mul3A_619, 16 : i32
      %get3A_621 = arith.constant 0 : i32
      %get3A_622 = arith.index_cast %get3A_621 : i32 to index
      %get3A_623 = arith.index_cast %multiple_of3A_620 : i32 to index
      %get3A_624 = tpu.vector_load %arg8[%get3A_622, %get3A_623] {strides = array<i32>} : memref<32x200xi32, #tpu.memory_space<vmem>>, vector<1x16xi32>,
      %get3A_625 = vector.shape_cast %get3A_624 : vector<1x16xi32> to vector<16xi32>
      %get3A_626 = arith.constant 0 : i32
      %get3A_627 = arith.index_cast %get3A_626 : i32 to index
      %get3A_628 = arith.index_cast %multiple_of3A_620 : i32 to index
      %get3A_629 = tpu.vector_load %arg9[%get3A_627, %get3A_628] {strides = array<i32>} : memref<32x200xi32, #tpu.memory_space<vmem>>, vector<1x16xi32>,
      %get3A_630 = vector.shape_cast %get3A_629 : vector<1x16xi32> to vector<16xi32>
      %mul3A_631 = arith.constant 4 : i32
      %mul3A_632 = vector.broadcast %mul3A_631 : i32 to vector<16xi32>
      %mul3A_633 = arith.muli %get3A_625, %mul3A_632 : vector<16xi32>
      %add3A_634 = arith.addi %mul3A_633, %get3A_630 : vector<16xi32>
      %slice3A_635 = vector.extract_strided_slice %add3A_634 {offsets = [0], sizes = [1], strides = [1]} : vector<16xi32> to vector<1xi32>
      %squeeze3A_636 = vector.extract %slice3A_635[0] : i32 from vector<1xi32>
      %shift_right_arithmetic3A_637 = arith.constant 2 : i32
      %shift_right_arithmetic3A_638 = arith.shrsi %squeeze3A_636, %shift_right_arithmetic3A_637 : i32
      %add3A_639 = arith.constant 0 : i32
      %add3A_640 = arith.addi %multiple_of3A_620, %add3A_639 : i32
      %dma_start3A_641 = arith.constant 0 : i32
      %dma_start3A_642 = tpu.memref_slice %arg12[%add3A_640, %dma_start3A_641] : memref<200x64xf32, #tpu.memory_space<vmem>> -> memref<1x64xf32, #tpu.memory_space<vmem>>
      %dma_start3A_643 = tpu.memref_squeeze %dma_start3A_642 : memref<1x64xf32, #tpu.memory_space<vmem>> -> memref<64xf32, #tpu.memory_space<vmem>>
      %dma_start3A_644 = arith.constant 0 : i32
      %dma_start3A_645 = tpu.memref_slice %arg4[%shift_right_arithmetic3A_638, %dma_start3A_644] : memref<1000000x64xf32, #tpu.memory_space<hbm>> -> memref<1x64xf32, #tpu.memory_space<hbm>>
      %dma_start3A_646 = tpu.memref_squeeze %dma_start3A_645 : memref<1x64xf32, #tpu.memory_space<hbm>> -> memref<64xf32, #tpu.memory_space<hbm>>
      %dma_start3A_647 = arith.constant 0 : i32
      %dma_start3A_648 = tpu.memref_slice %arg12[%add3A_640, %dma_start3A_647] : memref<200x64xf32, #tpu.memory_space<vmem>> -> memref<1x64xf32, #tpu.memory_space<vmem>>
      %dma_start3A_649 = tpu.memref_squeeze %dma_start3A_648 : memref<1x64xf32, #tpu.memory_space<vmem>> -> memref<64xf32, #tpu.memory_space<vmem>>
      %dma_start3A_650 = arith.constant 0 : i32
      %dma_start3A_651 = tpu.memref_slice %arg4[%shift_right_arithmetic3A_638, %dma_start3A_650] : memref<1000000x64xf32, #tpu.memory_space<hbm>> -> memref<1x64xf32, #tpu.memory_space<hbm>>
      %dma_start3A_652 = tpu.memref_squeeze %dma_start3A_651 : memref<1x64xf32, #tpu.memory_space<hbm>> -> memref<64xf32, #tpu.memory_space<hbm>>
      tpu.enqueue_dma source(%dma_start3A_652 : memref<64xf32, #tpu.memory_space<hbm>>) target(%dma_start3A_649 : memref<64xf32, #tpu.memory_space<vmem>>) target_semaphore(%arg16 : memref<!tpu.dma_semaphore, #tpu.memory_space<semaphore_mem>>)
      %and3A_653 = arith.constant 3 : i32
      %and3A_654 = arith.andi %squeeze3A_636, %and3A_653 : i32
      %add3A_655 = arith.constant 0 : i32
      %add3A_656 = arith.addi %multiple_of3A_620, %add3A_655 : i32
      %swap3A_657 = arith.index_cast %add3A_656 : i32 to index
      %swap3A_658 = memref.load %arg14[%swap3A_657] : memref<200xi32, #tpu.memory_space<smem>>
      memref.store %and3A_654, %arg14[%swap3A_657] : memref<200xi32, #tpu.memory_space<smem>>
      %slice3A_659 = vector.extract_strided_slice %add3A_634 {offsets = [1], sizes = [1], strides = [1]} : vector<16xi32> to vector<1xi32>
      %squeeze3A_660 = vector.extract %slice3A_659[0] : i32 from vector<1xi32>
      %shift_right_arithmetic3A_661 = arith.constant 2 : i32
      %shift_right_arithmetic3A_662 = arith.shrsi %squeeze3A_660, %shift_right_arithmetic3A_661 : i32
      %add3A_663 = arith.constant 1 : i32
      %add3A_664 = arith.addi %multiple_of3A_620, %add3A_663 : i32
      %dma_start3A_665 = arith.constant 0 : i32
      %dma_start3A_666 = tpu.memref_slice %arg12[%add3A_664, %dma_start3A_665] : memref<200x64xf32, #tpu.memory_space<vmem>> -> memref<1x64xf32, #tpu.memory_space<vmem>>
      %dma_start3A_667 = tpu.memref_squeeze %dma_start3A_666 : memref<1x64xf32, #tpu.memory_space<vmem>> -> memref<64xf32, #tpu.memory_space<vmem>>
      %dma_start3A_668 = arith.constant 0 : i32
      %dma_start3A_669 = tpu.memref_slice %arg4[%shift_right_arithmetic3A_662, %dma_start3A_668] : memref<1000000x64xf32, #tpu.memory_space<hbm>> -> memref<1x64xf32, #tpu.memory_space<hbm>>
      %dma_start3A_670 = tpu.memref_squeeze %dma_start3A_669 : memref<1x64xf32, #tpu.memory_space<hbm>> -> memref<64xf32, #tpu.memory_space<hbm>>
      %dma_start3A_671 = arith.constant 0 : i32
      %dma_start3A_672 = tpu.memref_slice %arg12[%add3A_664, %dma_start3A_671] : memref<200x64xf32, #tpu.memory_space<vmem>> -> memref<1x64xf32, #tpu.memory_space<vmem>>
      %dma_start3A_673 = tpu.memref_squeeze %dma_start3A_672 : memref<1x64xf32, #tpu.memory_space<vmem>> -> memref<64xf32, #tpu.memory_space<vmem>>
      %dma_start3A_674 = arith.constant 0 : i32
      %dma_start3A_675 = tpu.memref_slice %arg4[%shift_right_arithmetic3A_662, %dma_start3A_674] : memref<1000000x64xf32, #tpu.memory_space<hbm>> -> memref<1x64xf32, #tpu.memory_space<hbm>>
      %dma_start3A_676 = tpu.memref_squeeze %dma_start3A_675 : memref<1x64xf32, #tpu.memory_space<hbm>> -> memref<64xf32, #tpu.memory_space<hbm>>
      tpu.enqueue_dma source(%dma_start3A_676 : memref<64xf32, #tpu.memory_space<hbm>>) target(%dma_start3A_673 : memref<64xf32, #tpu.memory_space<vmem>>) target_semaphore(%arg16 : memref<!tpu.dma_semaphore, #tpu.memory_space<semaphore_mem>>)
      %and3A_677 = arith.constant 3 : i32
      %and3A_678 = arith.andi %squeeze3A_660, %and3A_677 : i32
      %add3A_679 = arith.constant 1 : i32
      %add3A_680 = arith.addi %multiple_of3A_620, %add3A_679 : i32
      %swap3A_681 = arith.index_cast %add3A_680 : i32 to index
      %swap3A_682 = memref.load %arg14[%swap3A_681] : memref<200xi32, #tpu.memory_space<smem>>
      memref.store %and3A_678, %arg14[%swap3A_681] : memref<200xi32, #tpu.memory_space<smem>>
      %slice3A_683 = vector.extract_strided_slice %add3A_634 {offsets = [2], sizes = [1], strides = [1]} : vector<16xi32> to vector<1xi32>
      %squeeze3A_684 = vector.extract %slice3A_683[0] : i32 from vector<1xi32>
      %shift_right_arithmetic3A_685 = arith.constant 2 : i32
      %shift_right_arithmetic3A_686 = arith.shrsi %squeeze3A_684, %shift_right_arithmetic3A_685 : i32
      %add3A_687 = arith.constant 2 : i32
      %add3A_688 = arith.addi %multiple_of3A_620, %add3A_687 : i32
      %dma_start3A_689 = arith.constant 0 : i32
      %dma_start3A_690 = tpu.memref_slice %arg12[%add3A_688, %dma_start3A_689] : memref<200x64xf32, #tpu.memory_space<vmem>> -> memref<1x64xf32, #tpu.memory_space<vmem>>
      %dma_start3A_691 = tpu.memref_squeeze %dma_start3A_690 : memref<1x64xf32, #tpu.memory_space<vmem>> -> memref<64xf32, #tpu.memory_space<vmem>>
      %dma_start3A_692 = arith.constant 0 : i32
      %dma_start3A_693 = tpu.memref_slice %arg4[%shift_right_arithmetic3A_686, %dma_start3A_692] : memref<1000000x64xf32, #tpu.memory_space<hbm>> -> memref<1x64xf32, #tpu.memory_space<hbm>>
      %dma_start3A_694 = tpu.memref_squeeze %dma_start3A_693 : memref<1x64xf32, #tpu.memory_space<hbm>> -> memref<64xf32, #tpu.memory_space<hbm>>
      %dma_start3A_695 = arith.constant 0 : i32
      %dma_start3A_696 = tpu.memref_slice %arg12[%add3A_688, %dma_start3A_695] : memref<200x64xf32, #tpu.memory_space<vmem>> -> memref<1x64xf32, #tpu.memory_space<vmem>>
      %dma_start3A_697 = tpu.memref_squeeze %dma_start3A_696 : memref<1x64xf32, #tpu.memory_space<vmem>> -> memref<64xf32, #tpu.memory_space<vmem>>
      %dma_start3A_698 = arith.constant 0 : i32
      %dma_start3A_699 = tpu.memref_slice %arg4[%shift_right_arithmetic3A_686, %dma_start3A_698] : memref<1000000x64xf32, #tpu.memory_space<hbm>> -> memref<1x64xf32, #tpu.memory_space<hbm>>
      %dma_start3A_700 = tpu.memref_squeeze %dma_start3A_699 : memref<1x64xf32, #tpu.memory_space<hbm>> -> memref<64xf32, #tpu.memory_space<hbm>>
      tpu.enqueue_dma source(%dma_start3A_700 : memref<64xf32, #tpu.memory_space<hbm>>) target(%dma_start3A_697 : memref<64xf32, #tpu.memory_space<vmem>>) target_semaphore(%arg16 : memref<!tpu.dma_semaphore, #tpu.memory_space<semaphore_mem>>)
      %and3A_701 = arith.constant 3 : i32
      %and3A_702 = arith.andi %squeeze3A_684, %and3A_701 : i32
      %add3A_703 = arith.constant 2 : i32
      %add3A_704 = arith.addi %multiple_of3A_620, %add3A_703 : i32
      %swap3A_705 = arith.index_cast %add3A_704 : i32 to index
      %swap3A_706 = memref.load %arg14[%swap3A_705] : memref<200xi32, #tpu.memory_space<smem>>
      memref.store %and3A_702, %arg14[%swap3A_705] : memref<200xi32, #tpu.memory_space<smem>>
      %slice3A_707 = vector.extract_strided_slice %add3A_634 {offsets = [3], sizes = [1], strides = [1]} : vector<16xi32> to vector<1xi32>
      %squeeze3A_708 = vector.extract %slice3A_707[0] : i32 from vector<1xi32>
      %shift_right_arithmetic3A_709 = arith.constant 2 : i32
      %shift_right_arithmetic3A_710 = arith.shrsi %squeeze3A_708, %shift_right_arithmetic3A_709 : i32
      %add3A_711 = arith.constant 3 : i32
      %add3A_712 = arith.addi %multiple_of3A_620, %add3A_711 : i32
      %dma_start3A_713 = arith.constant 0 : i32
      %dma_start3A_714 = tpu.memref_slice %arg12[%add3A_712, %dma_start3A_713] : memref<200x64xf32, #tpu.memory_space<vmem>> -> memref<1x64xf32, #tpu.memory_space<vmem>>
      %dma_start3A_715 = tpu.memref_squeeze %dma_start3A_714 : memref<1x64xf32, #tpu.memory_space<vmem>> -> memref<64xf32, #tpu.memory_space<vmem>>
      %dma_start3A_716 = arith.constant 0 : i32
      %dma_start3A_717 = tpu.memref_slice %arg4[%shift_right_arithmetic3A_710, %dma_start3A_716] : memref<1000000x64xf32, #tpu.memory_space<hbm>> -> memref<1x64xf32, #tpu.memory_space<hbm>>
      %dma_start3A_718 = tpu.memref_squeeze %dma_start3A_717 : memref<1x64xf32, #tpu.memory_space<hbm>> -> memref<64xf32, #tpu.memory_space<hbm>>
      %dma_start3A_719 = arith.constant 0 : i32
      %dma_start3A_720 = tpu.memref_slice %arg12[%add3A_712, %dma_start3A_719] : memref<200x64xf32, #tpu.memory_space<vmem>> -> memref<1x64xf32, #tpu.memory_space<vmem>>
      %dma_start3A_721 = tpu.memref_squeeze %dma_start3A_720 : memref<1x64xf32, #tpu.memory_space<vmem>> -> memref<64xf32, #tpu.memory_space<vmem>>
      %dma_start3A_722 = arith.constant 0 : i32
      %dma_start3A_723 = tpu.memref_slice %arg4[%shift_right_arithmetic3A_710, %dma_start3A_722] : memref<1000000x64xf32, #tpu.memory_space<hbm>> -> memref<1x64xf32, #tpu.memory_space<hbm>>
      %dma_start3A_724 = tpu.memref_squeeze %dma_start3A_723 : memref<1x64xf32, #tpu.memory_space<hbm>> -> memref<64xf32, #tpu.memory_space<hbm>>
      tpu.enqueue_dma source(%dma_start3A_724 : memref<64xf32, #tpu.memory_space<hbm>>) target(%dma_start3A_721 : memref<64xf32, #tpu.memory_space<vmem>>) target_semaphore(%arg16 : memref<!tpu.dma_semaphore, #tpu.memory_space<semaphore_mem>>)
      %and3A_725 = arith.constant 3 : i32
      %and3A_726 = arith.andi %squeeze3A_708, %and3A_725 : i32
      %add3A_727 = arith.constant 3 : i32
      %add3A_728 = arith.addi %multiple_of3A_620, %add3A_727 : i32
      %swap3A_729 = arith.index_cast %add3A_728 : i32 to index
      %swap3A_730 = memref.load %arg14[%swap3A_729] : memref<200xi32, #tpu.memory_space<smem>>
      memref.store %and3A_726, %arg14[%swap3A_729] : memref<200xi32, #tpu.memory_space<smem>>
      %slice3A_731 = vector.extract_strided_slice %add3A_634 {offsets = [4], sizes = [1], strides = [1]} : vector<16xi32> to vector<1xi32>
      %squeeze3A_732 = vector.extract %slice3A_731[0] : i32 from vector<1xi32>
      %shift_right_arithmetic3A_733 = arith.constant 2 : i32
      %shift_right_arithmetic3A_734 = arith.shrsi %squeeze3A_732, %shift_right_arithmetic3A_733 : i32
      %add3A_735 = arith.constant 4 : i32
      %add3A_736 = arith.addi %multiple_of3A_620, %add3A_735 : i32
      %dma_start3A_737 = arith.constant 0 : i32
      %dma_start3A_738 = tpu.memref_slice %arg12[%add3A_736, %dma_start3A_737] : memref<200x64xf32, #tpu.memory_space<vmem>> -> memref<1x64xf32, #tpu.memory_space<vmem>>
      %dma_start3A_739 = tpu.memref_squeeze %dma_start3A_738 : memref<1x64xf32, #tpu.memory_space<vmem>> -> memref<64xf32, #tpu.memory_space<vmem>>
      %dma_start3A_740 = arith.constant 0 : i32
      %dma_start3A_741 = tpu.memref_slice %arg4[%shift_right_arithmetic3A_734, %dma_start3A_740] : memref<1000000x64xf32, #tpu.memory_space<hbm>> -> memref<1x64xf32, #tpu.memory_space<hbm>>
      %dma_start3A_742 = tpu.memref_squeeze %dma_start3A_741 : memref<1x64xf32, #tpu.memory_space<hbm>> -> memref<64xf32, #tpu.memory_space<hbm>>
      %dma_start3A_743 = arith.constant 0 : i32
      %dma_start3A_744 = tpu.memref_slice %arg12[%add3A_736, %dma_start3A_743] : memref<200x64xf32, #tpu.memory_space<vmem>> -> memref<1x64xf32, #tpu.memory_space<vmem>>
      %dma_start3A_745 = tpu.memref_squeeze %dma_start3A_744 : memref<1x64xf32, #tpu.memory_space<vmem>> -> memref<64xf32, #tpu.memory_space<vmem>>
      %dma_start3A_746 = arith.constant 0 : i32
      %dma_start3A_747 = tpu.memref_slice %arg4[%shift_right_arithmetic3A_734, %dma_start3A_746] : memref<1000000x64xf32, #tpu.memory_space<hbm>> -> memref<1x64xf32, #tpu.memory_space<hbm>>
      %dma_start3A_748 = tpu.memref_squeeze %dma_start3A_747 : memref<1x64xf32, #tpu.memory_space<hbm>> -> memref<64xf32, #tpu.memory_space<hbm>>
      tpu.enqueue_dma source(%dma_start3A_748 : memref<64xf32, #tpu.memory_space<hbm>>) target(%dma_start3A_745 : memref<64xf32, #tpu.memory_space<vmem>>) target_semaphore(%arg16 : memref<!tpu.dma_semaphore, #tpu.memory_space<semaphore_mem>>)
      %and3A_749 = arith.constant 3 : i32
      %and3A_750 = arith.andi %squeeze3A_732, %and3A_749 : i32
      %add3A_751 = arith.constant 4 : i32
      %add3A_752 = arith.addi %multiple_of3A_620, %add3A_751 : i32
      %swap3A_753 = arith.index_cast %add3A_752 : i32 to index
      %swap3A_754 = memref.load %arg14[%swap3A_753] : memref<200xi32, #tpu.memory_space<smem>>
      memref.store %and3A_750, %arg14[%swap3A_753] : memref<200xi32, #tpu.memory_space<smem>>
      %slice3A_755 = vector.extract_strided_slice %add3A_634 {offsets = [5], sizes = [1], strides = [1]} : vector<16xi32> to vector<1xi32>
      %squeeze3A_756 = vector.extract %slice3A_755[0] : i32 from vector<1xi32>
      %shift_right_arithmetic3A_757 = arith.constant 2 : i32
      %shift_right_arithmetic3A_758 = arith.shrsi %squeeze3A_756, %shift_right_arithmetic3A_757 : i32
      %add3A_759 = arith.constant 5 : i32
      %add3A_760 = arith.addi %multiple_of3A_620, %add3A_759 : i32
      %dma_start3A_761 = arith.constant 0 : i32
      %dma_start3A_762 = tpu.memref_slice %arg12[%add3A_760, %dma_start3A_761] : memref<200x64xf32, #tpu.memory_space<vmem>> -> memref<1x64xf32, #tpu.memory_space<vmem>>
      %dma_start3A_763 = tpu.memref_squeeze %dma_start3A_762 : memref<1x64xf32, #tpu.memory_space<vmem>> -> memref<64xf32, #tpu.memory_space<vmem>>
      %dma_start3A_764 = arith.constant 0 : i32
      %dma_start3A_765 = tpu.memref_slice %arg4[%shift_right_arithmetic3A_758, %dma_start3A_764] : memref<1000000x64xf32, #tpu.memory_space<hbm>> -> memref<1x64xf32, #tpu.memory_space<hbm>>
      %dma_start3A_766 = tpu.memref_squeeze %dma_start3A_765 : memref<1x64xf32, #tpu.memory_space<hbm>> -> memref<64xf32, #tpu.memory_space<hbm>>
      %dma_start3A_767 = arith.constant 0 : i32
      %dma_start3A_768 = tpu.memref_slice %arg12[%add3A_760, %dma_start3A_767] : memref<200x64xf32, #tpu.memory_space<vmem>> -> memref<1x64xf32, #tpu.memory_space<vmem>>
      %dma_start3A_769 = tpu.memref_squeeze %dma_start3A_768 : memref<1x64xf32, #tpu.memory_space<vmem>> -> memref<64xf32, #tpu.memory_space<vmem>>
      %dma_start3A_770 = arith.constant 0 : i32
      %dma_start3A_771 = tpu.memref_slice %arg4[%shift_right_arithmetic3A_758, %dma_start3A_770] : memref<1000000x64xf32, #tpu.memory_space<hbm>> -> memref<1x64xf32, #tpu.memory_space<hbm>>
      %dma_start3A_772 = tpu.memref_squeeze %dma_start3A_771 : memref<1x64xf32, #tpu.memory_space<hbm>> -> memref<64xf32, #tpu.memory_space<hbm>>
      tpu.enqueue_dma source(%dma_start3A_772 : memref<64xf32, #tpu.memory_space<hbm>>) target(%dma_start3A_769 : memref<64xf32, #tpu.memory_space<vmem>>) target_semaphore(%arg16 : memref<!tpu.dma_semaphore, #tpu.memory_space<semaphore_mem>>)
      %and3A_773 = arith.constant 3 : i32
      %and3A_774 = arith.andi %squeeze3A_756, %and3A_773 : i32
      %add3A_775 = arith.constant 5 : i32
      %add3A_776 = arith.addi %multiple_of3A_620, %add3A_775 : i32
      %swap3A_777 = arith.index_cast %add3A_776 : i32 to index
      %swap3A_778 = memref.load %arg14[%swap3A_777] : memref<200xi32, #tpu.memory_space<smem>>
      memref.store %and3A_774, %arg14[%swap3A_777] : memref<200xi32, #tpu.memory_space<smem>>
      %slice3A_779 = vector.extract_strided_slice %add3A_634 {offsets = [6], sizes = [1], strides = [1]} : vector<16xi32> to vector<1xi32>
      %squeeze3A_780 = vector.extract %slice3A_779[0] : i32 from vector<1xi32>
      %shift_right_arithmetic3A_781 = arith.constant 2 : i32
      %shift_right_arithmetic3A_782 = arith.shrsi %squeeze3A_780, %shift_right_arithmetic3A_781 : i32
      %add3A_783 = arith.constant 6 : i32
      %add3A_784 = arith.addi %multiple_of3A_620, %add3A_783 : i32
      %dma_start3A_785 = arith.constant 0 : i32
      %dma_start3A_786 = tpu.memref_slice %arg12[%add3A_784, %dma_start3A_785] : memref<200x64xf32, #tpu.memory_space<vmem>> -> memref<1x64xf32, #tpu.memory_space<vmem>>
      %dma_start3A_787 = tpu.memref_squeeze %dma_start3A_786 : memref<1x64xf32, #tpu.memory_space<vmem>> -> memref<64xf32, #tpu.memory_space<vmem>>
      %dma_start3A_788 = arith.constant 0 : i32
      %dma_start3A_789 = tpu.memref_slice %arg4[%shift_right_arithmetic3A_782, %dma_start3A_788] : memref<1000000x64xf32, #tpu.memory_space<hbm>> -> memref<1x64xf32, #tpu.memory_space<hbm>>
      %dma_start3A_790 = tpu.memref_squeeze %dma_start3A_789 : memref<1x64xf32, #tpu.memory_space<hbm>> -> memref<64xf32, #tpu.memory_space<hbm>>
      %dma_start3A_791 = arith.constant 0 : i32
      %dma_start3A_792 = tpu.memref_slice %arg12[%add3A_784, %dma_start3A_791] : memref<200x64xf32, #tpu.memory_space<vmem>> -> memref<1x64xf32, #tpu.memory_space<vmem>>
      %dma_start3A_793 = tpu.memref_squeeze %dma_start3A_792 : memref<1x64xf32, #tpu.memory_space<vmem>> -> memref<64xf32, #tpu.memory_space<vmem>>
      %dma_start3A_794 = arith.constant 0 : i32
      %dma_start3A_795 = tpu.memref_slice %arg4[%shift_right_arithmetic3A_782, %dma_start3A_794] : memref<1000000x64xf32, #tpu.memory_space<hbm>> -> memref<1x64xf32, #tpu.memory_space<hbm>>
      %dma_start3A_796 = tpu.memref_squeeze %dma_start3A_795 : memref<1x64xf32, #tpu.memory_space<hbm>> -> memref<64xf32, #tpu.memory_space<hbm>>
      tpu.enqueue_dma source(%dma_start3A_796 : memref<64xf32, #tpu.memory_space<hbm>>) target(%dma_start3A_793 : memref<64xf32, #tpu.memory_space<vmem>>) target_semaphore(%arg16 : memref<!tpu.dma_semaphore, #tpu.memory_space<semaphore_mem>>)
      %and3A_797 = arith.constant 3 : i32
      %and3A_798 = arith.andi %squeeze3A_780, %and3A_797 : i32
      %add3A_799 = arith.constant 6 : i32
      %add3A_800 = arith.addi %multiple_of3A_620, %add3A_799 : i32
      %swap3A_801 = arith.index_cast %add3A_800 : i32 to index
      %swap3A_802 = memref.load %arg14[%swap3A_801] : memref<200xi32, #tpu.memory_space<smem>>
      memref.store %and3A_798, %arg14[%swap3A_801] : memref<200xi32, #tpu.memory_space<smem>>
      %slice3A_803 = vector.extract_strided_slice %add3A_634 {offsets = [7], sizes = [1], strides = [1]} : vector<16xi32> to vector<1xi32>
      %squeeze3A_804 = vector.extract %slice3A_803[0] : i32 from vector<1xi32>
      %shift_right_arithmetic3A_805 = arith.constant 2 : i32
      %shift_right_arithmetic3A_806 = arith.shrsi %squeeze3A_804, %shift_right_arithmetic3A_805 : i32
      %add3A_807 = arith.constant 7 : i32
      %add3A_808 = arith.addi %multiple_of3A_620, %add3A_807 : i32
      %dma_start3A_809 = arith.constant 0 : i32
      %dma_start3A_810 = tpu.memref_slice %arg12[%add3A_808, %dma_start3A_809] : memref<200x64xf32, #tpu.memory_space<vmem>> -> memref<1x64xf32, #tpu.memory_space<vmem>>
      %dma_start3A_811 = tpu.memref_squeeze %dma_start3A_810 : memref<1x64xf32, #tpu.memory_space<vmem>> -> memref<64xf32, #tpu.memory_space<vmem>>
      %dma_start3A_812 = arith.constant 0 : i32
      %dma_start3A_813 = tpu.memref_slice %arg4[%shift_right_arithmetic3A_806, %dma_start3A_812] : memref<1000000x64xf32, #tpu.memory_space<hbm>> -> memref<1x64xf32, #tpu.memory_space<hbm>>
      %dma_start3A_814 = tpu.memref_squeeze %dma_start3A_813 : memref<1x64xf32, #tpu.memory_space<hbm>> -> memref<64xf32, #tpu.memory_space<hbm>>
      %dma_start3A_815 = arith.constant 0 : i32
      %dma_start3A_816 = tpu.memref_slice %arg12[%add3A_808, %dma_start3A_815] : memref<200x64xf32, #tpu.memory_space<vmem>> -> memref<1x64xf32, #tpu.memory_space<vmem>>
      %dma_start3A_817 = tpu.memref_squeeze %dma_start3A_816 : memref<1x64xf32, #tpu.memory_space<vmem>> -> memref<64xf32, #tpu.memory_space<vmem>>
      %dma_start3A_818 = arith.constant 0 : i32
      %dma_start3A_819 = tpu.memref_slice %arg4[%shift_right_arithmetic3A_806, %dma_start3A_818] : memref<1000000x64xf32, #tpu.memory_space<hbm>> -> memref<1x64xf32, #tpu.memory_space<hbm>>
      %dma_start3A_820 = tpu.memref_squeeze %dma_start3A_819 : memref<1x64xf32, #tpu.memory_space<hbm>> -> memref<64xf32, #tpu.memory_space<hbm>>
      tpu.enqueue_dma source(%dma_start3A_820 : memref<64xf32, #tpu.memory_space<hbm>>) target(%dma_start3A_817 : memref<64xf32, #tpu.memory_space<vmem>>) target_semaphore(%arg16 : memref<!tpu.dma_semaphore, #tpu.memory_space<semaphore_mem>>)
      %and3A_821 = arith.constant 3 : i32
      %and3A_822 = arith.andi %squeeze3A_804, %and3A_821 : i32
      %add3A_823 = arith.constant 7 : i32
      %add3A_824 = arith.addi %multiple_of3A_620, %add3A_823 : i32
      %swap3A_825 = arith.index_cast %add3A_824 : i32 to index
      %swap3A_826 = memref.load %arg14[%swap3A_825] : memref<200xi32, #tpu.memory_space<smem>>
      memref.store %and3A_822, %arg14[%swap3A_825] : memref<200xi32, #tpu.memory_space<smem>>
      %slice3A_827 = vector.extract_strided_slice %add3A_634 {offsets = [8], sizes = [1], strides = [1]} : vector<16xi32> to vector<1xi32>
      %squeeze3A_828 = vector.extract %slice3A_827[0] : i32 from vector<1xi32>
      %shift_right_arithmetic3A_829 = arith.constant 2 : i32
      %shift_right_arithmetic3A_830 = arith.shrsi %squeeze3A_828, %shift_right_arithmetic3A_829 : i32
      %add3A_831 = arith.constant 8 : i32
      %add3A_832 = arith.addi %multiple_of3A_620, %add3A_831 : i32
      %dma_start3A_833 = arith.constant 0 : i32
      %dma_start3A_834 = tpu.memref_slice %arg12[%add3A_832, %dma_start3A_833] : memref<200x64xf32, #tpu.memory_space<vmem>> -> memref<1x64xf32, #tpu.memory_space<vmem>>
      %dma_start3A_835 = tpu.memref_squeeze %dma_start3A_834 : memref<1x64xf32, #tpu.memory_space<vmem>> -> memref<64xf32, #tpu.memory_space<vmem>>
      %dma_start3A_836 = arith.constant 0 : i32
      %dma_start3A_837 = tpu.memref_slice %arg4[%shift_right_arithmetic3A_830, %dma_start3A_836] : memref<1000000x64xf32, #tpu.memory_space<hbm>> -> memref<1x64xf32, #tpu.memory_space<hbm>>
      %dma_start3A_838 = tpu.memref_squeeze %dma_start3A_837 : memref<1x64xf32, #tpu.memory_space<hbm>> -> memref<64xf32, #tpu.memory_space<hbm>>
      %dma_start3A_839 = arith.constant 0 : i32
      %dma_start3A_840 = tpu.memref_slice %arg12[%add3A_832, %dma_start3A_839] : memref<200x64xf32, #tpu.memory_space<vmem>> -> memref<1x64xf32, #tpu.memory_space<vmem>>
      %dma_start3A_841 = tpu.memref_squeeze %dma_start3A_840 : memref<1x64xf32, #tpu.memory_space<vmem>> -> memref<64xf32, #tpu.memory_space<vmem>>
      %dma_start3A_842 = arith.constant 0 : i32
      %dma_start3A_843 = tpu.memref_slice %arg4[%shift_right_arithmetic3A_830, %dma_start3A_842] : memref<1000000x64xf32, #tpu.memory_space<hbm>> -> memref<1x64xf32, #tpu.memory_space<hbm>>
      %dma_start3A_844 = tpu.memref_squeeze %dma_start3A_843 : memref<1x64xf32, #tpu.memory_space<hbm>> -> memref<64xf32, #tpu.memory_space<hbm>>
      tpu.enqueue_dma source(%dma_start3A_844 : memref<64xf32, #tpu.memory_space<hbm>>) target(%dma_start3A_841 : memref<64xf32, #tpu.memory_space<vmem>>) target_semaphore(%arg16 : memref<!tpu.dma_semaphore, #tpu.memory_space<semaphore_mem>>)
      %and3A_845 = arith.constant 3 : i32
      %and3A_846 = arith.andi %squeeze3A_828, %and3A_845 : i32
      %add3A_847 = arith.constant 8 : i32
      %add3A_848 = arith.addi %multiple_of3A_620, %add3A_847 : i32
      %swap3A_849 = arith.index_cast %add3A_848 : i32 to index
      %swap3A_850 = memref.load %arg14[%swap3A_849] : memref<200xi32, #tpu.memory_space<smem>>
      memref.store %and3A_846, %arg14[%swap3A_849] : memref<200xi32, #tpu.memory_space<smem>>
      %slice3A_851 = vector.extract_strided_slice %add3A_634 {offsets = [9], sizes = [1], strides = [1]} : vector<16xi32> to vector<1xi32>
      %squeeze3A_852 = vector.extract %slice3A_851[0] : i32 from vector<1xi32>
      %shift_right_arithmetic3A_853 = arith.constant 2 : i32
      %shift_right_arithmetic3A_854 = arith.shrsi %squeeze3A_852, %shift_right_arithmetic3A_853 : i32
      %add3A_855 = arith.constant 9 : i32
      %add3A_856 = arith.addi %multiple_of3A_620, %add3A_855 : i32
      %dma_start3A_857 = arith.constant 0 : i32
      %dma_start3A_858 = tpu.memref_slice %arg12[%add3A_856, %dma_start3A_857] : memref<200x64xf32, #tpu.memory_space<vmem>> -> memref<1x64xf32, #tpu.memory_space<vmem>>
      %dma_start3A_859 = tpu.memref_squeeze %dma_start3A_858 : memref<1x64xf32, #tpu.memory_space<vmem>> -> memref<64xf32, #tpu.memory_space<vmem>>
      %dma_start3A_860 = arith.constant 0 : i32
      %dma_start3A_861 = tpu.memref_slice %arg4[%shift_right_arithmetic3A_854, %dma_start3A_860] : memref<1000000x64xf32, #tpu.memory_space<hbm>> -> memref<1x64xf32, #tpu.memory_space<hbm>>
      %dma_start3A_862 = tpu.memref_squeeze %dma_start3A_861 : memref<1x64xf32, #tpu.memory_space<hbm>> -> memref<64xf32, #tpu.memory_space<hbm>>
      %dma_start3A_863 = arith.constant 0 : i32
      %dma_start3A_864 = tpu.memref_slice %arg12[%add3A_856, %dma_start3A_863] : memref<200x64xf32, #tpu.memory_space<vmem>> -> memref<1x64xf32, #tpu.memory_space<vmem>>
      %dma_start3A_865 = tpu.memref_squeeze %dma_start3A_864 : memref<1x64xf32, #tpu.memory_space<vmem>> -> memref<64xf32, #tpu.memory_space<vmem>>
      %dma_start3A_866 = arith.constant 0 : i32
      %dma_start3A_867 = tpu.memref_slice %arg4[%shift_right_arithmetic3A_854, %dma_start3A_866] : memref<1000000x64xf32, #tpu.memory_space<hbm>> -> memref<1x64xf32, #tpu.memory_space<hbm>>
      %dma_start3A_868 = tpu.memref_squeeze %dma_start3A_867 : memref<1x64xf32, #tpu.memory_space<hbm>> -> memref<64xf32, #tpu.memory_space<hbm>>
      tpu.enqueue_dma source(%dma_start3A_868 : memref<64xf32, #tpu.memory_space<hbm>>) target(%dma_start3A_865 : memref<64xf32, #tpu.memory_space<vmem>>) target_semaphore(%arg16 : memref<!tpu.dma_semaphore, #tpu.memory_space<semaphore_mem>>)
      %and3A_869 = arith.constant 3 : i32
      %and3A_870 = arith.andi %squeeze3A_852, %and3A_869 : i32
      %add3A_871 = arith.constant 9 : i32
      %add3A_872 = arith.addi %multiple_of3A_620, %add3A_871 : i32
      %swap3A_873 = arith.index_cast %add3A_872 : i32 to index
      %swap3A_874 = memref.load %arg14[%swap3A_873] : memref<200xi32, #tpu.memory_space<smem>>
      memref.store %and3A_870, %arg14[%swap3A_873] : memref<200xi32, #tpu.memory_space<smem>>
      %slice3A_875 = vector.extract_strided_slice %add3A_634 {offsets = [10], sizes = [1], strides = [1]} : vector<16xi32> to vector<1xi32>
      %squeeze3A_876 = vector.extract %slice3A_875[0] : i32 from vector<1xi32>
      %shift_right_arithmetic3A_877 = arith.constant 2 : i32
      %shift_right_arithmetic3A_878 = arith.shrsi %squeeze3A_876, %shift_right_arithmetic3A_877 : i32
      %add3A_879 = arith.constant 10 : i32
      %add3A_880 = arith.addi %multiple_of3A_620, %add3A_879 : i32
      %dma_start3A_881 = arith.constant 0 : i32
      %dma_start3A_882 = tpu.memref_slice %arg12[%add3A_880, %dma_start3A_881] : memref<200x64xf32, #tpu.memory_space<vmem>> -> memref<1x64xf32, #tpu.memory_space<vmem>>
      %dma_start3A_883 = tpu.memref_squeeze %dma_start3A_882 : memref<1x64xf32, #tpu.memory_space<vmem>> -> memref<64xf32, #tpu.memory_space<vmem>>
      %dma_start3A_884 = arith.constant 0 : i32
      %dma_start3A_885 = tpu.memref_slice %arg4[%shift_right_arithmetic3A_878, %dma_start3A_884] : memref<1000000x64xf32, #tpu.memory_space<hbm>> -> memref<1x64xf32, #tpu.memory_space<hbm>>
      %dma_start3A_886 = tpu.memref_squeeze %dma_start3A_885 : memref<1x64xf32, #tpu.memory_space<hbm>> -> memref<64xf32, #tpu.memory_space<hbm>>
      %dma_start3A_887 = arith.constant 0 : i32
      %dma_start3A_888 = tpu.memref_slice %arg12[%add3A_880, %dma_start3A_887] : memref<200x64xf32, #tpu.memory_space<vmem>> -> memref<1x64xf32, #tpu.memory_space<vmem>>
      %dma_start3A_889 = tpu.memref_squeeze %dma_start3A_888 : memref<1x64xf32, #tpu.memory_space<vmem>> -> memref<64xf32, #tpu.memory_space<vmem>>
      %dma_start3A_890 = arith.constant 0 : i32
      %dma_start3A_891 = tpu.memref_slice %arg4[%shift_right_arithmetic3A_878, %dma_start3A_890] : memref<1000000x64xf32, #tpu.memory_space<hbm>> -> memref<1x64xf32, #tpu.memory_space<hbm>>
      %dma_start3A_892 = tpu.memref_squeeze %dma_start3A_891 : memref<1x64xf32, #tpu.memory_space<hbm>> -> memref<64xf32, #tpu.memory_space<hbm>>
      tpu.enqueue_dma source(%dma_start3A_892 : memref<64xf32, #tpu.memory_space<hbm>>) target(%dma_start3A_889 : memref<64xf32, #tpu.memory_space<vmem>>) target_semaphore(%arg16 : memref<!tpu.dma_semaphore, #tpu.memory_space<semaphore_mem>>)
      %and3A_893 = arith.constant 3 : i32
      %and3A_894 = arith.andi %squeeze3A_876, %and3A_893 : i32
      %add3A_895 = arith.constant 10 : i32
      %add3A_896 = arith.addi %multiple_of3A_620, %add3A_895 : i32
      %swap3A_897 = arith.index_cast %add3A_896 : i32 to index
      %swap3A_898 = memref.load %arg14[%swap3A_897] : memref<200xi32, #tpu.memory_space<smem>>
      memref.store %and3A_894, %arg14[%swap3A_897] : memref<200xi32, #tpu.memory_space<smem>>
      %slice3A_899 = vector.extract_strided_slice %add3A_634 {offsets = [11], sizes = [1], strides = [1]} : vector<16xi32> to vector<1xi32>
      %squeeze3A_900 = vector.extract %slice3A_899[0] : i32 from vector<1xi32>
      %shift_right_arithmetic3A_901 = arith.constant 2 : i32
      %shift_right_arithmetic3A_902 = arith.shrsi %squeeze3A_900, %shift_right_arithmetic3A_901 : i32
      %add3A_903 = arith.constant 11 : i32
      %add3A_904 = arith.addi %multiple_of3A_620, %add3A_903 : i32
      %dma_start3A_905 = arith.constant 0 : i32
      %dma_start3A_906 = tpu.memref_slice %arg12[%add3A_904, %dma_start3A_905] : memref<200x64xf32, #tpu.memory_space<vmem>> -> memref<1x64xf32, #tpu.memory_space<vmem>>
      %dma_start3A_907 = tpu.memref_squeeze %dma_start3A_906 : memref<1x64xf32, #tpu.memory_space<vmem>> -> memref<64xf32, #tpu.memory_space<vmem>>
      %dma_start3A_908 = arith.constant 0 : i32
      %dma_start3A_909 = tpu.memref_slice %arg4[%shift_right_arithmetic3A_902, %dma_start3A_908] : memref<1000000x64xf32, #tpu.memory_space<hbm>> -> memref<1x64xf32, #tpu.memory_space<hbm>>
      %dma_start3A_910 = tpu.memref_squeeze %dma_start3A_909 : memref<1x64xf32, #tpu.memory_space<hbm>> -> memref<64xf32, #tpu.memory_space<hbm>>
      %dma_start3A_911 = arith.constant 0 : i32
      %dma_start3A_912 = tpu.memref_slice %arg12[%add3A_904, %dma_start3A_911] : memref<200x64xf32, #tpu.memory_space<vmem>> -> memref<1x64xf32, #tpu.memory_space<vmem>>
      %dma_start3A_913 = tpu.memref_squeeze %dma_start3A_912 : memref<1x64xf32, #tpu.memory_space<vmem>> -> memref<64xf32, #tpu.memory_space<vmem>>
      %dma_start3A_914 = arith.constant 0 : i32
      %dma_start3A_915 = tpu.memref_slice %arg4[%shift_right_arithmetic3A_902, %dma_start3A_914] : memref<1000000x64xf32, #tpu.memory_space<hbm>> -> memref<1x64xf32, #tpu.memory_space<hbm>>
      %dma_start3A_916 = tpu.memref_squeeze %dma_start3A_915 : memref<1x64xf32, #tpu.memory_space<hbm>> -> memref<64xf32, #tpu.memory_space<hbm>>
      tpu.enqueue_dma source(%dma_start3A_916 : memref<64xf32, #tpu.memory_space<hbm>>) target(%dma_start3A_913 : memref<64xf32, #tpu.memory_space<vmem>>) target_semaphore(%arg16 : memref<!tpu.dma_semaphore, #tpu.memory_space<semaphore_mem>>)
      %and3A_917 = arith.constant 3 : i32
      %and3A_918 = arith.andi %squeeze3A_900, %and3A_917 : i32
      %add3A_919 = arith.constant 11 : i32
      %add3A_920 = arith.addi %multiple_of3A_620, %add3A_919 : i32
      %swap3A_921 = arith.index_cast %add3A_920 : i32 to index
      %swap3A_922 = memref.load %arg14[%swap3A_921] : memref<200xi32, #tpu.memory_space<smem>>
      memref.store %and3A_918, %arg14[%swap3A_921] : memref<200xi32, #tpu.memory_space<smem>>
      %slice3A_923 = vector.extract_strided_slice %add3A_634 {offsets = [12], sizes = [1], strides = [1]} : vector<16xi32> to vector<1xi32>
      %squeeze3A_924 = vector.extract %slice3A_923[0] : i32 from vector<1xi32>
      %shift_right_arithmetic3A_925 = arith.constant 2 : i32
      %shift_right_arithmetic3A_926 = arith.shrsi %squeeze3A_924, %shift_right_arithmetic3A_925 : i32
      %add3A_927 = arith.constant 12 : i32
      %add3A_928 = arith.addi %multiple_of3A_620, %add3A_927 : i32
      %dma_start3A_929 = arith.constant 0 : i32
      %dma_start3A_930 = tpu.memref_slice %arg12[%add3A_928, %dma_start3A_929] : memref<200x64xf32, #tpu.memory_space<vmem>> -> memref<1x64xf32, #tpu.memory_space<vmem>>
      %dma_start3A_931 = tpu.memref_squeeze %dma_start3A_930 : memref<1x64xf32, #tpu.memory_space<vmem>> -> memref<64xf32, #tpu.memory_space<vmem>>
      %dma_start3A_932 = arith.constant 0 : i32
      %dma_start3A_933 = tpu.memref_slice %arg4[%shift_right_arithmetic3A_926, %dma_start3A_932] : memref<1000000x64xf32, #tpu.memory_space<hbm>> -> memref<1x64xf32, #tpu.memory_space<hbm>>
      %dma_start3A_934 = tpu.memref_squeeze %dma_start3A_933 : memref<1x64xf32, #tpu.memory_space<hbm>> -> memref<64xf32, #tpu.memory_space<hbm>>
      %dma_start3A_935 = arith.constant 0 : i32
      %dma_start3A_936 = tpu.memref_slice %arg12[%add3A_928, %dma_start3A_935] : memref<200x64xf32, #tpu.memory_space<vmem>> -> memref<1x64xf32, #tpu.memory_space<vmem>>
      %dma_start3A_937 = tpu.memref_squeeze %dma_start3A_936 : memref<1x64xf32, #tpu.memory_space<vmem>> -> memref<64xf32, #tpu.memory_space<vmem>>
      %dma_start3A_938 = arith.constant 0 : i32
      %dma_start3A_939 = tpu.memref_slice %arg4[%shift_right_arithmetic3A_926, %dma_start3A_938] : memref<1000000x64xf32, #tpu.memory_space<hbm>> -> memref<1x64xf32, #tpu.memory_space<hbm>>
      %dma_start3A_940 = tpu.memref_squeeze %dma_start3A_939 : memref<1x64xf32, #tpu.memory_space<hbm>> -> memref<64xf32, #tpu.memory_space<hbm>>
      tpu.enqueue_dma source(%dma_start3A_940 : memref<64xf32, #tpu.memory_space<hbm>>) target(%dma_start3A_937 : memref<64xf32, #tpu.memory_space<vmem>>) target_semaphore(%arg16 : memref<!tpu.dma_semaphore, #tpu.memory_space<semaphore_mem>>)
      %and3A_941 = arith.constant 3 : i32
      %and3A_942 = arith.andi %squeeze3A_924, %and3A_941 : i32
      %add3A_943 = arith.constant 12 : i32
      %add3A_944 = arith.addi %multiple_of3A_620, %add3A_943 : i32
      %swap3A_945 = arith.index_cast %add3A_944 : i32 to index
      %swap3A_946 = memref.load %arg14[%swap3A_945] : memref<200xi32, #tpu.memory_space<smem>>
      memref.store %and3A_942, %arg14[%swap3A_945] : memref<200xi32, #tpu.memory_space<smem>>
      %slice3A_947 = vector.extract_strided_slice %add3A_634 {offsets = [13], sizes = [1], strides = [1]} : vector<16xi32> to vector<1xi32>
      %squeeze3A_948 = vector.extract %slice3A_947[0] : i32 from vector<1xi32>
      %shift_right_arithmetic3A_949 = arith.constant 2 : i32
      %shift_right_arithmetic3A_950 = arith.shrsi %squeeze3A_948, %shift_right_arithmetic3A_949 : i32
      %add3A_951 = arith.constant 13 : i32
      %add3A_952 = arith.addi %multiple_of3A_620, %add3A_951 : i32
      %dma_start3A_953 = arith.constant 0 : i32
      %dma_start3A_954 = tpu.memref_slice %arg12[%add3A_952, %dma_start3A_953] : memref<200x64xf32, #tpu.memory_space<vmem>> -> memref<1x64xf32, #tpu.memory_space<vmem>>
      %dma_start3A_955 = tpu.memref_squeeze %dma_start3A_954 : memref<1x64xf32, #tpu.memory_space<vmem>> -> memref<64xf32, #tpu.memory_space<vmem>>
      %dma_start3A_956 = arith.constant 0 : i32
      %dma_start3A_957 = tpu.memref_slice %arg4[%shift_right_arithmetic3A_950, %dma_start3A_956] : memref<1000000x64xf32, #tpu.memory_space<hbm>> -> memref<1x64xf32, #tpu.memory_space<hbm>>
      %dma_start3A_958 = tpu.memref_squeeze %dma_start3A_957 : memref<1x64xf32, #tpu.memory_space<hbm>> -> memref<64xf32, #tpu.memory_space<hbm>>
      %dma_start3A_959 = arith.constant 0 : i32
      %dma_start3A_960 = tpu.memref_slice %arg12[%add3A_952, %dma_start3A_959] : memref<200x64xf32, #tpu.memory_space<vmem>> -> memref<1x64xf32, #tpu.memory_space<vmem>>
      %dma_start3A_961 = tpu.memref_squeeze %dma_start3A_960 : memref<1x64xf32, #tpu.memory_space<vmem>> -> memref<64xf32, #tpu.memory_space<vmem>>
      %dma_start3A_962 = arith.constant 0 : i32
      %dma_start3A_963 = tpu.memref_slice %arg4[%shift_right_arithmetic3A_950, %dma_start3A_962] : memref<1000000x64xf32, #tpu.memory_space<hbm>> -> memref<1x64xf32, #tpu.memory_space<hbm>>
      %dma_start3A_964 = tpu.memref_squeeze %dma_start3A_963 : memref<1x64xf32, #tpu.memory_space<hbm>> -> memref<64xf32, #tpu.memory_space<hbm>>
      tpu.enqueue_dma source(%dma_start3A_964 : memref<64xf32, #tpu.memory_space<hbm>>) target(%dma_start3A_961 : memref<64xf32, #tpu.memory_space<vmem>>) target_semaphore(%arg16 : memref<!tpu.dma_semaphore, #tpu.memory_space<semaphore_mem>>)
      %and3A_965 = arith.constant 3 : i32
      %and3A_966 = arith.andi %squeeze3A_948, %and3A_965 : i32
      %add3A_967 = arith.constant 13 : i32
      %add3A_968 = arith.addi %multiple_of3A_620, %add3A_967 : i32
      %swap3A_969 = arith.index_cast %add3A_968 : i32 to index
      %swap3A_970 = memref.load %arg14[%swap3A_969] : memref<200xi32, #tpu.memory_space<smem>>
      memref.store %and3A_966, %arg14[%swap3A_969] : memref<200xi32, #tpu.memory_space<smem>>
      %slice3A_971 = vector.extract_strided_slice %add3A_634 {offsets = [14], sizes = [1], strides = [1]} : vector<16xi32> to vector<1xi32>
      %squeeze3A_972 = vector.extract %slice3A_971[0] : i32 from vector<1xi32>
      %shift_right_arithmetic3A_973 = arith.constant 2 : i32
      %shift_right_arithmetic3A_974 = arith.shrsi %squeeze3A_972, %shift_right_arithmetic3A_973 : i32
      %add3A_975 = arith.constant 14 : i32
      %add3A_976 = arith.addi %multiple_of3A_620, %add3A_975 : i32
      %dma_start3A_977 = arith.constant 0 : i32
      %dma_start3A_978 = tpu.memref_slice %arg12[%add3A_976, %dma_start3A_977] : memref<200x64xf32, #tpu.memory_space<vmem>> -> memref<1x64xf32, #tpu.memory_space<vmem>>
      %dma_start3A_979 = tpu.memref_squeeze %dma_start3A_978 : memref<1x64xf32, #tpu.memory_space<vmem>> -> memref<64xf32, #tpu.memory_space<vmem>>
      %dma_start3A_980 = arith.constant 0 : i32
      %dma_start3A_981 = tpu.memref_slice %arg4[%shift_right_arithmetic3A_974, %dma_start3A_980] : memref<1000000x64xf32, #tpu.memory_space<hbm>> -> memref<1x64xf32, #tpu.memory_space<hbm>>
      %dma_start3A_982 = tpu.memref_squeeze %dma_start3A_981 : memref<1x64xf32, #tpu.memory_space<hbm>> -> memref<64xf32, #tpu.memory_space<hbm>>
      %dma_start3A_983 = arith.constant 0 : i32
      %dma_start3A_984 = tpu.memref_slice %arg12[%add3A_976, %dma_start3A_983] : memref<200x64xf32, #tpu.memory_space<vmem>> -> memref<1x64xf32, #tpu.memory_space<vmem>>
      %dma_start3A_985 = tpu.memref_squeeze %dma_start3A_984 : memref<1x64xf32, #tpu.memory_space<vmem>> -> memref<64xf32, #tpu.memory_space<vmem>>
      %dma_start3A_986 = arith.constant 0 : i32
      %dma_start3A_987 = tpu.memref_slice %arg4[%shift_right_arithmetic3A_974, %dma_start3A_986] : memref<1000000x64xf32, #tpu.memory_space<hbm>> -> memref<1x64xf32, #tpu.memory_space<hbm>>
      %dma_start3A_988 = tpu.memref_squeeze %dma_start3A_987 : memref<1x64xf32, #tpu.memory_space<hbm>> -> memref<64xf32, #tpu.memory_space<hbm>>
      tpu.enqueue_dma source(%dma_start3A_988 : memref<64xf32, #tpu.memory_space<hbm>>) target(%dma_start3A_985 : memref<64xf32, #tpu.memory_space<vmem>>) target_semaphore(%arg16 : memref<!tpu.dma_semaphore, #tpu.memory_space<semaphore_mem>>)
      %and3A_989 = arith.constant 3 : i32
      %and3A_990 = arith.andi %squeeze3A_972, %and3A_989 : i32
      %add3A_991 = arith.constant 14 : i32
      %add3A_992 = arith.addi %multiple_of3A_620, %add3A_991 : i32
      %swap3A_993 = arith.index_cast %add3A_992 : i32 to index
      %swap3A_994 = memref.load %arg14[%swap3A_993] : memref<200xi32, #tpu.memory_space<smem>>
      memref.store %and3A_990, %arg14[%swap3A_993] : memref<200xi32, #tpu.memory_space<smem>>
      %slice3A_995 = vector.extract_strided_slice %add3A_634 {offsets = [15], sizes = [1], strides = [1]} : vector<16xi32> to vector<1xi32>
      %squeeze3A_996 = vector.extract %slice3A_995[0] : i32 from vector<1xi32>
      %shift_right_arithmetic3A_997 = arith.constant 2 : i32
      %shift_right_arithmetic3A_998 = arith.shrsi %squeeze3A_996, %shift_right_arithmetic3A_997 : i32
      %add3A_999 = arith.constant 15 : i32
      %add3A_1000 = arith.addi %multiple_of3A_620, %add3A_999 : i32
      %dma_start3A_1001 = arith.constant 0 : i32
      %dma_start3A_1002 = tpu.memref_slice %arg12[%add3A_1000, %dma_start3A_1001] : memref<200x64xf32, #tpu.memory_space<vmem>> -> memref<1x64xf32, #tpu.memory_space<vmem>>
      %dma_start3A_1003 = tpu.memref_squeeze %dma_start3A_1002 : memref<1x64xf32, #tpu.memory_space<vmem>> -> memref<64xf32, #tpu.memory_space<vmem>>
      %dma_start3A_1004 = arith.constant 0 : i32
      %dma_start3A_1005 = tpu.memref_slice %arg4[%shift_right_arithmetic3A_998, %dma_start3A_1004] : memref<1000000x64xf32, #tpu.memory_space<hbm>> -> memref<1x64xf32, #tpu.memory_space<hbm>>
      %dma_start3A_1006 = tpu.memref_squeeze %dma_start3A_1005 : memref<1x64xf32, #tpu.memory_space<hbm>> -> memref<64xf32, #tpu.memory_space<hbm>>
      %dma_start3A_1007 = arith.constant 0 : i32
      %dma_start3A_1008 = tpu.memref_slice %arg12[%add3A_1000, %dma_start3A_1007] : memref<200x64xf32, #tpu.memory_space<vmem>> -> memref<1x64xf32, #tpu.memory_space<vmem>>
      %dma_start3A_1009 = tpu.memref_squeeze %dma_start3A_1008 : memref<1x64xf32, #tpu.memory_space<vmem>> -> memref<64xf32, #tpu.memory_space<vmem>>
      %dma_start3A_1010 = arith.constant 0 : i32
      %dma_start3A_1011 = tpu.memref_slice %arg4[%shift_right_arithmetic3A_998, %dma_start3A_1010] : memref<1000000x64xf32, #tpu.memory_space<hbm>> -> memref<1x64xf32, #tpu.memory_space<hbm>>
      %dma_start3A_1012 = tpu.memref_squeeze %dma_start3A_1011 : memref<1x64xf32, #tpu.memory_space<hbm>> -> memref<64xf32, #tpu.memory_space<hbm>>
      tpu.enqueue_dma source(%dma_start3A_1012 : memref<64xf32, #tpu.memory_space<hbm>>) target(%dma_start3A_1009 : memref<64xf32, #tpu.memory_space<vmem>>) target_semaphore(%arg16 : memref<!tpu.dma_semaphore, #tpu.memory_space<semaphore_mem>>)
      %and3A_1013 = arith.constant 3 : i32
      %and3A_1014 = arith.andi %squeeze3A_996, %and3A_1013 : i32
      %add3A_1015 = arith.constant 15 : i32
      %add3A_1016 = arith.addi %multiple_of3A_620, %add3A_1015 : i32
      %swap3A_1017 = arith.index_cast %add3A_1016 : i32 to index
      %swap3A_1018 = memref.load %arg14[%swap3A_1017] : memref<200xi32, #tpu.memory_space<smem>>
      memref.store %and3A_1014, %arg14[%swap3A_1017] : memref<200xi32, #tpu.memory_space<smem>>
    }
    %scan3A_13 = arith.constant 6 : i32
    %get3A = arith.constant 0 : i32
    %get3A_14 = arith.index_cast %get3A : i32 to index
    %get3A_15 = arith.constant 184 : index
    %get3A_16 = tpu.vector_load %arg8[%get3A_14, %get3A_15] {strides = array<i32>} : memref<32x200xi32, #tpu.memory_space<vmem>>, vector<1x16xi32>,
    %get3A_17 = vector.shape_cast %get3A_16 : vector<1x16xi32> to vector<16xi32>
    %get3A_18 = arith.constant 0 : i32
    %get3A_19 = arith.index_cast %get3A_18 : i32 to index
    %get3A_20 = arith.constant 184 : index
    %get3A_21 = tpu.vector_load %arg9[%get3A_19, %get3A_20] {strides = array<i32>} : memref<32x200xi32, #tpu.memory_space<vmem>>, vector<1x16xi32>,
    %get3A_22 = vector.shape_cast %get3A_21 : vector<1x16xi32> to vector<16xi32>
    %mul3A_23 = arith.constant 4 : i32
    %mul3A_24 = vector.broadcast %mul3A_23 : i32 to vector<16xi32>
    %mul3A_25 = arith.muli %get3A_17, %mul3A_24 : vector<16xi32>
    %add3A_26 = arith.addi %mul3A_25, %get3A_22 : vector<16xi32>
    %slice3A = vector.extract_strided_slice %add3A_26 {offsets = [8], sizes = [1], strides = [1]} : vector<16xi32> to vector<1xi32>
    %squeeze3A = vector.extract %slice3A[0] : i32 from vector<1xi32>
    %shift_right_arithmetic3A = arith.constant 2 : i32
    %shift_right_arithmetic3A_27 = arith.shrsi %squeeze3A, %shift_right_arithmetic3A : i32
    %dma_start3A = arith.constant 192 : i32
    %dma_start3A_28 = arith.constant 0 : i32
    %dma_start3A_29 = tpu.memref_slice %arg12[%dma_start3A, %dma_start3A_28] : memref<200x64xf32, #tpu.memory_space<vmem>> -> memref<1x64xf32, #tpu.memory_space<vmem>>
    %dma_start3A_30 = tpu.memref_squeeze %dma_start3A_29 : memref<1x64xf32, #tpu.memory_space<vmem>> -> memref<64xf32, #tpu.memory_space<vmem>>
    %dma_start3A_31 = arith.constant 0 : i32
    %dma_start3A_32 = tpu.memref_slice %arg4[%shift_right_arithmetic3A_27, %dma_start3A_31] : memref<1000000x64xf32, #tpu.memory_space<hbm>> -> memref<1x64xf32, #tpu.memory_space<hbm>>
    %dma_start3A_33 = tpu.memref_squeeze %dma_start3A_32 : memref<1x64xf32, #tpu.memory_space<hbm>> -> memref<64xf32, #tpu.memory_space<hbm>>
    %dma_start3A_34 = arith.constant 0 : i32
    %dma_start3A_35 = tpu.memref_slice %arg12[%dma_start3A, %dma_start3A_34] : memref<200x64xf32, #tpu.memory_space<vmem>> -> memref<1x64xf32, #tpu.memory_space<vmem>>
    %dma_start3A_36 = tpu.memref_squeeze %dma_start3A_35 : memref<1x64xf32, #tpu.memory_space<vmem>> -> memref<64xf32, #tpu.memory_space<vmem>>
    %dma_start3A_37 = arith.constant 0 : i32
    %dma_start3A_38 = tpu.memref_slice %arg4[%shift_right_arithmetic3A_27, %dma_start3A_37] : memref<1000000x64xf32, #tpu.memory_space<hbm>> -> memref<1x64xf32, #tpu.memory_space<hbm>>
    %dma_start3A_39 = tpu.memref_squeeze %dma_start3A_38 : memref<1x64xf32, #tpu.memory_space<hbm>> -> memref<64xf32, #tpu.memory_space<hbm>>
    tpu.enqueue_dma source(%dma_start3A_39 : memref<64xf32, #tpu.memory_space<hbm>>) target(%dma_start3A_36 : memref<64xf32, #tpu.memory_space<vmem>>) target_semaphore(%arg16 : memref<!tpu.dma_semaphore, #tpu.memory_space<semaphore_mem>>)
    %and3A = arith.constant 3 : i32
    %and3A_40 = arith.andi %squeeze3A, %and3A : i32
    %swap3A = arith.constant 192 : i32
    %swap3A_41 = arith.index_cast %swap3A : i32 to index
    %swap3A_42 = memref.load %arg14[%swap3A_41] : memref<200xi32, #tpu.memory_space<smem>>
    memref.store %and3A_40, %arg14[%swap3A_41] : memref<200xi32, #tpu.memory_space<smem>>
    %slice3A_43 = vector.extract_strided_slice %add3A_26 {offsets = [9], sizes = [1], strides = [1]} : vector<16xi32> to vector<1xi32>
    %squeeze3A_44 = vector.extract %slice3A_43[0] : i32 from vector<1xi32>
    %shift_right_arithmetic3A_45 = arith.constant 2 : i32
    %shift_right_arithmetic3A_46 = arith.shrsi %squeeze3A_44, %shift_right_arithmetic3A_45 : i32
    %dma_start3A_47 = arith.constant 193 : i32
    %dma_start3A_48 = arith.constant 0 : i32
    %dma_start3A_49 = tpu.memref_slice %arg12[%dma_start3A_47, %dma_start3A_48] : memref<200x64xf32, #tpu.memory_space<vmem>> -> memref<1x64xf32, #tpu.memory_space<vmem>>
    %dma_start3A_50 = tpu.memref_squeeze %dma_start3A_49 : memref<1x64xf32, #tpu.memory_space<vmem>> -> memref<64xf32, #tpu.memory_space<vmem>>
    %dma_start3A_51 = arith.constant 0 : i32
    %dma_start3A_52 = tpu.memref_slice %arg4[%shift_right_arithmetic3A_46, %dma_start3A_51] : memref<1000000x64xf32, #tpu.memory_space<hbm>> -> memref<1x64xf32, #tpu.memory_space<hbm>>
    %dma_start3A_53 = tpu.memref_squeeze %dma_start3A_52 : memref<1x64xf32, #tpu.memory_space<hbm>> -> memref<64xf32, #tpu.memory_space<hbm>>
    %dma_start3A_54 = arith.constant 0 : i32
    %dma_start3A_55 = tpu.memref_slice %arg12[%dma_start3A_47, %dma_start3A_54] : memref<200x64xf32, #tpu.memory_space<vmem>> -> memref<1x64xf32, #tpu.memory_space<vmem>>
    %dma_start3A_56 = tpu.memref_squeeze %dma_start3A_55 : memref<1x64xf32, #tpu.memory_space<vmem>> -> memref<64xf32, #tpu.memory_space<vmem>>
    %dma_start3A_57 = arith.constant 0 : i32
    %dma_start3A_58 = tpu.memref_slice %arg4[%shift_right_arithmetic3A_46, %dma_start3A_57] : memref<1000000x64xf32, #tpu.memory_space<hbm>> -> memref<1x64xf32, #tpu.memory_space<hbm>>
    %dma_start3A_59 = tpu.memref_squeeze %dma_start3A_58 : memref<1x64xf32, #tpu.memory_space<hbm>> -> memref<64xf32, #tpu.memory_space<hbm>>
    tpu.enqueue_dma source(%dma_start3A_59 : memref<64xf32, #tpu.memory_space<hbm>>) target(%dma_start3A_56 : memref<64xf32, #tpu.memory_space<vmem>>) target_semaphore(%arg16 : memref<!tpu.dma_semaphore, #tpu.memory_space<semaphore_mem>>)
    %and3A_60 = arith.constant 3 : i32
    %and3A_61 = arith.andi %squeeze3A_44, %and3A_60 : i32
    %swap3A_62 = arith.constant 193 : i32
    %swap3A_63 = arith.index_cast %swap3A_62 : i32 to index
    %swap3A_64 = memref.load %arg14[%swap3A_63] : memref<200xi32, #tpu.memory_space<smem>>
    memref.store %and3A_61, %arg14[%swap3A_63] : memref<200xi32, #tpu.memory_space<smem>>
    %slice3A_65 = vector.extract_strided_slice %add3A_26 {offsets = [10], sizes = [1], strides = [1]} : vector<16xi32> to vector<1xi32>
    %squeeze3A_66 = vector.extract %slice3A_65[0] : i32 from vector<1xi32>
    %shift_right_arithmetic3A_67 = arith.constant 2 : i32
    %shift_right_arithmetic3A_68 = arith.shrsi %squeeze3A_66, %shift_right_arithmetic3A_67 : i32
    %dma_start3A_69 = arith.constant 194 : i32
    %dma_start3A_70 = arith.constant 0 : i32
    %dma_start3A_71 = tpu.memref_slice %arg12[%dma_start3A_69, %dma_start3A_70] : memref<200x64xf32, #tpu.memory_space<vmem>> -> memref<1x64xf32, #tpu.memory_space<vmem>>
    %dma_start3A_72 = tpu.memref_squeeze %dma_start3A_71 : memref<1x64xf32, #tpu.memory_space<vmem>> -> memref<64xf32, #tpu.memory_space<vmem>>
    %dma_start3A_73 = arith.constant 0 : i32
    %dma_start3A_74 = tpu.memref_slice %arg4[%shift_right_arithmetic3A_68, %dma_start3A_73] : memref<1000000x64xf32, #tpu.memory_space<hbm>> -> memref<1x64xf32, #tpu.memory_space<hbm>>
    %dma_start3A_75 = tpu.memref_squeeze %dma_start3A_74 : memref<1x64xf32, #tpu.memory_space<hbm>> -> memref<64xf32, #tpu.memory_space<hbm>>
    %dma_start3A_76 = arith.constant 0 : i32
    %dma_start3A_77 = tpu.memref_slice %arg12[%dma_start3A_69, %dma_start3A_76] : memref<200x64xf32, #tpu.memory_space<vmem>> -> memref<1x64xf32, #tpu.memory_space<vmem>>
    %dma_start3A_78 = tpu.memref_squeeze %dma_start3A_77 : memref<1x64xf32, #tpu.memory_space<vmem>> -> memref<64xf32, #tpu.memory_space<vmem>>
    %dma_start3A_79 = arith.constant 0 : i32
    %dma_start3A_80 = tpu.memref_slice %arg4[%shift_right_arithmetic3A_68, %dma_start3A_79] : memref<1000000x64xf32, #tpu.memory_space<hbm>> -> memref<1x64xf32, #tpu.memory_space<hbm>>
    %dma_start3A_81 = tpu.memref_squeeze %dma_start3A_80 : memref<1x64xf32, #tpu.memory_space<hbm>> -> memref<64xf32, #tpu.memory_space<hbm>>
    tpu.enqueue_dma source(%dma_start3A_81 : memref<64xf32, #tpu.memory_space<hbm>>) target(%dma_start3A_78 : memref<64xf32, #tpu.memory_space<vmem>>) target_semaphore(%arg16 : memref<!tpu.dma_semaphore, #tpu.memory_space<semaphore_mem>>)
    %and3A_82 = arith.constant 3 : i32
    %and3A_83 = arith.andi %squeeze3A_66, %and3A_82 : i32
    %swap3A_84 = arith.constant 194 : i32
    %swap3A_85 = arith.index_cast %swap3A_84 : i32 to index
    %swap3A_86 = memref.load %arg14[%swap3A_85] : memref<200xi32, #tpu.memory_space<smem>>
    memref.store %and3A_83, %arg14[%swap3A_85] : memref<200xi32, #tpu.memory_space<smem>>
    %slice3A_87 = vector.extract_strided_slice %add3A_26 {offsets = [11], sizes = [1], strides = [1]} : vector<16xi32> to vector<1xi32>
    %squeeze3A_88 = vector.extract %slice3A_87[0] : i32 from vector<1xi32>
    %shift_right_arithmetic3A_89 = arith.constant 2 : i32
    %shift_right_arithmetic3A_90 = arith.shrsi %squeeze3A_88, %shift_right_arithmetic3A_89 : i32
    %dma_start3A_91 = arith.constant 195 : i32
    %dma_start3A_92 = arith.constant 0 : i32
    %dma_start3A_93 = tpu.memref_slice %arg12[%dma_start3A_91, %dma_start3A_92] : memref<200x64xf32, #tpu.memory_space<vmem>> -> memref<1x64xf32, #tpu.memory_space<vmem>>
    %dma_start3A_94 = tpu.memref_squeeze %dma_start3A_93 : memref<1x64xf32, #tpu.memory_space<vmem>> -> memref<64xf32, #tpu.memory_space<vmem>>
    %dma_start3A_95 = arith.constant 0 : i32
    %dma_start3A_96 = tpu.memref_slice %arg4[%shift_right_arithmetic3A_90, %dma_start3A_95] : memref<1000000x64xf32, #tpu.memory_space<hbm>> -> memref<1x64xf32, #tpu.memory_space<hbm>>
    %dma_start3A_97 = tpu.memref_squeeze %dma_start3A_96 : memref<1x64xf32, #tpu.memory_space<hbm>> -> memref<64xf32, #tpu.memory_space<hbm>>
    %dma_start3A_98 = arith.constant 0 : i32
    %dma_start3A_99 = tpu.memref_slice %arg12[%dma_start3A_91, %dma_start3A_98] : memref<200x64xf32, #tpu.memory_space<vmem>> -> memref<1x64xf32, #tpu.memory_space<vmem>>
    %dma_start3A_100 = tpu.memref_squeeze %dma_start3A_99 : memref<1x64xf32, #tpu.memory_space<vmem>> -> memref<64xf32, #tpu.memory_space<vmem>>
    %dma_start3A_101 = arith.constant 0 : i32
    %dma_start3A_102 = tpu.memref_slice %arg4[%shift_right_arithmetic3A_90, %dma_start3A_101] : memref<1000000x64xf32, #tpu.memory_space<hbm>> -> memref<1x64xf32, #tpu.memory_space<hbm>>
    %dma_start3A_103 = tpu.memref_squeeze %dma_start3A_102 : memref<1x64xf32, #tpu.memory_space<hbm>> -> memref<64xf32, #tpu.memory_space<hbm>>
    tpu.enqueue_dma source(%dma_start3A_103 : memref<64xf32, #tpu.memory_space<hbm>>) target(%dma_start3A_100 : memref<64xf32, #tpu.memory_space<vmem>>) target_semaphore(%arg16 : memref<!tpu.dma_semaphore, #tpu.memory_space<semaphore_mem>>)
    %and3A_104 = arith.constant 3 : i32
    %and3A_105 = arith.andi %squeeze3A_88, %and3A_104 : i32
    %swap3A_106 = arith.constant 195 : i32
    %swap3A_107 = arith.index_cast %swap3A_106 : i32 to index
    %swap3A_108 = memref.load %arg14[%swap3A_107] : memref<200xi32, #tpu.memory_space<smem>>
    memref.store %and3A_105, %arg14[%swap3A_107] : memref<200xi32, #tpu.memory_space<smem>>
    %slice3A_109 = vector.extract_strided_slice %add3A_26 {offsets = [12], sizes = [1], strides = [1]} : vector<16xi32> to vector<1xi32>
    %squeeze3A_110 = vector.extract %slice3A_109[0] : i32 from vector<1xi32>
    %shift_right_arithmetic3A_111 = arith.constant 2 : i32
    %shift_right_arithmetic3A_112 = arith.shrsi %squeeze3A_110, %shift_right_arithmetic3A_111 : i32
    %dma_start3A_113 = arith.constant 196 : i32
    %dma_start3A_114 = arith.constant 0 : i32
    %dma_start3A_115 = tpu.memref_slice %arg12[%dma_start3A_113, %dma_start3A_114] : memref<200x64xf32, #tpu.memory_space<vmem>> -> memref<1x64xf32, #tpu.memory_space<vmem>>
    %dma_start3A_116 = tpu.memref_squeeze %dma_start3A_115 : memref<1x64xf32, #tpu.memory_space<vmem>> -> memref<64xf32, #tpu.memory_space<vmem>>
    %dma_start3A_117 = arith.constant 0 : i32
    %dma_start3A_118 = tpu.memref_slice %arg4[%shift_right_arithmetic3A_112, %dma_start3A_117] : memref<1000000x64xf32, #tpu.memory_space<hbm>> -> memref<1x64xf32, #tpu.memory_space<hbm>>
    %dma_start3A_119 = tpu.memref_squeeze %dma_start3A_118 : memref<1x64xf32, #tpu.memory_space<hbm>> -> memref<64xf32, #tpu.memory_space<hbm>>
    %dma_start3A_120 = arith.constant 0 : i32
    %dma_start3A_121 = tpu.memref_slice %arg12[%dma_start3A_113, %dma_start3A_120] : memref<200x64xf32, #tpu.memory_space<vmem>> -> memref<1x64xf32, #tpu.memory_space<vmem>>
    %dma_start3A_122 = tpu.memref_squeeze %dma_start3A_121 : memref<1x64xf32, #tpu.memory_space<vmem>> -> memref<64xf32, #tpu.memory_space<vmem>>
    %dma_start3A_123 = arith.constant 0 : i32
    %dma_start3A_124 = tpu.memref_slice %arg4[%shift_right_arithmetic3A_112, %dma_start3A_123] : memref<1000000x64xf32, #tpu.memory_space<hbm>> -> memref<1x64xf32, #tpu.memory_space<hbm>>
    %dma_start3A_125 = tpu.memref_squeeze %dma_start3A_124 : memref<1x64xf32, #tpu.memory_space<hbm>> -> memref<64xf32, #tpu.memory_space<hbm>>
    tpu.enqueue_dma source(%dma_start3A_125 : memref<64xf32, #tpu.memory_space<hbm>>) target(%dma_start3A_122 : memref<64xf32, #tpu.memory_space<vmem>>) target_semaphore(%arg16 : memref<!tpu.dma_semaphore, #tpu.memory_space<semaphore_mem>>)
    %and3A_126 = arith.constant 3 : i32
    %and3A_127 = arith.andi %squeeze3A_110, %and3A_126 : i32
    %swap3A_128 = arith.constant 196 : i32
    %swap3A_129 = arith.index_cast %swap3A_128 : i32 to index
    %swap3A_130 = memref.load %arg14[%swap3A_129] : memref<200xi32, #tpu.memory_space<smem>>
    memref.store %and3A_127, %arg14[%swap3A_129] : memref<200xi32, #tpu.memory_space<smem>>
    %slice3A_131 = vector.extract_strided_slice %add3A_26 {offsets = [13], sizes = [1], strides = [1]} : vector<16xi32> to vector<1xi32>
    %squeeze3A_132 = vector.extract %slice3A_131[0] : i32 from vector<1xi32>
    %shift_right_arithmetic3A_133 = arith.constant 2 : i32
    %shift_right_arithmetic3A_134 = arith.shrsi %squeeze3A_132, %shift_right_arithmetic3A_133 : i32
    %dma_start3A_135 = arith.constant 197 : i32
    %dma_start3A_136 = arith.constant 0 : i32
    %dma_start3A_137 = tpu.memref_slice %arg12[%dma_start3A_135, %dma_start3A_136] : memref<200x64xf32, #tpu.memory_space<vmem>> -> memref<1x64xf32, #tpu.memory_space<vmem>>
    %dma_start3A_138 = tpu.memref_squeeze %dma_start3A_137 : memref<1x64xf32, #tpu.memory_space<vmem>> -> memref<64xf32, #tpu.memory_space<vmem>>
    %dma_start3A_139 = arith.constant 0 : i32
    %dma_start3A_140 = tpu.memref_slice %arg4[%shift_right_arithmetic3A_134, %dma_start3A_139] : memref<1000000x64xf32, #tpu.memory_space<hbm>> -> memref<1x64xf32, #tpu.memory_space<hbm>>
    %dma_start3A_141 = tpu.memref_squeeze %dma_start3A_140 : memref<1x64xf32, #tpu.memory_space<hbm>> -> memref<64xf32, #tpu.memory_space<hbm>>
    %dma_start3A_142 = arith.constant 0 : i32
    %dma_start3A_143 = tpu.memref_slice %arg12[%dma_start3A_135, %dma_start3A_142] : memref<200x64xf32, #tpu.memory_space<vmem>> -> memref<1x64xf32, #tpu.memory_space<vmem>>
    %dma_start3A_144 = tpu.memref_squeeze %dma_start3A_143 : memref<1x64xf32, #tpu.memory_space<vmem>> -> memref<64xf32, #tpu.memory_space<vmem>>
    %dma_start3A_145 = arith.constant 0 : i32
    %dma_start3A_146 = tpu.memref_slice %arg4[%shift_right_arithmetic3A_134, %dma_start3A_145] : memref<1000000x64xf32, #tpu.memory_space<hbm>> -> memref<1x64xf32, #tpu.memory_space<hbm>>
    %dma_start3A_147 = tpu.memref_squeeze %dma_start3A_146 : memref<1x64xf32, #tpu.memory_space<hbm>> -> memref<64xf32, #tpu.memory_space<hbm>>
    tpu.enqueue_dma source(%dma_start3A_147 : memref<64xf32, #tpu.memory_space<hbm>>) target(%dma_start3A_144 : memref<64xf32, #tpu.memory_space<vmem>>) target_semaphore(%arg16 : memref<!tpu.dma_semaphore, #tpu.memory_space<semaphore_mem>>)
    %and3A_148 = arith.constant 3 : i32
    %and3A_149 = arith.andi %squeeze3A_132, %and3A_148 : i32
    %swap3A_150 = arith.constant 197 : i32
    %swap3A_151 = arith.index_cast %swap3A_150 : i32 to index
    %swap3A_152 = memref.load %arg14[%swap3A_151] : memref<200xi32, #tpu.memory_space<smem>>
    memref.store %and3A_149, %arg14[%swap3A_151] : memref<200xi32, #tpu.memory_space<smem>>
    %slice3A_153 = vector.extract_strided_slice %add3A_26 {offsets = [14], sizes = [1], strides = [1]} : vector<16xi32> to vector<1xi32>
    %squeeze3A_154 = vector.extract %slice3A_153[0] : i32 from vector<1xi32>
    %shift_right_arithmetic3A_155 = arith.constant 2 : i32
    %shift_right_arithmetic3A_156 = arith.shrsi %squeeze3A_154, %shift_right_arithmetic3A_155 : i32
    %dma_start3A_157 = arith.constant 198 : i32
    %dma_start3A_158 = arith.constant 0 : i32
    %dma_start3A_159 = tpu.memref_slice %arg12[%dma_start3A_157, %dma_start3A_158] : memref<200x64xf32, #tpu.memory_space<vmem>> -> memref<1x64xf32, #tpu.memory_space<vmem>>
    %dma_start3A_160 = tpu.memref_squeeze %dma_start3A_159 : memref<1x64xf32, #tpu.memory_space<vmem>> -> memref<64xf32, #tpu.memory_space<vmem>>
    %dma_start3A_161 = arith.constant 0 : i32
    %dma_start3A_162 = tpu.memref_slice %arg4[%shift_right_arithmetic3A_156, %dma_start3A_161] : memref<1000000x64xf32, #tpu.memory_space<hbm>> -> memref<1x64xf32, #tpu.memory_space<hbm>>
    %dma_start3A_163 = tpu.memref_squeeze %dma_start3A_162 : memref<1x64xf32, #tpu.memory_space<hbm>> -> memref<64xf32, #tpu.memory_space<hbm>>
    %dma_start3A_164 = arith.constant 0 : i32
    %dma_start3A_165 = tpu.memref_slice %arg12[%dma_start3A_157, %dma_start3A_164] : memref<200x64xf32, #tpu.memory_space<vmem>> -> memref<1x64xf32, #tpu.memory_space<vmem>>
    %dma_start3A_166 = tpu.memref_squeeze %dma_start3A_165 : memref<1x64xf32, #tpu.memory_space<vmem>> -> memref<64xf32, #tpu.memory_space<vmem>>
    %dma_start3A_167 = arith.constant 0 : i32
    %dma_start3A_168 = tpu.memref_slice %arg4[%shift_right_arithmetic3A_156, %dma_start3A_167] : memref<1000000x64xf32, #tpu.memory_space<hbm>> -> memref<1x64xf32, #tpu.memory_space<hbm>>
    %dma_start3A_169 = tpu.memref_squeeze %dma_start3A_168 : memref<1x64xf32, #tpu.memory_space<hbm>> -> memref<64xf32, #tpu.memory_space<hbm>>
    tpu.enqueue_dma source(%dma_start3A_169 : memref<64xf32, #tpu.memory_space<hbm>>) target(%dma_start3A_166 : memref<64xf32, #tpu.memory_space<vmem>>) target_semaphore(%arg16 : memref<!tpu.dma_semaphore, #tpu.memory_space<semaphore_mem>>)
    %and3A_170 = arith.constant 3 : i32
    %and3A_171 = arith.andi %squeeze3A_154, %and3A_170 : i32
    %swap3A_172 = arith.constant 198 : i32
    %swap3A_173 = arith.index_cast %swap3A_172 : i32 to index
    %swap3A_174 = memref.load %arg14[%swap3A_173] : memref<200xi32, #tpu.memory_space<smem>>
    memref.store %and3A_171, %arg14[%swap3A_173] : memref<200xi32, #tpu.memory_space<smem>>
    %slice3A_175 = vector.extract_strided_slice %add3A_26 {offsets = [15], sizes = [1], strides = [1]} : vector<16xi32> to vector<1xi32>
    %squeeze3A_176 = vector.extract %slice3A_175[0] : i32 from vector<1xi32>
    %shift_right_arithmetic3A_177 = arith.constant 2 : i32
    %shift_right_arithmetic3A_178 = arith.shrsi %squeeze3A_176, %shift_right_arithmetic3A_177 : i32
    %dma_start3A_179 = arith.constant 199 : i32
    %dma_start3A_180 = arith.constant 0 : i32
    %dma_start3A_181 = tpu.memref_slice %arg12[%dma_start3A_179, %dma_start3A_180] : memref<200x64xf32, #tpu.memory_space<vmem>> -> memref<1x64xf32, #tpu.memory_space<vmem>>
    %dma_start3A_182 = tpu.memref_squeeze %dma_start3A_181 : memref<1x64xf32, #tpu.memory_space<vmem>> -> memref<64xf32, #tpu.memory_space<vmem>>
    %dma_start3A_183 = arith.constant 0 : i32
    %dma_start3A_184 = tpu.memref_slice %arg4[%shift_right_arithmetic3A_178, %dma_start3A_183] : memref<1000000x64xf32, #tpu.memory_space<hbm>> -> memref<1x64xf32, #tpu.memory_space<hbm>>
    %dma_start3A_185 = tpu.memref_squeeze %dma_start3A_184 : memref<1x64xf32, #tpu.memory_space<hbm>> -> memref<64xf32, #tpu.memory_space<hbm>>
    %dma_start3A_186 = arith.constant 0 : i32
    %dma_start3A_187 = tpu.memref_slice %arg12[%dma_start3A_179, %dma_start3A_186] : memref<200x64xf32, #tpu.memory_space<vmem>> -> memref<1x64xf32, #tpu.memory_space<vmem>>
    %dma_start3A_188 = tpu.memref_squeeze %dma_start3A_187 : memref<1x64xf32, #tpu.memory_space<vmem>> -> memref<64xf32, #tpu.memory_space<vmem>>
    %dma_start3A_189 = arith.constant 0 : i32
    %dma_start3A_190 = tpu.memref_slice %arg4[%shift_right_arithmetic3A_178, %dma_start3A_189] : memref<1000000x64xf32, #tpu.memory_space<hbm>> -> memref<1x64xf32, #tpu.memory_space<hbm>>
    %dma_start3A_191 = tpu.memref_squeeze %dma_start3A_190 : memref<1x64xf32, #tpu.memory_space<hbm>> -> memref<64xf32, #tpu.memory_space<hbm>>
    tpu.enqueue_dma source(%dma_start3A_191 : memref<64xf32, #tpu.memory_space<hbm>>) target(%dma_start3A_188 : memref<64xf32, #tpu.memory_space<vmem>>) target_semaphore(%arg16 : memref<!tpu.dma_semaphore, #tpu.memory_space<semaphore_mem>>)
    %and3A_192 = arith.constant 3 : i32
    %and3A_193 = arith.andi %squeeze3A_176, %and3A_192 : i32
    %swap3A_194 = arith.constant 199 : i32
    %swap3A_195 = arith.index_cast %swap3A_194 : i32 to index
    %swap3A_196 = memref.load %arg14[%swap3A_195] : memref<200xi32, #tpu.memory_space<smem>>
    memref.store %and3A_193, %arg14[%swap3A_195] : memref<200xi32, #tpu.memory_space<smem>>
    %scan3A_197 = arith.constant 0 : i32
    %scan3A_198 = arith.constant 0 : i32
    %scan3A_199 = arith.constant 16 : i32
    %scan3A_200 = arith.addi %scan3A_198, %scan3A_199 : i32
    %scan3A_201 = arith.constant 1 : i32
    scf.for %scan3A_208 = %scan3A_198 to %scan3A_200 step %scan3A_201  : i32 {
      %mul3A_209 = arith.constant 2 : i32
      %mul3A_210 = arith.muli %scan3A_208, %mul3A_209 : i32
      %gt3A = arith.constant 0 : i32
      %gt3A_211 = arith.cmpi sgt, %scan3A_208, %gt3A : i32
      %convert_element_type3A = arith.extui %gt3A_211 : i1 to i32
      %cond3A = arith.constant 0 : i32
      %cond3A_212 = arith.cmpi ne, %convert_element_type3A, %cond3A : i32
      scf.if %cond3A_212 {
        %dma_wait3A_461 = arith.constant 0 : i32
        %dma_wait3A_462 = arith.constant 0 : i32
        %dma_wait3A_463 = tpu.memref_slice %arg7[%dma_wait3A_461, %dma_wait3A_462] : memref<204800x64xf32, #tpu.memory_space<hbm>> -> memref<200x64xf32, #tpu.memory_space<hbm>>
        %dma_wait3A_464 = arith.constant 0 : i32
        %dma_wait3A_465 = arith.constant 0 : i32
        %dma_wait3A_466 = tpu.memref_slice %arg7[%dma_wait3A_464, %dma_wait3A_465] : memref<204800x64xf32, #tpu.memory_space<hbm>> -> memref<200x64xf32, #tpu.memory_space<hbm>>
        tpu.wait_dma2 semaphore(%arg19 : memref<!tpu.dma_semaphore, #tpu.memory_space<semaphore_mem>>) src(%arg13 : memref<200x64xf32, #tpu.memory_space<vmem>>) dst(%dma_wait3A_466 : memref<200x64xf32, #tpu.memory_space<hbm>>)
      } else {
      }
      %add3A_213 = arith.constant 1 : i32
      %add3A_214 = arith.addi %mul3A_210, %add3A_213 : i32
      %scan3A_215 = arith.constant 0 : i32
      %scan3A_216 = arith.constant 0 : i32
      %scan3A_217 = arith.constant 6 : i32
      %scan3A_218 = arith.addi %scan3A_216, %scan3A_217 : i32
      %scan3A_219 = arith.constant 1 : i32
      scf.for %scan3A_461 = %scan3A_216 to %scan3A_218 step %scan3A_219  : i32 {
        %mul3A_462 = arith.constant 2 : i32
        %mul3A_463 = arith.muli %scan3A_461, %mul3A_462 : i32
        %add3A_464 = arith.constant 0 : i32
        %add3A_465 = arith.addi %mul3A_463, %add3A_464 : i32
        %mul3A_466 = arith.constant 16 : i32
        %mul3A_467 = arith.muli %add3A_465, %mul3A_466 : i32
        %multiple_of3A_468 = tpu.assume_multiple %mul3A_467, 16 : i32
        %get3A_469 = arith.index_cast %add3A_214 : i32 to index
        %get3A_470 = arith.index_cast %multiple_of3A_468 : i32 to index
        %get3A_471 = tpu.vector_load %arg8[%get3A_469, %get3A_470] {strides = array<i32>} : memref<32x200xi32, #tpu.memory_space<vmem>>, vector<1x16xi32>,
        %get3A_472 = vector.shape_cast %get3A_471 : vector<1x16xi32> to vector<16xi32>
        %get3A_473 = arith.index_cast %add3A_214 : i32 to index
        %get3A_474 = arith.index_cast %multiple_of3A_468 : i32 to index
        %get3A_475 = tpu.vector_load %arg9[%get3A_473, %get3A_474] {strides = array<i32>} : memref<32x200xi32, #tpu.memory_space<vmem>>, vector<1x16xi32>,
        %get3A_476 = vector.shape_cast %get3A_475 : vector<1x16xi32> to vector<16xi32>
        %mul3A_477 = arith.constant 4 : i32
        %mul3A_478 = vector.broadcast %mul3A_477 : i32 to vector<16xi32>
        %mul3A_479 = arith.muli %get3A_472, %mul3A_478 : vector<16xi32>
        %add3A_480 = arith.addi %mul3A_479, %get3A_476 : vector<16xi32>
        %slice3A_481 = vector.extract_strided_slice %add3A_480 {offsets = [0], sizes = [1], strides = [1]} : vector<16xi32> to vector<1xi32>
        %squeeze3A_482 = vector.extract %slice3A_481[0] : i32 from vector<1xi32>
        %shift_right_arithmetic3A_483 = arith.constant 2 : i32
        %shift_right_arithmetic3A_484 = arith.shrsi %squeeze3A_482, %shift_right_arithmetic3A_483 : i32
        %add3A_485 = arith.constant 0 : i32
        %add3A_486 = arith.addi %multiple_of3A_468, %add3A_485 : i32
        %dma_start3A_487 = arith.constant 0 : i32
        %dma_start3A_488 = tpu.memref_slice %arg13[%add3A_486, %dma_start3A_487] : memref<200x64xf32, #tpu.memory_space<vmem>> -> memref<1x64xf32, #tpu.memory_space<vmem>>
        %dma_start3A_489 = tpu.memref_squeeze %dma_start3A_488 : memref<1x64xf32, #tpu.memory_space<vmem>> -> memref<64xf32, #tpu.memory_space<vmem>>
        %dma_start3A_490 = arith.constant 0 : i32
        %dma_start3A_491 = tpu.memref_slice %arg4[%shift_right_arithmetic3A_484, %dma_start3A_490] : memref<1000000x64xf32, #tpu.memory_space<hbm>> -> memref<1x64xf32, #tpu.memory_space<hbm>>
        %dma_start3A_492 = tpu.memref_squeeze %dma_start3A_491 : memref<1x64xf32, #tpu.memory_space<hbm>> -> memref<64xf32, #tpu.memory_space<hbm>>
        %dma_start3A_493 = arith.constant 0 : i32
        %dma_start3A_494 = tpu.memref_slice %arg13[%add3A_486, %dma_start3A_493] : memref<200x64xf32, #tpu.memory_space<vmem>> -> memref<1x64xf32, #tpu.memory_space<vmem>>
        %dma_start3A_495 = tpu.memref_squeeze %dma_start3A_494 : memref<1x64xf32, #tpu.memory_space<vmem>> -> memref<64xf32, #tpu.memory_space<vmem>>
        %dma_start3A_496 = arith.constant 0 : i32
        %dma_start3A_497 = tpu.memref_slice %arg4[%shift_right_arithmetic3A_484, %dma_start3A_496] : memref<1000000x64xf32, #tpu.memory_space<hbm>> -> memref<1x64xf32, #tpu.memory_space<hbm>>
        %dma_start3A_498 = tpu.memref_squeeze %dma_start3A_497 : memref<1x64xf32, #tpu.memory_space<hbm>> -> memref<64xf32, #tpu.memory_space<hbm>>
        tpu.enqueue_dma source(%dma_start3A_498 : memref<64xf32, #tpu.memory_space<hbm>>) target(%dma_start3A_495 : memref<64xf32, #tpu.memory_space<vmem>>) target_semaphore(%arg17 : memref<!tpu.dma_semaphore, #tpu.memory_space<semaphore_mem>>)
        %and3A_499 = arith.constant 3 : i32
        %and3A_500 = arith.andi %squeeze3A_482, %and3A_499 : i32
        %add3A_501 = arith.constant 0 : i32
        %add3A_502 = arith.addi %multiple_of3A_468, %add3A_501 : i32
        %swap3A_503 = arith.index_cast %add3A_502 : i32 to index
        %swap3A_504 = memref.load %arg15[%swap3A_503] : memref<200xi32, #tpu.memory_space<smem>>
        memref.store %and3A_500, %arg15[%swap3A_503] : memref<200xi32, #tpu.memory_space<smem>>
        %slice3A_505 = vector.extract_strided_slice %add3A_480 {offsets = [1], sizes = [1], strides = [1]} : vector<16xi32> to vector<1xi32>
        %squeeze3A_506 = vector.extract %slice3A_505[0] : i32 from vector<1xi32>
        %shift_right_arithmetic3A_507 = arith.constant 2 : i32
        %shift_right_arithmetic3A_508 = arith.shrsi %squeeze3A_506, %shift_right_arithmetic3A_507 : i32
        %add3A_509 = arith.constant 1 : i32
        %add3A_510 = arith.addi %multiple_of3A_468, %add3A_509 : i32
        %dma_start3A_511 = arith.constant 0 : i32
        %dma_start3A_512 = tpu.memref_slice %arg13[%add3A_510, %dma_start3A_511] : memref<200x64xf32, #tpu.memory_space<vmem>> -> memref<1x64xf32, #tpu.memory_space<vmem>>
        %dma_start3A_513 = tpu.memref_squeeze %dma_start3A_512 : memref<1x64xf32, #tpu.memory_space<vmem>> -> memref<64xf32, #tpu.memory_space<vmem>>
        %dma_start3A_514 = arith.constant 0 : i32
        %dma_start3A_515 = tpu.memref_slice %arg4[%shift_right_arithmetic3A_508, %dma_start3A_514] : memref<1000000x64xf32, #tpu.memory_space<hbm>> -> memref<1x64xf32, #tpu.memory_space<hbm>>
        %dma_start3A_516 = tpu.memref_squeeze %dma_start3A_515 : memref<1x64xf32, #tpu.memory_space<hbm>> -> memref<64xf32, #tpu.memory_space<hbm>>
        %dma_start3A_517 = arith.constant 0 : i32
        %dma_start3A_518 = tpu.memref_slice %arg13[%add3A_510, %dma_start3A_517] : memref<200x64xf32, #tpu.memory_space<vmem>> -> memref<1x64xf32, #tpu.memory_space<vmem>>
        %dma_start3A_519 = tpu.memref_squeeze %dma_start3A_518 : memref<1x64xf32, #tpu.memory_space<vmem>> -> memref<64xf32, #tpu.memory_space<vmem>>
        %dma_start3A_520 = arith.constant 0 : i32
        %dma_start3A_521 = tpu.memref_slice %arg4[%shift_right_arithmetic3A_508, %dma_start3A_520] : memref<1000000x64xf32, #tpu.memory_space<hbm>> -> memref<1x64xf32, #tpu.memory_space<hbm>>
        %dma_start3A_522 = tpu.memref_squeeze %dma_start3A_521 : memref<1x64xf32, #tpu.memory_space<hbm>> -> memref<64xf32, #tpu.memory_space<hbm>>
        tpu.enqueue_dma source(%dma_start3A_522 : memref<64xf32, #tpu.memory_space<hbm>>) target(%dma_start3A_519 : memref<64xf32, #tpu.memory_space<vmem>>) target_semaphore(%arg17 : memref<!tpu.dma_semaphore, #tpu.memory_space<semaphore_mem>>)
        %and3A_523 = arith.constant 3 : i32
        %and3A_524 = arith.andi %squeeze3A_506, %and3A_523 : i32
        %add3A_525 = arith.constant 1 : i32
        %add3A_526 = arith.addi %multiple_of3A_468, %add3A_525 : i32
        %swap3A_527 = arith.index_cast %add3A_526 : i32 to index
        %swap3A_528 = memref.load %arg15[%swap3A_527] : memref<200xi32, #tpu.memory_space<smem>>
        memref.store %and3A_524, %arg15[%swap3A_527] : memref<200xi32, #tpu.memory_space<smem>>
        %slice3A_529 = vector.extract_strided_slice %add3A_480 {offsets = [2], sizes = [1], strides = [1]} : vector<16xi32> to vector<1xi32>
        %squeeze3A_530 = vector.extract %slice3A_529[0] : i32 from vector<1xi32>
        %shift_right_arithmetic3A_531 = arith.constant 2 : i32
        %shift_right_arithmetic3A_532 = arith.shrsi %squeeze3A_530, %shift_right_arithmetic3A_531 : i32
        %add3A_533 = arith.constant 2 : i32
        %add3A_534 = arith.addi %multiple_of3A_468, %add3A_533 : i32
        %dma_start3A_535 = arith.constant 0 : i32
        %dma_start3A_536 = tpu.memref_slice %arg13[%add3A_534, %dma_start3A_535] : memref<200x64xf32, #tpu.memory_space<vmem>> -> memref<1x64xf32, #tpu.memory_space<vmem>>
        %dma_start3A_537 = tpu.memref_squeeze %dma_start3A_536 : memref<1x64xf32, #tpu.memory_space<vmem>> -> memref<64xf32, #tpu.memory_space<vmem>>
        %dma_start3A_538 = arith.constant 0 : i32
        %dma_start3A_539 = tpu.memref_slice %arg4[%shift_right_arithmetic3A_532, %dma_start3A_538] : memref<1000000x64xf32, #tpu.memory_space<hbm>> -> memref<1x64xf32, #tpu.memory_space<hbm>>
        %dma_start3A_540 = tpu.memref_squeeze %dma_start3A_539 : memref<1x64xf32, #tpu.memory_space<hbm>> -> memref<64xf32, #tpu.memory_space<hbm>>
        %dma_start3A_541 = arith.constant 0 : i32
        %dma_start3A_542 = tpu.memref_slice %arg13[%add3A_534, %dma_start3A_541] : memref<200x64xf32, #tpu.memory_space<vmem>> -> memref<1x64xf32, #tpu.memory_space<vmem>>
        %dma_start3A_543 = tpu.memref_squeeze %dma_start3A_542 : memref<1x64xf32, #tpu.memory_space<vmem>> -> memref<64xf32, #tpu.memory_space<vmem>>
        %dma_start3A_544 = arith.constant 0 : i32
        %dma_start3A_545 = tpu.memref_slice %arg4[%shift_right_arithmetic3A_532, %dma_start3A_544] : memref<1000000x64xf32, #tpu.memory_space<hbm>> -> memref<1x64xf32, #tpu.memory_space<hbm>>
        %dma_start3A_546 = tpu.memref_squeeze %dma_start3A_545 : memref<1x64xf32, #tpu.memory_space<hbm>> -> memref<64xf32, #tpu.memory_space<hbm>>
        tpu.enqueue_dma source(%dma_start3A_546 : memref<64xf32, #tpu.memory_space<hbm>>) target(%dma_start3A_543 : memref<64xf32, #tpu.memory_space<vmem>>) target_semaphore(%arg17 : memref<!tpu.dma_semaphore, #tpu.memory_space<semaphore_mem>>)
        %and3A_547 = arith.constant 3 : i32
        %and3A_548 = arith.andi %squeeze3A_530, %and3A_547 : i32
        %add3A_549 = arith.constant 2 : i32
        %add3A_550 = arith.addi %multiple_of3A_468, %add3A_549 : i32
        %swap3A_551 = arith.index_cast %add3A_550 : i32 to index
        %swap3A_552 = memref.load %arg15[%swap3A_551] : memref<200xi32, #tpu.memory_space<smem>>
        memref.store %and3A_548, %arg15[%swap3A_551] : memref<200xi32, #tpu.memory_space<smem>>
        %slice3A_553 = vector.extract_strided_slice %add3A_480 {offsets = [3], sizes = [1], strides = [1]} : vector<16xi32> to vector<1xi32>
        %squeeze3A_554 = vector.extract %slice3A_553[0] : i32 from vector<1xi32>
        %shift_right_arithmetic3A_555 = arith.constant 2 : i32
        %shift_right_arithmetic3A_556 = arith.shrsi %squeeze3A_554, %shift_right_arithmetic3A_555 : i32
        %add3A_557 = arith.constant 3 : i32
        %add3A_558 = arith.addi %multiple_of3A_468, %add3A_557 : i32
        %dma_start3A_559 = arith.constant 0 : i32
        %dma_start3A_560 = tpu.memref_slice %arg13[%add3A_558, %dma_start3A_559] : memref<200x64xf32, #tpu.memory_space<vmem>> -> memref<1x64xf32, #tpu.memory_space<vmem>>
        %dma_start3A_561 = tpu.memref_squeeze %dma_start3A_560 : memref<1x64xf32, #tpu.memory_space<vmem>> -> memref<64xf32, #tpu.memory_space<vmem>>
        %dma_start3A_562 = arith.constant 0 : i32
        %dma_start3A_563 = tpu.memref_slice %arg4[%shift_right_arithmetic3A_556, %dma_start3A_562] : memref<1000000x64xf32, #tpu.memory_space<hbm>> -> memref<1x64xf32, #tpu.memory_space<hbm>>
        %dma_start3A_564 = tpu.memref_squeeze %dma_start3A_563 : memref<1x64xf32, #tpu.memory_space<hbm>> -> memref<64xf32, #tpu.memory_space<hbm>>
        %dma_start3A_565 = arith.constant 0 : i32
        %dma_start3A_566 = tpu.memref_slice %arg13[%add3A_558, %dma_start3A_565] : memref<200x64xf32, #tpu.memory_space<vmem>> -> memref<1x64xf32, #tpu.memory_space<vmem>>
        %dma_start3A_567 = tpu.memref_squeeze %dma_start3A_566 : memref<1x64xf32, #tpu.memory_space<vmem>> -> memref<64xf32, #tpu.memory_space<vmem>>
        %dma_start3A_568 = arith.constant 0 : i32
        %dma_start3A_569 = tpu.memref_slice %arg4[%shift_right_arithmetic3A_556, %dma_start3A_568] : memref<1000000x64xf32, #tpu.memory_space<hbm>> -> memref<1x64xf32, #tpu.memory_space<hbm>>
        %dma_start3A_570 = tpu.memref_squeeze %dma_start3A_569 : memref<1x64xf32, #tpu.memory_space<hbm>> -> memref<64xf32, #tpu.memory_space<hbm>>
        tpu.enqueue_dma source(%dma_start3A_570 : memref<64xf32, #tpu.memory_space<hbm>>) target(%dma_start3A_567 : memref<64xf32, #tpu.memory_space<vmem>>) target_semaphore(%arg17 : memref<!tpu.dma_semaphore, #tpu.memory_space<semaphore_mem>>)
        %and3A_571 = arith.constant 3 : i32
        %and3A_572 = arith.andi %squeeze3A_554, %and3A_571 : i32
        %add3A_573 = arith.constant 3 : i32
        %add3A_574 = arith.addi %multiple_of3A_468, %add3A_573 : i32
        %swap3A_575 = arith.index_cast %add3A_574 : i32 to index
        %swap3A_576 = memref.load %arg15[%swap3A_575] : memref<200xi32, #tpu.memory_space<smem>>
        memref.store %and3A_572, %arg15[%swap3A_575] : memref<200xi32, #tpu.memory_space<smem>>
        %slice3A_577 = vector.extract_strided_slice %add3A_480 {offsets = [4], sizes = [1], strides = [1]} : vector<16xi32> to vector<1xi32>
        %squeeze3A_578 = vector.extract %slice3A_577[0] : i32 from vector<1xi32>
        %shift_right_arithmetic3A_579 = arith.constant 2 : i32
        %shift_right_arithmetic3A_580 = arith.shrsi %squeeze3A_578, %shift_right_arithmetic3A_579 : i32
        %add3A_581 = arith.constant 4 : i32
        %add3A_582 = arith.addi %multiple_of3A_468, %add3A_581 : i32
        %dma_start3A_583 = arith.constant 0 : i32
        %dma_start3A_584 = tpu.memref_slice %arg13[%add3A_582, %dma_start3A_583] : memref<200x64xf32, #tpu.memory_space<vmem>> -> memref<1x64xf32, #tpu.memory_space<vmem>>
        %dma_start3A_585 = tpu.memref_squeeze %dma_start3A_584 : memref<1x64xf32, #tpu.memory_space<vmem>> -> memref<64xf32, #tpu.memory_space<vmem>>
        %dma_start3A_586 = arith.constant 0 : i32
        %dma_start3A_587 = tpu.memref_slice %arg4[%shift_right_arithmetic3A_580, %dma_start3A_586] : memref<1000000x64xf32, #tpu.memory_space<hbm>> -> memref<1x64xf32, #tpu.memory_space<hbm>>
        %dma_start3A_588 = tpu.memref_squeeze %dma_start3A_587 : memref<1x64xf32, #tpu.memory_space<hbm>> -> memref<64xf32, #tpu.memory_space<hbm>>
        %dma_start3A_589 = arith.constant 0 : i32
        %dma_start3A_590 = tpu.memref_slice %arg13[%add3A_582, %dma_start3A_589] : memref<200x64xf32, #tpu.memory_space<vmem>> -> memref<1x64xf32, #tpu.memory_space<vmem>>
        %dma_start3A_591 = tpu.memref_squeeze %dma_start3A_590 : memref<1x64xf32, #tpu.memory_space<vmem>> -> memref<64xf32, #tpu.memory_space<vmem>>
        %dma_start3A_592 = arith.constant 0 : i32
        %dma_start3A_593 = tpu.memref_slice %arg4[%shift_right_arithmetic3A_580, %dma_start3A_592] : memref<1000000x64xf32, #tpu.memory_space<hbm>> -> memref<1x64xf32, #tpu.memory_space<hbm>>
        %dma_start3A_594 = tpu.memref_squeeze %dma_start3A_593 : memref<1x64xf32, #tpu.memory_space<hbm>> -> memref<64xf32, #tpu.memory_space<hbm>>
        tpu.enqueue_dma source(%dma_start3A_594 : memref<64xf32, #tpu.memory_space<hbm>>) target(%dma_start3A_591 : memref<64xf32, #tpu.memory_space<vmem>>) target_semaphore(%arg17 : memref<!tpu.dma_semaphore, #tpu.memory_space<semaphore_mem>>)
        %and3A_595 = arith.constant 3 : i32
        %and3A_596 = arith.andi %squeeze3A_578, %and3A_595 : i32
        %add3A_597 = arith.constant 4 : i32
        %add3A_598 = arith.addi %multiple_of3A_468, %add3A_597 : i32
        %swap3A_599 = arith.index_cast %add3A_598 : i32 to index
        %swap3A_600 = memref.load %arg15[%swap3A_599] : memref<200xi32, #tpu.memory_space<smem>>
        memref.store %and3A_596, %arg15[%swap3A_599] : memref<200xi32, #tpu.memory_space<smem>>
        %slice3A_601 = vector.extract_strided_slice %add3A_480 {offsets = [5], sizes = [1], strides = [1]} : vector<16xi32> to vector<1xi32>
        %squeeze3A_602 = vector.extract %slice3A_601[0] : i32 from vector<1xi32>
        %shift_right_arithmetic3A_603 = arith.constant 2 : i32
        %shift_right_arithmetic3A_604 = arith.shrsi %squeeze3A_602, %shift_right_arithmetic3A_603 : i32
        %add3A_605 = arith.constant 5 : i32
        %add3A_606 = arith.addi %multiple_of3A_468, %add3A_605 : i32
        %dma_start3A_607 = arith.constant 0 : i32
        %dma_start3A_608 = tpu.memref_slice %arg13[%add3A_606, %dma_start3A_607] : memref<200x64xf32, #tpu.memory_space<vmem>> -> memref<1x64xf32, #tpu.memory_space<vmem>>
        %dma_start3A_609 = tpu.memref_squeeze %dma_start3A_608 : memref<1x64xf32, #tpu.memory_space<vmem>> -> memref<64xf32, #tpu.memory_space<vmem>>
        %dma_start3A_610 = arith.constant 0 : i32
        %dma_start3A_611 = tpu.memref_slice %arg4[%shift_right_arithmetic3A_604, %dma_start3A_610] : memref<1000000x64xf32, #tpu.memory_space<hbm>> -> memref<1x64xf32, #tpu.memory_space<hbm>>
        %dma_start3A_612 = tpu.memref_squeeze %dma_start3A_611 : memref<1x64xf32, #tpu.memory_space<hbm>> -> memref<64xf32, #tpu.memory_space<hbm>>
        %dma_start3A_613 = arith.constant 0 : i32
        %dma_start3A_614 = tpu.memref_slice %arg13[%add3A_606, %dma_start3A_613] : memref<200x64xf32, #tpu.memory_space<vmem>> -> memref<1x64xf32, #tpu.memory_space<vmem>>
        %dma_start3A_615 = tpu.memref_squeeze %dma_start3A_614 : memref<1x64xf32, #tpu.memory_space<vmem>> -> memref<64xf32, #tpu.memory_space<vmem>>
        %dma_start3A_616 = arith.constant 0 : i32
        %dma_start3A_617 = tpu.memref_slice %arg4[%shift_right_arithmetic3A_604, %dma_start3A_616] : memref<1000000x64xf32, #tpu.memory_space<hbm>> -> memref<1x64xf32, #tpu.memory_space<hbm>>
        %dma_start3A_618 = tpu.memref_squeeze %dma_start3A_617 : memref<1x64xf32, #tpu.memory_space<hbm>> -> memref<64xf32, #tpu.memory_space<hbm>>
        tpu.enqueue_dma source(%dma_start3A_618 : memref<64xf32, #tpu.memory_space<hbm>>) target(%dma_start3A_615 : memref<64xf32, #tpu.memory_space<vmem>>) target_semaphore(%arg17 : memref<!tpu.dma_semaphore, #tpu.memory_space<semaphore_mem>>)
        %and3A_619 = arith.constant 3 : i32
        %and3A_620 = arith.andi %squeeze3A_602, %and3A_619 : i32
        %add3A_621 = arith.constant 5 : i32
        %add3A_622 = arith.addi %multiple_of3A_468, %add3A_621 : i32
        %swap3A_623 = arith.index_cast %add3A_622 : i32 to index
        %swap3A_624 = memref.load %arg15[%swap3A_623] : memref<200xi32, #tpu.memory_space<smem>>
        memref.store %and3A_620, %arg15[%swap3A_623] : memref<200xi32, #tpu.memory_space<smem>>
        %slice3A_625 = vector.extract_strided_slice %add3A_480 {offsets = [6], sizes = [1], strides = [1]} : vector<16xi32> to vector<1xi32>
        %squeeze3A_626 = vector.extract %slice3A_625[0] : i32 from vector<1xi32>
        %shift_right_arithmetic3A_627 = arith.constant 2 : i32
        %shift_right_arithmetic3A_628 = arith.shrsi %squeeze3A_626, %shift_right_arithmetic3A_627 : i32
        %add3A_629 = arith.constant 6 : i32
        %add3A_630 = arith.addi %multiple_of3A_468, %add3A_629 : i32
        %dma_start3A_631 = arith.constant 0 : i32
        %dma_start3A_632 = tpu.memref_slice %arg13[%add3A_630, %dma_start3A_631] : memref<200x64xf32, #tpu.memory_space<vmem>> -> memref<1x64xf32, #tpu.memory_space<vmem>>
        %dma_start3A_633 = tpu.memref_squeeze %dma_start3A_632 : memref<1x64xf32, #tpu.memory_space<vmem>> -> memref<64xf32, #tpu.memory_space<vmem>>
        %dma_start3A_634 = arith.constant 0 : i32
        %dma_start3A_635 = tpu.memref_slice %arg4[%shift_right_arithmetic3A_628, %dma_start3A_634] : memref<1000000x64xf32, #tpu.memory_space<hbm>> -> memref<1x64xf32, #tpu.memory_space<hbm>>
        %dma_start3A_636 = tpu.memref_squeeze %dma_start3A_635 : memref<1x64xf32, #tpu.memory_space<hbm>> -> memref<64xf32, #tpu.memory_space<hbm>>
        %dma_start3A_637 = arith.constant 0 : i32
        %dma_start3A_638 = tpu.memref_slice %arg13[%add3A_630, %dma_start3A_637] : memref<200x64xf32, #tpu.memory_space<vmem>> -> memref<1x64xf32, #tpu.memory_space<vmem>>
        %dma_start3A_639 = tpu.memref_squeeze %dma_start3A_638 : memref<1x64xf32, #tpu.memory_space<vmem>> -> memref<64xf32, #tpu.memory_space<vmem>>
        %dma_start3A_640 = arith.constant 0 : i32
        %dma_start3A_641 = tpu.memref_slice %arg4[%shift_right_arithmetic3A_628, %dma_start3A_640] : memref<1000000x64xf32, #tpu.memory_space<hbm>> -> memref<1x64xf32, #tpu.memory_space<hbm>>
        %dma_start3A_642 = tpu.memref_squeeze %dma_start3A_641 : memref<1x64xf32, #tpu.memory_space<hbm>> -> memref<64xf32, #tpu.memory_space<hbm>>
        tpu.enqueue_dma source(%dma_start3A_642 : memref<64xf32, #tpu.memory_space<hbm>>) target(%dma_start3A_639 : memref<64xf32, #tpu.memory_space<vmem>>) target_semaphore(%arg17 : memref<!tpu.dma_semaphore, #tpu.memory_space<semaphore_mem>>)
        %and3A_643 = arith.constant 3 : i32
        %and3A_644 = arith.andi %squeeze3A_626, %and3A_643 : i32
        %add3A_645 = arith.constant 6 : i32
        %add3A_646 = arith.addi %multiple_of3A_468, %add3A_645 : i32
        %swap3A_647 = arith.index_cast %add3A_646 : i32 to index
        %swap3A_648 = memref.load %arg15[%swap3A_647] : memref<200xi32, #tpu.memory_space<smem>>
        memref.store %and3A_644, %arg15[%swap3A_647] : memref<200xi32, #tpu.memory_space<smem>>
        %slice3A_649 = vector.extract_strided_slice %add3A_480 {offsets = [7], sizes = [1], strides = [1]} : vector<16xi32> to vector<1xi32>
        %squeeze3A_650 = vector.extract %slice3A_649[0] : i32 from vector<1xi32>
        %shift_right_arithmetic3A_651 = arith.constant 2 : i32
        %shift_right_arithmetic3A_652 = arith.shrsi %squeeze3A_650, %shift_right_arithmetic3A_651 : i32
        %add3A_653 = arith.constant 7 : i32
        %add3A_654 = arith.addi %multiple_of3A_468, %add3A_653 : i32
        %dma_start3A_655 = arith.constant 0 : i32
        %dma_start3A_656 = tpu.memref_slice %arg13[%add3A_654, %dma_start3A_655] : memref<200x64xf32, #tpu.memory_space<vmem>> -> memref<1x64xf32, #tpu.memory_space<vmem>>
        %dma_start3A_657 = tpu.memref_squeeze %dma_start3A_656 : memref<1x64xf32, #tpu.memory_space<vmem>> -> memref<64xf32, #tpu.memory_space<vmem>>
        %dma_start3A_658 = arith.constant 0 : i32
        %dma_start3A_659 = tpu.memref_slice %arg4[%shift_right_arithmetic3A_652, %dma_start3A_658] : memref<1000000x64xf32, #tpu.memory_space<hbm>> -> memref<1x64xf32, #tpu.memory_space<hbm>>
        %dma_start3A_660 = tpu.memref_squeeze %dma_start3A_659 : memref<1x64xf32, #tpu.memory_space<hbm>> -> memref<64xf32, #tpu.memory_space<hbm>>
        %dma_start3A_661 = arith.constant 0 : i32
        %dma_start3A_662 = tpu.memref_slice %arg13[%add3A_654, %dma_start3A_661] : memref<200x64xf32, #tpu.memory_space<vmem>> -> memref<1x64xf32, #tpu.memory_space<vmem>>
        %dma_start3A_663 = tpu.memref_squeeze %dma_start3A_662 : memref<1x64xf32, #tpu.memory_space<vmem>> -> memref<64xf32, #tpu.memory_space<vmem>>
        %dma_start3A_664 = arith.constant 0 : i32
        %dma_start3A_665 = tpu.memref_slice %arg4[%shift_right_arithmetic3A_652, %dma_start3A_664] : memref<1000000x64xf32, #tpu.memory_space<hbm>> -> memref<1x64xf32, #tpu.memory_space<hbm>>
        %dma_start3A_666 = tpu.memref_squeeze %dma_start3A_665 : memref<1x64xf32, #tpu.memory_space<hbm>> -> memref<64xf32, #tpu.memory_space<hbm>>
        tpu.enqueue_dma source(%dma_start3A_666 : memref<64xf32, #tpu.memory_space<hbm>>) target(%dma_start3A_663 : memref<64xf32, #tpu.memory_space<vmem>>) target_semaphore(%arg17 : memref<!tpu.dma_semaphore, #tpu.memory_space<semaphore_mem>>)
        %and3A_667 = arith.constant 3 : i32
        %and3A_668 = arith.andi %squeeze3A_650, %and3A_667 : i32
        %add3A_669 = arith.constant 7 : i32
        %add3A_670 = arith.addi %multiple_of3A_468, %add3A_669 : i32
        %swap3A_671 = arith.index_cast %add3A_670 : i32 to index
        %swap3A_672 = memref.load %arg15[%swap3A_671] : memref<200xi32, #tpu.memory_space<smem>>
        memref.store %and3A_668, %arg15[%swap3A_671] : memref<200xi32, #tpu.memory_space<smem>>
        %slice3A_673 = vector.extract_strided_slice %add3A_480 {offsets = [8], sizes = [1], strides = [1]} : vector<16xi32> to vector<1xi32>
        %squeeze3A_674 = vector.extract %slice3A_673[0] : i32 from vector<1xi32>
        %shift_right_arithmetic3A_675 = arith.constant 2 : i32
        %shift_right_arithmetic3A_676 = arith.shrsi %squeeze3A_674, %shift_right_arithmetic3A_675 : i32
        %add3A_677 = arith.constant 8 : i32
        %add3A_678 = arith.addi %multiple_of3A_468, %add3A_677 : i32
        %dma_start3A_679 = arith.constant 0 : i32
        %dma_start3A_680 = tpu.memref_slice %arg13[%add3A_678, %dma_start3A_679] : memref<200x64xf32, #tpu.memory_space<vmem>> -> memref<1x64xf32, #tpu.memory_space<vmem>>
        %dma_start3A_681 = tpu.memref_squeeze %dma_start3A_680 : memref<1x64xf32, #tpu.memory_space<vmem>> -> memref<64xf32, #tpu.memory_space<vmem>>
        %dma_start3A_682 = arith.constant 0 : i32
        %dma_start3A_683 = tpu.memref_slice %arg4[%shift_right_arithmetic3A_676, %dma_start3A_682] : memref<1000000x64xf32, #tpu.memory_space<hbm>> -> memref<1x64xf32, #tpu.memory_space<hbm>>
        %dma_start3A_684 = tpu.memref_squeeze %dma_start3A_683 : memref<1x64xf32, #tpu.memory_space<hbm>> -> memref<64xf32, #tpu.memory_space<hbm>>
        %dma_start3A_685 = arith.constant 0 : i32
        %dma_start3A_686 = tpu.memref_slice %arg13[%add3A_678, %dma_start3A_685] : memref<200x64xf32, #tpu.memory_space<vmem>> -> memref<1x64xf32, #tpu.memory_space<vmem>>
        %dma_start3A_687 = tpu.memref_squeeze %dma_start3A_686 : memref<1x64xf32, #tpu.memory_space<vmem>> -> memref<64xf32, #tpu.memory_space<vmem>>
        %dma_start3A_688 = arith.constant 0 : i32
        %dma_start3A_689 = tpu.memref_slice %arg4[%shift_right_arithmetic3A_676, %dma_start3A_688] : memref<1000000x64xf32, #tpu.memory_space<hbm>> -> memref<1x64xf32, #tpu.memory_space<hbm>>
        %dma_start3A_690 = tpu.memref_squeeze %dma_start3A_689 : memref<1x64xf32, #tpu.memory_space<hbm>> -> memref<64xf32, #tpu.memory_space<hbm>>
        tpu.enqueue_dma source(%dma_start3A_690 : memref<64xf32, #tpu.memory_space<hbm>>) target(%dma_start3A_687 : memref<64xf32, #tpu.memory_space<vmem>>) target_semaphore(%arg17 : memref<!tpu.dma_semaphore, #tpu.memory_space<semaphore_mem>>)
        %and3A_691 = arith.constant 3 : i32
        %and3A_692 = arith.andi %squeeze3A_674, %and3A_691 : i32
        %add3A_693 = arith.constant 8 : i32
        %add3A_694 = arith.addi %multiple_of3A_468, %add3A_693 : i32
        %swap3A_695 = arith.index_cast %add3A_694 : i32 to index
        %swap3A_696 = memref.load %arg15[%swap3A_695] : memref<200xi32, #tpu.memory_space<smem>>
        memref.store %and3A_692, %arg15[%swap3A_695] : memref<200xi32, #tpu.memory_space<smem>>
        %slice3A_697 = vector.extract_strided_slice %add3A_480 {offsets = [9], sizes = [1], strides = [1]} : vector<16xi32> to vector<1xi32>
        %squeeze3A_698 = vector.extract %slice3A_697[0] : i32 from vector<1xi32>
        %shift_right_arithmetic3A_699 = arith.constant 2 : i32
        %shift_right_arithmetic3A_700 = arith.shrsi %squeeze3A_698, %shift_right_arithmetic3A_699 : i32
        %add3A_701 = arith.constant 9 : i32
        %add3A_702 = arith.addi %multiple_of3A_468, %add3A_701 : i32
        %dma_start3A_703 = arith.constant 0 : i32
        %dma_start3A_704 = tpu.memref_slice %arg13[%add3A_702, %dma_start3A_703] : memref<200x64xf32, #tpu.memory_space<vmem>> -> memref<1x64xf32, #tpu.memory_space<vmem>>
        %dma_start3A_705 = tpu.memref_squeeze %dma_start3A_704 : memref<1x64xf32, #tpu.memory_space<vmem>> -> memref<64xf32, #tpu.memory_space<vmem>>
        %dma_start3A_706 = arith.constant 0 : i32
        %dma_start3A_707 = tpu.memref_slice %arg4[%shift_right_arithmetic3A_700, %dma_start3A_706] : memref<1000000x64xf32, #tpu.memory_space<hbm>> -> memref<1x64xf32, #tpu.memory_space<hbm>>
        %dma_start3A_708 = tpu.memref_squeeze %dma_start3A_707 : memref<1x64xf32, #tpu.memory_space<hbm>> -> memref<64xf32, #tpu.memory_space<hbm>>
        %dma_start3A_709 = arith.constant 0 : i32
        %dma_start3A_710 = tpu.memref_slice %arg13[%add3A_702, %dma_start3A_709] : memref<200x64xf32, #tpu.memory_space<vmem>> -> memref<1x64xf32, #tpu.memory_space<vmem>>
        %dma_start3A_711 = tpu.memref_squeeze %dma_start3A_710 : memref<1x64xf32, #tpu.memory_space<vmem>> -> memref<64xf32, #tpu.memory_space<vmem>>
        %dma_start3A_712 = arith.constant 0 : i32
        %dma_start3A_713 = tpu.memref_slice %arg4[%shift_right_arithmetic3A_700, %dma_start3A_712] : memref<1000000x64xf32, #tpu.memory_space<hbm>> -> memref<1x64xf32, #tpu.memory_space<hbm>>
        %dma_start3A_714 = tpu.memref_squeeze %dma_start3A_713 : memref<1x64xf32, #tpu.memory_space<hbm>> -> memref<64xf32, #tpu.memory_space<hbm>>
        tpu.enqueue_dma source(%dma_start3A_714 : memref<64xf32, #tpu.memory_space<hbm>>) target(%dma_start3A_711 : memref<64xf32, #tpu.memory_space<vmem>>) target_semaphore(%arg17 : memref<!tpu.dma_semaphore, #tpu.memory_space<semaphore_mem>>)
        %and3A_715 = arith.constant 3 : i32
        %and3A_716 = arith.andi %squeeze3A_698, %and3A_715 : i32
        %add3A_717 = arith.constant 9 : i32
        %add3A_718 = arith.addi %multiple_of3A_468, %add3A_717 : i32
        %swap3A_719 = arith.index_cast %add3A_718 : i32 to index
        %swap3A_720 = memref.load %arg15[%swap3A_719] : memref<200xi32, #tpu.memory_space<smem>>
        memref.store %and3A_716, %arg15[%swap3A_719] : memref<200xi32, #tpu.memory_space<smem>>
        %slice3A_721 = vector.extract_strided_slice %add3A_480 {offsets = [10], sizes = [1], strides = [1]} : vector<16xi32> to vector<1xi32>
        %squeeze3A_722 = vector.extract %slice3A_721[0] : i32 from vector<1xi32>
        %shift_right_arithmetic3A_723 = arith.constant 2 : i32
        %shift_right_arithmetic3A_724 = arith.shrsi %squeeze3A_722, %shift_right_arithmetic3A_723 : i32
        %add3A_725 = arith.constant 10 : i32
        %add3A_726 = arith.addi %multiple_of3A_468, %add3A_725 : i32
        %dma_start3A_727 = arith.constant 0 : i32
        %dma_start3A_728 = tpu.memref_slice %arg13[%add3A_726, %dma_start3A_727] : memref<200x64xf32, #tpu.memory_space<vmem>> -> memref<1x64xf32, #tpu.memory_space<vmem>>
        %dma_start3A_729 = tpu.memref_squeeze %dma_start3A_728 : memref<1x64xf32, #tpu.memory_space<vmem>> -> memref<64xf32, #tpu.memory_space<vmem>>
        %dma_start3A_730 = arith.constant 0 : i32
        %dma_start3A_731 = tpu.memref_slice %arg4[%shift_right_arithmetic3A_724, %dma_start3A_730] : memref<1000000x64xf32, #tpu.memory_space<hbm>> -> memref<1x64xf32, #tpu.memory_space<hbm>>
        %dma_start3A_732 = tpu.memref_squeeze %dma_start3A_731 : memref<1x64xf32, #tpu.memory_space<hbm>> -> memref<64xf32, #tpu.memory_space<hbm>>
        %dma_start3A_733 = arith.constant 0 : i32
        %dma_start3A_734 = tpu.memref_slice %arg13[%add3A_726, %dma_start3A_733] : memref<200x64xf32, #tpu.memory_space<vmem>> -> memref<1x64xf32, #tpu.memory_space<vmem>>
        %dma_start3A_735 = tpu.memref_squeeze %dma_start3A_734 : memref<1x64xf32, #tpu.memory_space<vmem>> -> memref<64xf32, #tpu.memory_space<vmem>>
        %dma_start3A_736 = arith.constant 0 : i32
        %dma_start3A_737 = tpu.memref_slice %arg4[%shift_right_arithmetic3A_724, %dma_start3A_736] : memref<1000000x64xf32, #tpu.memory_space<hbm>> -> memref<1x64xf32, #tpu.memory_space<hbm>>
        %dma_start3A_738 = tpu.memref_squeeze %dma_start3A_737 : memref<1x64xf32, #tpu.memory_space<hbm>> -> memref<64xf32, #tpu.memory_space<hbm>>
        tpu.enqueue_dma source(%dma_start3A_738 : memref<64xf32, #tpu.memory_space<hbm>>) target(%dma_start3A_735 : memref<64xf32, #tpu.memory_space<vmem>>) target_semaphore(%arg17 : memref<!tpu.dma_semaphore, #tpu.memory_space<semaphore_mem>>)
        %and3A_739 = arith.constant 3 : i32
        %and3A_740 = arith.andi %squeeze3A_722, %and3A_739 : i32
        %add3A_741 = arith.constant 10 : i32
        %add3A_742 = arith.addi %multiple_of3A_468, %add3A_741 : i32
        %swap3A_743 = arith.index_cast %add3A_742 : i32 to index
        %swap3A_744 = memref.load %arg15[%swap3A_743] : memref<200xi32, #tpu.memory_space<smem>>
        memref.store %and3A_740, %arg15[%swap3A_743] : memref<200xi32, #tpu.memory_space<smem>>
        %slice3A_745 = vector.extract_strided_slice %add3A_480 {offsets = [11], sizes = [1], strides = [1]} : vector<16xi32> to vector<1xi32>
        %squeeze3A_746 = vector.extract %slice3A_745[0] : i32 from vector<1xi32>
        %shift_right_arithmetic3A_747 = arith.constant 2 : i32
        %shift_right_arithmetic3A_748 = arith.shrsi %squeeze3A_746, %shift_right_arithmetic3A_747 : i32
        %add3A_749 = arith.constant 11 : i32
        %add3A_750 = arith.addi %multiple_of3A_468, %add3A_749 : i32
        %dma_start3A_751 = arith.constant 0 : i32
        %dma_start3A_752 = tpu.memref_slice %arg13[%add3A_750, %dma_start3A_751] : memref<200x64xf32, #tpu.memory_space<vmem>> -> memref<1x64xf32, #tpu.memory_space<vmem>>
        %dma_start3A_753 = tpu.memref_squeeze %dma_start3A_752 : memref<1x64xf32, #tpu.memory_space<vmem>> -> memref<64xf32, #tpu.memory_space<vmem>>
        %dma_start3A_754 = arith.constant 0 : i32
        %dma_start3A_755 = tpu.memref_slice %arg4[%shift_right_arithmetic3A_748, %dma_start3A_754] : memref<1000000x64xf32, #tpu.memory_space<hbm>> -> memref<1x64xf32, #tpu.memory_space<hbm>>
        %dma_start3A_756 = tpu.memref_squeeze %dma_start3A_755 : memref<1x64xf32, #tpu.memory_space<hbm>> -> memref<64xf32, #tpu.memory_space<hbm>>
        %dma_start3A_757 = arith.constant 0 : i32
        %dma_start3A_758 = tpu.memref_slice %arg13[%add3A_750, %dma_start3A_757] : memref<200x64xf32, #tpu.memory_space<vmem>> -> memref<1x64xf32, #tpu.memory_space<vmem>>
        %dma_start3A_759 = tpu.memref_squeeze %dma_start3A_758 : memref<1x64xf32, #tpu.memory_space<vmem>> -> memref<64xf32, #tpu.memory_space<vmem>>
        %dma_start3A_760 = arith.constant 0 : i32
        %dma_start3A_761 = tpu.memref_slice %arg4[%shift_right_arithmetic3A_748, %dma_start3A_760] : memref<1000000x64xf32, #tpu.memory_space<hbm>> -> memref<1x64xf32, #tpu.memory_space<hbm>>
        %dma_start3A_762 = tpu.memref_squeeze %dma_start3A_761 : memref<1x64xf32, #tpu.memory_space<hbm>> -> memref<64xf32, #tpu.memory_space<hbm>>
        tpu.enqueue_dma source(%dma_start3A_762 : memref<64xf32, #tpu.memory_space<hbm>>) target(%dma_start3A_759 : memref<64xf32, #tpu.memory_space<vmem>>) target_semaphore(%arg17 : memref<!tpu.dma_semaphore, #tpu.memory_space<semaphore_mem>>)
        %and3A_763 = arith.constant 3 : i32
        %and3A_764 = arith.andi %squeeze3A_746, %and3A_763 : i32
        %add3A_765 = arith.constant 11 : i32
        %add3A_766 = arith.addi %multiple_of3A_468, %add3A_765 : i32
        %swap3A_767 = arith.index_cast %add3A_766 : i32 to index
        %swap3A_768 = memref.load %arg15[%swap3A_767] : memref<200xi32, #tpu.memory_space<smem>>
        memref.store %and3A_764, %arg15[%swap3A_767] : memref<200xi32, #tpu.memory_space<smem>>
        %slice3A_769 = vector.extract_strided_slice %add3A_480 {offsets = [12], sizes = [1], strides = [1]} : vector<16xi32> to vector<1xi32>
        %squeeze3A_770 = vector.extract %slice3A_769[0] : i32 from vector<1xi32>
        %shift_right_arithmetic3A_771 = arith.constant 2 : i32
        %shift_right_arithmetic3A_772 = arith.shrsi %squeeze3A_770, %shift_right_arithmetic3A_771 : i32
        %add3A_773 = arith.constant 12 : i32
        %add3A_774 = arith.addi %multiple_of3A_468, %add3A_773 : i32
        %dma_start3A_775 = arith.constant 0 : i32
        %dma_start3A_776 = tpu.memref_slice %arg13[%add3A_774, %dma_start3A_775] : memref<200x64xf32, #tpu.memory_space<vmem>> -> memref<1x64xf32, #tpu.memory_space<vmem>>
        %dma_start3A_777 = tpu.memref_squeeze %dma_start3A_776 : memref<1x64xf32, #tpu.memory_space<vmem>> -> memref<64xf32, #tpu.memory_space<vmem>>
        %dma_start3A_778 = arith.constant 0 : i32
        %dma_start3A_779 = tpu.memref_slice %arg4[%shift_right_arithmetic3A_772, %dma_start3A_778] : memref<1000000x64xf32, #tpu.memory_space<hbm>> -> memref<1x64xf32, #tpu.memory_space<hbm>>
        %dma_start3A_780 = tpu.memref_squeeze %dma_start3A_779 : memref<1x64xf32, #tpu.memory_space<hbm>> -> memref<64xf32, #tpu.memory_space<hbm>>
        %dma_start3A_781 = arith.constant 0 : i32
        %dma_start3A_782 = tpu.memref_slice %arg13[%add3A_774, %dma_start3A_781] : memref<200x64xf32, #tpu.memory_space<vmem>> -> memref<1x64xf32, #tpu.memory_space<vmem>>
        %dma_start3A_783 = tpu.memref_squeeze %dma_start3A_782 : memref<1x64xf32, #tpu.memory_space<vmem>> -> memref<64xf32, #tpu.memory_space<vmem>>
        %dma_start3A_784 = arith.constant 0 : i32
        %dma_start3A_785 = tpu.memref_slice %arg4[%shift_right_arithmetic3A_772, %dma_start3A_784] : memref<1000000x64xf32, #tpu.memory_space<hbm>> -> memref<1x64xf32, #tpu.memory_space<hbm>>
        %dma_start3A_786 = tpu.memref_squeeze %dma_start3A_785 : memref<1x64xf32, #tpu.memory_space<hbm>> -> memref<64xf32, #tpu.memory_space<hbm>>
        tpu.enqueue_dma source(%dma_start3A_786 : memref<64xf32, #tpu.memory_space<hbm>>) target(%dma_start3A_783 : memref<64xf32, #tpu.memory_space<vmem>>) target_semaphore(%arg17 : memref<!tpu.dma_semaphore, #tpu.memory_space<semaphore_mem>>)
        %and3A_787 = arith.constant 3 : i32
        %and3A_788 = arith.andi %squeeze3A_770, %and3A_787 : i32
        %add3A_789 = arith.constant 12 : i32
        %add3A_790 = arith.addi %multiple_of3A_468, %add3A_789 : i32
        %swap3A_791 = arith.index_cast %add3A_790 : i32 to index
        %swap3A_792 = memref.load %arg15[%swap3A_791] : memref<200xi32, #tpu.memory_space<smem>>
        memref.store %and3A_788, %arg15[%swap3A_791] : memref<200xi32, #tpu.memory_space<smem>>
        %slice3A_793 = vector.extract_strided_slice %add3A_480 {offsets = [13], sizes = [1], strides = [1]} : vector<16xi32> to vector<1xi32>
        %squeeze3A_794 = vector.extract %slice3A_793[0] : i32 from vector<1xi32>
        %shift_right_arithmetic3A_795 = arith.constant 2 : i32
        %shift_right_arithmetic3A_796 = arith.shrsi %squeeze3A_794, %shift_right_arithmetic3A_795 : i32
        %add3A_797 = arith.constant 13 : i32
        %add3A_798 = arith.addi %multiple_of3A_468, %add3A_797 : i32
        %dma_start3A_799 = arith.constant 0 : i32
        %dma_start3A_800 = tpu.memref_slice %arg13[%add3A_798, %dma_start3A_799] : memref<200x64xf32, #tpu.memory_space<vmem>> -> memref<1x64xf32, #tpu.memory_space<vmem>>
        %dma_start3A_801 = tpu.memref_squeeze %dma_start3A_800 : memref<1x64xf32, #tpu.memory_space<vmem>> -> memref<64xf32, #tpu.memory_space<vmem>>
        %dma_start3A_802 = arith.constant 0 : i32
        %dma_start3A_803 = tpu.memref_slice %arg4[%shift_right_arithmetic3A_796, %dma_start3A_802] : memref<1000000x64xf32, #tpu.memory_space<hbm>> -> memref<1x64xf32, #tpu.memory_space<hbm>>
        %dma_start3A_804 = tpu.memref_squeeze %dma_start3A_803 : memref<1x64xf32, #tpu.memory_space<hbm>> -> memref<64xf32, #tpu.memory_space<hbm>>
        %dma_start3A_805 = arith.constant 0 : i32
        %dma_start3A_806 = tpu.memref_slice %arg13[%add3A_798, %dma_start3A_805] : memref<200x64xf32, #tpu.memory_space<vmem>> -> memref<1x64xf32, #tpu.memory_space<vmem>>
        %dma_start3A_807 = tpu.memref_squeeze %dma_start3A_806 : memref<1x64xf32, #tpu.memory_space<vmem>> -> memref<64xf32, #tpu.memory_space<vmem>>
        %dma_start3A_808 = arith.constant 0 : i32
        %dma_start3A_809 = tpu.memref_slice %arg4[%shift_right_arithmetic3A_796, %dma_start3A_808] : memref<1000000x64xf32, #tpu.memory_space<hbm>> -> memref<1x64xf32, #tpu.memory_space<hbm>>
        %dma_start3A_810 = tpu.memref_squeeze %dma_start3A_809 : memref<1x64xf32, #tpu.memory_space<hbm>> -> memref<64xf32, #tpu.memory_space<hbm>>
        tpu.enqueue_dma source(%dma_start3A_810 : memref<64xf32, #tpu.memory_space<hbm>>) target(%dma_start3A_807 : memref<64xf32, #tpu.memory_space<vmem>>) target_semaphore(%arg17 : memref<!tpu.dma_semaphore, #tpu.memory_space<semaphore_mem>>)
        %and3A_811 = arith.constant 3 : i32
        %and3A_812 = arith.andi %squeeze3A_794, %and3A_811 : i32
        %add3A_813 = arith.constant 13 : i32
        %add3A_814 = arith.addi %multiple_of3A_468, %add3A_813 : i32
        %swap3A_815 = arith.index_cast %add3A_814 : i32 to index
        %swap3A_816 = memref.load %arg15[%swap3A_815] : memref<200xi32, #tpu.memory_space<smem>>
        memref.store %and3A_812, %arg15[%swap3A_815] : memref<200xi32, #tpu.memory_space<smem>>
        %slice3A_817 = vector.extract_strided_slice %add3A_480 {offsets = [14], sizes = [1], strides = [1]} : vector<16xi32> to vector<1xi32>
        %squeeze3A_818 = vector.extract %slice3A_817[0] : i32 from vector<1xi32>
        %shift_right_arithmetic3A_819 = arith.constant 2 : i32
        %shift_right_arithmetic3A_820 = arith.shrsi %squeeze3A_818, %shift_right_arithmetic3A_819 : i32
        %add3A_821 = arith.constant 14 : i32
        %add3A_822 = arith.addi %multiple_of3A_468, %add3A_821 : i32
        %dma_start3A_823 = arith.constant 0 : i32
        %dma_start3A_824 = tpu.memref_slice %arg13[%add3A_822, %dma_start3A_823] : memref<200x64xf32, #tpu.memory_space<vmem>> -> memref<1x64xf32, #tpu.memory_space<vmem>>
        %dma_start3A_825 = tpu.memref_squeeze %dma_start3A_824 : memref<1x64xf32, #tpu.memory_space<vmem>> -> memref<64xf32, #tpu.memory_space<vmem>>
        %dma_start3A_826 = arith.constant 0 : i32
        %dma_start3A_827 = tpu.memref_slice %arg4[%shift_right_arithmetic3A_820, %dma_start3A_826] : memref<1000000x64xf32, #tpu.memory_space<hbm>> -> memref<1x64xf32, #tpu.memory_space<hbm>>
        %dma_start3A_828 = tpu.memref_squeeze %dma_start3A_827 : memref<1x64xf32, #tpu.memory_space<hbm>> -> memref<64xf32, #tpu.memory_space<hbm>>
        %dma_start3A_829 = arith.constant 0 : i32
        %dma_start3A_830 = tpu.memref_slice %arg13[%add3A_822, %dma_start3A_829] : memref<200x64xf32, #tpu.memory_space<vmem>> -> memref<1x64xf32, #tpu.memory_space<vmem>>
        %dma_start3A_831 = tpu.memref_squeeze %dma_start3A_830 : memref<1x64xf32, #tpu.memory_space<vmem>> -> memref<64xf32, #tpu.memory_space<vmem>>
        %dma_start3A_832 = arith.constant 0 : i32
        %dma_start3A_833 = tpu.memref_slice %arg4[%shift_right_arithmetic3A_820, %dma_start3A_832] : memref<1000000x64xf32, #tpu.memory_space<hbm>> -> memref<1x64xf32, #tpu.memory_space<hbm>>
        %dma_start3A_834 = tpu.memref_squeeze %dma_start3A_833 : memref<1x64xf32, #tpu.memory_space<hbm>> -> memref<64xf32, #tpu.memory_space<hbm>>
        tpu.enqueue_dma source(%dma_start3A_834 : memref<64xf32, #tpu.memory_space<hbm>>) target(%dma_start3A_831 : memref<64xf32, #tpu.memory_space<vmem>>) target_semaphore(%arg17 : memref<!tpu.dma_semaphore, #tpu.memory_space<semaphore_mem>>)
        %and3A_835 = arith.constant 3 : i32
        %and3A_836 = arith.andi %squeeze3A_818, %and3A_835 : i32
        %add3A_837 = arith.constant 14 : i32
        %add3A_838 = arith.addi %multiple_of3A_468, %add3A_837 : i32
        %swap3A_839 = arith.index_cast %add3A_838 : i32 to index
        %swap3A_840 = memref.load %arg15[%swap3A_839] : memref<200xi32, #tpu.memory_space<smem>>
        memref.store %and3A_836, %arg15[%swap3A_839] : memref<200xi32, #tpu.memory_space<smem>>
        %slice3A_841 = vector.extract_strided_slice %add3A_480 {offsets = [15], sizes = [1], strides = [1]} : vector<16xi32> to vector<1xi32>
        %squeeze3A_842 = vector.extract %slice3A_841[0] : i32 from vector<1xi32>
        %shift_right_arithmetic3A_843 = arith.constant 2 : i32
        %shift_right_arithmetic3A_844 = arith.shrsi %squeeze3A_842, %shift_right_arithmetic3A_843 : i32
        %add3A_845 = arith.constant 15 : i32
        %add3A_846 = arith.addi %multiple_of3A_468, %add3A_845 : i32
        %dma_start3A_847 = arith.constant 0 : i32
        %dma_start3A_848 = tpu.memref_slice %arg13[%add3A_846, %dma_start3A_847] : memref<200x64xf32, #tpu.memory_space<vmem>> -> memref<1x64xf32, #tpu.memory_space<vmem>>
        %dma_start3A_849 = tpu.memref_squeeze %dma_start3A_848 : memref<1x64xf32, #tpu.memory_space<vmem>> -> memref<64xf32, #tpu.memory_space<vmem>>
        %dma_start3A_850 = arith.constant 0 : i32
        %dma_start3A_851 = tpu.memref_slice %arg4[%shift_right_arithmetic3A_844, %dma_start3A_850] : memref<1000000x64xf32, #tpu.memory_space<hbm>> -> memref<1x64xf32, #tpu.memory_space<hbm>>
        %dma_start3A_852 = tpu.memref_squeeze %dma_start3A_851 : memref<1x64xf32, #tpu.memory_space<hbm>> -> memref<64xf32, #tpu.memory_space<hbm>>
        %dma_start3A_853 = arith.constant 0 : i32
        %dma_start3A_854 = tpu.memref_slice %arg13[%add3A_846, %dma_start3A_853] : memref<200x64xf32, #tpu.memory_space<vmem>> -> memref<1x64xf32, #tpu.memory_space<vmem>>
        %dma_start3A_855 = tpu.memref_squeeze %dma_start3A_854 : memref<1x64xf32, #tpu.memory_space<vmem>> -> memref<64xf32, #tpu.memory_space<vmem>>
        %dma_start3A_856 = arith.constant 0 : i32
        %dma_start3A_857 = tpu.memref_slice %arg4[%shift_right_arithmetic3A_844, %dma_start3A_856] : memref<1000000x64xf32, #tpu.memory_space<hbm>> -> memref<1x64xf32, #tpu.memory_space<hbm>>
        %dma_start3A_858 = tpu.memref_squeeze %dma_start3A_857 : memref<1x64xf32, #tpu.memory_space<hbm>> -> memref<64xf32, #tpu.memory_space<hbm>>
        tpu.enqueue_dma source(%dma_start3A_858 : memref<64xf32, #tpu.memory_space<hbm>>) target(%dma_start3A_855 : memref<64xf32, #tpu.memory_space<vmem>>) target_semaphore(%arg17 : memref<!tpu.dma_semaphore, #tpu.memory_space<semaphore_mem>>)
        %and3A_859 = arith.constant 3 : i32
        %and3A_860 = arith.andi %squeeze3A_842, %and3A_859 : i32
        %add3A_861 = arith.constant 15 : i32
        %add3A_862 = arith.addi %multiple_of3A_468, %add3A_861 : i32
        %swap3A_863 = arith.index_cast %add3A_862 : i32 to index
        %swap3A_864 = memref.load %arg15[%swap3A_863] : memref<200xi32, #tpu.memory_space<smem>>
        memref.store %and3A_860, %arg15[%swap3A_863] : memref<200xi32, #tpu.memory_space<smem>>
        %mul3A_865 = arith.constant 2 : i32
        %mul3A_866 = arith.muli %scan3A_461, %mul3A_865 : i32
        %add3A_867 = arith.constant 1 : i32
        %add3A_868 = arith.addi %mul3A_866, %add3A_867 : i32
        %mul3A_869 = arith.constant 16 : i32
        %mul3A_870 = arith.muli %add3A_868, %mul3A_869 : i32
        %multiple_of3A_871 = tpu.assume_multiple %mul3A_870, 16 : i32
        %get3A_872 = arith.index_cast %add3A_214 : i32 to index
        %get3A_873 = arith.index_cast %multiple_of3A_871 : i32 to index
        %get3A_874 = tpu.vector_load %arg8[%get3A_872, %get3A_873] {strides = array<i32>} : memref<32x200xi32, #tpu.memory_space<vmem>>, vector<1x16xi32>,
        %get3A_875 = vector.shape_cast %get3A_874 : vector<1x16xi32> to vector<16xi32>
        %get3A_876 = arith.index_cast %add3A_214 : i32 to index
        %get3A_877 = arith.index_cast %multiple_of3A_871 : i32 to index
        %get3A_878 = tpu.vector_load %arg9[%get3A_876, %get3A_877] {strides = array<i32>} : memref<32x200xi32, #tpu.memory_space<vmem>>, vector<1x16xi32>,
        %get3A_879 = vector.shape_cast %get3A_878 : vector<1x16xi32> to vector<16xi32>
        %mul3A_880 = arith.constant 4 : i32
        %mul3A_881 = vector.broadcast %mul3A_880 : i32 to vector<16xi32>
        %mul3A_882 = arith.muli %get3A_875, %mul3A_881 : vector<16xi32>
        %add3A_883 = arith.addi %mul3A_882, %get3A_879 : vector<16xi32>
        %slice3A_884 = vector.extract_strided_slice %add3A_883 {offsets = [0], sizes = [1], strides = [1]} : vector<16xi32> to vector<1xi32>
        %squeeze3A_885 = vector.extract %slice3A_884[0] : i32 from vector<1xi32>
        %shift_right_arithmetic3A_886 = arith.constant 2 : i32
        %shift_right_arithmetic3A_887 = arith.shrsi %squeeze3A_885, %shift_right_arithmetic3A_886 : i32
        %add3A_888 = arith.constant 0 : i32
        %add3A_889 = arith.addi %multiple_of3A_871, %add3A_888 : i32
        %dma_start3A_890 = arith.constant 0 : i32
        %dma_start3A_891 = tpu.memref_slice %arg13[%add3A_889, %dma_start3A_890] : memref<200x64xf32, #tpu.memory_space<vmem>> -> memref<1x64xf32, #tpu.memory_space<vmem>>
        %dma_start3A_892 = tpu.memref_squeeze %dma_start3A_891 : memref<1x64xf32, #tpu.memory_space<vmem>> -> memref<64xf32, #tpu.memory_space<vmem>>
        %dma_start3A_893 = arith.constant 0 : i32
        %dma_start3A_894 = tpu.memref_slice %arg4[%shift_right_arithmetic3A_887, %dma_start3A_893] : memref<1000000x64xf32, #tpu.memory_space<hbm>> -> memref<1x64xf32, #tpu.memory_space<hbm>>
        %dma_start3A_895 = tpu.memref_squeeze %dma_start3A_894 : memref<1x64xf32, #tpu.memory_space<hbm>> -> memref<64xf32, #tpu.memory_space<hbm>>
        %dma_start3A_896 = arith.constant 0 : i32
        %dma_start3A_897 = tpu.memref_slice %arg13[%add3A_889, %dma_start3A_896] : memref<200x64xf32, #tpu.memory_space<vmem>> -> memref<1x64xf32, #tpu.memory_space<vmem>>
        %dma_start3A_898 = tpu.memref_squeeze %dma_start3A_897 : memref<1x64xf32, #tpu.memory_space<vmem>> -> memref<64xf32, #tpu.memory_space<vmem>>
        %dma_start3A_899 = arith.constant 0 : i32
        %dma_start3A_900 = tpu.memref_slice %arg4[%shift_right_arithmetic3A_887, %dma_start3A_899] : memref<1000000x64xf32, #tpu.memory_space<hbm>> -> memref<1x64xf32, #tpu.memory_space<hbm>>
        %dma_start3A_901 = tpu.memref_squeeze %dma_start3A_900 : memref<1x64xf32, #tpu.memory_space<hbm>> -> memref<64xf32, #tpu.memory_space<hbm>>
        tpu.enqueue_dma source(%dma_start3A_901 : memref<64xf32, #tpu.memory_space<hbm>>) target(%dma_start3A_898 : memref<64xf32, #tpu.memory_space<vmem>>) target_semaphore(%arg17 : memref<!tpu.dma_semaphore, #tpu.memory_space<semaphore_mem>>)
        %and3A_902 = arith.constant 3 : i32
        %and3A_903 = arith.andi %squeeze3A_885, %and3A_902 : i32
        %add3A_904 = arith.constant 0 : i32
        %add3A_905 = arith.addi %multiple_of3A_871, %add3A_904 : i32
        %swap3A_906 = arith.index_cast %add3A_905 : i32 to index
        %swap3A_907 = memref.load %arg15[%swap3A_906] : memref<200xi32, #tpu.memory_space<smem>>
        memref.store %and3A_903, %arg15[%swap3A_906] : memref<200xi32, #tpu.memory_space<smem>>
        %slice3A_908 = vector.extract_strided_slice %add3A_883 {offsets = [1], sizes = [1], strides = [1]} : vector<16xi32> to vector<1xi32>
        %squeeze3A_909 = vector.extract %slice3A_908[0] : i32 from vector<1xi32>
        %shift_right_arithmetic3A_910 = arith.constant 2 : i32
        %shift_right_arithmetic3A_911 = arith.shrsi %squeeze3A_909, %shift_right_arithmetic3A_910 : i32
        %add3A_912 = arith.constant 1 : i32
        %add3A_913 = arith.addi %multiple_of3A_871, %add3A_912 : i32
        %dma_start3A_914 = arith.constant 0 : i32
        %dma_start3A_915 = tpu.memref_slice %arg13[%add3A_913, %dma_start3A_914] : memref<200x64xf32, #tpu.memory_space<vmem>> -> memref<1x64xf32, #tpu.memory_space<vmem>>
        %dma_start3A_916 = tpu.memref_squeeze %dma_start3A_915 : memref<1x64xf32, #tpu.memory_space<vmem>> -> memref<64xf32, #tpu.memory_space<vmem>>
        %dma_start3A_917 = arith.constant 0 : i32
        %dma_start3A_918 = tpu.memref_slice %arg4[%shift_right_arithmetic3A_911, %dma_start3A_917] : memref<1000000x64xf32, #tpu.memory_space<hbm>> -> memref<1x64xf32, #tpu.memory_space<hbm>>
        %dma_start3A_919 = tpu.memref_squeeze %dma_start3A_918 : memref<1x64xf32, #tpu.memory_space<hbm>> -> memref<64xf32, #tpu.memory_space<hbm>>
        %dma_start3A_920 = arith.constant 0 : i32
        %dma_start3A_921 = tpu.memref_slice %arg13[%add3A_913, %dma_start3A_920] : memref<200x64xf32, #tpu.memory_space<vmem>> -> memref<1x64xf32, #tpu.memory_space<vmem>>
        %dma_start3A_922 = tpu.memref_squeeze %dma_start3A_921 : memref<1x64xf32, #tpu.memory_space<vmem>> -> memref<64xf32, #tpu.memory_space<vmem>>
        %dma_start3A_923 = arith.constant 0 : i32
        %dma_start3A_924 = tpu.memref_slice %arg4[%shift_right_arithmetic3A_911, %dma_start3A_923] : memref<1000000x64xf32, #tpu.memory_space<hbm>> -> memref<1x64xf32, #tpu.memory_space<hbm>>
        %dma_start3A_925 = tpu.memref_squeeze %dma_start3A_924 : memref<1x64xf32, #tpu.memory_space<hbm>> -> memref<64xf32, #tpu.memory_space<hbm>>
        tpu.enqueue_dma source(%dma_start3A_925 : memref<64xf32, #tpu.memory_space<hbm>>) target(%dma_start3A_922 : memref<64xf32, #tpu.memory_space<vmem>>) target_semaphore(%arg17 : memref<!tpu.dma_semaphore, #tpu.memory_space<semaphore_mem>>)
        %and3A_926 = arith.constant 3 : i32
        %and3A_927 = arith.andi %squeeze3A_909, %and3A_926 : i32
        %add3A_928 = arith.constant 1 : i32
        %add3A_929 = arith.addi %multiple_of3A_871, %add3A_928 : i32
        %swap3A_930 = arith.index_cast %add3A_929 : i32 to index
        %swap3A_931 = memref.load %arg15[%swap3A_930] : memref<200xi32, #tpu.memory_space<smem>>
        memref.store %and3A_927, %arg15[%swap3A_930] : memref<200xi32, #tpu.memory_space<smem>>
        %slice3A_932 = vector.extract_strided_slice %add3A_883 {offsets = [2], sizes = [1], strides = [1]} : vector<16xi32> to vector<1xi32>
        %squeeze3A_933 = vector.extract %slice3A_932[0] : i32 from vector<1xi32>
        %shift_right_arithmetic3A_934 = arith.constant 2 : i32
        %shift_right_arithmetic3A_935 = arith.shrsi %squeeze3A_933, %shift_right_arithmetic3A_934 : i32
        %add3A_936 = arith.constant 2 : i32
        %add3A_937 = arith.addi %multiple_of3A_871, %add3A_936 : i32
        %dma_start3A_938 = arith.constant 0 : i32
        %dma_start3A_939 = tpu.memref_slice %arg13[%add3A_937, %dma_start3A_938] : memref<200x64xf32, #tpu.memory_space<vmem>> -> memref<1x64xf32, #tpu.memory_space<vmem>>
        %dma_start3A_940 = tpu.memref_squeeze %dma_start3A_939 : memref<1x64xf32, #tpu.memory_space<vmem>> -> memref<64xf32, #tpu.memory_space<vmem>>
        %dma_start3A_941 = arith.constant 0 : i32
        %dma_start3A_942 = tpu.memref_slice %arg4[%shift_right_arithmetic3A_935, %dma_start3A_941] : memref<1000000x64xf32, #tpu.memory_space<hbm>> -> memref<1x64xf32, #tpu.memory_space<hbm>>
        %dma_start3A_943 = tpu.memref_squeeze %dma_start3A_942 : memref<1x64xf32, #tpu.memory_space<hbm>> -> memref<64xf32, #tpu.memory_space<hbm>>
        %dma_start3A_944 = arith.constant 0 : i32
        %dma_start3A_945 = tpu.memref_slice %arg13[%add3A_937, %dma_start3A_944] : memref<200x64xf32, #tpu.memory_space<vmem>> -> memref<1x64xf32, #tpu.memory_space<vmem>>
        %dma_start3A_946 = tpu.memref_squeeze %dma_start3A_945 : memref<1x64xf32, #tpu.memory_space<vmem>> -> memref<64xf32, #tpu.memory_space<vmem>>
        %dma_start3A_947 = arith.constant 0 : i32
        %dma_start3A_948 = tpu.memref_slice %arg4[%shift_right_arithmetic3A_935, %dma_start3A_947] : memref<1000000x64xf32, #tpu.memory_space<hbm>> -> memref<1x64xf32, #tpu.memory_space<hbm>>
        %dma_start3A_949 = tpu.memref_squeeze %dma_start3A_948 : memref<1x64xf32, #tpu.memory_space<hbm>> -> memref<64xf32, #tpu.memory_space<hbm>>
        tpu.enqueue_dma source(%dma_start3A_949 : memref<64xf32, #tpu.memory_space<hbm>>) target(%dma_start3A_946 : memref<64xf32, #tpu.memory_space<vmem>>) target_semaphore(%arg17 : memref<!tpu.dma_semaphore, #tpu.memory_space<semaphore_mem>>)
        %and3A_950 = arith.constant 3 : i32
        %and3A_951 = arith.andi %squeeze3A_933, %and3A_950 : i32
        %add3A_952 = arith.constant 2 : i32
        %add3A_953 = arith.addi %multiple_of3A_871, %add3A_952 : i32
        %swap3A_954 = arith.index_cast %add3A_953 : i32 to index
        %swap3A_955 = memref.load %arg15[%swap3A_954] : memref<200xi32, #tpu.memory_space<smem>>
        memref.store %and3A_951, %arg15[%swap3A_954] : memref<200xi32, #tpu.memory_space<smem>>
        %slice3A_956 = vector.extract_strided_slice %add3A_883 {offsets = [3], sizes = [1], strides = [1]} : vector<16xi32> to vector<1xi32>
        %squeeze3A_957 = vector.extract %slice3A_956[0] : i32 from vector<1xi32>
        %shift_right_arithmetic3A_958 = arith.constant 2 : i32
        %shift_right_arithmetic3A_959 = arith.shrsi %squeeze3A_957, %shift_right_arithmetic3A_958 : i32
        %add3A_960 = arith.constant 3 : i32
        %add3A_961 = arith.addi %multiple_of3A_871, %add3A_960 : i32
        %dma_start3A_962 = arith.constant 0 : i32
        %dma_start3A_963 = tpu.memref_slice %arg13[%add3A_961, %dma_start3A_962] : memref<200x64xf32, #tpu.memory_space<vmem>> -> memref<1x64xf32, #tpu.memory_space<vmem>>
        %dma_start3A_964 = tpu.memref_squeeze %dma_start3A_963 : memref<1x64xf32, #tpu.memory_space<vmem>> -> memref<64xf32, #tpu.memory_space<vmem>>
        %dma_start3A_965 = arith.constant 0 : i32
        %dma_start3A_966 = tpu.memref_slice %arg4[%shift_right_arithmetic3A_959, %dma_start3A_965] : memref<1000000x64xf32, #tpu.memory_space<hbm>> -> memref<1x64xf32, #tpu.memory_space<hbm>>
        %dma_start3A_967 = tpu.memref_squeeze %dma_start3A_966 : memref<1x64xf32, #tpu.memory_space<hbm>> -> memref<64xf32, #tpu.memory_space<hbm>>
        %dma_start3A_968 = arith.constant 0 : i32
        %dma_start3A_969 = tpu.memref_slice %arg13[%add3A_961, %dma_start3A_968] : memref<200x64xf32, #tpu.memory_space<vmem>> -> memref<1x64xf32, #tpu.memory_space<vmem>>
        %dma_start3A_970 = tpu.memref_squeeze %dma_start3A_969 : memref<1x64xf32, #tpu.memory_space<vmem>> -> memref<64xf32, #tpu.memory_space<vmem>>
        %dma_start3A_971 = arith.constant 0 : i32
        %dma_start3A_972 = tpu.memref_slice %arg4[%shift_right_arithmetic3A_959, %dma_start3A_971] : memref<1000000x64xf32, #tpu.memory_space<hbm>> -> memref<1x64xf32, #tpu.memory_space<hbm>>
        %dma_start3A_973 = tpu.memref_squeeze %dma_start3A_972 : memref<1x64xf32, #tpu.memory_space<hbm>> -> memref<64xf32, #tpu.memory_space<hbm>>
        tpu.enqueue_dma source(%dma_start3A_973 : memref<64xf32, #tpu.memory_space<hbm>>) target(%dma_start3A_970 : memref<64xf32, #tpu.memory_space<vmem>>) target_semaphore(%arg17 : memref<!tpu.dma_semaphore, #tpu.memory_space<semaphore_mem>>)
        %and3A_974 = arith.constant 3 : i32
        %and3A_975 = arith.andi %squeeze3A_957, %and3A_974 : i32
        %add3A_976 = arith.constant 3 : i32
        %add3A_977 = arith.addi %multiple_of3A_871, %add3A_976 : i32
        %swap3A_978 = arith.index_cast %add3A_977 : i32 to index
        %swap3A_979 = memref.load %arg15[%swap3A_978] : memref<200xi32, #tpu.memory_space<smem>>
        memref.store %and3A_975, %arg15[%swap3A_978] : memref<200xi32, #tpu.memory_space<smem>>
        %slice3A_980 = vector.extract_strided_slice %add3A_883 {offsets = [4], sizes = [1], strides = [1]} : vector<16xi32> to vector<1xi32>
        %squeeze3A_981 = vector.extract %slice3A_980[0] : i32 from vector<1xi32>
        %shift_right_arithmetic3A_982 = arith.constant 2 : i32
        %shift_right_arithmetic3A_983 = arith.shrsi %squeeze3A_981, %shift_right_arithmetic3A_982 : i32
        %add3A_984 = arith.constant 4 : i32
        %add3A_985 = arith.addi %multiple_of3A_871, %add3A_984 : i32
        %dma_start3A_986 = arith.constant 0 : i32
        %dma_start3A_987 = tpu.memref_slice %arg13[%add3A_985, %dma_start3A_986] : memref<200x64xf32, #tpu.memory_space<vmem>> -> memref<1x64xf32, #tpu.memory_space<vmem>>
        %dma_start3A_988 = tpu.memref_squeeze %dma_start3A_987 : memref<1x64xf32, #tpu.memory_space<vmem>> -> memref<64xf32, #tpu.memory_space<vmem>>
        %dma_start3A_989 = arith.constant 0 : i32
        %dma_start3A_990 = tpu.memref_slice %arg4[%shift_right_arithmetic3A_983, %dma_start3A_989] : memref<1000000x64xf32, #tpu.memory_space<hbm>> -> memref<1x64xf32, #tpu.memory_space<hbm>>
        %dma_start3A_991 = tpu.memref_squeeze %dma_start3A_990 : memref<1x64xf32, #tpu.memory_space<hbm>> -> memref<64xf32, #tpu.memory_space<hbm>>
        %dma_start3A_992 = arith.constant 0 : i32
        %dma_start3A_993 = tpu.memref_slice %arg13[%add3A_985, %dma_start3A_992] : memref<200x64xf32, #tpu.memory_space<vmem>> -> memref<1x64xf32, #tpu.memory_space<vmem>>
        %dma_start3A_994 = tpu.memref_squeeze %dma_start3A_993 : memref<1x64xf32, #tpu.memory_space<vmem>> -> memref<64xf32, #tpu.memory_space<vmem>>
        %dma_start3A_995 = arith.constant 0 : i32
        %dma_start3A_996 = tpu.memref_slice %arg4[%shift_right_arithmetic3A_983, %dma_start3A_995] : memref<1000000x64xf32, #tpu.memory_space<hbm>> -> memref<1x64xf32, #tpu.memory_space<hbm>>
        %dma_start3A_997 = tpu.memref_squeeze %dma_start3A_996 : memref<1x64xf32, #tpu.memory_space<hbm>> -> memref<64xf32, #tpu.memory_space<hbm>>
        tpu.enqueue_dma source(%dma_start3A_997 : memref<64xf32, #tpu.memory_space<hbm>>) target(%dma_start3A_994 : memref<64xf32, #tpu.memory_space<vmem>>) target_semaphore(%arg17 : memref<!tpu.dma_semaphore, #tpu.memory_space<semaphore_mem>>)
        %and3A_998 = arith.constant 3 : i32
        %and3A_999 = arith.andi %squeeze3A_981, %and3A_998 : i32
        %add3A_1000 = arith.constant 4 : i32
        %add3A_1001 = arith.addi %multiple_of3A_871, %add3A_1000 : i32
        %swap3A_1002 = arith.index_cast %add3A_1001 : i32 to index
        %swap3A_1003 = memref.load %arg15[%swap3A_1002] : memref<200xi32, #tpu.memory_space<smem>>
        memref.store %and3A_999, %arg15[%swap3A_1002] : memref<200xi32, #tpu.memory_space<smem>>
        %slice3A_1004 = vector.extract_strided_slice %add3A_883 {offsets = [5], sizes = [1], strides = [1]} : vector<16xi32> to vector<1xi32>
        %squeeze3A_1005 = vector.extract %slice3A_1004[0] : i32 from vector<1xi32>
        %shift_right_arithmetic3A_1006 = arith.constant 2 : i32
        %shift_right_arithmetic3A_1007 = arith.shrsi %squeeze3A_1005, %shift_right_arithmetic3A_1006 : i32
        %add3A_1008 = arith.constant 5 : i32
        %add3A_1009 = arith.addi %multiple_of3A_871, %add3A_1008 : i32
        %dma_start3A_1010 = arith.constant 0 : i32
        %dma_start3A_1011 = tpu.memref_slice %arg13[%add3A_1009, %dma_start3A_1010] : memref<200x64xf32, #tpu.memory_space<vmem>> -> memref<1x64xf32, #tpu.memory_space<vmem>>
        %dma_start3A_1012 = tpu.memref_squeeze %dma_start3A_1011 : memref<1x64xf32, #tpu.memory_space<vmem>> -> memref<64xf32, #tpu.memory_space<vmem>>
        %dma_start3A_1013 = arith.constant 0 : i32
        %dma_start3A_1014 = tpu.memref_slice %arg4[%shift_right_arithmetic3A_1007, %dma_start3A_1013] : memref<1000000x64xf32, #tpu.memory_space<hbm>> -> memref<1x64xf32, #tpu.memory_space<hbm>>
        %dma_start3A_1015 = tpu.memref_squeeze %dma_start3A_1014 : memref<1x64xf32, #tpu.memory_space<hbm>> -> memref<64xf32, #tpu.memory_space<hbm>>
        %dma_start3A_1016 = arith.constant 0 : i32
        %dma_start3A_1017 = tpu.memref_slice %arg13[%add3A_1009, %dma_start3A_1016] : memref<200x64xf32, #tpu.memory_space<vmem>> -> memref<1x64xf32, #tpu.memory_space<vmem>>
        %dma_start3A_1018 = tpu.memref_squeeze %dma_start3A_1017 : memref<1x64xf32, #tpu.memory_space<vmem>> -> memref<64xf32, #tpu.memory_space<vmem>>
        %dma_start3A_1019 = arith.constant 0 : i32
        %dma_start3A_1020 = tpu.memref_slice %arg4[%shift_right_arithmetic3A_1007, %dma_start3A_1019] : memref<1000000x64xf32, #tpu.memory_space<hbm>> -> memref<1x64xf32, #tpu.memory_space<hbm>>
        %dma_start3A_1021 = tpu.memref_squeeze %dma_start3A_1020 : memref<1x64xf32, #tpu.memory_space<hbm>> -> memref<64xf32, #tpu.memory_space<hbm>>
        tpu.enqueue_dma source(%dma_start3A_1021 : memref<64xf32, #tpu.memory_space<hbm>>) target(%dma_start3A_1018 : memref<64xf32, #tpu.memory_space<vmem>>) target_semaphore(%arg17 : memref<!tpu.dma_semaphore, #tpu.memory_space<semaphore_mem>>)
        %and3A_1022 = arith.constant 3 : i32
        %and3A_1023 = arith.andi %squeeze3A_1005, %and3A_1022 : i32
        %add3A_1024 = arith.constant 5 : i32
        %add3A_1025 = arith.addi %multiple_of3A_871, %add3A_1024 : i32
        %swap3A_1026 = arith.index_cast %add3A_1025 : i32 to index
        %swap3A_1027 = memref.load %arg15[%swap3A_1026] : memref<200xi32, #tpu.memory_space<smem>>
        memref.store %and3A_1023, %arg15[%swap3A_1026] : memref<200xi32, #tpu.memory_space<smem>>
        %slice3A_1028 = vector.extract_strided_slice %add3A_883 {offsets = [6], sizes = [1], strides = [1]} : vector<16xi32> to vector<1xi32>
        %squeeze3A_1029 = vector.extract %slice3A_1028[0] : i32 from vector<1xi32>
        %shift_right_arithmetic3A_1030 = arith.constant 2 : i32
        %shift_right_arithmetic3A_1031 = arith.shrsi %squeeze3A_1029, %shift_right_arithmetic3A_1030 : i32
        %add3A_1032 = arith.constant 6 : i32
        %add3A_1033 = arith.addi %multiple_of3A_871, %add3A_1032 : i32
        %dma_start3A_1034 = arith.constant 0 : i32
        %dma_start3A_1035 = tpu.memref_slice %arg13[%add3A_1033, %dma_start3A_1034] : memref<200x64xf32, #tpu.memory_space<vmem>> -> memref<1x64xf32, #tpu.memory_space<vmem>>
        %dma_start3A_1036 = tpu.memref_squeeze %dma_start3A_1035 : memref<1x64xf32, #tpu.memory_space<vmem>> -> memref<64xf32, #tpu.memory_space<vmem>>
        %dma_start3A_1037 = arith.constant 0 : i32
        %dma_start3A_1038 = tpu.memref_slice %arg4[%shift_right_arithmetic3A_1031, %dma_start3A_1037] : memref<1000000x64xf32, #tpu.memory_space<hbm>> -> memref<1x64xf32, #tpu.memory_space<hbm>>
        %dma_start3A_1039 = tpu.memref_squeeze %dma_start3A_1038 : memref<1x64xf32, #tpu.memory_space<hbm>> -> memref<64xf32, #tpu.memory_space<hbm>>
        %dma_start3A_1040 = arith.constant 0 : i32
        %dma_start3A_1041 = tpu.memref_slice %arg13[%add3A_1033, %dma_start3A_1040] : memref<200x64xf32, #tpu.memory_space<vmem>> -> memref<1x64xf32, #tpu.memory_space<vmem>>
        %dma_start3A_1042 = tpu.memref_squeeze %dma_start3A_1041 : memref<1x64xf32, #tpu.memory_space<vmem>> -> memref<64xf32, #tpu.memory_space<vmem>>
        %dma_start3A_1043 = arith.constant 0 : i32
        %dma_start3A_1044 = tpu.memref_slice %arg4[%shift_right_arithmetic3A_1031, %dma_start3A_1043] : memref<1000000x64xf32, #tpu.memory_space<hbm>> -> memref<1x64xf32, #tpu.memory_space<hbm>>
        %dma_start3A_1045 = tpu.memref_squeeze %dma_start3A_1044 : memref<1x64xf32, #tpu.memory_space<hbm>> -> memref<64xf32, #tpu.memory_space<hbm>>
        tpu.enqueue_dma source(%dma_start3A_1045 : memref<64xf32, #tpu.memory_space<hbm>>) target(%dma_start3A_1042 : memref<64xf32, #tpu.memory_space<vmem>>) target_semaphore(%arg17 : memref<!tpu.dma_semaphore, #tpu.memory_space<semaphore_mem>>)
        %and3A_1046 = arith.constant 3 : i32
        %and3A_1047 = arith.andi %squeeze3A_1029, %and3A_1046 : i32
        %add3A_1048 = arith.constant 6 : i32
        %add3A_1049 = arith.addi %multiple_of3A_871, %add3A_1048 : i32
        %swap3A_1050 = arith.index_cast %add3A_1049 : i32 to index
        %swap3A_1051 = memref.load %arg15[%swap3A_1050] : memref<200xi32, #tpu.memory_space<smem>>
        memref.store %and3A_1047, %arg15[%swap3A_1050] : memref<200xi32, #tpu.memory_space<smem>>
        %slice3A_1052 = vector.extract_strided_slice %add3A_883 {offsets = [7], sizes = [1], strides = [1]} : vector<16xi32> to vector<1xi32>
        %squeeze3A_1053 = vector.extract %slice3A_1052[0] : i32 from vector<1xi32>
        %shift_right_arithmetic3A_1054 = arith.constant 2 : i32
        %shift_right_arithmetic3A_1055 = arith.shrsi %squeeze3A_1053, %shift_right_arithmetic3A_1054 : i32
        %add3A_1056 = arith.constant 7 : i32
        %add3A_1057 = arith.addi %multiple_of3A_871, %add3A_1056 : i32
        %dma_start3A_1058 = arith.constant 0 : i32
        %dma_start3A_1059 = tpu.memref_slice %arg13[%add3A_1057, %dma_start3A_1058] : memref<200x64xf32, #tpu.memory_space<vmem>> -> memref<1x64xf32, #tpu.memory_space<vmem>>
        %dma_start3A_1060 = tpu.memref_squeeze %dma_start3A_1059 : memref<1x64xf32, #tpu.memory_space<vmem>> -> memref<64xf32, #tpu.memory_space<vmem>>
        %dma_start3A_1061 = arith.constant 0 : i32
        %dma_start3A_1062 = tpu.memref_slice %arg4[%shift_right_arithmetic3A_1055, %dma_start3A_1061] : memref<1000000x64xf32, #tpu.memory_space<hbm>> -> memref<1x64xf32, #tpu.memory_space<hbm>>
        %dma_start3A_1063 = tpu.memref_squeeze %dma_start3A_1062 : memref<1x64xf32, #tpu.memory_space<hbm>> -> memref<64xf32, #tpu.memory_space<hbm>>
        %dma_start3A_1064 = arith.constant 0 : i32
        %dma_start3A_1065 = tpu.memref_slice %arg13[%add3A_1057, %dma_start3A_1064] : memref<200x64xf32, #tpu.memory_space<vmem>> -> memref<1x64xf32, #tpu.memory_space<vmem>>
        %dma_start3A_1066 = tpu.memref_squeeze %dma_start3A_1065 : memref<1x64xf32, #tpu.memory_space<vmem>> -> memref<64xf32, #tpu.memory_space<vmem>>
        %dma_start3A_1067 = arith.constant 0 : i32
        %dma_start3A_1068 = tpu.memref_slice %arg4[%shift_right_arithmetic3A_1055, %dma_start3A_1067] : memref<1000000x64xf32, #tpu.memory_space<hbm>> -> memref<1x64xf32, #tpu.memory_space<hbm>>
        %dma_start3A_1069 = tpu.memref_squeeze %dma_start3A_1068 : memref<1x64xf32, #tpu.memory_space<hbm>> -> memref<64xf32, #tpu.memory_space<hbm>>
        tpu.enqueue_dma source(%dma_start3A_1069 : memref<64xf32, #tpu.memory_space<hbm>>) target(%dma_start3A_1066 : memref<64xf32, #tpu.memory_space<vmem>>) target_semaphore(%arg17 : memref<!tpu.dma_semaphore, #tpu.memory_space<semaphore_mem>>)
        %and3A_1070 = arith.constant 3 : i32
        %and3A_1071 = arith.andi %squeeze3A_1053, %and3A_1070 : i32
        %add3A_1072 = arith.constant 7 : i32
        %add3A_1073 = arith.addi %multiple_of3A_871, %add3A_1072 : i32
        %swap3A_1074 = arith.index_cast %add3A_1073 : i32 to index
        %swap3A_1075 = memref.load %arg15[%swap3A_1074] : memref<200xi32, #tpu.memory_space<smem>>
        memref.store %and3A_1071, %arg15[%swap3A_1074] : memref<200xi32, #tpu.memory_space<smem>>
        %slice3A_1076 = vector.extract_strided_slice %add3A_883 {offsets = [8], sizes = [1], strides = [1]} : vector<16xi32> to vector<1xi32>
        %squeeze3A_1077 = vector.extract %slice3A_1076[0] : i32 from vector<1xi32>
        %shift_right_arithmetic3A_1078 = arith.constant 2 : i32
        %shift_right_arithmetic3A_1079 = arith.shrsi %squeeze3A_1077, %shift_right_arithmetic3A_1078 : i32
        %add3A_1080 = arith.constant 8 : i32
        %add3A_1081 = arith.addi %multiple_of3A_871, %add3A_1080 : i32
        %dma_start3A_1082 = arith.constant 0 : i32
        %dma_start3A_1083 = tpu.memref_slice %arg13[%add3A_1081, %dma_start3A_1082] : memref<200x64xf32, #tpu.memory_space<vmem>> -> memref<1x64xf32, #tpu.memory_space<vmem>>
        %dma_start3A_1084 = tpu.memref_squeeze %dma_start3A_1083 : memref<1x64xf32, #tpu.memory_space<vmem>> -> memref<64xf32, #tpu.memory_space<vmem>>
        %dma_start3A_1085 = arith.constant 0 : i32
        %dma_start3A_1086 = tpu.memref_slice %arg4[%shift_right_arithmetic3A_1079, %dma_start3A_1085] : memref<1000000x64xf32, #tpu.memory_space<hbm>> -> memref<1x64xf32, #tpu.memory_space<hbm>>
        %dma_start3A_1087 = tpu.memref_squeeze %dma_start3A_1086 : memref<1x64xf32, #tpu.memory_space<hbm>> -> memref<64xf32, #tpu.memory_space<hbm>>
        %dma_start3A_1088 = arith.constant 0 : i32
        %dma_start3A_1089 = tpu.memref_slice %arg13[%add3A_1081, %dma_start3A_1088] : memref<200x64xf32, #tpu.memory_space<vmem>> -> memref<1x64xf32, #tpu.memory_space<vmem>>
        %dma_start3A_1090 = tpu.memref_squeeze %dma_start3A_1089 : memref<1x64xf32, #tpu.memory_space<vmem>> -> memref<64xf32, #tpu.memory_space<vmem>>
        %dma_start3A_1091 = arith.constant 0 : i32
        %dma_start3A_1092 = tpu.memref_slice %arg4[%shift_right_arithmetic3A_1079, %dma_start3A_1091] : memref<1000000x64xf32, #tpu.memory_space<hbm>> -> memref<1x64xf32, #tpu.memory_space<hbm>>
        %dma_start3A_1093 = tpu.memref_squeeze %dma_start3A_1092 : memref<1x64xf32, #tpu.memory_space<hbm>> -> memref<64xf32, #tpu.memory_space<hbm>>
        tpu.enqueue_dma source(%dma_start3A_1093 : memref<64xf32, #tpu.memory_space<hbm>>) target(%dma_start3A_1090 : memref<64xf32, #tpu.memory_space<vmem>>) target_semaphore(%arg17 : memref<!tpu.dma_semaphore, #tpu.memory_space<semaphore_mem>>)
        %and3A_1094 = arith.constant 3 : i32
        %and3A_1095 = arith.andi %squeeze3A_1077, %and3A_1094 : i32
        %add3A_1096 = arith.constant 8 : i32
        %add3A_1097 = arith.addi %multiple_of3A_871, %add3A_1096 : i32
        %swap3A_1098 = arith.index_cast %add3A_1097 : i32 to index
        %swap3A_1099 = memref.load %arg15[%swap3A_1098] : memref<200xi32, #tpu.memory_space<smem>>
        memref.store %and3A_1095, %arg15[%swap3A_1098] : memref<200xi32, #tpu.memory_space<smem>>
        %slice3A_1100 = vector.extract_strided_slice %add3A_883 {offsets = [9], sizes = [1], strides = [1]} : vector<16xi32> to vector<1xi32>
        %squeeze3A_1101 = vector.extract %slice3A_1100[0] : i32 from vector<1xi32>
        %shift_right_arithmetic3A_1102 = arith.constant 2 : i32
        %shift_right_arithmetic3A_1103 = arith.shrsi %squeeze3A_1101, %shift_right_arithmetic3A_1102 : i32
        %add3A_1104 = arith.constant 9 : i32
        %add3A_1105 = arith.addi %multiple_of3A_871, %add3A_1104 : i32
        %dma_start3A_1106 = arith.constant 0 : i32
        %dma_start3A_1107 = tpu.memref_slice %arg13[%add3A_1105, %dma_start3A_1106] : memref<200x64xf32, #tpu.memory_space<vmem>> -> memref<1x64xf32, #tpu.memory_space<vmem>>
        %dma_start3A_1108 = tpu.memref_squeeze %dma_start3A_1107 : memref<1x64xf32, #tpu.memory_space<vmem>> -> memref<64xf32, #tpu.memory_space<vmem>>
        %dma_start3A_1109 = arith.constant 0 : i32
        %dma_start3A_1110 = tpu.memref_slice %arg4[%shift_right_arithmetic3A_1103, %dma_start3A_1109] : memref<1000000x64xf32, #tpu.memory_space<hbm>> -> memref<1x64xf32, #tpu.memory_space<hbm>>
        %dma_start3A_1111 = tpu.memref_squeeze %dma_start3A_1110 : memref<1x64xf32, #tpu.memory_space<hbm>> -> memref<64xf32, #tpu.memory_space<hbm>>
        %dma_start3A_1112 = arith.constant 0 : i32
        %dma_start3A_1113 = tpu.memref_slice %arg13[%add3A_1105, %dma_start3A_1112] : memref<200x64xf32, #tpu.memory_space<vmem>> -> memref<1x64xf32, #tpu.memory_space<vmem>>
        %dma_start3A_1114 = tpu.memref_squeeze %dma_start3A_1113 : memref<1x64xf32, #tpu.memory_space<vmem>> -> memref<64xf32, #tpu.memory_space<vmem>>
        %dma_start3A_1115 = arith.constant 0 : i32
        %dma_start3A_1116 = tpu.memref_slice %arg4[%shift_right_arithmetic3A_1103, %dma_start3A_1115] : memref<1000000x64xf32, #tpu.memory_space<hbm>> -> memref<1x64xf32, #tpu.memory_space<hbm>>
        %dma_start3A_1117 = tpu.memref_squeeze %dma_start3A_1116 : memref<1x64xf32, #tpu.memory_space<hbm>> -> memref<64xf32, #tpu.memory_space<hbm>>
        tpu.enqueue_dma source(%dma_start3A_1117 : memref<64xf32, #tpu.memory_space<hbm>>) target(%dma_start3A_1114 : memref<64xf32, #tpu.memory_space<vmem>>) target_semaphore(%arg17 : memref<!tpu.dma_semaphore, #tpu.memory_space<semaphore_mem>>)
        %and3A_1118 = arith.constant 3 : i32
        %and3A_1119 = arith.andi %squeeze3A_1101, %and3A_1118 : i32
        %add3A_1120 = arith.constant 9 : i32
        %add3A_1121 = arith.addi %multiple_of3A_871, %add3A_1120 : i32
        %swap3A_1122 = arith.index_cast %add3A_1121 : i32 to index
        %swap3A_1123 = memref.load %arg15[%swap3A_1122] : memref<200xi32, #tpu.memory_space<smem>>
        memref.store %and3A_1119, %arg15[%swap3A_1122] : memref<200xi32, #tpu.memory_space<smem>>
        %slice3A_1124 = vector.extract_strided_slice %add3A_883 {offsets = [10], sizes = [1], strides = [1]} : vector<16xi32> to vector<1xi32>
        %squeeze3A_1125 = vector.extract %slice3A_1124[0] : i32 from vector<1xi32>
        %shift_right_arithmetic3A_1126 = arith.constant 2 : i32
        %shift_right_arithmetic3A_1127 = arith.shrsi %squeeze3A_1125, %shift_right_arithmetic3A_1126 : i32
        %add3A_1128 = arith.constant 10 : i32
        %add3A_1129 = arith.addi %multiple_of3A_871, %add3A_1128 : i32
        %dma_start3A_1130 = arith.constant 0 : i32
        %dma_start3A_1131 = tpu.memref_slice %arg13[%add3A_1129, %dma_start3A_1130] : memref<200x64xf32, #tpu.memory_space<vmem>> -> memref<1x64xf32, #tpu.memory_space<vmem>>
        %dma_start3A_1132 = tpu.memref_squeeze %dma_start3A_1131 : memref<1x64xf32, #tpu.memory_space<vmem>> -> memref<64xf32, #tpu.memory_space<vmem>>
        %dma_start3A_1133 = arith.constant 0 : i32
        %dma_start3A_1134 = tpu.memref_slice %arg4[%shift_right_arithmetic3A_1127, %dma_start3A_1133] : memref<1000000x64xf32, #tpu.memory_space<hbm>> -> memref<1x64xf32, #tpu.memory_space<hbm>>
        %dma_start3A_1135 = tpu.memref_squeeze %dma_start3A_1134 : memref<1x64xf32, #tpu.memory_space<hbm>> -> memref<64xf32, #tpu.memory_space<hbm>>
        %dma_start3A_1136 = arith.constant 0 : i32
        %dma_start3A_1137 = tpu.memref_slice %arg13[%add3A_1129, %dma_start3A_1136] : memref<200x64xf32, #tpu.memory_space<vmem>> -> memref<1x64xf32, #tpu.memory_space<vmem>>
        %dma_start3A_1138 = tpu.memref_squeeze %dma_start3A_1137 : memref<1x64xf32, #tpu.memory_space<vmem>> -> memref<64xf32, #tpu.memory_space<vmem>>
        %dma_start3A_1139 = arith.constant 0 : i32
        %dma_start3A_1140 = tpu.memref_slice %arg4[%shift_right_arithmetic3A_1127, %dma_start3A_1139] : memref<1000000x64xf32, #tpu.memory_space<hbm>> -> memref<1x64xf32, #tpu.memory_space<hbm>>
        %dma_start3A_1141 = tpu.memref_squeeze %dma_start3A_1140 : memref<1x64xf32, #tpu.memory_space<hbm>> -> memref<64xf32, #tpu.memory_space<hbm>>
        tpu.enqueue_dma source(%dma_start3A_1141 : memref<64xf32, #tpu.memory_space<hbm>>) target(%dma_start3A_1138 : memref<64xf32, #tpu.memory_space<vmem>>) target_semaphore(%arg17 : memref<!tpu.dma_semaphore, #tpu.memory_space<semaphore_mem>>)
        %and3A_1142 = arith.constant 3 : i32
        %and3A_1143 = arith.andi %squeeze3A_1125, %and3A_1142 : i32
        %add3A_1144 = arith.constant 10 : i32
        %add3A_1145 = arith.addi %multiple_of3A_871, %add3A_1144 : i32
        %swap3A_1146 = arith.index_cast %add3A_1145 : i32 to index
        %swap3A_1147 = memref.load %arg15[%swap3A_1146] : memref<200xi32, #tpu.memory_space<smem>>
        memref.store %and3A_1143, %arg15[%swap3A_1146] : memref<200xi32, #tpu.memory_space<smem>>
        %slice3A_1148 = vector.extract_strided_slice %add3A_883 {offsets = [11], sizes = [1], strides = [1]} : vector<16xi32> to vector<1xi32>
        %squeeze3A_1149 = vector.extract %slice3A_1148[0] : i32 from vector<1xi32>
        %shift_right_arithmetic3A_1150 = arith.constant 2 : i32
        %shift_right_arithmetic3A_1151 = arith.shrsi %squeeze3A_1149, %shift_right_arithmetic3A_1150 : i32
        %add3A_1152 = arith.constant 11 : i32
        %add3A_1153 = arith.addi %multiple_of3A_871, %add3A_1152 : i32
        %dma_start3A_1154 = arith.constant 0 : i32
        %dma_start3A_1155 = tpu.memref_slice %arg13[%add3A_1153, %dma_start3A_1154] : memref<200x64xf32, #tpu.memory_space<vmem>> -> memref<1x64xf32, #tpu.memory_space<vmem>>
        %dma_start3A_1156 = tpu.memref_squeeze %dma_start3A_1155 : memref<1x64xf32, #tpu.memory_space<vmem>> -> memref<64xf32, #tpu.memory_space<vmem>>
        %dma_start3A_1157 = arith.constant 0 : i32
        %dma_start3A_1158 = tpu.memref_slice %arg4[%shift_right_arithmetic3A_1151, %dma_start3A_1157] : memref<1000000x64xf32, #tpu.memory_space<hbm>> -> memref<1x64xf32, #tpu.memory_space<hbm>>
        %dma_start3A_1159 = tpu.memref_squeeze %dma_start3A_1158 : memref<1x64xf32, #tpu.memory_space<hbm>> -> memref<64xf32, #tpu.memory_space<hbm>>
        %dma_start3A_1160 = arith.constant 0 : i32
        %dma_start3A_1161 = tpu.memref_slice %arg13[%add3A_1153, %dma_start3A_1160] : memref<200x64xf32, #tpu.memory_space<vmem>> -> memref<1x64xf32, #tpu.memory_space<vmem>>
        %dma_start3A_1162 = tpu.memref_squeeze %dma_start3A_1161 : memref<1x64xf32, #tpu.memory_space<vmem>> -> memref<64xf32, #tpu.memory_space<vmem>>
        %dma_start3A_1163 = arith.constant 0 : i32
        %dma_start3A_1164 = tpu.memref_slice %arg4[%shift_right_arithmetic3A_1151, %dma_start3A_1163] : memref<1000000x64xf32, #tpu.memory_space<hbm>> -> memref<1x64xf32, #tpu.memory_space<hbm>>
        %dma_start3A_1165 = tpu.memref_squeeze %dma_start3A_1164 : memref<1x64xf32, #tpu.memory_space<hbm>> -> memref<64xf32, #tpu.memory_space<hbm>>
        tpu.enqueue_dma source(%dma_start3A_1165 : memref<64xf32, #tpu.memory_space<hbm>>) target(%dma_start3A_1162 : memref<64xf32, #tpu.memory_space<vmem>>) target_semaphore(%arg17 : memref<!tpu.dma_semaphore, #tpu.memory_space<semaphore_mem>>)
        %and3A_1166 = arith.constant 3 : i32
        %and3A_1167 = arith.andi %squeeze3A_1149, %and3A_1166 : i32
        %add3A_1168 = arith.constant 11 : i32
        %add3A_1169 = arith.addi %multiple_of3A_871, %add3A_1168 : i32
        %swap3A_1170 = arith.index_cast %add3A_1169 : i32 to index
        %swap3A_1171 = memref.load %arg15[%swap3A_1170] : memref<200xi32, #tpu.memory_space<smem>>
        memref.store %and3A_1167, %arg15[%swap3A_1170] : memref<200xi32, #tpu.memory_space<smem>>
        %slice3A_1172 = vector.extract_strided_slice %add3A_883 {offsets = [12], sizes = [1], strides = [1]} : vector<16xi32> to vector<1xi32>
        %squeeze3A_1173 = vector.extract %slice3A_1172[0] : i32 from vector<1xi32>
        %shift_right_arithmetic3A_1174 = arith.constant 2 : i32
        %shift_right_arithmetic3A_1175 = arith.shrsi %squeeze3A_1173, %shift_right_arithmetic3A_1174 : i32
        %add3A_1176 = arith.constant 12 : i32
        %add3A_1177 = arith.addi %multiple_of3A_871, %add3A_1176 : i32
        %dma_start3A_1178 = arith.constant 0 : i32
        %dma_start3A_1179 = tpu.memref_slice %arg13[%add3A_1177, %dma_start3A_1178] : memref<200x64xf32, #tpu.memory_space<vmem>> -> memref<1x64xf32, #tpu.memory_space<vmem>>
        %dma_start3A_1180 = tpu.memref_squeeze %dma_start3A_1179 : memref<1x64xf32, #tpu.memory_space<vmem>> -> memref<64xf32, #tpu.memory_space<vmem>>
        %dma_start3A_1181 = arith.constant 0 : i32
        %dma_start3A_1182 = tpu.memref_slice %arg4[%shift_right_arithmetic3A_1175, %dma_start3A_1181] : memref<1000000x64xf32, #tpu.memory_space<hbm>> -> memref<1x64xf32, #tpu.memory_space<hbm>>
        %dma_start3A_1183 = tpu.memref_squeeze %dma_start3A_1182 : memref<1x64xf32, #tpu.memory_space<hbm>> -> memref<64xf32, #tpu.memory_space<hbm>>
        %dma_start3A_1184 = arith.constant 0 : i32
        %dma_start3A_1185 = tpu.memref_slice %arg13[%add3A_1177, %dma_start3A_1184] : memref<200x64xf32, #tpu.memory_space<vmem>> -> memref<1x64xf32, #tpu.memory_space<vmem>>
        %dma_start3A_1186 = tpu.memref_squeeze %dma_start3A_1185 : memref<1x64xf32, #tpu.memory_space<vmem>> -> memref<64xf32, #tpu.memory_space<vmem>>
        %dma_start3A_1187 = arith.constant 0 : i32
        %dma_start3A_1188 = tpu.memref_slice %arg4[%shift_right_arithmetic3A_1175, %dma_start3A_1187] : memref<1000000x64xf32, #tpu.memory_space<hbm>> -> memref<1x64xf32, #tpu.memory_space<hbm>>
        %dma_start3A_1189 = tpu.memref_squeeze %dma_start3A_1188 : memref<1x64xf32, #tpu.memory_space<hbm>> -> memref<64xf32, #tpu.memory_space<hbm>>
        tpu.enqueue_dma source(%dma_start3A_1189 : memref<64xf32, #tpu.memory_space<hbm>>) target(%dma_start3A_1186 : memref<64xf32, #tpu.memory_space<vmem>>) target_semaphore(%arg17 : memref<!tpu.dma_semaphore, #tpu.memory_space<semaphore_mem>>)
        %and3A_1190 = arith.constant 3 : i32
        %and3A_1191 = arith.andi %squeeze3A_1173, %and3A_1190 : i32
        %add3A_1192 = arith.constant 12 : i32
        %add3A_1193 = arith.addi %multiple_of3A_871, %add3A_1192 : i32
        %swap3A_1194 = arith.index_cast %add3A_1193 : i32 to index
        %swap3A_1195 = memref.load %arg15[%swap3A_1194] : memref<200xi32, #tpu.memory_space<smem>>
        memref.store %and3A_1191, %arg15[%swap3A_1194] : memref<200xi32, #tpu.memory_space<smem>>
        %slice3A_1196 = vector.extract_strided_slice %add3A_883 {offsets = [13], sizes = [1], strides = [1]} : vector<16xi32> to vector<1xi32>
        %squeeze3A_1197 = vector.extract %slice3A_1196[0] : i32 from vector<1xi32>
        %shift_right_arithmetic3A_1198 = arith.constant 2 : i32
        %shift_right_arithmetic3A_1199 = arith.shrsi %squeeze3A_1197, %shift_right_arithmetic3A_1198 : i32
        %add3A_1200 = arith.constant 13 : i32
        %add3A_1201 = arith.addi %multiple_of3A_871, %add3A_1200 : i32
        %dma_start3A_1202 = arith.constant 0 : i32
        %dma_start3A_1203 = tpu.memref_slice %arg13[%add3A_1201, %dma_start3A_1202] : memref<200x64xf32, #tpu.memory_space<vmem>> -> memref<1x64xf32, #tpu.memory_space<vmem>>
        %dma_start3A_1204 = tpu.memref_squeeze %dma_start3A_1203 : memref<1x64xf32, #tpu.memory_space<vmem>> -> memref<64xf32, #tpu.memory_space<vmem>>
        %dma_start3A_1205 = arith.constant 0 : i32
        %dma_start3A_1206 = tpu.memref_slice %arg4[%shift_right_arithmetic3A_1199, %dma_start3A_1205] : memref<1000000x64xf32, #tpu.memory_space<hbm>> -> memref<1x64xf32, #tpu.memory_space<hbm>>
        %dma_start3A_1207 = tpu.memref_squeeze %dma_start3A_1206 : memref<1x64xf32, #tpu.memory_space<hbm>> -> memref<64xf32, #tpu.memory_space<hbm>>
        %dma_start3A_1208 = arith.constant 0 : i32
        %dma_start3A_1209 = tpu.memref_slice %arg13[%add3A_1201, %dma_start3A_1208] : memref<200x64xf32, #tpu.memory_space<vmem>> -> memref<1x64xf32, #tpu.memory_space<vmem>>
        %dma_start3A_1210 = tpu.memref_squeeze %dma_start3A_1209 : memref<1x64xf32, #tpu.memory_space<vmem>> -> memref<64xf32, #tpu.memory_space<vmem>>
        %dma_start3A_1211 = arith.constant 0 : i32
        %dma_start3A_1212 = tpu.memref_slice %arg4[%shift_right_arithmetic3A_1199, %dma_start3A_1211] : memref<1000000x64xf32, #tpu.memory_space<hbm>> -> memref<1x64xf32, #tpu.memory_space<hbm>>
        %dma_start3A_1213 = tpu.memref_squeeze %dma_start3A_1212 : memref<1x64xf32, #tpu.memory_space<hbm>> -> memref<64xf32, #tpu.memory_space<hbm>>
        tpu.enqueue_dma source(%dma_start3A_1213 : memref<64xf32, #tpu.memory_space<hbm>>) target(%dma_start3A_1210 : memref<64xf32, #tpu.memory_space<vmem>>) target_semaphore(%arg17 : memref<!tpu.dma_semaphore, #tpu.memory_space<semaphore_mem>>)
        %and3A_1214 = arith.constant 3 : i32
        %and3A_1215 = arith.andi %squeeze3A_1197, %and3A_1214 : i32
        %add3A_1216 = arith.constant 13 : i32
        %add3A_1217 = arith.addi %multiple_of3A_871, %add3A_1216 : i32
        %swap3A_1218 = arith.index_cast %add3A_1217 : i32 to index
        %swap3A_1219 = memref.load %arg15[%swap3A_1218] : memref<200xi32, #tpu.memory_space<smem>>
        memref.store %and3A_1215, %arg15[%swap3A_1218] : memref<200xi32, #tpu.memory_space<smem>>
        %slice3A_1220 = vector.extract_strided_slice %add3A_883 {offsets = [14], sizes = [1], strides = [1]} : vector<16xi32> to vector<1xi32>
        %squeeze3A_1221 = vector.extract %slice3A_1220[0] : i32 from vector<1xi32>
        %shift_right_arithmetic3A_1222 = arith.constant 2 : i32
        %shift_right_arithmetic3A_1223 = arith.shrsi %squeeze3A_1221, %shift_right_arithmetic3A_1222 : i32
        %add3A_1224 = arith.constant 14 : i32
        %add3A_1225 = arith.addi %multiple_of3A_871, %add3A_1224 : i32
        %dma_start3A_1226 = arith.constant 0 : i32
        %dma_start3A_1227 = tpu.memref_slice %arg13[%add3A_1225, %dma_start3A_1226] : memref<200x64xf32, #tpu.memory_space<vmem>> -> memref<1x64xf32, #tpu.memory_space<vmem>>
        %dma_start3A_1228 = tpu.memref_squeeze %dma_start3A_1227 : memref<1x64xf32, #tpu.memory_space<vmem>> -> memref<64xf32, #tpu.memory_space<vmem>>
        %dma_start3A_1229 = arith.constant 0 : i32
        %dma_start3A_1230 = tpu.memref_slice %arg4[%shift_right_arithmetic3A_1223, %dma_start3A_1229] : memref<1000000x64xf32, #tpu.memory_space<hbm>> -> memref<1x64xf32, #tpu.memory_space<hbm>>
        %dma_start3A_1231 = tpu.memref_squeeze %dma_start3A_1230 : memref<1x64xf32, #tpu.memory_space<hbm>> -> memref<64xf32, #tpu.memory_space<hbm>>
        %dma_start3A_1232 = arith.constant 0 : i32
        %dma_start3A_1233 = tpu.memref_slice %arg13[%add3A_1225, %dma_start3A_1232] : memref<200x64xf32, #tpu.memory_space<vmem>> -> memref<1x64xf32, #tpu.memory_space<vmem>>
        %dma_start3A_1234 = tpu.memref_squeeze %dma_start3A_1233 : memref<1x64xf32, #tpu.memory_space<vmem>> -> memref<64xf32, #tpu.memory_space<vmem>>
        %dma_start3A_1235 = arith.constant 0 : i32
        %dma_start3A_1236 = tpu.memref_slice %arg4[%shift_right_arithmetic3A_1223, %dma_start3A_1235] : memref<1000000x64xf32, #tpu.memory_space<hbm>> -> memref<1x64xf32, #tpu.memory_space<hbm>>
        %dma_start3A_1237 = tpu.memref_squeeze %dma_start3A_1236 : memref<1x64xf32, #tpu.memory_space<hbm>> -> memref<64xf32, #tpu.memory_space<hbm>>
        tpu.enqueue_dma source(%dma_start3A_1237 : memref<64xf32, #tpu.memory_space<hbm>>) target(%dma_start3A_1234 : memref<64xf32, #tpu.memory_space<vmem>>) target_semaphore(%arg17 : memref<!tpu.dma_semaphore, #tpu.memory_space<semaphore_mem>>)
        %and3A_1238 = arith.constant 3 : i32
        %and3A_1239 = arith.andi %squeeze3A_1221, %and3A_1238 : i32
        %add3A_1240 = arith.constant 14 : i32
        %add3A_1241 = arith.addi %multiple_of3A_871, %add3A_1240 : i32
        %swap3A_1242 = arith.index_cast %add3A_1241 : i32 to index
        %swap3A_1243 = memref.load %arg15[%swap3A_1242] : memref<200xi32, #tpu.memory_space<smem>>
        memref.store %and3A_1239, %arg15[%swap3A_1242] : memref<200xi32, #tpu.memory_space<smem>>
        %slice3A_1244 = vector.extract_strided_slice %add3A_883 {offsets = [15], sizes = [1], strides = [1]} : vector<16xi32> to vector<1xi32>
        %squeeze3A_1245 = vector.extract %slice3A_1244[0] : i32 from vector<1xi32>
        %shift_right_arithmetic3A_1246 = arith.constant 2 : i32
        %shift_right_arithmetic3A_1247 = arith.shrsi %squeeze3A_1245, %shift_right_arithmetic3A_1246 : i32
        %add3A_1248 = arith.constant 15 : i32
        %add3A_1249 = arith.addi %multiple_of3A_871, %add3A_1248 : i32
        %dma_start3A_1250 = arith.constant 0 : i32
        %dma_start3A_1251 = tpu.memref_slice %arg13[%add3A_1249, %dma_start3A_1250] : memref<200x64xf32, #tpu.memory_space<vmem>> -> memref<1x64xf32, #tpu.memory_space<vmem>>
        %dma_start3A_1252 = tpu.memref_squeeze %dma_start3A_1251 : memref<1x64xf32, #tpu.memory_space<vmem>> -> memref<64xf32, #tpu.memory_space<vmem>>
        %dma_start3A_1253 = arith.constant 0 : i32
        %dma_start3A_1254 = tpu.memref_slice %arg4[%shift_right_arithmetic3A_1247, %dma_start3A_1253] : memref<1000000x64xf32, #tpu.memory_space<hbm>> -> memref<1x64xf32, #tpu.memory_space<hbm>>
        %dma_start3A_1255 = tpu.memref_squeeze %dma_start3A_1254 : memref<1x64xf32, #tpu.memory_space<hbm>> -> memref<64xf32, #tpu.memory_space<hbm>>
        %dma_start3A_1256 = arith.constant 0 : i32
        %dma_start3A_1257 = tpu.memref_slice %arg13[%add3A_1249, %dma_start3A_1256] : memref<200x64xf32, #tpu.memory_space<vmem>> -> memref<1x64xf32, #tpu.memory_space<vmem>>
        %dma_start3A_1258 = tpu.memref_squeeze %dma_start3A_1257 : memref<1x64xf32, #tpu.memory_space<vmem>> -> memref<64xf32, #tpu.memory_space<vmem>>
        %dma_start3A_1259 = arith.constant 0 : i32
        %dma_start3A_1260 = tpu.memref_slice %arg4[%shift_right_arithmetic3A_1247, %dma_start3A_1259] : memref<1000000x64xf32, #tpu.memory_space<hbm>> -> memref<1x64xf32, #tpu.memory_space<hbm>>
        %dma_start3A_1261 = tpu.memref_squeeze %dma_start3A_1260 : memref<1x64xf32, #tpu.memory_space<hbm>> -> memref<64xf32, #tpu.memory_space<hbm>>
        tpu.enqueue_dma source(%dma_start3A_1261 : memref<64xf32, #tpu.memory_space<hbm>>) target(%dma_start3A_1258 : memref<64xf32, #tpu.memory_space<vmem>>) target_semaphore(%arg17 : memref<!tpu.dma_semaphore, #tpu.memory_space<semaphore_mem>>)
        %and3A_1262 = arith.constant 3 : i32
        %and3A_1263 = arith.andi %squeeze3A_1245, %and3A_1262 : i32
        %add3A_1264 = arith.constant 15 : i32
        %add3A_1265 = arith.addi %multiple_of3A_871, %add3A_1264 : i32
        %swap3A_1266 = arith.index_cast %add3A_1265 : i32 to index
        %swap3A_1267 = memref.load %arg15[%swap3A_1266] : memref<200xi32, #tpu.memory_space<smem>>
        memref.store %and3A_1263, %arg15[%swap3A_1266] : memref<200xi32, #tpu.memory_space<smem>>
      }
      %scan3A_220 = arith.constant 6 : i32
      %get3A_221 = arith.index_cast %add3A_214 : i32 to index
      %get3A_222 = arith.constant 184 : index
      %get3A_223 = tpu.vector_load %arg8[%get3A_221, %get3A_222] {strides = array<i32>} : memref<32x200xi32, #tpu.memory_space<vmem>>, vector<1x16xi32>,
      %get3A_224 = vector.shape_cast %get3A_223 : vector<1x16xi32> to vector<16xi32>
      %get3A_225 = arith.index_cast %add3A_214 : i32 to index
      %get3A_226 = arith.constant 184 : index
      %get3A_227 = tpu.vector_load %arg9[%get3A_225, %get3A_226] {strides = array<i32>} : memref<32x200xi32, #tpu.memory_space<vmem>>, vector<1x16xi32>,
      %get3A_228 = vector.shape_cast %get3A_227 : vector<1x16xi32> to vector<16xi32>
      %mul3A_229 = arith.constant 4 : i32
      %mul3A_230 = vector.broadcast %mul3A_229 : i32 to vector<16xi32>
      %mul3A_231 = arith.muli %get3A_224, %mul3A_230 : vector<16xi32>
      %add3A_232 = arith.addi %mul3A_231, %get3A_228 : vector<16xi32>
      %slice3A_233 = vector.extract_strided_slice %add3A_232 {offsets = [8], sizes = [1], strides = [1]} : vector<16xi32> to vector<1xi32>
      %squeeze3A_234 = vector.extract %slice3A_233[0] : i32 from vector<1xi32>
      %shift_right_arithmetic3A_235 = arith.constant 2 : i32
      %shift_right_arithmetic3A_236 = arith.shrsi %squeeze3A_234, %shift_right_arithmetic3A_235 : i32
      %dma_start3A_237 = arith.constant 192 : i32
      %dma_start3A_238 = arith.constant 0 : i32
      %dma_start3A_239 = tpu.memref_slice %arg13[%dma_start3A_237, %dma_start3A_238] : memref<200x64xf32, #tpu.memory_space<vmem>> -> memref<1x64xf32, #tpu.memory_space<vmem>>
      %dma_start3A_240 = tpu.memref_squeeze %dma_start3A_239 : memref<1x64xf32, #tpu.memory_space<vmem>> -> memref<64xf32, #tpu.memory_space<vmem>>
      %dma_start3A_241 = arith.constant 0 : i32
      %dma_start3A_242 = tpu.memref_slice %arg4[%shift_right_arithmetic3A_236, %dma_start3A_241] : memref<1000000x64xf32, #tpu.memory_space<hbm>> -> memref<1x64xf32, #tpu.memory_space<hbm>>
      %dma_start3A_243 = tpu.memref_squeeze %dma_start3A_242 : memref<1x64xf32, #tpu.memory_space<hbm>> -> memref<64xf32, #tpu.memory_space<hbm>>
      %dma_start3A_244 = arith.constant 0 : i32
      %dma_start3A_245 = tpu.memref_slice %arg13[%dma_start3A_237, %dma_start3A_244] : memref<200x64xf32, #tpu.memory_space<vmem>> -> memref<1x64xf32, #tpu.memory_space<vmem>>
      %dma_start3A_246 = tpu.memref_squeeze %dma_start3A_245 : memref<1x64xf32, #tpu.memory_space<vmem>> -> memref<64xf32, #tpu.memory_space<vmem>>
      %dma_start3A_247 = arith.constant 0 : i32
      %dma_start3A_248 = tpu.memref_slice %arg4[%shift_right_arithmetic3A_236, %dma_start3A_247] : memref<1000000x64xf32, #tpu.memory_space<hbm>> -> memref<1x64xf32, #tpu.memory_space<hbm>>
      %dma_start3A_249 = tpu.memref_squeeze %dma_start3A_248 : memref<1x64xf32, #tpu.memory_space<hbm>> -> memref<64xf32, #tpu.memory_space<hbm>>
      tpu.enqueue_dma source(%dma_start3A_249 : memref<64xf32, #tpu.memory_space<hbm>>) target(%dma_start3A_246 : memref<64xf32, #tpu.memory_space<vmem>>) target_semaphore(%arg17 : memref<!tpu.dma_semaphore, #tpu.memory_space<semaphore_mem>>)
      %and3A_250 = arith.constant 3 : i32
      %and3A_251 = arith.andi %squeeze3A_234, %and3A_250 : i32
      %swap3A_252 = arith.constant 192 : i32
      %swap3A_253 = arith.index_cast %swap3A_252 : i32 to index
      %swap3A_254 = memref.load %arg15[%swap3A_253] : memref<200xi32, #tpu.memory_space<smem>>
      memref.store %and3A_251, %arg15[%swap3A_253] : memref<200xi32, #tpu.memory_space<smem>>
      %slice3A_255 = vector.extract_strided_slice %add3A_232 {offsets = [9], sizes = [1], strides = [1]} : vector<16xi32> to vector<1xi32>
      %squeeze3A_256 = vector.extract %slice3A_255[0] : i32 from vector<1xi32>
      %shift_right_arithmetic3A_257 = arith.constant 2 : i32
      %shift_right_arithmetic3A_258 = arith.shrsi %squeeze3A_256, %shift_right_arithmetic3A_257 : i32
      %dma_start3A_259 = arith.constant 193 : i32
      %dma_start3A_260 = arith.constant 0 : i32
      %dma_start3A_261 = tpu.memref_slice %arg13[%dma_start3A_259, %dma_start3A_260] : memref<200x64xf32, #tpu.memory_space<vmem>> -> memref<1x64xf32, #tpu.memory_space<vmem>>
      %dma_start3A_262 = tpu.memref_squeeze %dma_start3A_261 : memref<1x64xf32, #tpu.memory_space<vmem>> -> memref<64xf32, #tpu.memory_space<vmem>>
      %dma_start3A_263 = arith.constant 0 : i32
      %dma_start3A_264 = tpu.memref_slice %arg4[%shift_right_arithmetic3A_258, %dma_start3A_263] : memref<1000000x64xf32, #tpu.memory_space<hbm>> -> memref<1x64xf32, #tpu.memory_space<hbm>>
      %dma_start3A_265 = tpu.memref_squeeze %dma_start3A_264 : memref<1x64xf32, #tpu.memory_space<hbm>> -> memref<64xf32, #tpu.memory_space<hbm>>
      %dma_start3A_266 = arith.constant 0 : i32
      %dma_start3A_267 = tpu.memref_slice %arg13[%dma_start3A_259, %dma_start3A_266] : memref<200x64xf32, #tpu.memory_space<vmem>> -> memref<1x64xf32, #tpu.memory_space<vmem>>
      %dma_start3A_268 = tpu.memref_squeeze %dma_start3A_267 : memref<1x64xf32, #tpu.memory_space<vmem>> -> memref<64xf32, #tpu.memory_space<vmem>>
      %dma_start3A_269 = arith.constant 0 : i32
      %dma_start3A_270 = tpu.memref_slice %arg4[%shift_right_arithmetic3A_258, %dma_start3A_269] : memref<1000000x64xf32, #tpu.memory_space<hbm>> -> memref<1x64xf32, #tpu.memory_space<hbm>>
      %dma_start3A_271 = tpu.memref_squeeze %dma_start3A_270 : memref<1x64xf32, #tpu.memory_space<hbm>> -> memref<64xf32, #tpu.memory_space<hbm>>
      tpu.enqueue_dma source(%dma_start3A_271 : memref<64xf32, #tpu.memory_space<hbm>>) target(%dma_start3A_268 : memref<64xf32, #tpu.memory_space<vmem>>) target_semaphore(%arg17 : memref<!tpu.dma_semaphore, #tpu.memory_space<semaphore_mem>>)
      %and3A_272 = arith.constant 3 : i32
      %and3A_273 = arith.andi %squeeze3A_256, %and3A_272 : i32
      %swap3A_274 = arith.constant 193 : i32
      %swap3A_275 = arith.index_cast %swap3A_274 : i32 to index
      %swap3A_276 = memref.load %arg15[%swap3A_275] : memref<200xi32, #tpu.memory_space<smem>>
      memref.store %and3A_273, %arg15[%swap3A_275] : memref<200xi32, #tpu.memory_space<smem>>
      %slice3A_277 = vector.extract_strided_slice %add3A_232 {offsets = [10], sizes = [1], strides = [1]} : vector<16xi32> to vector<1xi32>
      %squeeze3A_278 = vector.extract %slice3A_277[0] : i32 from vector<1xi32>
      %shift_right_arithmetic3A_279 = arith.constant 2 : i32
      %shift_right_arithmetic3A_280 = arith.shrsi %squeeze3A_278, %shift_right_arithmetic3A_279 : i32
      %dma_start3A_281 = arith.constant 194 : i32
      %dma_start3A_282 = arith.constant 0 : i32
      %dma_start3A_283 = tpu.memref_slice %arg13[%dma_start3A_281, %dma_start3A_282] : memref<200x64xf32, #tpu.memory_space<vmem>> -> memref<1x64xf32, #tpu.memory_space<vmem>>
      %dma_start3A_284 = tpu.memref_squeeze %dma_start3A_283 : memref<1x64xf32, #tpu.memory_space<vmem>> -> memref<64xf32, #tpu.memory_space<vmem>>
      %dma_start3A_285 = arith.constant 0 : i32
      %dma_start3A_286 = tpu.memref_slice %arg4[%shift_right_arithmetic3A_280, %dma_start3A_285] : memref<1000000x64xf32, #tpu.memory_space<hbm>> -> memref<1x64xf32, #tpu.memory_space<hbm>>
      %dma_start3A_287 = tpu.memref_squeeze %dma_start3A_286 : memref<1x64xf32, #tpu.memory_space<hbm>> -> memref<64xf32, #tpu.memory_space<hbm>>
      %dma_start3A_288 = arith.constant 0 : i32
      %dma_start3A_289 = tpu.memref_slice %arg13[%dma_start3A_281, %dma_start3A_288] : memref<200x64xf32, #tpu.memory_space<vmem>> -> memref<1x64xf32, #tpu.memory_space<vmem>>
      %dma_start3A_290 = tpu.memref_squeeze %dma_start3A_289 : memref<1x64xf32, #tpu.memory_space<vmem>> -> memref<64xf32, #tpu.memory_space<vmem>>
      %dma_start3A_291 = arith.constant 0 : i32
      %dma_start3A_292 = tpu.memref_slice %arg4[%shift_right_arithmetic3A_280, %dma_start3A_291] : memref<1000000x64xf32, #tpu.memory_space<hbm>> -> memref<1x64xf32, #tpu.memory_space<hbm>>
      %dma_start3A_293 = tpu.memref_squeeze %dma_start3A_292 : memref<1x64xf32, #tpu.memory_space<hbm>> -> memref<64xf32, #tpu.memory_space<hbm>>
      tpu.enqueue_dma source(%dma_start3A_293 : memref<64xf32, #tpu.memory_space<hbm>>) target(%dma_start3A_290 : memref<64xf32, #tpu.memory_space<vmem>>) target_semaphore(%arg17 : memref<!tpu.dma_semaphore, #tpu.memory_space<semaphore_mem>>)
      %and3A_294 = arith.constant 3 : i32
      %and3A_295 = arith.andi %squeeze3A_278, %and3A_294 : i32
      %swap3A_296 = arith.constant 194 : i32
      %swap3A_297 = arith.index_cast %swap3A_296 : i32 to index
      %swap3A_298 = memref.load %arg15[%swap3A_297] : memref<200xi32, #tpu.memory_space<smem>>
      memref.store %and3A_295, %arg15[%swap3A_297] : memref<200xi32, #tpu.memory_space<smem>>
      %slice3A_299 = vector.extract_strided_slice %add3A_232 {offsets = [11], sizes = [1], strides = [1]} : vector<16xi32> to vector<1xi32>
      %squeeze3A_300 = vector.extract %slice3A_299[0] : i32 from vector<1xi32>
      %shift_right_arithmetic3A_301 = arith.constant 2 : i32
      %shift_right_arithmetic3A_302 = arith.shrsi %squeeze3A_300, %shift_right_arithmetic3A_301 : i32
      %dma_start3A_303 = arith.constant 195 : i32
      %dma_start3A_304 = arith.constant 0 : i32
      %dma_start3A_305 = tpu.memref_slice %arg13[%dma_start3A_303, %dma_start3A_304] : memref<200x64xf32, #tpu.memory_space<vmem>> -> memref<1x64xf32, #tpu.memory_space<vmem>>
      %dma_start3A_306 = tpu.memref_squeeze %dma_start3A_305 : memref<1x64xf32, #tpu.memory_space<vmem>> -> memref<64xf32, #tpu.memory_space<vmem>>
      %dma_start3A_307 = arith.constant 0 : i32
      %dma_start3A_308 = tpu.memref_slice %arg4[%shift_right_arithmetic3A_302, %dma_start3A_307] : memref<1000000x64xf32, #tpu.memory_space<hbm>> -> memref<1x64xf32, #tpu.memory_space<hbm>>
      %dma_start3A_309 = tpu.memref_squeeze %dma_start3A_308 : memref<1x64xf32, #tpu.memory_space<hbm>> -> memref<64xf32, #tpu.memory_space<hbm>>
      %dma_start3A_310 = arith.constant 0 : i32
      %dma_start3A_311 = tpu.memref_slice %arg13[%dma_start3A_303, %dma_start3A_310] : memref<200x64xf32, #tpu.memory_space<vmem>> -> memref<1x64xf32, #tpu.memory_space<vmem>>
      %dma_start3A_312 = tpu.memref_squeeze %dma_start3A_311 : memref<1x64xf32, #tpu.memory_space<vmem>> -> memref<64xf32, #tpu.memory_space<vmem>>
      %dma_start3A_313 = arith.constant 0 : i32
      %dma_start3A_314 = tpu.memref_slice %arg4[%shift_right_arithmetic3A_302, %dma_start3A_313] : memref<1000000x64xf32, #tpu.memory_space<hbm>> -> memref<1x64xf32, #tpu.memory_space<hbm>>
      %dma_start3A_315 = tpu.memref_squeeze %dma_start3A_314 : memref<1x64xf32, #tpu.memory_space<hbm>> -> memref<64xf32, #tpu.memory_space<hbm>>
      tpu.enqueue_dma source(%dma_start3A_315 : memref<64xf32, #tpu.memory_space<hbm>>) target(%dma_start3A_312 : memref<64xf32, #tpu.memory_space<vmem>>) target_semaphore(%arg17 : memref<!tpu.dma_semaphore, #tpu.memory_space<semaphore_mem>>)
      %and3A_316 = arith.constant 3 : i32
      %and3A_317 = arith.andi %squeeze3A_300, %and3A_316 : i32
      %swap3A_318 = arith.constant 195 : i32
      %swap3A_319 = arith.index_cast %swap3A_318 : i32 to index
      %swap3A_320 = memref.load %arg15[%swap3A_319] : memref<200xi32, #tpu.memory_space<smem>>
      memref.store %and3A_317, %arg15[%swap3A_319] : memref<200xi32, #tpu.memory_space<smem>>
      %slice3A_321 = vector.extract_strided_slice %add3A_232 {offsets = [12], sizes = [1], strides = [1]} : vector<16xi32> to vector<1xi32>
      %squeeze3A_322 = vector.extract %slice3A_321[0] : i32 from vector<1xi32>
      %shift_right_arithmetic3A_323 = arith.constant 2 : i32
      %shift_right_arithmetic3A_324 = arith.shrsi %squeeze3A_322, %shift_right_arithmetic3A_323 : i32
      %dma_start3A_325 = arith.constant 196 : i32
      %dma_start3A_326 = arith.constant 0 : i32
      %dma_start3A_327 = tpu.memref_slice %arg13[%dma_start3A_325, %dma_start3A_326] : memref<200x64xf32, #tpu.memory_space<vmem>> -> memref<1x64xf32, #tpu.memory_space<vmem>>
      %dma_start3A_328 = tpu.memref_squeeze %dma_start3A_327 : memref<1x64xf32, #tpu.memory_space<vmem>> -> memref<64xf32, #tpu.memory_space<vmem>>
      %dma_start3A_329 = arith.constant 0 : i32
      %dma_start3A_330 = tpu.memref_slice %arg4[%shift_right_arithmetic3A_324, %dma_start3A_329] : memref<1000000x64xf32, #tpu.memory_space<hbm>> -> memref<1x64xf32, #tpu.memory_space<hbm>>
      %dma_start3A_331 = tpu.memref_squeeze %dma_start3A_330 : memref<1x64xf32, #tpu.memory_space<hbm>> -> memref<64xf32, #tpu.memory_space<hbm>>
      %dma_start3A_332 = arith.constant 0 : i32
      %dma_start3A_333 = tpu.memref_slice %arg13[%dma_start3A_325, %dma_start3A_332] : memref<200x64xf32, #tpu.memory_space<vmem>> -> memref<1x64xf32, #tpu.memory_space<vmem>>
      %dma_start3A_334 = tpu.memref_squeeze %dma_start3A_333 : memref<1x64xf32, #tpu.memory_space<vmem>> -> memref<64xf32, #tpu.memory_space<vmem>>
      %dma_start3A_335 = arith.constant 0 : i32
      %dma_start3A_336 = tpu.memref_slice %arg4[%shift_right_arithmetic3A_324, %dma_start3A_335] : memref<1000000x64xf32, #tpu.memory_space<hbm>> -> memref<1x64xf32, #tpu.memory_space<hbm>>
      %dma_start3A_337 = tpu.memref_squeeze %dma_start3A_336 : memref<1x64xf32, #tpu.memory_space<hbm>> -> memref<64xf32, #tpu.memory_space<hbm>>
      tpu.enqueue_dma source(%dma_start3A_337 : memref<64xf32, #tpu.memory_space<hbm>>) target(%dma_start3A_334 : memref<64xf32, #tpu.memory_space<vmem>>) target_semaphore(%arg17 : memref<!tpu.dma_semaphore, #tpu.memory_space<semaphore_mem>>)
      %and3A_338 = arith.constant 3 : i32
      %and3A_339 = arith.andi %squeeze3A_322, %and3A_338 : i32
      %swap3A_340 = arith.constant 196 : i32
      %swap3A_341 = arith.index_cast %swap3A_340 : i32 to index
      %swap3A_342 = memref.load %arg15[%swap3A_341] : memref<200xi32, #tpu.memory_space<smem>>
      memref.store %and3A_339, %arg15[%swap3A_341] : memref<200xi32, #tpu.memory_space<smem>>
      %slice3A_343 = vector.extract_strided_slice %add3A_232 {offsets = [13], sizes = [1], strides = [1]} : vector<16xi32> to vector<1xi32>
      %squeeze3A_344 = vector.extract %slice3A_343[0] : i32 from vector<1xi32>
      %shift_right_arithmetic3A_345 = arith.constant 2 : i32
      %shift_right_arithmetic3A_346 = arith.shrsi %squeeze3A_344, %shift_right_arithmetic3A_345 : i32
      %dma_start3A_347 = arith.constant 197 : i32
      %dma_start3A_348 = arith.constant 0 : i32
      %dma_start3A_349 = tpu.memref_slice %arg13[%dma_start3A_347, %dma_start3A_348] : memref<200x64xf32, #tpu.memory_space<vmem>> -> memref<1x64xf32, #tpu.memory_space<vmem>>
      %dma_start3A_350 = tpu.memref_squeeze %dma_start3A_349 : memref<1x64xf32, #tpu.memory_space<vmem>> -> memref<64xf32, #tpu.memory_space<vmem>>
      %dma_start3A_351 = arith.constant 0 : i32
      %dma_start3A_352 = tpu.memref_slice %arg4[%shift_right_arithmetic3A_346, %dma_start3A_351] : memref<1000000x64xf32, #tpu.memory_space<hbm>> -> memref<1x64xf32, #tpu.memory_space<hbm>>
      %dma_start3A_353 = tpu.memref_squeeze %dma_start3A_352 : memref<1x64xf32, #tpu.memory_space<hbm>> -> memref<64xf32, #tpu.memory_space<hbm>>
      %dma_start3A_354 = arith.constant 0 : i32
      %dma_start3A_355 = tpu.memref_slice %arg13[%dma_start3A_347, %dma_start3A_354] : memref<200x64xf32, #tpu.memory_space<vmem>> -> memref<1x64xf32, #tpu.memory_space<vmem>>
      %dma_start3A_356 = tpu.memref_squeeze %dma_start3A_355 : memref<1x64xf32, #tpu.memory_space<vmem>> -> memref<64xf32, #tpu.memory_space<vmem>>
      %dma_start3A_357 = arith.constant 0 : i32
      %dma_start3A_358 = tpu.memref_slice %arg4[%shift_right_arithmetic3A_346, %dma_start3A_357] : memref<1000000x64xf32, #tpu.memory_space<hbm>> -> memref<1x64xf32, #tpu.memory_space<hbm>>
      %dma_start3A_359 = tpu.memref_squeeze %dma_start3A_358 : memref<1x64xf32, #tpu.memory_space<hbm>> -> memref<64xf32, #tpu.memory_space<hbm>>
      tpu.enqueue_dma source(%dma_start3A_359 : memref<64xf32, #tpu.memory_space<hbm>>) target(%dma_start3A_356 : memref<64xf32, #tpu.memory_space<vmem>>) target_semaphore(%arg17 : memref<!tpu.dma_semaphore, #tpu.memory_space<semaphore_mem>>)
      %and3A_360 = arith.constant 3 : i32
      %and3A_361 = arith.andi %squeeze3A_344, %and3A_360 : i32
      %swap3A_362 = arith.constant 197 : i32
      %swap3A_363 = arith.index_cast %swap3A_362 : i32 to index
      %swap3A_364 = memref.load %arg15[%swap3A_363] : memref<200xi32, #tpu.memory_space<smem>>
      memref.store %and3A_361, %arg15[%swap3A_363] : memref<200xi32, #tpu.memory_space<smem>>
      %slice3A_365 = vector.extract_strided_slice %add3A_232 {offsets = [14], sizes = [1], strides = [1]} : vector<16xi32> to vector<1xi32>
      %squeeze3A_366 = vector.extract %slice3A_365[0] : i32 from vector<1xi32>
      %shift_right_arithmetic3A_367 = arith.constant 2 : i32
      %shift_right_arithmetic3A_368 = arith.shrsi %squeeze3A_366, %shift_right_arithmetic3A_367 : i32
      %dma_start3A_369 = arith.constant 198 : i32
      %dma_start3A_370 = arith.constant 0 : i32
      %dma_start3A_371 = tpu.memref_slice %arg13[%dma_start3A_369, %dma_start3A_370] : memref<200x64xf32, #tpu.memory_space<vmem>> -> memref<1x64xf32, #tpu.memory_space<vmem>>
      %dma_start3A_372 = tpu.memref_squeeze %dma_start3A_371 : memref<1x64xf32, #tpu.memory_space<vmem>> -> memref<64xf32, #tpu.memory_space<vmem>>
      %dma_start3A_373 = arith.constant 0 : i32
      %dma_start3A_374 = tpu.memref_slice %arg4[%shift_right_arithmetic3A_368, %dma_start3A_373] : memref<1000000x64xf32, #tpu.memory_space<hbm>> -> memref<1x64xf32, #tpu.memory_space<hbm>>
      %dma_start3A_375 = tpu.memref_squeeze %dma_start3A_374 : memref<1x64xf32, #tpu.memory_space<hbm>> -> memref<64xf32, #tpu.memory_space<hbm>>
      %dma_start3A_376 = arith.constant 0 : i32
      %dma_start3A_377 = tpu.memref_slice %arg13[%dma_start3A_369, %dma_start3A_376] : memref<200x64xf32, #tpu.memory_space<vmem>> -> memref<1x64xf32, #tpu.memory_space<vmem>>
      %dma_start3A_378 = tpu.memref_squeeze %dma_start3A_377 : memref<1x64xf32, #tpu.memory_space<vmem>> -> memref<64xf32, #tpu.memory_space<vmem>>
      %dma_start3A_379 = arith.constant 0 : i32
      %dma_start3A_380 = tpu.memref_slice %arg4[%shift_right_arithmetic3A_368, %dma_start3A_379] : memref<1000000x64xf32, #tpu.memory_space<hbm>> -> memref<1x64xf32, #tpu.memory_space<hbm>>
      %dma_start3A_381 = tpu.memref_squeeze %dma_start3A_380 : memref<1x64xf32, #tpu.memory_space<hbm>> -> memref<64xf32, #tpu.memory_space<hbm>>
      tpu.enqueue_dma source(%dma_start3A_381 : memref<64xf32, #tpu.memory_space<hbm>>) target(%dma_start3A_378 : memref<64xf32, #tpu.memory_space<vmem>>) target_semaphore(%arg17 : memref<!tpu.dma_semaphore, #tpu.memory_space<semaphore_mem>>)
      %and3A_382 = arith.constant 3 : i32
      %and3A_383 = arith.andi %squeeze3A_366, %and3A_382 : i32
      %swap3A_384 = arith.constant 198 : i32
      %swap3A_385 = arith.index_cast %swap3A_384 : i32 to index
      %swap3A_386 = memref.load %arg15[%swap3A_385] : memref<200xi32, #tpu.memory_space<smem>>
      memref.store %and3A_383, %arg15[%swap3A_385] : memref<200xi32, #tpu.memory_space<smem>>
      %slice3A_387 = vector.extract_strided_slice %add3A_232 {offsets = [15], sizes = [1], strides = [1]} : vector<16xi32> to vector<1xi32>
      %squeeze3A_388 = vector.extract %slice3A_387[0] : i32 from vector<1xi32>
      %shift_right_arithmetic3A_389 = arith.constant 2 : i32
      %shift_right_arithmetic3A_390 = arith.shrsi %squeeze3A_388, %shift_right_arithmetic3A_389 : i32
      %dma_start3A_391 = arith.constant 199 : i32
      %dma_start3A_392 = arith.constant 0 : i32
      %dma_start3A_393 = tpu.memref_slice %arg13[%dma_start3A_391, %dma_start3A_392] : memref<200x64xf32, #tpu.memory_space<vmem>> -> memref<1x64xf32, #tpu.memory_space<vmem>>
      %dma_start3A_394 = tpu.memref_squeeze %dma_start3A_393 : memref<1x64xf32, #tpu.memory_space<vmem>> -> memref<64xf32, #tpu.memory_space<vmem>>
      %dma_start3A_395 = arith.constant 0 : i32
      %dma_start3A_396 = tpu.memref_slice %arg4[%shift_right_arithmetic3A_390, %dma_start3A_395] : memref<1000000x64xf32, #tpu.memory_space<hbm>> -> memref<1x64xf32, #tpu.memory_space<hbm>>
      %dma_start3A_397 = tpu.memref_squeeze %dma_start3A_396 : memref<1x64xf32, #tpu.memory_space<hbm>> -> memref<64xf32, #tpu.memory_space<hbm>>
      %dma_start3A_398 = arith.constant 0 : i32
      %dma_start3A_399 = tpu.memref_slice %arg13[%dma_start3A_391, %dma_start3A_398] : memref<200x64xf32, #tpu.memory_space<vmem>> -> memref<1x64xf32, #tpu.memory_space<vmem>>
      %dma_start3A_400 = tpu.memref_squeeze %dma_start3A_399 : memref<1x64xf32, #tpu.memory_space<vmem>> -> memref<64xf32, #tpu.memory_space<vmem>>
      %dma_start3A_401 = arith.constant 0 : i32
      %dma_start3A_402 = tpu.memref_slice %arg4[%shift_right_arithmetic3A_390, %dma_start3A_401] : memref<1000000x64xf32, #tpu.memory_space<hbm>> -> memref<1x64xf32, #tpu.memory_space<hbm>>
      %dma_start3A_403 = tpu.memref_squeeze %dma_start3A_402 : memref<1x64xf32, #tpu.memory_space<hbm>> -> memref<64xf32, #tpu.memory_space<hbm>>
      tpu.enqueue_dma source(%dma_start3A_403 : memref<64xf32, #tpu.memory_space<hbm>>) target(%dma_start3A_400 : memref<64xf32, #tpu.memory_space<vmem>>) target_semaphore(%arg17 : memref<!tpu.dma_semaphore, #tpu.memory_space<semaphore_mem>>)
      %and3A_404 = arith.constant 3 : i32
      %and3A_405 = arith.andi %squeeze3A_388, %and3A_404 : i32
      %swap3A_406 = arith.constant 199 : i32
      %swap3A_407 = arith.index_cast %swap3A_406 : i32 to index
      %swap3A_408 = memref.load %arg15[%swap3A_407] : memref<200xi32, #tpu.memory_space<smem>>
      memref.store %and3A_405, %arg15[%swap3A_407] : memref<200xi32, #tpu.memory_space<smem>>
      %dma_wait3A_409 = arith.constant 0 : i32
      %dma_wait3A_410 = arith.constant 0 : i32
      %dma_wait3A_411 = tpu.memref_slice %arg7[%dma_wait3A_409, %dma_wait3A_410] : memref<204800x64xf32, #tpu.memory_space<hbm>> -> memref<200x64xf32, #tpu.memory_space<hbm>>
      %dma_wait3A_412 = arith.constant 0 : i32
      %dma_wait3A_413 = arith.constant 0 : i32
      %dma_wait3A_414 = tpu.memref_slice %arg7[%dma_wait3A_412, %dma_wait3A_413] : memref<204800x64xf32, #tpu.memory_space<hbm>> -> memref<200x64xf32, #tpu.memory_space<hbm>>
      tpu.wait_dma2 semaphore(%arg16 : memref<!tpu.dma_semaphore, #tpu.memory_space<semaphore_mem>>) src(%dma_wait3A_414 : memref<200x64xf32, #tpu.memory_space<hbm>>) dst(%arg12 : memref<200x64xf32, #tpu.memory_space<vmem>>)
      %scan3A_415 = arith.constant 0 : i32
      %scan3A_416 = arith.constant 0 : i32
      %scan3A_417 = arith.constant 50 : i32
      %scan3A_418 = arith.addi %scan3A_416, %scan3A_417 : i32
      %scan3A_419 = arith.constant 1 : i32
      scf.for %scan3A_461 = %scan3A_416 to %scan3A_418 step %scan3A_419  : i32 {
        %mul3A_462 = arith.constant 4 : i32
        %mul3A_463 = arith.muli %scan3A_461, %mul3A_462 : i32
        %add3A_464 = arith.constant 0 : i32
        %add3A_465 = arith.addi %mul3A_463, %add3A_464 : i32
        %mul3A_466 = arith.constant 3 : i32
        %mul3A_467 = arith.muli %mul3A_466, %add3A_465 : i32
        %get3A_468 = arith.index_cast %add3A_465 : i32 to index
        %get3A_469 = memref.load %arg14[%get3A_468] : memref<200xi32, #tpu.memory_space<smem>>
        %add3A_470 = arith.addi %mul3A_467, %get3A_469 : i32
        %mul3A_471 = arith.constant 64 : i32
        %mul3A_472 = arith.muli %add3A_470, %mul3A_471 : i32
        %multiple_of3A_473 = tpu.assume_multiple %mul3A_472, 64 : i32
        %add3A_474 = arith.constant 0 : i32
        %add3A_475 = arith.addi %multiple_of3A_473, %add3A_474 : i32
        %get3A_476 = arith.index_cast %add3A_475 : i32 to index
        %get3A_477 = tpu.vector_load %arg11[%get3A_476] {strides = array<i32>} : memref<38400xf32, #tpu.memory_space<vmem>>, vector<16xf32>,
        %get3A_478 = vector.shape_cast %get3A_477 : vector<16xf32> to vector<16xf32>
        %swap3A_479 = arith.index_cast %add3A_465 : i32 to index
        %swap3A_480 = arith.constant 0 : index
        %swap3A_481 = tpu.vector_load %arg12[%swap3A_479, %swap3A_480] {strides = array<i32>} : memref<200x64xf32, #tpu.memory_space<vmem>>, vector<1x16xf32>,
        %swap3A_482 = vector.shape_cast %swap3A_481 : vector<1x16xf32> to vector<16xf32>
        %swap3A_483 = vector.shape_cast %get3A_478 : vector<16xf32> to vector<1x16xf32>
        tpu.vector_store %arg12[%swap3A_479, %swap3A_480], %swap3A_483 {add = true, strides = array<i32>} : memref<200x64xf32, #tpu.memory_space<vmem>>, vector<1x16xf32>,
        %add3A_484 = arith.constant 16 : i32
        %add3A_485 = arith.addi %multiple_of3A_473, %add3A_484 : i32
        %get3A_486 = arith.index_cast %add3A_485 : i32 to index
        %get3A_487 = tpu.vector_load %arg11[%get3A_486] {strides = array<i32>} : memref<38400xf32, #tpu.memory_space<vmem>>, vector<16xf32>,
        %get3A_488 = vector.shape_cast %get3A_487 : vector<16xf32> to vector<16xf32>
        %swap3A_489 = arith.index_cast %add3A_465 : i32 to index
        %swap3A_490 = arith.constant 16 : index
        %swap3A_491 = tpu.vector_load %arg12[%swap3A_489, %swap3A_490] {strides = array<i32>} : memref<200x64xf32, #tpu.memory_space<vmem>>, vector<1x16xf32>,
        %swap3A_492 = vector.shape_cast %swap3A_491 : vector<1x16xf32> to vector<16xf32>
        %swap3A_493 = vector.shape_cast %get3A_488 : vector<16xf32> to vector<1x16xf32>
        tpu.vector_store %arg12[%swap3A_489, %swap3A_490], %swap3A_493 {add = true, strides = array<i32>} : memref<200x64xf32, #tpu.memory_space<vmem>>, vector<1x16xf32>,
        %add3A_494 = arith.constant 32 : i32
        %add3A_495 = arith.addi %multiple_of3A_473, %add3A_494 : i32
        %get3A_496 = arith.index_cast %add3A_495 : i32 to index
        %get3A_497 = tpu.vector_load %arg11[%get3A_496] {strides = array<i32>} : memref<38400xf32, #tpu.memory_space<vmem>>, vector<16xf32>,
        %get3A_498 = vector.shape_cast %get3A_497 : vector<16xf32> to vector<16xf32>
        %swap3A_499 = arith.index_cast %add3A_465 : i32 to index
        %swap3A_500 = arith.constant 32 : index
        %swap3A_501 = tpu.vector_load %arg12[%swap3A_499, %swap3A_500] {strides = array<i32>} : memref<200x64xf32, #tpu.memory_space<vmem>>, vector<1x16xf32>,
        %swap3A_502 = vector.shape_cast %swap3A_501 : vector<1x16xf32> to vector<16xf32>
        %swap3A_503 = vector.shape_cast %get3A_498 : vector<16xf32> to vector<1x16xf32>
        tpu.vector_store %arg12[%swap3A_499, %swap3A_500], %swap3A_503 {add = true, strides = array<i32>} : memref<200x64xf32, #tpu.memory_space<vmem>>, vector<1x16xf32>,
        %add3A_504 = arith.constant 48 : i32
        %add3A_505 = arith.addi %multiple_of3A_473, %add3A_504 : i32
        %get3A_506 = arith.index_cast %add3A_505 : i32 to index
        %get3A_507 = tpu.vector_load %arg11[%get3A_506] {strides = array<i32>} : memref<38400xf32, #tpu.memory_space<vmem>>, vector<16xf32>,
        %get3A_508 = vector.shape_cast %get3A_507 : vector<16xf32> to vector<16xf32>
        %swap3A_509 = arith.index_cast %add3A_465 : i32 to index
        %swap3A_510 = arith.constant 48 : index
        %swap3A_511 = tpu.vector_load %arg12[%swap3A_509, %swap3A_510] {strides = array<i32>} : memref<200x64xf32, #tpu.memory_space<vmem>>, vector<1x16xf32>,
        %swap3A_512 = vector.shape_cast %swap3A_511 : vector<1x16xf32> to vector<16xf32>
        %swap3A_513 = vector.shape_cast %get3A_508 : vector<16xf32> to vector<1x16xf32>
        tpu.vector_store %arg12[%swap3A_509, %swap3A_510], %swap3A_513 {add = true, strides = array<i32>} : memref<200x64xf32, #tpu.memory_space<vmem>>, vector<1x16xf32>,
        %mul3A_514 = arith.constant 4 : i32
        %mul3A_515 = arith.muli %scan3A_461, %mul3A_514 : i32
        %add3A_516 = arith.constant 1 : i32
        %add3A_517 = arith.addi %mul3A_515, %add3A_516 : i32
        %mul3A_518 = arith.constant 3 : i32
        %mul3A_519 = arith.muli %mul3A_518, %add3A_517 : i32
        %get3A_520 = arith.index_cast %add3A_517 : i32 to index
        %get3A_521 = memref.load %arg14[%get3A_520] : memref<200xi32, #tpu.memory_space<smem>>
        %add3A_522 = arith.addi %mul3A_519, %get3A_521 : i32
        %mul3A_523 = arith.constant 64 : i32
        %mul3A_524 = arith.muli %add3A_522, %mul3A_523 : i32
        %multiple_of3A_525 = tpu.assume_multiple %mul3A_524, 64 : i32
        %add3A_526 = arith.constant 0 : i32
        %add3A_527 = arith.addi %multiple_of3A_525, %add3A_526 : i32
        %get3A_528 = arith.index_cast %add3A_527 : i32 to index
        %get3A_529 = tpu.vector_load %arg11[%get3A_528] {strides = array<i32>} : memref<38400xf32, #tpu.memory_space<vmem>>, vector<16xf32>,
        %get3A_530 = vector.shape_cast %get3A_529 : vector<16xf32> to vector<16xf32>
        %swap3A_531 = arith.index_cast %add3A_517 : i32 to index
        %swap3A_532 = arith.constant 0 : index
        %swap3A_533 = tpu.vector_load %arg12[%swap3A_531, %swap3A_532] {strides = array<i32>} : memref<200x64xf32, #tpu.memory_space<vmem>>, vector<1x16xf32>,
        %swap3A_534 = vector.shape_cast %swap3A_533 : vector<1x16xf32> to vector<16xf32>
        %swap3A_535 = vector.shape_cast %get3A_530 : vector<16xf32> to vector<1x16xf32>
        tpu.vector_store %arg12[%swap3A_531, %swap3A_532], %swap3A_535 {add = true, strides = array<i32>} : memref<200x64xf32, #tpu.memory_space<vmem>>, vector<1x16xf32>,
        %add3A_536 = arith.constant 16 : i32
        %add3A_537 = arith.addi %multiple_of3A_525, %add3A_536 : i32
        %get3A_538 = arith.index_cast %add3A_537 : i32 to index
        %get3A_539 = tpu.vector_load %arg11[%get3A_538] {strides = array<i32>} : memref<38400xf32, #tpu.memory_space<vmem>>, vector<16xf32>,
        %get3A_540 = vector.shape_cast %get3A_539 : vector<16xf32> to vector<16xf32>
        %swap3A_541 = arith.index_cast %add3A_517 : i32 to index
        %swap3A_542 = arith.constant 16 : index
        %swap3A_543 = tpu.vector_load %arg12[%swap3A_541, %swap3A_542] {strides = array<i32>} : memref<200x64xf32, #tpu.memory_space<vmem>>, vector<1x16xf32>,
        %swap3A_544 = vector.shape_cast %swap3A_543 : vector<1x16xf32> to vector<16xf32>
        %swap3A_545 = vector.shape_cast %get3A_540 : vector<16xf32> to vector<1x16xf32>
        tpu.vector_store %arg12[%swap3A_541, %swap3A_542], %swap3A_545 {add = true, strides = array<i32>} : memref<200x64xf32, #tpu.memory_space<vmem>>, vector<1x16xf32>,
        %add3A_546 = arith.constant 32 : i32
        %add3A_547 = arith.addi %multiple_of3A_525, %add3A_546 : i32
        %get3A_548 = arith.index_cast %add3A_547 : i32 to index
        %get3A_549 = tpu.vector_load %arg11[%get3A_548] {strides = array<i32>} : memref<38400xf32, #tpu.memory_space<vmem>>, vector<16xf32>,
        %get3A_550 = vector.shape_cast %get3A_549 : vector<16xf32> to vector<16xf32>
        %swap3A_551 = arith.index_cast %add3A_517 : i32 to index
        %swap3A_552 = arith.constant 32 : index
        %swap3A_553 = tpu.vector_load %arg12[%swap3A_551, %swap3A_552] {strides = array<i32>} : memref<200x64xf32, #tpu.memory_space<vmem>>, vector<1x16xf32>,
        %swap3A_554 = vector.shape_cast %swap3A_553 : vector<1x16xf32> to vector<16xf32>
        %swap3A_555 = vector.shape_cast %get3A_550 : vector<16xf32> to vector<1x16xf32>
        tpu.vector_store %arg12[%swap3A_551, %swap3A_552], %swap3A_555 {add = true, strides = array<i32>} : memref<200x64xf32, #tpu.memory_space<vmem>>, vector<1x16xf32>,
        %add3A_556 = arith.constant 48 : i32
        %add3A_557 = arith.addi %multiple_of3A_525, %add3A_556 : i32
        %get3A_558 = arith.index_cast %add3A_557 : i32 to index
        %get3A_559 = tpu.vector_load %arg11[%get3A_558] {strides = array<i32>} : memref<38400xf32, #tpu.memory_space<vmem>>, vector<16xf32>,
        %get3A_560 = vector.shape_cast %get3A_559 : vector<16xf32> to vector<16xf32>
        %swap3A_561 = arith.index_cast %add3A_517 : i32 to index
        %swap3A_562 = arith.constant 48 : index
        %swap3A_563 = tpu.vector_load %arg12[%swap3A_561, %swap3A_562] {strides = array<i32>} : memref<200x64xf32, #tpu.memory_space<vmem>>, vector<1x16xf32>,
        %swap3A_564 = vector.shape_cast %swap3A_563 : vector<1x16xf32> to vector<16xf32>
        %swap3A_565 = vector.shape_cast %get3A_560 : vector<16xf32> to vector<1x16xf32>
        tpu.vector_store %arg12[%swap3A_561, %swap3A_562], %swap3A_565 {add = true, strides = array<i32>} : memref<200x64xf32, #tpu.memory_space<vmem>>, vector<1x16xf32>,
        %mul3A_566 = arith.constant 4 : i32
        %mul3A_567 = arith.muli %scan3A_461, %mul3A_566 : i32
        %add3A_568 = arith.constant 2 : i32
        %add3A_569 = arith.addi %mul3A_567, %add3A_568 : i32
        %mul3A_570 = arith.constant 3 : i32
        %mul3A_571 = arith.muli %mul3A_570, %add3A_569 : i32
        %get3A_572 = arith.index_cast %add3A_569 : i32 to index
        %get3A_573 = memref.load %arg14[%get3A_572] : memref<200xi32, #tpu.memory_space<smem>>
        %add3A_574 = arith.addi %mul3A_571, %get3A_573 : i32
        %mul3A_575 = arith.constant 64 : i32
        %mul3A_576 = arith.muli %add3A_574, %mul3A_575 : i32
        %multiple_of3A_577 = tpu.assume_multiple %mul3A_576, 64 : i32
        %add3A_578 = arith.constant 0 : i32
        %add3A_579 = arith.addi %multiple_of3A_577, %add3A_578 : i32
        %get3A_580 = arith.index_cast %add3A_579 : i32 to index
        %get3A_581 = tpu.vector_load %arg11[%get3A_580] {strides = array<i32>} : memref<38400xf32, #tpu.memory_space<vmem>>, vector<16xf32>,
        %get3A_582 = vector.shape_cast %get3A_581 : vector<16xf32> to vector<16xf32>
        %swap3A_583 = arith.index_cast %add3A_569 : i32 to index
        %swap3A_584 = arith.constant 0 : index
        %swap3A_585 = tpu.vector_load %arg12[%swap3A_583, %swap3A_584] {strides = array<i32>} : memref<200x64xf32, #tpu.memory_space<vmem>>, vector<1x16xf32>,
        %swap3A_586 = vector.shape_cast %swap3A_585 : vector<1x16xf32> to vector<16xf32>
        %swap3A_587 = vector.shape_cast %get3A_582 : vector<16xf32> to vector<1x16xf32>
        tpu.vector_store %arg12[%swap3A_583, %swap3A_584], %swap3A_587 {add = true, strides = array<i32>} : memref<200x64xf32, #tpu.memory_space<vmem>>, vector<1x16xf32>,
        %add3A_588 = arith.constant 16 : i32
        %add3A_589 = arith.addi %multiple_of3A_577, %add3A_588 : i32
        %get3A_590 = arith.index_cast %add3A_589 : i32 to index
        %get3A_591 = tpu.vector_load %arg11[%get3A_590] {strides = array<i32>} : memref<38400xf32, #tpu.memory_space<vmem>>, vector<16xf32>,
        %get3A_592 = vector.shape_cast %get3A_591 : vector<16xf32> to vector<16xf32>
        %swap3A_593 = arith.index_cast %add3A_569 : i32 to index
        %swap3A_594 = arith.constant 16 : index
        %swap3A_595 = tpu.vector_load %arg12[%swap3A_593, %swap3A_594] {strides = array<i32>} : memref<200x64xf32, #tpu.memory_space<vmem>>, vector<1x16xf32>,
        %swap3A_596 = vector.shape_cast %swap3A_595 : vector<1x16xf32> to vector<16xf32>
        %swap3A_597 = vector.shape_cast %get3A_592 : vector<16xf32> to vector<1x16xf32>
        tpu.vector_store %arg12[%swap3A_593, %swap3A_594], %swap3A_597 {add = true, strides = array<i32>} : memref<200x64xf32, #tpu.memory_space<vmem>>, vector<1x16xf32>,
        %add3A_598 = arith.constant 32 : i32
        %add3A_599 = arith.addi %multiple_of3A_577, %add3A_598 : i32
        %get3A_600 = arith.index_cast %add3A_599 : i32 to index
        %get3A_601 = tpu.vector_load %arg11[%get3A_600] {strides = array<i32>} : memref<38400xf32, #tpu.memory_space<vmem>>, vector<16xf32>,
        %get3A_602 = vector.shape_cast %get3A_601 : vector<16xf32> to vector<16xf32>
        %swap3A_603 = arith.index_cast %add3A_569 : i32 to index
        %swap3A_604 = arith.constant 32 : index
        %swap3A_605 = tpu.vector_load %arg12[%swap3A_603, %swap3A_604] {strides = array<i32>} : memref<200x64xf32, #tpu.memory_space<vmem>>, vector<1x16xf32>,
        %swap3A_606 = vector.shape_cast %swap3A_605 : vector<1x16xf32> to vector<16xf32>
        %swap3A_607 = vector.shape_cast %get3A_602 : vector<16xf32> to vector<1x16xf32>
        tpu.vector_store %arg12[%swap3A_603, %swap3A_604], %swap3A_607 {add = true, strides = array<i32>} : memref<200x64xf32, #tpu.memory_space<vmem>>, vector<1x16xf32>,
        %add3A_608 = arith.constant 48 : i32
        %add3A_609 = arith.addi %multiple_of3A_577, %add3A_608 : i32
        %get3A_610 = arith.index_cast %add3A_609 : i32 to index
        %get3A_611 = tpu.vector_load %arg11[%get3A_610] {strides = array<i32>} : memref<38400xf32, #tpu.memory_space<vmem>>, vector<16xf32>,
        %get3A_612 = vector.shape_cast %get3A_611 : vector<16xf32> to vector<16xf32>
        %swap3A_613 = arith.index_cast %add3A_569 : i32 to index
        %swap3A_614 = arith.constant 48 : index
        %swap3A_615 = tpu.vector_load %arg12[%swap3A_613, %swap3A_614] {strides = array<i32>} : memref<200x64xf32, #tpu.memory_space<vmem>>, vector<1x16xf32>,
        %swap3A_616 = vector.shape_cast %swap3A_615 : vector<1x16xf32> to vector<16xf32>
        %swap3A_617 = vector.shape_cast %get3A_612 : vector<16xf32> to vector<1x16xf32>
        tpu.vector_store %arg12[%swap3A_613, %swap3A_614], %swap3A_617 {add = true, strides = array<i32>} : memref<200x64xf32, #tpu.memory_space<vmem>>, vector<1x16xf32>,
        %mul3A_618 = arith.constant 4 : i32
        %mul3A_619 = arith.muli %scan3A_461, %mul3A_618 : i32
        %add3A_620 = arith.constant 3 : i32
        %add3A_621 = arith.addi %mul3A_619, %add3A_620 : i32
        %mul3A_622 = arith.constant 3 : i32
        %mul3A_623 = arith.muli %mul3A_622, %add3A_621 : i32
        %get3A_624 = arith.index_cast %add3A_621 : i32 to index
        %get3A_625 = memref.load %arg14[%get3A_624] : memref<200xi32, #tpu.memory_space<smem>>
        %add3A_626 = arith.addi %mul3A_623, %get3A_625 : i32
        %mul3A_627 = arith.constant 64 : i32
        %mul3A_628 = arith.muli %add3A_626, %mul3A_627 : i32
        %multiple_of3A_629 = tpu.assume_multiple %mul3A_628, 64 : i32
        %add3A_630 = arith.constant 0 : i32
        %add3A_631 = arith.addi %multiple_of3A_629, %add3A_630 : i32
        %get3A_632 = arith.index_cast %add3A_631 : i32 to index
        %get3A_633 = tpu.vector_load %arg11[%get3A_632] {strides = array<i32>} : memref<38400xf32, #tpu.memory_space<vmem>>, vector<16xf32>,
        %get3A_634 = vector.shape_cast %get3A_633 : vector<16xf32> to vector<16xf32>
        %swap3A_635 = arith.index_cast %add3A_621 : i32 to index
        %swap3A_636 = arith.constant 0 : index
        %swap3A_637 = tpu.vector_load %arg12[%swap3A_635, %swap3A_636] {strides = array<i32>} : memref<200x64xf32, #tpu.memory_space<vmem>>, vector<1x16xf32>,
        %swap3A_638 = vector.shape_cast %swap3A_637 : vector<1x16xf32> to vector<16xf32>
        %swap3A_639 = vector.shape_cast %get3A_634 : vector<16xf32> to vector<1x16xf32>
        tpu.vector_store %arg12[%swap3A_635, %swap3A_636], %swap3A_639 {add = true, strides = array<i32>} : memref<200x64xf32, #tpu.memory_space<vmem>>, vector<1x16xf32>,
        %add3A_640 = arith.constant 16 : i32
        %add3A_641 = arith.addi %multiple_of3A_629, %add3A_640 : i32
        %get3A_642 = arith.index_cast %add3A_641 : i32 to index
        %get3A_643 = tpu.vector_load %arg11[%get3A_642] {strides = array<i32>} : memref<38400xf32, #tpu.memory_space<vmem>>, vector<16xf32>,
        %get3A_644 = vector.shape_cast %get3A_643 : vector<16xf32> to vector<16xf32>
        %swap3A_645 = arith.index_cast %add3A_621 : i32 to index
        %swap3A_646 = arith.constant 16 : index
        %swap3A_647 = tpu.vector_load %arg12[%swap3A_645, %swap3A_646] {strides = array<i32>} : memref<200x64xf32, #tpu.memory_space<vmem>>, vector<1x16xf32>,
        %swap3A_648 = vector.shape_cast %swap3A_647 : vector<1x16xf32> to vector<16xf32>
        %swap3A_649 = vector.shape_cast %get3A_644 : vector<16xf32> to vector<1x16xf32>
        tpu.vector_store %arg12[%swap3A_645, %swap3A_646], %swap3A_649 {add = true, strides = array<i32>} : memref<200x64xf32, #tpu.memory_space<vmem>>, vector<1x16xf32>,
        %add3A_650 = arith.constant 32 : i32
        %add3A_651 = arith.addi %multiple_of3A_629, %add3A_650 : i32
        %get3A_652 = arith.index_cast %add3A_651 : i32 to index
        %get3A_653 = tpu.vector_load %arg11[%get3A_652] {strides = array<i32>} : memref<38400xf32, #tpu.memory_space<vmem>>, vector<16xf32>,
        %get3A_654 = vector.shape_cast %get3A_653 : vector<16xf32> to vector<16xf32>
        %swap3A_655 = arith.index_cast %add3A_621 : i32 to index
        %swap3A_656 = arith.constant 32 : index
        %swap3A_657 = tpu.vector_load %arg12[%swap3A_655, %swap3A_656] {strides = array<i32>} : memref<200x64xf32, #tpu.memory_space<vmem>>, vector<1x16xf32>,
        %swap3A_658 = vector.shape_cast %swap3A_657 : vector<1x16xf32> to vector<16xf32>
        %swap3A_659 = vector.shape_cast %get3A_654 : vector<16xf32> to vector<1x16xf32>
        tpu.vector_store %arg12[%swap3A_655, %swap3A_656], %swap3A_659 {add = true, strides = array<i32>} : memref<200x64xf32, #tpu.memory_space<vmem>>, vector<1x16xf32>,
        %add3A_660 = arith.constant 48 : i32
        %add3A_661 = arith.addi %multiple_of3A_629, %add3A_660 : i32
        %get3A_662 = arith.index_cast %add3A_661 : i32 to index
        %get3A_663 = tpu.vector_load %arg11[%get3A_662] {strides = array<i32>} : memref<38400xf32, #tpu.memory_space<vmem>>, vector<16xf32>,
        %get3A_664 = vector.shape_cast %get3A_663 : vector<16xf32> to vector<16xf32>
        %swap3A_665 = arith.index_cast %add3A_621 : i32 to index
        %swap3A_666 = arith.constant 48 : index
        %swap3A_667 = tpu.vector_load %arg12[%swap3A_665, %swap3A_666] {strides = array<i32>} : memref<200x64xf32, #tpu.memory_space<vmem>>, vector<1x16xf32>,
        %swap3A_668 = vector.shape_cast %swap3A_667 : vector<1x16xf32> to vector<16xf32>
        %swap3A_669 = vector.shape_cast %get3A_664 : vector<16xf32> to vector<1x16xf32>
        tpu.vector_store %arg12[%swap3A_665, %swap3A_666], %swap3A_669 {add = true, strides = array<i32>} : memref<200x64xf32, #tpu.memory_space<vmem>>, vector<1x16xf32>,
      }
      %scan3A_420 = arith.constant 50 : i32
      %add3A_421 = arith.addi %multiple_of3A, %mul3A_210 : i32
      %mul3A_422 = arith.constant 200 : i32
      %mul3A_423 = arith.muli %add3A_421, %mul3A_422 : i32
      %dma_start3A_424 = arith.constant 0 : i32
      %dma_start3A_425 = tpu.memref_slice %arg7[%mul3A_423, %dma_start3A_424] : memref<204800x64xf32, #tpu.memory_space<hbm>> -> memref<200x64xf32, #tpu.memory_space<hbm>>
      %dma_start3A_426 = arith.constant 0 : i32
      %dma_start3A_427 = tpu.memref_slice %arg7[%mul3A_423, %dma_start3A_426] : memref<204800x64xf32, #tpu.memory_space<hbm>> -> memref<200x64xf32, #tpu.memory_space<hbm>>
      tpu.enqueue_dma source(%arg12 : memref<200x64xf32, #tpu.memory_space<vmem>>) target(%dma_start3A_427 : memref<200x64xf32, #tpu.memory_space<hbm>>) target_semaphore(%arg18 : memref<!tpu.dma_semaphore, #tpu.memory_space<semaphore_mem>>)
      %add3A_428 = arith.constant 1 : i32
      %add3A_429 = arith.addi %mul3A_210, %add3A_428 : i32
      %dma_wait3A_430 = arith.constant 0 : i32
      %dma_wait3A_431 = arith.constant 0 : i32
      %dma_wait3A_432 = tpu.memref_slice %arg7[%dma_wait3A_430, %dma_wait3A_431] : memref<204800x64xf32, #tpu.memory_space<hbm>> -> memref<200x64xf32, #tpu.memory_space<hbm>>
      %dma_wait3A_433 = arith.constant 0 : i32
      %dma_wait3A_434 = arith.constant 0 : i32
      %dma_wait3A_435 = tpu.memref_slice %arg7[%dma_wait3A_433, %dma_wait3A_434] : memref<204800x64xf32, #tpu.memory_space<hbm>> -> memref<200x64xf32, #tpu.memory_space<hbm>>
      tpu.wait_dma2 semaphore(%arg17 : memref<!tpu.dma_semaphore, #tpu.memory_space<semaphore_mem>>) src(%dma_wait3A_435 : memref<200x64xf32, #tpu.memory_space<hbm>>) dst(%arg13 : memref<200x64xf32, #tpu.memory_space<vmem>>)
      %scan3A_436 = arith.constant 0 : i32
      %scan3A_437 = arith.constant 0 : i32
      %scan3A_438 = arith.constant 50 : i32
      %scan3A_439 = arith.addi %scan3A_437, %scan3A_438 : i32
      %scan3A_440 = arith.constant 1 : i32
      scf.for %scan3A_461 = %scan3A_437 to %scan3A_439 step %scan3A_440  : i32 {
        %mul3A_462 = arith.constant 4 : i32
        %mul3A_463 = arith.muli %scan3A_461, %mul3A_462 : i32
        %add3A_464 = arith.constant 0 : i32
        %add3A_465 = arith.addi %mul3A_463, %add3A_464 : i32
        %mul3A_466 = arith.constant 3 : i32
        %mul3A_467 = arith.muli %mul3A_466, %add3A_465 : i32
        %get3A_468 = arith.index_cast %add3A_465 : i32 to index
        %get3A_469 = memref.load %arg15[%get3A_468] : memref<200xi32, #tpu.memory_space<smem>>
        %add3A_470 = arith.addi %mul3A_467, %get3A_469 : i32
        %mul3A_471 = arith.constant 64 : i32
        %mul3A_472 = arith.muli %add3A_470, %mul3A_471 : i32
        %multiple_of3A_473 = tpu.assume_multiple %mul3A_472, 64 : i32
        %add3A_474 = arith.constant 0 : i32
        %add3A_475 = arith.addi %multiple_of3A_473, %add3A_474 : i32
        %get3A_476 = arith.index_cast %add3A_475 : i32 to index
        %get3A_477 = tpu.vector_load %arg11[%get3A_476] {strides = array<i32>} : memref<38400xf32, #tpu.memory_space<vmem>>, vector<16xf32>,
        %get3A_478 = vector.shape_cast %get3A_477 : vector<16xf32> to vector<16xf32>
        %swap3A_479 = arith.index_cast %add3A_465 : i32 to index
        %swap3A_480 = arith.constant 0 : index
        %swap3A_481 = tpu.vector_load %arg13[%swap3A_479, %swap3A_480] {strides = array<i32>} : memref<200x64xf32, #tpu.memory_space<vmem>>, vector<1x16xf32>,
        %swap3A_482 = vector.shape_cast %swap3A_481 : vector<1x16xf32> to vector<16xf32>
        %swap3A_483 = vector.shape_cast %get3A_478 : vector<16xf32> to vector<1x16xf32>
        tpu.vector_store %arg13[%swap3A_479, %swap3A_480], %swap3A_483 {add = true, strides = array<i32>} : memref<200x64xf32, #tpu.memory_space<vmem>>, vector<1x16xf32>,
        %add3A_484 = arith.constant 16 : i32
        %add3A_485 = arith.addi %multiple_of3A_473, %add3A_484 : i32
        %get3A_486 = arith.index_cast %add3A_485 : i32 to index
        %get3A_487 = tpu.vector_load %arg11[%get3A_486] {strides = array<i32>} : memref<38400xf32, #tpu.memory_space<vmem>>, vector<16xf32>,
        %get3A_488 = vector.shape_cast %get3A_487 : vector<16xf32> to vector<16xf32>
        %swap3A_489 = arith.index_cast %add3A_465 : i32 to index
        %swap3A_490 = arith.constant 16 : index
        %swap3A_491 = tpu.vector_load %arg13[%swap3A_489, %swap3A_490] {strides = array<i32>} : memref<200x64xf32, #tpu.memory_space<vmem>>, vector<1x16xf32>,
        %swap3A_492 = vector.shape_cast %swap3A_491 : vector<1x16xf32> to vector<16xf32>
        %swap3A_493 = vector.shape_cast %get3A_488 : vector<16xf32> to vector<1x16xf32>
        tpu.vector_store %arg13[%swap3A_489, %swap3A_490], %swap3A_493 {add = true, strides = array<i32>} : memref<200x64xf32, #tpu.memory_space<vmem>>, vector<1x16xf32>,
        %add3A_494 = arith.constant 32 : i32
        %add3A_495 = arith.addi %multiple_of3A_473, %add3A_494 : i32
        %get3A_496 = arith.index_cast %add3A_495 : i32 to index
        %get3A_497 = tpu.vector_load %arg11[%get3A_496] {strides = array<i32>} : memref<38400xf32, #tpu.memory_space<vmem>>, vector<16xf32>,
        %get3A_498 = vector.shape_cast %get3A_497 : vector<16xf32> to vector<16xf32>
        %swap3A_499 = arith.index_cast %add3A_465 : i32 to index
        %swap3A_500 = arith.constant 32 : index
        %swap3A_501 = tpu.vector_load %arg13[%swap3A_499, %swap3A_500] {strides = array<i32>} : memref<200x64xf32, #tpu.memory_space<vmem>>, vector<1x16xf32>,
        %swap3A_502 = vector.shape_cast %swap3A_501 : vector<1x16xf32> to vector<16xf32>
        %swap3A_503 = vector.shape_cast %get3A_498 : vector<16xf32> to vector<1x16xf32>
        tpu.vector_store %arg13[%swap3A_499, %swap3A_500], %swap3A_503 {add = true, strides = array<i32>} : memref<200x64xf32, #tpu.memory_space<vmem>>, vector<1x16xf32>,
        %add3A_504 = arith.constant 48 : i32
        %add3A_505 = arith.addi %multiple_of3A_473, %add3A_504 : i32
        %get3A_506 = arith.index_cast %add3A_505 : i32 to index
        %get3A_507 = tpu.vector_load %arg11[%get3A_506] {strides = array<i32>} : memref<38400xf32, #tpu.memory_space<vmem>>, vector<16xf32>,
        %get3A_508 = vector.shape_cast %get3A_507 : vector<16xf32> to vector<16xf32>
        %swap3A_509 = arith.index_cast %add3A_465 : i32 to index
        %swap3A_510 = arith.constant 48 : index
        %swap3A_511 = tpu.vector_load %arg13[%swap3A_509, %swap3A_510] {strides = array<i32>} : memref<200x64xf32, #tpu.memory_space<vmem>>, vector<1x16xf32>,
        %swap3A_512 = vector.shape_cast %swap3A_511 : vector<1x16xf32> to vector<16xf32>
        %swap3A_513 = vector.shape_cast %get3A_508 : vector<16xf32> to vector<1x16xf32>
        tpu.vector_store %arg13[%swap3A_509, %swap3A_510], %swap3A_513 {add = true, strides = array<i32>} : memref<200x64xf32, #tpu.memory_space<vmem>>, vector<1x16xf32>,
        %mul3A_514 = arith.constant 4 : i32
        %mul3A_515 = arith.muli %scan3A_461, %mul3A_514 : i32
        %add3A_516 = arith.constant 1 : i32
        %add3A_517 = arith.addi %mul3A_515, %add3A_516 : i32
        %mul3A_518 = arith.constant 3 : i32
        %mul3A_519 = arith.muli %mul3A_518, %add3A_517 : i32
        %get3A_520 = arith.index_cast %add3A_517 : i32 to index
        %get3A_521 = memref.load %arg15[%get3A_520] : memref<200xi32, #tpu.memory_space<smem>>
        %add3A_522 = arith.addi %mul3A_519, %get3A_521 : i32
        %mul3A_523 = arith.constant 64 : i32
        %mul3A_524 = arith.muli %add3A_522, %mul3A_523 : i32
        %multiple_of3A_525 = tpu.assume_multiple %mul3A_524, 64 : i32
        %add3A_526 = arith.constant 0 : i32
        %add3A_527 = arith.addi %multiple_of3A_525, %add3A_526 : i32
        %get3A_528 = arith.index_cast %add3A_527 : i32 to index
        %get3A_529 = tpu.vector_load %arg11[%get3A_528] {strides = array<i32>} : memref<38400xf32, #tpu.memory_space<vmem>>, vector<16xf32>,
        %get3A_530 = vector.shape_cast %get3A_529 : vector<16xf32> to vector<16xf32>
        %swap3A_531 = arith.index_cast %add3A_517 : i32 to index
        %swap3A_532 = arith.constant 0 : index
        %swap3A_533 = tpu.vector_load %arg13[%swap3A_531, %swap3A_532] {strides = array<i32>} : memref<200x64xf32, #tpu.memory_space<vmem>>, vector<1x16xf32>,
        %swap3A_534 = vector.shape_cast %swap3A_533 : vector<1x16xf32> to vector<16xf32>
        %swap3A_535 = vector.shape_cast %get3A_530 : vector<16xf32> to vector<1x16xf32>
        tpu.vector_store %arg13[%swap3A_531, %swap3A_532], %swap3A_535 {add = true, strides = array<i32>} : memref<200x64xf32, #tpu.memory_space<vmem>>, vector<1x16xf32>,
        %add3A_536 = arith.constant 16 : i32
        %add3A_537 = arith.addi %multiple_of3A_525, %add3A_536 : i32
        %get3A_538 = arith.index_cast %add3A_537 : i32 to index
        %get3A_539 = tpu.vector_load %arg11[%get3A_538] {strides = array<i32>} : memref<38400xf32, #tpu.memory_space<vmem>>, vector<16xf32>,
        %get3A_540 = vector.shape_cast %get3A_539 : vector<16xf32> to vector<16xf32>
        %swap3A_541 = arith.index_cast %add3A_517 : i32 to index
        %swap3A_542 = arith.constant 16 : index
        %swap3A_543 = tpu.vector_load %arg13[%swap3A_541, %swap3A_542] {strides = array<i32>} : memref<200x64xf32, #tpu.memory_space<vmem>>, vector<1x16xf32>,
        %swap3A_544 = vector.shape_cast %swap3A_543 : vector<1x16xf32> to vector<16xf32>
        %swap3A_545 = vector.shape_cast %get3A_540 : vector<16xf32> to vector<1x16xf32>
        tpu.vector_store %arg13[%swap3A_541, %swap3A_542], %swap3A_545 {add = true, strides = array<i32>} : memref<200x64xf32, #tpu.memory_space<vmem>>, vector<1x16xf32>,
        %add3A_546 = arith.constant 32 : i32
        %add3A_547 = arith.addi %multiple_of3A_525, %add3A_546 : i32
        %get3A_548 = arith.index_cast %add3A_547 : i32 to index
        %get3A_549 = tpu.vector_load %arg11[%get3A_548] {strides = array<i32>} : memref<38400xf32, #tpu.memory_space<vmem>>, vector<16xf32>,
        %get3A_550 = vector.shape_cast %get3A_549 : vector<16xf32> to vector<16xf32>
        %swap3A_551 = arith.index_cast %add3A_517 : i32 to index
        %swap3A_552 = arith.constant 32 : index
        %swap3A_553 = tpu.vector_load %arg13[%swap3A_551, %swap3A_552] {strides = array<i32>} : memref<200x64xf32, #tpu.memory_space<vmem>>, vector<1x16xf32>,
        %swap3A_554 = vector.shape_cast %swap3A_553 : vector<1x16xf32> to vector<16xf32>
        %swap3A_555 = vector.shape_cast %get3A_550 : vector<16xf32> to vector<1x16xf32>
        tpu.vector_store %arg13[%swap3A_551, %swap3A_552], %swap3A_555 {add = true, strides = array<i32>} : memref<200x64xf32, #tpu.memory_space<vmem>>, vector<1x16xf32>,
        %add3A_556 = arith.constant 48 : i32
        %add3A_557 = arith.addi %multiple_of3A_525, %add3A_556 : i32
        %get3A_558 = arith.index_cast %add3A_557 : i32 to index
        %get3A_559 = tpu.vector_load %arg11[%get3A_558] {strides = array<i32>} : memref<38400xf32, #tpu.memory_space<vmem>>, vector<16xf32>,
        %get3A_560 = vector.shape_cast %get3A_559 : vector<16xf32> to vector<16xf32>
        %swap3A_561 = arith.index_cast %add3A_517 : i32 to index
        %swap3A_562 = arith.constant 48 : index
        %swap3A_563 = tpu.vector_load %arg13[%swap3A_561, %swap3A_562] {strides = array<i32>} : memref<200x64xf32, #tpu.memory_space<vmem>>, vector<1x16xf32>,
        %swap3A_564 = vector.shape_cast %swap3A_563 : vector<1x16xf32> to vector<16xf32>
        %swap3A_565 = vector.shape_cast %get3A_560 : vector<16xf32> to vector<1x16xf32>
        tpu.vector_store %arg13[%swap3A_561, %swap3A_562], %swap3A_565 {add = true, strides = array<i32>} : memref<200x64xf32, #tpu.memory_space<vmem>>, vector<1x16xf32>,
        %mul3A_566 = arith.constant 4 : i32
        %mul3A_567 = arith.muli %scan3A_461, %mul3A_566 : i32
        %add3A_568 = arith.constant 2 : i32
        %add3A_569 = arith.addi %mul3A_567, %add3A_568 : i32
        %mul3A_570 = arith.constant 3 : i32
        %mul3A_571 = arith.muli %mul3A_570, %add3A_569 : i32
        %get3A_572 = arith.index_cast %add3A_569 : i32 to index
        %get3A_573 = memref.load %arg15[%get3A_572] : memref<200xi32, #tpu.memory_space<smem>>
        %add3A_574 = arith.addi %mul3A_571, %get3A_573 : i32
        %mul3A_575 = arith.constant 64 : i32
        %mul3A_576 = arith.muli %add3A_574, %mul3A_575 : i32
        %multiple_of3A_577 = tpu.assume_multiple %mul3A_576, 64 : i32
        %add3A_578 = arith.constant 0 : i32
        %add3A_579 = arith.addi %multiple_of3A_577, %add3A_578 : i32
        %get3A_580 = arith.index_cast %add3A_579 : i32 to index
        %get3A_581 = tpu.vector_load %arg11[%get3A_580] {strides = array<i32>} : memref<38400xf32, #tpu.memory_space<vmem>>, vector<16xf32>,
        %get3A_582 = vector.shape_cast %get3A_581 : vector<16xf32> to vector<16xf32>
        %swap3A_583 = arith.index_cast %add3A_569 : i32 to index
        %swap3A_584 = arith.constant 0 : index
        %swap3A_585 = tpu.vector_load %arg13[%swap3A_583, %swap3A_584] {strides = array<i32>} : memref<200x64xf32, #tpu.memory_space<vmem>>, vector<1x16xf32>,
        %swap3A_586 = vector.shape_cast %swap3A_585 : vector<1x16xf32> to vector<16xf32>
        %swap3A_587 = vector.shape_cast %get3A_582 : vector<16xf32> to vector<1x16xf32>
        tpu.vector_store %arg13[%swap3A_583, %swap3A_584], %swap3A_587 {add = true, strides = array<i32>} : memref<200x64xf32, #tpu.memory_space<vmem>>, vector<1x16xf32>,
        %add3A_588 = arith.constant 16 : i32
        %add3A_589 = arith.addi %multiple_of3A_577, %add3A_588 : i32
        %get3A_590 = arith.index_cast %add3A_589 : i32 to index
        %get3A_591 = tpu.vector_load %arg11[%get3A_590] {strides = array<i32>} : memref<38400xf32, #tpu.memory_space<vmem>>, vector<16xf32>,
        %get3A_592 = vector.shape_cast %get3A_591 : vector<16xf32> to vector<16xf32>
        %swap3A_593 = arith.index_cast %add3A_569 : i32 to index
        %swap3A_594 = arith.constant 16 : index
        %swap3A_595 = tpu.vector_load %arg13[%swap3A_593, %swap3A_594] {strides = array<i32>} : memref<200x64xf32, #tpu.memory_space<vmem>>, vector<1x16xf32>,
        %swap3A_596 = vector.shape_cast %swap3A_595 : vector<1x16xf32> to vector<16xf32>
        %swap3A_597 = vector.shape_cast %get3A_592 : vector<16xf32> to vector<1x16xf32>
        tpu.vector_store %arg13[%swap3A_593, %swap3A_594], %swap3A_597 {add = true, strides = array<i32>} : memref<200x64xf32, #tpu.memory_space<vmem>>, vector<1x16xf32>,
        %add3A_598 = arith.constant 32 : i32
        %add3A_599 = arith.addi %multiple_of3A_577, %add3A_598 : i32
        %get3A_600 = arith.index_cast %add3A_599 : i32 to index
        %get3A_601 = tpu.vector_load %arg11[%get3A_600] {strides = array<i32>} : memref<38400xf32, #tpu.memory_space<vmem>>, vector<16xf32>,
        %get3A_602 = vector.shape_cast %get3A_601 : vector<16xf32> to vector<16xf32>
        %swap3A_603 = arith.index_cast %add3A_569 : i32 to index
        %swap3A_604 = arith.constant 32 : index
        %swap3A_605 = tpu.vector_load %arg13[%swap3A_603, %swap3A_604] {strides = array<i32>} : memref<200x64xf32, #tpu.memory_space<vmem>>, vector<1x16xf32>,
        %swap3A_606 = vector.shape_cast %swap3A_605 : vector<1x16xf32> to vector<16xf32>
        %swap3A_607 = vector.shape_cast %get3A_602 : vector<16xf32> to vector<1x16xf32>
        tpu.vector_store %arg13[%swap3A_603, %swap3A_604], %swap3A_607 {add = true, strides = array<i32>} : memref<200x64xf32, #tpu.memory_space<vmem>>, vector<1x16xf32>,
        %add3A_608 = arith.constant 48 : i32
        %add3A_609 = arith.addi %multiple_of3A_577, %add3A_608 : i32
        %get3A_610 = arith.index_cast %add3A_609 : i32 to index
        %get3A_611 = tpu.vector_load %arg11[%get3A_610] {strides = array<i32>} : memref<38400xf32, #tpu.memory_space<vmem>>, vector<16xf32>,
        %get3A_612 = vector.shape_cast %get3A_611 : vector<16xf32> to vector<16xf32>
        %swap3A_613 = arith.index_cast %add3A_569 : i32 to index
        %swap3A_614 = arith.constant 48 : index
        %swap3A_615 = tpu.vector_load %arg13[%swap3A_613, %swap3A_614] {strides = array<i32>} : memref<200x64xf32, #tpu.memory_space<vmem>>, vector<1x16xf32>,
        %swap3A_616 = vector.shape_cast %swap3A_615 : vector<1x16xf32> to vector<16xf32>
        %swap3A_617 = vector.shape_cast %get3A_612 : vector<16xf32> to vector<1x16xf32>
        tpu.vector_store %arg13[%swap3A_613, %swap3A_614], %swap3A_617 {add = true, strides = array<i32>} : memref<200x64xf32, #tpu.memory_space<vmem>>, vector<1x16xf32>,
        %mul3A_618 = arith.constant 4 : i32
        %mul3A_619 = arith.muli %scan3A_461, %mul3A_618 : i32
        %add3A_620 = arith.constant 3 : i32
        %add3A_621 = arith.addi %mul3A_619, %add3A_620 : i32
        %mul3A_622 = arith.constant 3 : i32
        %mul3A_623 = arith.muli %mul3A_622, %add3A_621 : i32
        %get3A_624 = arith.index_cast %add3A_621 : i32 to index
        %get3A_625 = memref.load %arg15[%get3A_624] : memref<200xi32, #tpu.memory_space<smem>>
        %add3A_626 = arith.addi %mul3A_623, %get3A_625 : i32
        %mul3A_627 = arith.constant 64 : i32
        %mul3A_628 = arith.muli %add3A_626, %mul3A_627 : i32
        %multiple_of3A_629 = tpu.assume_multiple %mul3A_628, 64 : i32
        %add3A_630 = arith.constant 0 : i32
        %add3A_631 = arith.addi %multiple_of3A_629, %add3A_630 : i32
        %get3A_632 = arith.index_cast %add3A_631 : i32 to index
        %get3A_633 = tpu.vector_load %arg11[%get3A_632] {strides = array<i32>} : memref<38400xf32, #tpu.memory_space<vmem>>, vector<16xf32>,
        %get3A_634 = vector.shape_cast %get3A_633 : vector<16xf32> to vector<16xf32>
        %swap3A_635 = arith.index_cast %add3A_621 : i32 to index
        %swap3A_636 = arith.constant 0 : index
        %swap3A_637 = tpu.vector_load %arg13[%swap3A_635, %swap3A_636] {strides = array<i32>} : memref<200x64xf32, #tpu.memory_space<vmem>>, vector<1x16xf32>,
        %swap3A_638 = vector.shape_cast %swap3A_637 : vector<1x16xf32> to vector<16xf32>
        %swap3A_639 = vector.shape_cast %get3A_634 : vector<16xf32> to vector<1x16xf32>
        tpu.vector_store %arg13[%swap3A_635, %swap3A_636], %swap3A_639 {add = true, strides = array<i32>} : memref<200x64xf32, #tpu.memory_space<vmem>>, vector<1x16xf32>,
        %add3A_640 = arith.constant 16 : i32
        %add3A_641 = arith.addi %multiple_of3A_629, %add3A_640 : i32
        %get3A_642 = arith.index_cast %add3A_641 : i32 to index
        %get3A_643 = tpu.vector_load %arg11[%get3A_642] {strides = array<i32>} : memref<38400xf32, #tpu.memory_space<vmem>>, vector<16xf32>,
        %get3A_644 = vector.shape_cast %get3A_643 : vector<16xf32> to vector<16xf32>
        %swap3A_645 = arith.index_cast %add3A_621 : i32 to index
        %swap3A_646 = arith.constant 16 : index
        %swap3A_647 = tpu.vector_load %arg13[%swap3A_645, %swap3A_646] {strides = array<i32>} : memref<200x64xf32, #tpu.memory_space<vmem>>, vector<1x16xf32>,
        %swap3A_648 = vector.shape_cast %swap3A_647 : vector<1x16xf32> to vector<16xf32>
        %swap3A_649 = vector.shape_cast %get3A_644 : vector<16xf32> to vector<1x16xf32>
        tpu.vector_store %arg13[%swap3A_645, %swap3A_646], %swap3A_649 {add = true, strides = array<i32>} : memref<200x64xf32, #tpu.memory_space<vmem>>, vector<1x16xf32>,
        %add3A_650 = arith.constant 32 : i32
        %add3A_651 = arith.addi %multiple_of3A_629, %add3A_650 : i32
        %get3A_652 = arith.index_cast %add3A_651 : i32 to index
        %get3A_653 = tpu.vector_load %arg11[%get3A_652] {strides = array<i32>} : memref<38400xf32, #tpu.memory_space<vmem>>, vector<16xf32>,
        %get3A_654 = vector.shape_cast %get3A_653 : vector<16xf32> to vector<16xf32>
        %swap3A_655 = arith.index_cast %add3A_621 : i32 to index
        %swap3A_656 = arith.constant 32 : index
        %swap3A_657 = tpu.vector_load %arg13[%swap3A_655, %swap3A_656] {strides = array<i32>} : memref<200x64xf32, #tpu.memory_space<vmem>>, vector<1x16xf32>,
        %swap3A_658 = vector.shape_cast %swap3A_657 : vector<1x16xf32> to vector<16xf32>
        %swap3A_659 = vector.shape_cast %get3A_654 : vector<16xf32> to vector<1x16xf32>
        tpu.vector_store %arg13[%swap3A_655, %swap3A_656], %swap3A_659 {add = true, strides = array<i32>} : memref<200x64xf32, #tpu.memory_space<vmem>>, vector<1x16xf32>,
        %add3A_660 = arith.constant 48 : i32
        %add3A_661 = arith.addi %multiple_of3A_629, %add3A_660 : i32
        %get3A_662 = arith.index_cast %add3A_661 : i32 to index
        %get3A_663 = tpu.vector_load %arg11[%get3A_662] {strides = array<i32>} : memref<38400xf32, #tpu.memory_space<vmem>>, vector<16xf32>,
        %get3A_664 = vector.shape_cast %get3A_663 : vector<16xf32> to vector<16xf32>
        %swap3A_665 = arith.index_cast %add3A_621 : i32 to index
        %swap3A_666 = arith.constant 48 : index
        %swap3A_667 = tpu.vector_load %arg13[%swap3A_665, %swap3A_666] {strides = array<i32>} : memref<200x64xf32, #tpu.memory_space<vmem>>, vector<1x16xf32>,
        %swap3A_668 = vector.shape_cast %swap3A_667 : vector<1x16xf32> to vector<16xf32>
        %swap3A_669 = vector.shape_cast %get3A_664 : vector<16xf32> to vector<1x16xf32>
        tpu.vector_store %arg13[%swap3A_665, %swap3A_666], %swap3A_669 {add = true, strides = array<i32>} : memref<200x64xf32, #tpu.memory_space<vmem>>, vector<1x16xf32>,
      }
      %scan3A_441 = arith.constant 50 : i32
      %add3A_442 = arith.addi %multiple_of3A, %add3A_429 : i32
      %mul3A_443 = arith.constant 200 : i32
      %mul3A_444 = arith.muli %add3A_442, %mul3A_443 : i32
      %dma_start3A_445 = arith.constant 0 : i32
      %dma_start3A_446 = tpu.memref_slice %arg7[%mul3A_444, %dma_start3A_445] : memref<204800x64xf32, #tpu.memory_space<hbm>> -> memref<200x64xf32, #tpu.memory_space<hbm>>
      %dma_start3A_447 = arith.constant 0 : i32
      %dma_start3A_448 = tpu.memref_slice %arg7[%mul3A_444, %dma_start3A_447] : memref<204800x64xf32, #tpu.memory_space<hbm>> -> memref<200x64xf32, #tpu.memory_space<hbm>>
      tpu.enqueue_dma source(%arg13 : memref<200x64xf32, #tpu.memory_space<vmem>>) target(%dma_start3A_448 : memref<200x64xf32, #tpu.memory_space<hbm>>) target_semaphore(%arg19 : memref<!tpu.dma_semaphore, #tpu.memory_space<semaphore_mem>>)
      %dma_wait3A_449 = arith.constant 0 : i32
      %dma_wait3A_450 = arith.constant 0 : i32
      %dma_wait3A_451 = tpu.memref_slice %arg7[%dma_wait3A_449, %dma_wait3A_450] : memref<204800x64xf32, #tpu.memory_space<hbm>> -> memref<200x64xf32, #tpu.memory_space<hbm>>
      %dma_wait3A_452 = arith.constant 0 : i32
      %dma_wait3A_453 = arith.constant 0 : i32
      %dma_wait3A_454 = tpu.memref_slice %arg7[%dma_wait3A_452, %dma_wait3A_453] : memref<204800x64xf32, #tpu.memory_space<hbm>> -> memref<200x64xf32, #tpu.memory_space<hbm>>
      tpu.wait_dma2 semaphore(%arg18 : memref<!tpu.dma_semaphore, #tpu.memory_space<semaphore_mem>>) src(%arg12 : memref<200x64xf32, #tpu.memory_space<vmem>>) dst(%dma_wait3A_454 : memref<200x64xf32, #tpu.memory_space<hbm>>)
      %add3A_455 = arith.constant 1 : i32
      %add3A_456 = arith.addi %scan3A_208, %add3A_455 : i32
      %lt3A = arith.constant 16 : i32
      %lt3A_457 = arith.cmpi slt, %add3A_456, %lt3A : i32
      %convert_element_type3A_458 = arith.extui %lt3A_457 : i1 to i32
      %cond3A_459 = arith.constant 0 : i32
      %cond3A_460 = arith.cmpi ne, %convert_element_type3A_458, %cond3A_459 : i32
      scf.if %cond3A_460 {
        %add3A_461 = arith.constant 2 : i32
        %add3A_462 = arith.addi %mul3A_210, %add3A_461 : i32
        %scan3A_463 = arith.constant 0 : i32
        %scan3A_464 = arith.constant 0 : i32
        %scan3A_465 = arith.constant 6 : i32
        %scan3A_466 = arith.addi %scan3A_464, %scan3A_465 : i32
        %scan3A_467 = arith.constant 1 : i32
        scf.for %scan3A_657 = %scan3A_464 to %scan3A_466 step %scan3A_467  : i32 {
          %mul3A_658 = arith.constant 2 : i32
          %mul3A_659 = arith.muli %scan3A_657, %mul3A_658 : i32
          %add3A_660 = arith.constant 0 : i32
          %add3A_661 = arith.addi %mul3A_659, %add3A_660 : i32
          %mul3A_662 = arith.constant 16 : i32
          %mul3A_663 = arith.muli %add3A_661, %mul3A_662 : i32
          %multiple_of3A_664 = tpu.assume_multiple %mul3A_663, 16 : i32
          %get3A_665 = arith.index_cast %add3A_462 : i32 to index
          %get3A_666 = arith.index_cast %multiple_of3A_664 : i32 to index
          %get3A_667 = tpu.vector_load %arg8[%get3A_665, %get3A_666] {strides = array<i32>} : memref<32x200xi32, #tpu.memory_space<vmem>>, vector<1x16xi32>,
          %get3A_668 = vector.shape_cast %get3A_667 : vector<1x16xi32> to vector<16xi32>
          %get3A_669 = arith.index_cast %add3A_462 : i32 to index
          %get3A_670 = arith.index_cast %multiple_of3A_664 : i32 to index
          %get3A_671 = tpu.vector_load %arg9[%get3A_669, %get3A_670] {strides = array<i32>} : memref<32x200xi32, #tpu.memory_space<vmem>>, vector<1x16xi32>,
          %get3A_672 = vector.shape_cast %get3A_671 : vector<1x16xi32> to vector<16xi32>
          %mul3A_673 = arith.constant 4 : i32
          %mul3A_674 = vector.broadcast %mul3A_673 : i32 to vector<16xi32>
          %mul3A_675 = arith.muli %get3A_668, %mul3A_674 : vector<16xi32>
          %add3A_676 = arith.addi %mul3A_675, %get3A_672 : vector<16xi32>
          %slice3A_677 = vector.extract_strided_slice %add3A_676 {offsets = [0], sizes = [1], strides = [1]} : vector<16xi32> to vector<1xi32>
          %squeeze3A_678 = vector.extract %slice3A_677[0] : i32 from vector<1xi32>
          %shift_right_arithmetic3A_679 = arith.constant 2 : i32
          %shift_right_arithmetic3A_680 = arith.shrsi %squeeze3A_678, %shift_right_arithmetic3A_679 : i32
          %add3A_681 = arith.constant 0 : i32
          %add3A_682 = arith.addi %multiple_of3A_664, %add3A_681 : i32
          %dma_start3A_683 = arith.constant 0 : i32
          %dma_start3A_684 = tpu.memref_slice %arg12[%add3A_682, %dma_start3A_683] : memref<200x64xf32, #tpu.memory_space<vmem>> -> memref<1x64xf32, #tpu.memory_space<vmem>>
          %dma_start3A_685 = tpu.memref_squeeze %dma_start3A_684 : memref<1x64xf32, #tpu.memory_space<vmem>> -> memref<64xf32, #tpu.memory_space<vmem>>
          %dma_start3A_686 = arith.constant 0 : i32
          %dma_start3A_687 = tpu.memref_slice %arg4[%shift_right_arithmetic3A_680, %dma_start3A_686] : memref<1000000x64xf32, #tpu.memory_space<hbm>> -> memref<1x64xf32, #tpu.memory_space<hbm>>
          %dma_start3A_688 = tpu.memref_squeeze %dma_start3A_687 : memref<1x64xf32, #tpu.memory_space<hbm>> -> memref<64xf32, #tpu.memory_space<hbm>>
          %dma_start3A_689 = arith.constant 0 : i32
          %dma_start3A_690 = tpu.memref_slice %arg12[%add3A_682, %dma_start3A_689] : memref<200x64xf32, #tpu.memory_space<vmem>> -> memref<1x64xf32, #tpu.memory_space<vmem>>
          %dma_start3A_691 = tpu.memref_squeeze %dma_start3A_690 : memref<1x64xf32, #tpu.memory_space<vmem>> -> memref<64xf32, #tpu.memory_space<vmem>>
          %dma_start3A_692 = arith.constant 0 : i32
          %dma_start3A_693 = tpu.memref_slice %arg4[%shift_right_arithmetic3A_680, %dma_start3A_692] : memref<1000000x64xf32, #tpu.memory_space<hbm>> -> memref<1x64xf32, #tpu.memory_space<hbm>>
          %dma_start3A_694 = tpu.memref_squeeze %dma_start3A_693 : memref<1x64xf32, #tpu.memory_space<hbm>> -> memref<64xf32, #tpu.memory_space<hbm>>
          tpu.enqueue_dma source(%dma_start3A_694 : memref<64xf32, #tpu.memory_space<hbm>>) target(%dma_start3A_691 : memref<64xf32, #tpu.memory_space<vmem>>) target_semaphore(%arg16 : memref<!tpu.dma_semaphore, #tpu.memory_space<semaphore_mem>>)
          %and3A_695 = arith.constant 3 : i32
          %and3A_696 = arith.andi %squeeze3A_678, %and3A_695 : i32
          %add3A_697 = arith.constant 0 : i32
          %add3A_698 = arith.addi %multiple_of3A_664, %add3A_697 : i32
          %swap3A_699 = arith.index_cast %add3A_698 : i32 to index
          %swap3A_700 = memref.load %arg14[%swap3A_699] : memref<200xi32, #tpu.memory_space<smem>>
          memref.store %and3A_696, %arg14[%swap3A_699] : memref<200xi32, #tpu.memory_space<smem>>
          %slice3A_701 = vector.extract_strided_slice %add3A_676 {offsets = [1], sizes = [1], strides = [1]} : vector<16xi32> to vector<1xi32>
          %squeeze3A_702 = vector.extract %slice3A_701[0] : i32 from vector<1xi32>
          %shift_right_arithmetic3A_703 = arith.constant 2 : i32
          %shift_right_arithmetic3A_704 = arith.shrsi %squeeze3A_702, %shift_right_arithmetic3A_703 : i32
          %add3A_705 = arith.constant 1 : i32
          %add3A_706 = arith.addi %multiple_of3A_664, %add3A_705 : i32
          %dma_start3A_707 = arith.constant 0 : i32
          %dma_start3A_708 = tpu.memref_slice %arg12[%add3A_706, %dma_start3A_707] : memref<200x64xf32, #tpu.memory_space<vmem>> -> memref<1x64xf32, #tpu.memory_space<vmem>>
          %dma_start3A_709 = tpu.memref_squeeze %dma_start3A_708 : memref<1x64xf32, #tpu.memory_space<vmem>> -> memref<64xf32, #tpu.memory_space<vmem>>
          %dma_start3A_710 = arith.constant 0 : i32
          %dma_start3A_711 = tpu.memref_slice %arg4[%shift_right_arithmetic3A_704, %dma_start3A_710] : memref<1000000x64xf32, #tpu.memory_space<hbm>> -> memref<1x64xf32, #tpu.memory_space<hbm>>
          %dma_start3A_712 = tpu.memref_squeeze %dma_start3A_711 : memref<1x64xf32, #tpu.memory_space<hbm>> -> memref<64xf32, #tpu.memory_space<hbm>>
          %dma_start3A_713 = arith.constant 0 : i32
          %dma_start3A_714 = tpu.memref_slice %arg12[%add3A_706, %dma_start3A_713] : memref<200x64xf32, #tpu.memory_space<vmem>> -> memref<1x64xf32, #tpu.memory_space<vmem>>
          %dma_start3A_715 = tpu.memref_squeeze %dma_start3A_714 : memref<1x64xf32, #tpu.memory_space<vmem>> -> memref<64xf32, #tpu.memory_space<vmem>>
          %dma_start3A_716 = arith.constant 0 : i32
          %dma_start3A_717 = tpu.memref_slice %arg4[%shift_right_arithmetic3A_704, %dma_start3A_716] : memref<1000000x64xf32, #tpu.memory_space<hbm>> -> memref<1x64xf32, #tpu.memory_space<hbm>>
          %dma_start3A_718 = tpu.memref_squeeze %dma_start3A_717 : memref<1x64xf32, #tpu.memory_space<hbm>> -> memref<64xf32, #tpu.memory_space<hbm>>
          tpu.enqueue_dma source(%dma_start3A_718 : memref<64xf32, #tpu.memory_space<hbm>>) target(%dma_start3A_715 : memref<64xf32, #tpu.memory_space<vmem>>) target_semaphore(%arg16 : memref<!tpu.dma_semaphore, #tpu.memory_space<semaphore_mem>>)
          %and3A_719 = arith.constant 3 : i32
          %and3A_720 = arith.andi %squeeze3A_702, %and3A_719 : i32
          %add3A_721 = arith.constant 1 : i32
          %add3A_722 = arith.addi %multiple_of3A_664, %add3A_721 : i32
          %swap3A_723 = arith.index_cast %add3A_722 : i32 to index
          %swap3A_724 = memref.load %arg14[%swap3A_723] : memref<200xi32, #tpu.memory_space<smem>>
          memref.store %and3A_720, %arg14[%swap3A_723] : memref<200xi32, #tpu.memory_space<smem>>
          %slice3A_725 = vector.extract_strided_slice %add3A_676 {offsets = [2], sizes = [1], strides = [1]} : vector<16xi32> to vector<1xi32>
          %squeeze3A_726 = vector.extract %slice3A_725[0] : i32 from vector<1xi32>
          %shift_right_arithmetic3A_727 = arith.constant 2 : i32
          %shift_right_arithmetic3A_728 = arith.shrsi %squeeze3A_726, %shift_right_arithmetic3A_727 : i32
          %add3A_729 = arith.constant 2 : i32
          %add3A_730 = arith.addi %multiple_of3A_664, %add3A_729 : i32
          %dma_start3A_731 = arith.constant 0 : i32
          %dma_start3A_732 = tpu.memref_slice %arg12[%add3A_730, %dma_start3A_731] : memref<200x64xf32, #tpu.memory_space<vmem>> -> memref<1x64xf32, #tpu.memory_space<vmem>>
          %dma_start3A_733 = tpu.memref_squeeze %dma_start3A_732 : memref<1x64xf32, #tpu.memory_space<vmem>> -> memref<64xf32, #tpu.memory_space<vmem>>
          %dma_start3A_734 = arith.constant 0 : i32
          %dma_start3A_735 = tpu.memref_slice %arg4[%shift_right_arithmetic3A_728, %dma_start3A_734] : memref<1000000x64xf32, #tpu.memory_space<hbm>> -> memref<1x64xf32, #tpu.memory_space<hbm>>
          %dma_start3A_736 = tpu.memref_squeeze %dma_start3A_735 : memref<1x64xf32, #tpu.memory_space<hbm>> -> memref<64xf32, #tpu.memory_space<hbm>>
          %dma_start3A_737 = arith.constant 0 : i32
          %dma_start3A_738 = tpu.memref_slice %arg12[%add3A_730, %dma_start3A_737] : memref<200x64xf32, #tpu.memory_space<vmem>> -> memref<1x64xf32, #tpu.memory_space<vmem>>
          %dma_start3A_739 = tpu.memref_squeeze %dma_start3A_738 : memref<1x64xf32, #tpu.memory_space<vmem>> -> memref<64xf32, #tpu.memory_space<vmem>>
          %dma_start3A_740 = arith.constant 0 : i32
          %dma_start3A_741 = tpu.memref_slice %arg4[%shift_right_arithmetic3A_728, %dma_start3A_740] : memref<1000000x64xf32, #tpu.memory_space<hbm>> -> memref<1x64xf32, #tpu.memory_space<hbm>>
          %dma_start3A_742 = tpu.memref_squeeze %dma_start3A_741 : memref<1x64xf32, #tpu.memory_space<hbm>> -> memref<64xf32, #tpu.memory_space<hbm>>
          tpu.enqueue_dma source(%dma_start3A_742 : memref<64xf32, #tpu.memory_space<hbm>>) target(%dma_start3A_739 : memref<64xf32, #tpu.memory_space<vmem>>) target_semaphore(%arg16 : memref<!tpu.dma_semaphore, #tpu.memory_space<semaphore_mem>>)
          %and3A_743 = arith.constant 3 : i32
          %and3A_744 = arith.andi %squeeze3A_726, %and3A_743 : i32
          %add3A_745 = arith.constant 2 : i32
          %add3A_746 = arith.addi %multiple_of3A_664, %add3A_745 : i32
          %swap3A_747 = arith.index_cast %add3A_746 : i32 to index
          %swap3A_748 = memref.load %arg14[%swap3A_747] : memref<200xi32, #tpu.memory_space<smem>>
          memref.store %and3A_744, %arg14[%swap3A_747] : memref<200xi32, #tpu.memory_space<smem>>
          %slice3A_749 = vector.extract_strided_slice %add3A_676 {offsets = [3], sizes = [1], strides = [1]} : vector<16xi32> to vector<1xi32>
          %squeeze3A_750 = vector.extract %slice3A_749[0] : i32 from vector<1xi32>
          %shift_right_arithmetic3A_751 = arith.constant 2 : i32
          %shift_right_arithmetic3A_752 = arith.shrsi %squeeze3A_750, %shift_right_arithmetic3A_751 : i32
          %add3A_753 = arith.constant 3 : i32
          %add3A_754 = arith.addi %multiple_of3A_664, %add3A_753 : i32
          %dma_start3A_755 = arith.constant 0 : i32
          %dma_start3A_756 = tpu.memref_slice %arg12[%add3A_754, %dma_start3A_755] : memref<200x64xf32, #tpu.memory_space<vmem>> -> memref<1x64xf32, #tpu.memory_space<vmem>>
          %dma_start3A_757 = tpu.memref_squeeze %dma_start3A_756 : memref<1x64xf32, #tpu.memory_space<vmem>> -> memref<64xf32, #tpu.memory_space<vmem>>
          %dma_start3A_758 = arith.constant 0 : i32
          %dma_start3A_759 = tpu.memref_slice %arg4[%shift_right_arithmetic3A_752, %dma_start3A_758] : memref<1000000x64xf32, #tpu.memory_space<hbm>> -> memref<1x64xf32, #tpu.memory_space<hbm>>
          %dma_start3A_760 = tpu.memref_squeeze %dma_start3A_759 : memref<1x64xf32, #tpu.memory_space<hbm>> -> memref<64xf32, #tpu.memory_space<hbm>>
          %dma_start3A_761 = arith.constant 0 : i32
          %dma_start3A_762 = tpu.memref_slice %arg12[%add3A_754, %dma_start3A_761] : memref<200x64xf32, #tpu.memory_space<vmem>> -> memref<1x64xf32, #tpu.memory_space<vmem>>
          %dma_start3A_763 = tpu.memref_squeeze %dma_start3A_762 : memref<1x64xf32, #tpu.memory_space<vmem>> -> memref<64xf32, #tpu.memory_space<vmem>>
          %dma_start3A_764 = arith.constant 0 : i32
          %dma_start3A_765 = tpu.memref_slice %arg4[%shift_right_arithmetic3A_752, %dma_start3A_764] : memref<1000000x64xf32, #tpu.memory_space<hbm>> -> memref<1x64xf32, #tpu.memory_space<hbm>>
          %dma_start3A_766 = tpu.memref_squeeze %dma_start3A_765 : memref<1x64xf32, #tpu.memory_space<hbm>> -> memref<64xf32, #tpu.memory_space<hbm>>
          tpu.enqueue_dma source(%dma_start3A_766 : memref<64xf32, #tpu.memory_space<hbm>>) target(%dma_start3A_763 : memref<64xf32, #tpu.memory_space<vmem>>) target_semaphore(%arg16 : memref<!tpu.dma_semaphore, #tpu.memory_space<semaphore_mem>>)
          %and3A_767 = arith.constant 3 : i32
          %and3A_768 = arith.andi %squeeze3A_750, %and3A_767 : i32
          %add3A_769 = arith.constant 3 : i32
          %add3A_770 = arith.addi %multiple_of3A_664, %add3A_769 : i32
          %swap3A_771 = arith.index_cast %add3A_770 : i32 to index
          %swap3A_772 = memref.load %arg14[%swap3A_771] : memref<200xi32, #tpu.memory_space<smem>>
          memref.store %and3A_768, %arg14[%swap3A_771] : memref<200xi32, #tpu.memory_space<smem>>
          %slice3A_773 = vector.extract_strided_slice %add3A_676 {offsets = [4], sizes = [1], strides = [1]} : vector<16xi32> to vector<1xi32>
          %squeeze3A_774 = vector.extract %slice3A_773[0] : i32 from vector<1xi32>
          %shift_right_arithmetic3A_775 = arith.constant 2 : i32
          %shift_right_arithmetic3A_776 = arith.shrsi %squeeze3A_774, %shift_right_arithmetic3A_775 : i32
          %add3A_777 = arith.constant 4 : i32
          %add3A_778 = arith.addi %multiple_of3A_664, %add3A_777 : i32
          %dma_start3A_779 = arith.constant 0 : i32
          %dma_start3A_780 = tpu.memref_slice %arg12[%add3A_778, %dma_start3A_779] : memref<200x64xf32, #tpu.memory_space<vmem>> -> memref<1x64xf32, #tpu.memory_space<vmem>>
          %dma_start3A_781 = tpu.memref_squeeze %dma_start3A_780 : memref<1x64xf32, #tpu.memory_space<vmem>> -> memref<64xf32, #tpu.memory_space<vmem>>
          %dma_start3A_782 = arith.constant 0 : i32
          %dma_start3A_783 = tpu.memref_slice %arg4[%shift_right_arithmetic3A_776, %dma_start3A_782] : memref<1000000x64xf32, #tpu.memory_space<hbm>> -> memref<1x64xf32, #tpu.memory_space<hbm>>
          %dma_start3A_784 = tpu.memref_squeeze %dma_start3A_783 : memref<1x64xf32, #tpu.memory_space<hbm>> -> memref<64xf32, #tpu.memory_space<hbm>>
          %dma_start3A_785 = arith.constant 0 : i32
          %dma_start3A_786 = tpu.memref_slice %arg12[%add3A_778, %dma_start3A_785] : memref<200x64xf32, #tpu.memory_space<vmem>> -> memref<1x64xf32, #tpu.memory_space<vmem>>
          %dma_start3A_787 = tpu.memref_squeeze %dma_start3A_786 : memref<1x64xf32, #tpu.memory_space<vmem>> -> memref<64xf32, #tpu.memory_space<vmem>>
          %dma_start3A_788 = arith.constant 0 : i32
          %dma_start3A_789 = tpu.memref_slice %arg4[%shift_right_arithmetic3A_776, %dma_start3A_788] : memref<1000000x64xf32, #tpu.memory_space<hbm>> -> memref<1x64xf32, #tpu.memory_space<hbm>>
          %dma_start3A_790 = tpu.memref_squeeze %dma_start3A_789 : memref<1x64xf32, #tpu.memory_space<hbm>> -> memref<64xf32, #tpu.memory_space<hbm>>
          tpu.enqueue_dma source(%dma_start3A_790 : memref<64xf32, #tpu.memory_space<hbm>>) target(%dma_start3A_787 : memref<64xf32, #tpu.memory_space<vmem>>) target_semaphore(%arg16 : memref<!tpu.dma_semaphore, #tpu.memory_space<semaphore_mem>>)
          %and3A_791 = arith.constant 3 : i32
          %and3A_792 = arith.andi %squeeze3A_774, %and3A_791 : i32
          %add3A_793 = arith.constant 4 : i32
          %add3A_794 = arith.addi %multiple_of3A_664, %add3A_793 : i32
          %swap3A_795 = arith.index_cast %add3A_794 : i32 to index
          %swap3A_796 = memref.load %arg14[%swap3A_795] : memref<200xi32, #tpu.memory_space<smem>>
          memref.store %and3A_792, %arg14[%swap3A_795] : memref<200xi32, #tpu.memory_space<smem>>
          %slice3A_797 = vector.extract_strided_slice %add3A_676 {offsets = [5], sizes = [1], strides = [1]} : vector<16xi32> to vector<1xi32>
          %squeeze3A_798 = vector.extract %slice3A_797[0] : i32 from vector<1xi32>
          %shift_right_arithmetic3A_799 = arith.constant 2 : i32
          %shift_right_arithmetic3A_800 = arith.shrsi %squeeze3A_798, %shift_right_arithmetic3A_799 : i32
          %add3A_801 = arith.constant 5 : i32
          %add3A_802 = arith.addi %multiple_of3A_664, %add3A_801 : i32
          %dma_start3A_803 = arith.constant 0 : i32
          %dma_start3A_804 = tpu.memref_slice %arg12[%add3A_802, %dma_start3A_803] : memref<200x64xf32, #tpu.memory_space<vmem>> -> memref<1x64xf32, #tpu.memory_space<vmem>>
          %dma_start3A_805 = tpu.memref_squeeze %dma_start3A_804 : memref<1x64xf32, #tpu.memory_space<vmem>> -> memref<64xf32, #tpu.memory_space<vmem>>
          %dma_start3A_806 = arith.constant 0 : i32
          %dma_start3A_807 = tpu.memref_slice %arg4[%shift_right_arithmetic3A_800, %dma_start3A_806] : memref<1000000x64xf32, #tpu.memory_space<hbm>> -> memref<1x64xf32, #tpu.memory_space<hbm>>
          %dma_start3A_808 = tpu.memref_squeeze %dma_start3A_807 : memref<1x64xf32, #tpu.memory_space<hbm>> -> memref<64xf32, #tpu.memory_space<hbm>>
          %dma_start3A_809 = arith.constant 0 : i32
          %dma_start3A_810 = tpu.memref_slice %arg12[%add3A_802, %dma_start3A_809] : memref<200x64xf32, #tpu.memory_space<vmem>> -> memref<1x64xf32, #tpu.memory_space<vmem>>
          %dma_start3A_811 = tpu.memref_squeeze %dma_start3A_810 : memref<1x64xf32, #tpu.memory_space<vmem>> -> memref<64xf32, #tpu.memory_space<vmem>>
          %dma_start3A_812 = arith.constant 0 : i32
          %dma_start3A_813 = tpu.memref_slice %arg4[%shift_right_arithmetic3A_800, %dma_start3A_812] : memref<1000000x64xf32, #tpu.memory_space<hbm>> -> memref<1x64xf32, #tpu.memory_space<hbm>>
          %dma_start3A_814 = tpu.memref_squeeze %dma_start3A_813 : memref<1x64xf32, #tpu.memory_space<hbm>> -> memref<64xf32, #tpu.memory_space<hbm>>
          tpu.enqueue_dma source(%dma_start3A_814 : memref<64xf32, #tpu.memory_space<hbm>>) target(%dma_start3A_811 : memref<64xf32, #tpu.memory_space<vmem>>) target_semaphore(%arg16 : memref<!tpu.dma_semaphore, #tpu.memory_space<semaphore_mem>>)
          %and3A_815 = arith.constant 3 : i32
          %and3A_816 = arith.andi %squeeze3A_798, %and3A_815 : i32
          %add3A_817 = arith.constant 5 : i32
          %add3A_818 = arith.addi %multiple_of3A_664, %add3A_817 : i32
          %swap3A_819 = arith.index_cast %add3A_818 : i32 to index
          %swap3A_820 = memref.load %arg14[%swap3A_819] : memref<200xi32, #tpu.memory_space<smem>>
          memref.store %and3A_816, %arg14[%swap3A_819] : memref<200xi32, #tpu.memory_space<smem>>
          %slice3A_821 = vector.extract_strided_slice %add3A_676 {offsets = [6], sizes = [1], strides = [1]} : vector<16xi32> to vector<1xi32>
          %squeeze3A_822 = vector.extract %slice3A_821[0] : i32 from vector<1xi32>
          %shift_right_arithmetic3A_823 = arith.constant 2 : i32
          %shift_right_arithmetic3A_824 = arith.shrsi %squeeze3A_822, %shift_right_arithmetic3A_823 : i32
          %add3A_825 = arith.constant 6 : i32
          %add3A_826 = arith.addi %multiple_of3A_664, %add3A_825 : i32
          %dma_start3A_827 = arith.constant 0 : i32
          %dma_start3A_828 = tpu.memref_slice %arg12[%add3A_826, %dma_start3A_827] : memref<200x64xf32, #tpu.memory_space<vmem>> -> memref<1x64xf32, #tpu.memory_space<vmem>>
          %dma_start3A_829 = tpu.memref_squeeze %dma_start3A_828 : memref<1x64xf32, #tpu.memory_space<vmem>> -> memref<64xf32, #tpu.memory_space<vmem>>
          %dma_start3A_830 = arith.constant 0 : i32
          %dma_start3A_831 = tpu.memref_slice %arg4[%shift_right_arithmetic3A_824, %dma_start3A_830] : memref<1000000x64xf32, #tpu.memory_space<hbm>> -> memref<1x64xf32, #tpu.memory_space<hbm>>
          %dma_start3A_832 = tpu.memref_squeeze %dma_start3A_831 : memref<1x64xf32, #tpu.memory_space<hbm>> -> memref<64xf32, #tpu.memory_space<hbm>>
          %dma_start3A_833 = arith.constant 0 : i32
          %dma_start3A_834 = tpu.memref_slice %arg12[%add3A_826, %dma_start3A_833] : memref<200x64xf32, #tpu.memory_space<vmem>> -> memref<1x64xf32, #tpu.memory_space<vmem>>
          %dma_start3A_835 = tpu.memref_squeeze %dma_start3A_834 : memref<1x64xf32, #tpu.memory_space<vmem>> -> memref<64xf32, #tpu.memory_space<vmem>>
          %dma_start3A_836 = arith.constant 0 : i32
          %dma_start3A_837 = tpu.memref_slice %arg4[%shift_right_arithmetic3A_824, %dma_start3A_836] : memref<1000000x64xf32, #tpu.memory_space<hbm>> -> memref<1x64xf32, #tpu.memory_space<hbm>>
          %dma_start3A_838 = tpu.memref_squeeze %dma_start3A_837 : memref<1x64xf32, #tpu.memory_space<hbm>> -> memref<64xf32, #tpu.memory_space<hbm>>
          tpu.enqueue_dma source(%dma_start3A_838 : memref<64xf32, #tpu.memory_space<hbm>>) target(%dma_start3A_835 : memref<64xf32, #tpu.memory_space<vmem>>) target_semaphore(%arg16 : memref<!tpu.dma_semaphore, #tpu.memory_space<semaphore_mem>>)
          %and3A_839 = arith.constant 3 : i32
          %and3A_840 = arith.andi %squeeze3A_822, %and3A_839 : i32
          %add3A_841 = arith.constant 6 : i32
          %add3A_842 = arith.addi %multiple_of3A_664, %add3A_841 : i32
          %swap3A_843 = arith.index_cast %add3A_842 : i32 to index
          %swap3A_844 = memref.load %arg14[%swap3A_843] : memref<200xi32, #tpu.memory_space<smem>>
          memref.store %and3A_840, %arg14[%swap3A_843] : memref<200xi32, #tpu.memory_space<smem>>
          %slice3A_845 = vector.extract_strided_slice %add3A_676 {offsets = [7], sizes = [1], strides = [1]} : vector<16xi32> to vector<1xi32>
          %squeeze3A_846 = vector.extract %slice3A_845[0] : i32 from vector<1xi32>
          %shift_right_arithmetic3A_847 = arith.constant 2 : i32
          %shift_right_arithmetic3A_848 = arith.shrsi %squeeze3A_846, %shift_right_arithmetic3A_847 : i32
          %add3A_849 = arith.constant 7 : i32
          %add3A_850 = arith.addi %multiple_of3A_664, %add3A_849 : i32
          %dma_start3A_851 = arith.constant 0 : i32
          %dma_start3A_852 = tpu.memref_slice %arg12[%add3A_850, %dma_start3A_851] : memref<200x64xf32, #tpu.memory_space<vmem>> -> memref<1x64xf32, #tpu.memory_space<vmem>>
          %dma_start3A_853 = tpu.memref_squeeze %dma_start3A_852 : memref<1x64xf32, #tpu.memory_space<vmem>> -> memref<64xf32, #tpu.memory_space<vmem>>
          %dma_start3A_854 = arith.constant 0 : i32
          %dma_start3A_855 = tpu.memref_slice %arg4[%shift_right_arithmetic3A_848, %dma_start3A_854] : memref<1000000x64xf32, #tpu.memory_space<hbm>> -> memref<1x64xf32, #tpu.memory_space<hbm>>
          %dma_start3A_856 = tpu.memref_squeeze %dma_start3A_855 : memref<1x64xf32, #tpu.memory_space<hbm>> -> memref<64xf32, #tpu.memory_space<hbm>>
          %dma_start3A_857 = arith.constant 0 : i32
          %dma_start3A_858 = tpu.memref_slice %arg12[%add3A_850, %dma_start3A_857] : memref<200x64xf32, #tpu.memory_space<vmem>> -> memref<1x64xf32, #tpu.memory_space<vmem>>
          %dma_start3A_859 = tpu.memref_squeeze %dma_start3A_858 : memref<1x64xf32, #tpu.memory_space<vmem>> -> memref<64xf32, #tpu.memory_space<vmem>>
          %dma_start3A_860 = arith.constant 0 : i32
          %dma_start3A_861 = tpu.memref_slice %arg4[%shift_right_arithmetic3A_848, %dma_start3A_860] : memref<1000000x64xf32, #tpu.memory_space<hbm>> -> memref<1x64xf32, #tpu.memory_space<hbm>>
          %dma_start3A_862 = tpu.memref_squeeze %dma_start3A_861 : memref<1x64xf32, #tpu.memory_space<hbm>> -> memref<64xf32, #tpu.memory_space<hbm>>
          tpu.enqueue_dma source(%dma_start3A_862 : memref<64xf32, #tpu.memory_space<hbm>>) target(%dma_start3A_859 : memref<64xf32, #tpu.memory_space<vmem>>) target_semaphore(%arg16 : memref<!tpu.dma_semaphore, #tpu.memory_space<semaphore_mem>>)
          %and3A_863 = arith.constant 3 : i32
          %and3A_864 = arith.andi %squeeze3A_846, %and3A_863 : i32
          %add3A_865 = arith.constant 7 : i32
          %add3A_866 = arith.addi %multiple_of3A_664, %add3A_865 : i32
          %swap3A_867 = arith.index_cast %add3A_866 : i32 to index
          %swap3A_868 = memref.load %arg14[%swap3A_867] : memref<200xi32, #tpu.memory_space<smem>>
          memref.store %and3A_864, %arg14[%swap3A_867] : memref<200xi32, #tpu.memory_space<smem>>
          %slice3A_869 = vector.extract_strided_slice %add3A_676 {offsets = [8], sizes = [1], strides = [1]} : vector<16xi32> to vector<1xi32>
          %squeeze3A_870 = vector.extract %slice3A_869[0] : i32 from vector<1xi32>
          %shift_right_arithmetic3A_871 = arith.constant 2 : i32
          %shift_right_arithmetic3A_872 = arith.shrsi %squeeze3A_870, %shift_right_arithmetic3A_871 : i32
          %add3A_873 = arith.constant 8 : i32
          %add3A_874 = arith.addi %multiple_of3A_664, %add3A_873 : i32
          %dma_start3A_875 = arith.constant 0 : i32
          %dma_start3A_876 = tpu.memref_slice %arg12[%add3A_874, %dma_start3A_875] : memref<200x64xf32, #tpu.memory_space<vmem>> -> memref<1x64xf32, #tpu.memory_space<vmem>>
          %dma_start3A_877 = tpu.memref_squeeze %dma_start3A_876 : memref<1x64xf32, #tpu.memory_space<vmem>> -> memref<64xf32, #tpu.memory_space<vmem>>
          %dma_start3A_878 = arith.constant 0 : i32
          %dma_start3A_879 = tpu.memref_slice %arg4[%shift_right_arithmetic3A_872, %dma_start3A_878] : memref<1000000x64xf32, #tpu.memory_space<hbm>> -> memref<1x64xf32, #tpu.memory_space<hbm>>
          %dma_start3A_880 = tpu.memref_squeeze %dma_start3A_879 : memref<1x64xf32, #tpu.memory_space<hbm>> -> memref<64xf32, #tpu.memory_space<hbm>>
          %dma_start3A_881 = arith.constant 0 : i32
          %dma_start3A_882 = tpu.memref_slice %arg12[%add3A_874, %dma_start3A_881] : memref<200x64xf32, #tpu.memory_space<vmem>> -> memref<1x64xf32, #tpu.memory_space<vmem>>
          %dma_start3A_883 = tpu.memref_squeeze %dma_start3A_882 : memref<1x64xf32, #tpu.memory_space<vmem>> -> memref<64xf32, #tpu.memory_space<vmem>>
          %dma_start3A_884 = arith.constant 0 : i32
          %dma_start3A_885 = tpu.memref_slice %arg4[%shift_right_arithmetic3A_872, %dma_start3A_884] : memref<1000000x64xf32, #tpu.memory_space<hbm>> -> memref<1x64xf32, #tpu.memory_space<hbm>>
          %dma_start3A_886 = tpu.memref_squeeze %dma_start3A_885 : memref<1x64xf32, #tpu.memory_space<hbm>> -> memref<64xf32, #tpu.memory_space<hbm>>
          tpu.enqueue_dma source(%dma_start3A_886 : memref<64xf32, #tpu.memory_space<hbm>>) target(%dma_start3A_883 : memref<64xf32, #tpu.memory_space<vmem>>) target_semaphore(%arg16 : memref<!tpu.dma_semaphore, #tpu.memory_space<semaphore_mem>>)
          %and3A_887 = arith.constant 3 : i32
          %and3A_888 = arith.andi %squeeze3A_870, %and3A_887 : i32
          %add3A_889 = arith.constant 8 : i32
          %add3A_890 = arith.addi %multiple_of3A_664, %add3A_889 : i32
          %swap3A_891 = arith.index_cast %add3A_890 : i32 to index
          %swap3A_892 = memref.load %arg14[%swap3A_891] : memref<200xi32, #tpu.memory_space<smem>>
          memref.store %and3A_888, %arg14[%swap3A_891] : memref<200xi32, #tpu.memory_space<smem>>
          %slice3A_893 = vector.extract_strided_slice %add3A_676 {offsets = [9], sizes = [1], strides = [1]} : vector<16xi32> to vector<1xi32>
          %squeeze3A_894 = vector.extract %slice3A_893[0] : i32 from vector<1xi32>
          %shift_right_arithmetic3A_895 = arith.constant 2 : i32
          %shift_right_arithmetic3A_896 = arith.shrsi %squeeze3A_894, %shift_right_arithmetic3A_895 : i32
          %add3A_897 = arith.constant 9 : i32
          %add3A_898 = arith.addi %multiple_of3A_664, %add3A_897 : i32
          %dma_start3A_899 = arith.constant 0 : i32
          %dma_start3A_900 = tpu.memref_slice %arg12[%add3A_898, %dma_start3A_899] : memref<200x64xf32, #tpu.memory_space<vmem>> -> memref<1x64xf32, #tpu.memory_space<vmem>>
          %dma_start3A_901 = tpu.memref_squeeze %dma_start3A_900 : memref<1x64xf32, #tpu.memory_space<vmem>> -> memref<64xf32, #tpu.memory_space<vmem>>
          %dma_start3A_902 = arith.constant 0 : i32
          %dma_start3A_903 = tpu.memref_slice %arg4[%shift_right_arithmetic3A_896, %dma_start3A_902] : memref<1000000x64xf32, #tpu.memory_space<hbm>> -> memref<1x64xf32, #tpu.memory_space<hbm>>
          %dma_start3A_904 = tpu.memref_squeeze %dma_start3A_903 : memref<1x64xf32, #tpu.memory_space<hbm>> -> memref<64xf32, #tpu.memory_space<hbm>>
          %dma_start3A_905 = arith.constant 0 : i32
          %dma_start3A_906 = tpu.memref_slice %arg12[%add3A_898, %dma_start3A_905] : memref<200x64xf32, #tpu.memory_space<vmem>> -> memref<1x64xf32, #tpu.memory_space<vmem>>
          %dma_start3A_907 = tpu.memref_squeeze %dma_start3A_906 : memref<1x64xf32, #tpu.memory_space<vmem>> -> memref<64xf32, #tpu.memory_space<vmem>>
          %dma_start3A_908 = arith.constant 0 : i32
          %dma_start3A_909 = tpu.memref_slice %arg4[%shift_right_arithmetic3A_896, %dma_start3A_908] : memref<1000000x64xf32, #tpu.memory_space<hbm>> -> memref<1x64xf32, #tpu.memory_space<hbm>>
          %dma_start3A_910 = tpu.memref_squeeze %dma_start3A_909 : memref<1x64xf32, #tpu.memory_space<hbm>> -> memref<64xf32, #tpu.memory_space<hbm>>
          tpu.enqueue_dma source(%dma_start3A_910 : memref<64xf32, #tpu.memory_space<hbm>>) target(%dma_start3A_907 : memref<64xf32, #tpu.memory_space<vmem>>) target_semaphore(%arg16 : memref<!tpu.dma_semaphore, #tpu.memory_space<semaphore_mem>>)
          %and3A_911 = arith.constant 3 : i32
          %and3A_912 = arith.andi %squeeze3A_894, %and3A_911 : i32
          %add3A_913 = arith.constant 9 : i32
          %add3A_914 = arith.addi %multiple_of3A_664, %add3A_913 : i32
          %swap3A_915 = arith.index_cast %add3A_914 : i32 to index
          %swap3A_916 = memref.load %arg14[%swap3A_915] : memref<200xi32, #tpu.memory_space<smem>>
          memref.store %and3A_912, %arg14[%swap3A_915] : memref<200xi32, #tpu.memory_space<smem>>
          %slice3A_917 = vector.extract_strided_slice %add3A_676 {offsets = [10], sizes = [1], strides = [1]} : vector<16xi32> to vector<1xi32>
          %squeeze3A_918 = vector.extract %slice3A_917[0] : i32 from vector<1xi32>
          %shift_right_arithmetic3A_919 = arith.constant 2 : i32
          %shift_right_arithmetic3A_920 = arith.shrsi %squeeze3A_918, %shift_right_arithmetic3A_919 : i32
          %add3A_921 = arith.constant 10 : i32
          %add3A_922 = arith.addi %multiple_of3A_664, %add3A_921 : i32
          %dma_start3A_923 = arith.constant 0 : i32
          %dma_start3A_924 = tpu.memref_slice %arg12[%add3A_922, %dma_start3A_923] : memref<200x64xf32, #tpu.memory_space<vmem>> -> memref<1x64xf32, #tpu.memory_space<vmem>>
          %dma_start3A_925 = tpu.memref_squeeze %dma_start3A_924 : memref<1x64xf32, #tpu.memory_space<vmem>> -> memref<64xf32, #tpu.memory_space<vmem>>
          %dma_start3A_926 = arith.constant 0 : i32
          %dma_start3A_927 = tpu.memref_slice %arg4[%shift_right_arithmetic3A_920, %dma_start3A_926] : memref<1000000x64xf32, #tpu.memory_space<hbm>> -> memref<1x64xf32, #tpu.memory_space<hbm>>
          %dma_start3A_928 = tpu.memref_squeeze %dma_start3A_927 : memref<1x64xf32, #tpu.memory_space<hbm>> -> memref<64xf32, #tpu.memory_space<hbm>>
          %dma_start3A_929 = arith.constant 0 : i32
          %dma_start3A_930 = tpu.memref_slice %arg12[%add3A_922, %dma_start3A_929] : memref<200x64xf32, #tpu.memory_space<vmem>> -> memref<1x64xf32, #tpu.memory_space<vmem>>
          %dma_start3A_931 = tpu.memref_squeeze %dma_start3A_930 : memref<1x64xf32, #tpu.memory_space<vmem>> -> memref<64xf32, #tpu.memory_space<vmem>>
          %dma_start3A_932 = arith.constant 0 : i32
          %dma_start3A_933 = tpu.memref_slice %arg4[%shift_right_arithmetic3A_920, %dma_start3A_932] : memref<1000000x64xf32, #tpu.memory_space<hbm>> -> memref<1x64xf32, #tpu.memory_space<hbm>>
          %dma_start3A_934 = tpu.memref_squeeze %dma_start3A_933 : memref<1x64xf32, #tpu.memory_space<hbm>> -> memref<64xf32, #tpu.memory_space<hbm>>
          tpu.enqueue_dma source(%dma_start3A_934 : memref<64xf32, #tpu.memory_space<hbm>>) target(%dma_start3A_931 : memref<64xf32, #tpu.memory_space<vmem>>) target_semaphore(%arg16 : memref<!tpu.dma_semaphore, #tpu.memory_space<semaphore_mem>>)
          %and3A_935 = arith.constant 3 : i32
          %and3A_936 = arith.andi %squeeze3A_918, %and3A_935 : i32
          %add3A_937 = arith.constant 10 : i32
          %add3A_938 = arith.addi %multiple_of3A_664, %add3A_937 : i32
          %swap3A_939 = arith.index_cast %add3A_938 : i32 to index
          %swap3A_940 = memref.load %arg14[%swap3A_939] : memref<200xi32, #tpu.memory_space<smem>>
          memref.store %and3A_936, %arg14[%swap3A_939] : memref<200xi32, #tpu.memory_space<smem>>
          %slice3A_941 = vector.extract_strided_slice %add3A_676 {offsets = [11], sizes = [1], strides = [1]} : vector<16xi32> to vector<1xi32>
          %squeeze3A_942 = vector.extract %slice3A_941[0] : i32 from vector<1xi32>
          %shift_right_arithmetic3A_943 = arith.constant 2 : i32
          %shift_right_arithmetic3A_944 = arith.shrsi %squeeze3A_942, %shift_right_arithmetic3A_943 : i32
          %add3A_945 = arith.constant 11 : i32
          %add3A_946 = arith.addi %multiple_of3A_664, %add3A_945 : i32
          %dma_start3A_947 = arith.constant 0 : i32
          %dma_start3A_948 = tpu.memref_slice %arg12[%add3A_946, %dma_start3A_947] : memref<200x64xf32, #tpu.memory_space<vmem>> -> memref<1x64xf32, #tpu.memory_space<vmem>>
          %dma_start3A_949 = tpu.memref_squeeze %dma_start3A_948 : memref<1x64xf32, #tpu.memory_space<vmem>> -> memref<64xf32, #tpu.memory_space<vmem>>
          %dma_start3A_950 = arith.constant 0 : i32
          %dma_start3A_951 = tpu.memref_slice %arg4[%shift_right_arithmetic3A_944, %dma_start3A_950] : memref<1000000x64xf32, #tpu.memory_space<hbm>> -> memref<1x64xf32, #tpu.memory_space<hbm>>
          %dma_start3A_952 = tpu.memref_squeeze %dma_start3A_951 : memref<1x64xf32, #tpu.memory_space<hbm>> -> memref<64xf32, #tpu.memory_space<hbm>>
          %dma_start3A_953 = arith.constant 0 : i32
          %dma_start3A_954 = tpu.memref_slice %arg12[%add3A_946, %dma_start3A_953] : memref<200x64xf32, #tpu.memory_space<vmem>> -> memref<1x64xf32, #tpu.memory_space<vmem>>
          %dma_start3A_955 = tpu.memref_squeeze %dma_start3A_954 : memref<1x64xf32, #tpu.memory_space<vmem>> -> memref<64xf32, #tpu.memory_space<vmem>>
          %dma_start3A_956 = arith.constant 0 : i32
          %dma_start3A_957 = tpu.memref_slice %arg4[%shift_right_arithmetic3A_944, %dma_start3A_956] : memref<1000000x64xf32, #tpu.memory_space<hbm>> -> memref<1x64xf32, #tpu.memory_space<hbm>>
          %dma_start3A_958 = tpu.memref_squeeze %dma_start3A_957 : memref<1x64xf32, #tpu.memory_space<hbm>> -> memref<64xf32, #tpu.memory_space<hbm>>
          tpu.enqueue_dma source(%dma_start3A_958 : memref<64xf32, #tpu.memory_space<hbm>>) target(%dma_start3A_955 : memref<64xf32, #tpu.memory_space<vmem>>) target_semaphore(%arg16 : memref<!tpu.dma_semaphore, #tpu.memory_space<semaphore_mem>>)
          %and3A_959 = arith.constant 3 : i32
          %and3A_960 = arith.andi %squeeze3A_942, %and3A_959 : i32
          %add3A_961 = arith.constant 11 : i32
          %add3A_962 = arith.addi %multiple_of3A_664, %add3A_961 : i32
          %swap3A_963 = arith.index_cast %add3A_962 : i32 to index
          %swap3A_964 = memref.load %arg14[%swap3A_963] : memref<200xi32, #tpu.memory_space<smem>>
          memref.store %and3A_960, %arg14[%swap3A_963] : memref<200xi32, #tpu.memory_space<smem>>
          %slice3A_965 = vector.extract_strided_slice %add3A_676 {offsets = [12], sizes = [1], strides = [1]} : vector<16xi32> to vector<1xi32>
          %squeeze3A_966 = vector.extract %slice3A_965[0] : i32 from vector<1xi32>
          %shift_right_arithmetic3A_967 = arith.constant 2 : i32
          %shift_right_arithmetic3A_968 = arith.shrsi %squeeze3A_966, %shift_right_arithmetic3A_967 : i32
          %add3A_969 = arith.constant 12 : i32
          %add3A_970 = arith.addi %multiple_of3A_664, %add3A_969 : i32
          %dma_start3A_971 = arith.constant 0 : i32
          %dma_start3A_972 = tpu.memref_slice %arg12[%add3A_970, %dma_start3A_971] : memref<200x64xf32, #tpu.memory_space<vmem>> -> memref<1x64xf32, #tpu.memory_space<vmem>>
          %dma_start3A_973 = tpu.memref_squeeze %dma_start3A_972 : memref<1x64xf32, #tpu.memory_space<vmem>> -> memref<64xf32, #tpu.memory_space<vmem>>
          %dma_start3A_974 = arith.constant 0 : i32
          %dma_start3A_975 = tpu.memref_slice %arg4[%shift_right_arithmetic3A_968, %dma_start3A_974] : memref<1000000x64xf32, #tpu.memory_space<hbm>> -> memref<1x64xf32, #tpu.memory_space<hbm>>
          %dma_start3A_976 = tpu.memref_squeeze %dma_start3A_975 : memref<1x64xf32, #tpu.memory_space<hbm>> -> memref<64xf32, #tpu.memory_space<hbm>>
          %dma_start3A_977 = arith.constant 0 : i32
          %dma_start3A_978 = tpu.memref_slice %arg12[%add3A_970, %dma_start3A_977] : memref<200x64xf32, #tpu.memory_space<vmem>> -> memref<1x64xf32, #tpu.memory_space<vmem>>
          %dma_start3A_979 = tpu.memref_squeeze %dma_start3A_978 : memref<1x64xf32, #tpu.memory_space<vmem>> -> memref<64xf32, #tpu.memory_space<vmem>>
          %dma_start3A_980 = arith.constant 0 : i32
          %dma_start3A_981 = tpu.memref_slice %arg4[%shift_right_arithmetic3A_968, %dma_start3A_980] : memref<1000000x64xf32, #tpu.memory_space<hbm>> -> memref<1x64xf32, #tpu.memory_space<hbm>>
          %dma_start3A_982 = tpu.memref_squeeze %dma_start3A_981 : memref<1x64xf32, #tpu.memory_space<hbm>> -> memref<64xf32, #tpu.memory_space<hbm>>
          tpu.enqueue_dma source(%dma_start3A_982 : memref<64xf32, #tpu.memory_space<hbm>>) target(%dma_start3A_979 : memref<64xf32, #tpu.memory_space<vmem>>) target_semaphore(%arg16 : memref<!tpu.dma_semaphore, #tpu.memory_space<semaphore_mem>>)
          %and3A_983 = arith.constant 3 : i32
          %and3A_984 = arith.andi %squeeze3A_966, %and3A_983 : i32
          %add3A_985 = arith.constant 12 : i32
          %add3A_986 = arith.addi %multiple_of3A_664, %add3A_985 : i32
          %swap3A_987 = arith.index_cast %add3A_986 : i32 to index
          %swap3A_988 = memref.load %arg14[%swap3A_987] : memref<200xi32, #tpu.memory_space<smem>>
          memref.store %and3A_984, %arg14[%swap3A_987] : memref<200xi32, #tpu.memory_space<smem>>
          %slice3A_989 = vector.extract_strided_slice %add3A_676 {offsets = [13], sizes = [1], strides = [1]} : vector<16xi32> to vector<1xi32>
          %squeeze3A_990 = vector.extract %slice3A_989[0] : i32 from vector<1xi32>
          %shift_right_arithmetic3A_991 = arith.constant 2 : i32
          %shift_right_arithmetic3A_992 = arith.shrsi %squeeze3A_990, %shift_right_arithmetic3A_991 : i32
          %add3A_993 = arith.constant 13 : i32
          %add3A_994 = arith.addi %multiple_of3A_664, %add3A_993 : i32
          %dma_start3A_995 = arith.constant 0 : i32
          %dma_start3A_996 = tpu.memref_slice %arg12[%add3A_994, %dma_start3A_995] : memref<200x64xf32, #tpu.memory_space<vmem>> -> memref<1x64xf32, #tpu.memory_space<vmem>>
          %dma_start3A_997 = tpu.memref_squeeze %dma_start3A_996 : memref<1x64xf32, #tpu.memory_space<vmem>> -> memref<64xf32, #tpu.memory_space<vmem>>
          %dma_start3A_998 = arith.constant 0 : i32
          %dma_start3A_999 = tpu.memref_slice %arg4[%shift_right_arithmetic3A_992, %dma_start3A_998] : memref<1000000x64xf32, #tpu.memory_space<hbm>> -> memref<1x64xf32, #tpu.memory_space<hbm>>
          %dma_start3A_1000 = tpu.memref_squeeze %dma_start3A_999 : memref<1x64xf32, #tpu.memory_space<hbm>> -> memref<64xf32, #tpu.memory_space<hbm>>
          %dma_start3A_1001 = arith.constant 0 : i32
          %dma_start3A_1002 = tpu.memref_slice %arg12[%add3A_994, %dma_start3A_1001] : memref<200x64xf32, #tpu.memory_space<vmem>> -> memref<1x64xf32, #tpu.memory_space<vmem>>
          %dma_start3A_1003 = tpu.memref_squeeze %dma_start3A_1002 : memref<1x64xf32, #tpu.memory_space<vmem>> -> memref<64xf32, #tpu.memory_space<vmem>>
          %dma_start3A_1004 = arith.constant 0 : i32
          %dma_start3A_1005 = tpu.memref_slice %arg4[%shift_right_arithmetic3A_992, %dma_start3A_1004] : memref<1000000x64xf32, #tpu.memory_space<hbm>> -> memref<1x64xf32, #tpu.memory_space<hbm>>
          %dma_start3A_1006 = tpu.memref_squeeze %dma_start3A_1005 : memref<1x64xf32, #tpu.memory_space<hbm>> -> memref<64xf32, #tpu.memory_space<hbm>>
          tpu.enqueue_dma source(%dma_start3A_1006 : memref<64xf32, #tpu.memory_space<hbm>>) target(%dma_start3A_1003 : memref<64xf32, #tpu.memory_space<vmem>>) target_semaphore(%arg16 : memref<!tpu.dma_semaphore, #tpu.memory_space<semaphore_mem>>)
          %and3A_1007 = arith.constant 3 : i32
          %and3A_1008 = arith.andi %squeeze3A_990, %and3A_1007 : i32
          %add3A_1009 = arith.constant 13 : i32
          %add3A_1010 = arith.addi %multiple_of3A_664, %add3A_1009 : i32
          %swap3A_1011 = arith.index_cast %add3A_1010 : i32 to index
          %swap3A_1012 = memref.load %arg14[%swap3A_1011] : memref<200xi32, #tpu.memory_space<smem>>
          memref.store %and3A_1008, %arg14[%swap3A_1011] : memref<200xi32, #tpu.memory_space<smem>>
          %slice3A_1013 = vector.extract_strided_slice %add3A_676 {offsets = [14], sizes = [1], strides = [1]} : vector<16xi32> to vector<1xi32>
          %squeeze3A_1014 = vector.extract %slice3A_1013[0] : i32 from vector<1xi32>
          %shift_right_arithmetic3A_1015 = arith.constant 2 : i32
          %shift_right_arithmetic3A_1016 = arith.shrsi %squeeze3A_1014, %shift_right_arithmetic3A_1015 : i32
          %add3A_1017 = arith.constant 14 : i32
          %add3A_1018 = arith.addi %multiple_of3A_664, %add3A_1017 : i32
          %dma_start3A_1019 = arith.constant 0 : i32
          %dma_start3A_1020 = tpu.memref_slice %arg12[%add3A_1018, %dma_start3A_1019] : memref<200x64xf32, #tpu.memory_space<vmem>> -> memref<1x64xf32, #tpu.memory_space<vmem>>
          %dma_start3A_1021 = tpu.memref_squeeze %dma_start3A_1020 : memref<1x64xf32, #tpu.memory_space<vmem>> -> memref<64xf32, #tpu.memory_space<vmem>>
          %dma_start3A_1022 = arith.constant 0 : i32
          %dma_start3A_1023 = tpu.memref_slice %arg4[%shift_right_arithmetic3A_1016, %dma_start3A_1022] : memref<1000000x64xf32, #tpu.memory_space<hbm>> -> memref<1x64xf32, #tpu.memory_space<hbm>>
          %dma_start3A_1024 = tpu.memref_squeeze %dma_start3A_1023 : memref<1x64xf32, #tpu.memory_space<hbm>> -> memref<64xf32, #tpu.memory_space<hbm>>
          %dma_start3A_1025 = arith.constant 0 : i32
          %dma_start3A_1026 = tpu.memref_slice %arg12[%add3A_1018, %dma_start3A_1025] : memref<200x64xf32, #tpu.memory_space<vmem>> -> memref<1x64xf32, #tpu.memory_space<vmem>>
          %dma_start3A_1027 = tpu.memref_squeeze %dma_start3A_1026 : memref<1x64xf32, #tpu.memory_space<vmem>> -> memref<64xf32, #tpu.memory_space<vmem>>
          %dma_start3A_1028 = arith.constant 0 : i32
          %dma_start3A_1029 = tpu.memref_slice %arg4[%shift_right_arithmetic3A_1016, %dma_start3A_1028] : memref<1000000x64xf32, #tpu.memory_space<hbm>> -> memref<1x64xf32, #tpu.memory_space<hbm>>
          %dma_start3A_1030 = tpu.memref_squeeze %dma_start3A_1029 : memref<1x64xf32, #tpu.memory_space<hbm>> -> memref<64xf32, #tpu.memory_space<hbm>>
          tpu.enqueue_dma source(%dma_start3A_1030 : memref<64xf32, #tpu.memory_space<hbm>>) target(%dma_start3A_1027 : memref<64xf32, #tpu.memory_space<vmem>>) target_semaphore(%arg16 : memref<!tpu.dma_semaphore, #tpu.memory_space<semaphore_mem>>)
          %and3A_1031 = arith.constant 3 : i32
          %and3A_1032 = arith.andi %squeeze3A_1014, %and3A_1031 : i32
          %add3A_1033 = arith.constant 14 : i32
          %add3A_1034 = arith.addi %multiple_of3A_664, %add3A_1033 : i32
          %swap3A_1035 = arith.index_cast %add3A_1034 : i32 to index
          %swap3A_1036 = memref.load %arg14[%swap3A_1035] : memref<200xi32, #tpu.memory_space<smem>>
          memref.store %and3A_1032, %arg14[%swap3A_1035] : memref<200xi32, #tpu.memory_space<smem>>
          %slice3A_1037 = vector.extract_strided_slice %add3A_676 {offsets = [15], sizes = [1], strides = [1]} : vector<16xi32> to vector<1xi32>
          %squeeze3A_1038 = vector.extract %slice3A_1037[0] : i32 from vector<1xi32>
          %shift_right_arithmetic3A_1039 = arith.constant 2 : i32
          %shift_right_arithmetic3A_1040 = arith.shrsi %squeeze3A_1038, %shift_right_arithmetic3A_1039 : i32
          %add3A_1041 = arith.constant 15 : i32
          %add3A_1042 = arith.addi %multiple_of3A_664, %add3A_1041 : i32
          %dma_start3A_1043 = arith.constant 0 : i32
          %dma_start3A_1044 = tpu.memref_slice %arg12[%add3A_1042, %dma_start3A_1043] : memref<200x64xf32, #tpu.memory_space<vmem>> -> memref<1x64xf32, #tpu.memory_space<vmem>>
          %dma_start3A_1045 = tpu.memref_squeeze %dma_start3A_1044 : memref<1x64xf32, #tpu.memory_space<vmem>> -> memref<64xf32, #tpu.memory_space<vmem>>
          %dma_start3A_1046 = arith.constant 0 : i32
          %dma_start3A_1047 = tpu.memref_slice %arg4[%shift_right_arithmetic3A_1040, %dma_start3A_1046] : memref<1000000x64xf32, #tpu.memory_space<hbm>> -> memref<1x64xf32, #tpu.memory_space<hbm>>
          %dma_start3A_1048 = tpu.memref_squeeze %dma_start3A_1047 : memref<1x64xf32, #tpu.memory_space<hbm>> -> memref<64xf32, #tpu.memory_space<hbm>>
          %dma_start3A_1049 = arith.constant 0 : i32
          %dma_start3A_1050 = tpu.memref_slice %arg12[%add3A_1042, %dma_start3A_1049] : memref<200x64xf32, #tpu.memory_space<vmem>> -> memref<1x64xf32, #tpu.memory_space<vmem>>
          %dma_start3A_1051 = tpu.memref_squeeze %dma_start3A_1050 : memref<1x64xf32, #tpu.memory_space<vmem>> -> memref<64xf32, #tpu.memory_space<vmem>>
          %dma_start3A_1052 = arith.constant 0 : i32
          %dma_start3A_1053 = tpu.memref_slice %arg4[%shift_right_arithmetic3A_1040, %dma_start3A_1052] : memref<1000000x64xf32, #tpu.memory_space<hbm>> -> memref<1x64xf32, #tpu.memory_space<hbm>>
          %dma_start3A_1054 = tpu.memref_squeeze %dma_start3A_1053 : memref<1x64xf32, #tpu.memory_space<hbm>> -> memref<64xf32, #tpu.memory_space<hbm>>
          tpu.enqueue_dma source(%dma_start3A_1054 : memref<64xf32, #tpu.memory_space<hbm>>) target(%dma_start3A_1051 : memref<64xf32, #tpu.memory_space<vmem>>) target_semaphore(%arg16 : memref<!tpu.dma_semaphore, #tpu.memory_space<semaphore_mem>>)
          %and3A_1055 = arith.constant 3 : i32
          %and3A_1056 = arith.andi %squeeze3A_1038, %and3A_1055 : i32
          %add3A_1057 = arith.constant 15 : i32
          %add3A_1058 = arith.addi %multiple_of3A_664, %add3A_1057 : i32
          %swap3A_1059 = arith.index_cast %add3A_1058 : i32 to index
          %swap3A_1060 = memref.load %arg14[%swap3A_1059] : memref<200xi32, #tpu.memory_space<smem>>
          memref.store %and3A_1056, %arg14[%swap3A_1059] : memref<200xi32, #tpu.memory_space<smem>>
          %mul3A_1061 = arith.constant 2 : i32
          %mul3A_1062 = arith.muli %scan3A_657, %mul3A_1061 : i32
          %add3A_1063 = arith.constant 1 : i32
          %add3A_1064 = arith.addi %mul3A_1062, %add3A_1063 : i32
          %mul3A_1065 = arith.constant 16 : i32
          %mul3A_1066 = arith.muli %add3A_1064, %mul3A_1065 : i32
          %multiple_of3A_1067 = tpu.assume_multiple %mul3A_1066, 16 : i32
          %get3A_1068 = arith.index_cast %add3A_462 : i32 to index
          %get3A_1069 = arith.index_cast %multiple_of3A_1067 : i32 to index
          %get3A_1070 = tpu.vector_load %arg8[%get3A_1068, %get3A_1069] {strides = array<i32>} : memref<32x200xi32, #tpu.memory_space<vmem>>, vector<1x16xi32>,
          %get3A_1071 = vector.shape_cast %get3A_1070 : vector<1x16xi32> to vector<16xi32>
          %get3A_1072 = arith.index_cast %add3A_462 : i32 to index
          %get3A_1073 = arith.index_cast %multiple_of3A_1067 : i32 to index
          %get3A_1074 = tpu.vector_load %arg9[%get3A_1072, %get3A_1073] {strides = array<i32>} : memref<32x200xi32, #tpu.memory_space<vmem>>, vector<1x16xi32>,
          %get3A_1075 = vector.shape_cast %get3A_1074 : vector<1x16xi32> to vector<16xi32>
          %mul3A_1076 = arith.constant 4 : i32
          %mul3A_1077 = vector.broadcast %mul3A_1076 : i32 to vector<16xi32>
          %mul3A_1078 = arith.muli %get3A_1071, %mul3A_1077 : vector<16xi32>
          %add3A_1079 = arith.addi %mul3A_1078, %get3A_1075 : vector<16xi32>
          %slice3A_1080 = vector.extract_strided_slice %add3A_1079 {offsets = [0], sizes = [1], strides = [1]} : vector<16xi32> to vector<1xi32>
          %squeeze3A_1081 = vector.extract %slice3A_1080[0] : i32 from vector<1xi32>
          %shift_right_arithmetic3A_1082 = arith.constant 2 : i32
          %shift_right_arithmetic3A_1083 = arith.shrsi %squeeze3A_1081, %shift_right_arithmetic3A_1082 : i32
          %add3A_1084 = arith.constant 0 : i32
          %add3A_1085 = arith.addi %multiple_of3A_1067, %add3A_1084 : i32
          %dma_start3A_1086 = arith.constant 0 : i32
          %dma_start3A_1087 = tpu.memref_slice %arg12[%add3A_1085, %dma_start3A_1086] : memref<200x64xf32, #tpu.memory_space<vmem>> -> memref<1x64xf32, #tpu.memory_space<vmem>>
          %dma_start3A_1088 = tpu.memref_squeeze %dma_start3A_1087 : memref<1x64xf32, #tpu.memory_space<vmem>> -> memref<64xf32, #tpu.memory_space<vmem>>
          %dma_start3A_1089 = arith.constant 0 : i32
          %dma_start3A_1090 = tpu.memref_slice %arg4[%shift_right_arithmetic3A_1083, %dma_start3A_1089] : memref<1000000x64xf32, #tpu.memory_space<hbm>> -> memref<1x64xf32, #tpu.memory_space<hbm>>
          %dma_start3A_1091 = tpu.memref_squeeze %dma_start3A_1090 : memref<1x64xf32, #tpu.memory_space<hbm>> -> memref<64xf32, #tpu.memory_space<hbm>>
          %dma_start3A_1092 = arith.constant 0 : i32
          %dma_start3A_1093 = tpu.memref_slice %arg12[%add3A_1085, %dma_start3A_1092] : memref<200x64xf32, #tpu.memory_space<vmem>> -> memref<1x64xf32, #tpu.memory_space<vmem>>
          %dma_start3A_1094 = tpu.memref_squeeze %dma_start3A_1093 : memref<1x64xf32, #tpu.memory_space<vmem>> -> memref<64xf32, #tpu.memory_space<vmem>>
          %dma_start3A_1095 = arith.constant 0 : i32
          %dma_start3A_1096 = tpu.memref_slice %arg4[%shift_right_arithmetic3A_1083, %dma_start3A_1095] : memref<1000000x64xf32, #tpu.memory_space<hbm>> -> memref<1x64xf32, #tpu.memory_space<hbm>>
          %dma_start3A_1097 = tpu.memref_squeeze %dma_start3A_1096 : memref<1x64xf32, #tpu.memory_space<hbm>> -> memref<64xf32, #tpu.memory_space<hbm>>
          tpu.enqueue_dma source(%dma_start3A_1097 : memref<64xf32, #tpu.memory_space<hbm>>) target(%dma_start3A_1094 : memref<64xf32, #tpu.memory_space<vmem>>) target_semaphore(%arg16 : memref<!tpu.dma_semaphore, #tpu.memory_space<semaphore_mem>>)
          %and3A_1098 = arith.constant 3 : i32
          %and3A_1099 = arith.andi %squeeze3A_1081, %and3A_1098 : i32
          %add3A_1100 = arith.constant 0 : i32
          %add3A_1101 = arith.addi %multiple_of3A_1067, %add3A_1100 : i32
          %swap3A_1102 = arith.index_cast %add3A_1101 : i32 to index
          %swap3A_1103 = memref.load %arg14[%swap3A_1102] : memref<200xi32, #tpu.memory_space<smem>>
          memref.store %and3A_1099, %arg14[%swap3A_1102] : memref<200xi32, #tpu.memory_space<smem>>
          %slice3A_1104 = vector.extract_strided_slice %add3A_1079 {offsets = [1], sizes = [1], strides = [1]} : vector<16xi32> to vector<1xi32>
          %squeeze3A_1105 = vector.extract %slice3A_1104[0] : i32 from vector<1xi32>
          %shift_right_arithmetic3A_1106 = arith.constant 2 : i32
          %shift_right_arithmetic3A_1107 = arith.shrsi %squeeze3A_1105, %shift_right_arithmetic3A_1106 : i32
          %add3A_1108 = arith.constant 1 : i32
          %add3A_1109 = arith.addi %multiple_of3A_1067, %add3A_1108 : i32
          %dma_start3A_1110 = arith.constant 0 : i32
          %dma_start3A_1111 = tpu.memref_slice %arg12[%add3A_1109, %dma_start3A_1110] : memref<200x64xf32, #tpu.memory_space<vmem>> -> memref<1x64xf32, #tpu.memory_space<vmem>>
          %dma_start3A_1112 = tpu.memref_squeeze %dma_start3A_1111 : memref<1x64xf32, #tpu.memory_space<vmem>> -> memref<64xf32, #tpu.memory_space<vmem>>
          %dma_start3A_1113 = arith.constant 0 : i32
          %dma_start3A_1114 = tpu.memref_slice %arg4[%shift_right_arithmetic3A_1107, %dma_start3A_1113] : memref<1000000x64xf32, #tpu.memory_space<hbm>> -> memref<1x64xf32, #tpu.memory_space<hbm>>
          %dma_start3A_1115 = tpu.memref_squeeze %dma_start3A_1114 : memref<1x64xf32, #tpu.memory_space<hbm>> -> memref<64xf32, #tpu.memory_space<hbm>>
          %dma_start3A_1116 = arith.constant 0 : i32
          %dma_start3A_1117 = tpu.memref_slice %arg12[%add3A_1109, %dma_start3A_1116] : memref<200x64xf32, #tpu.memory_space<vmem>> -> memref<1x64xf32, #tpu.memory_space<vmem>>
          %dma_start3A_1118 = tpu.memref_squeeze %dma_start3A_1117 : memref<1x64xf32, #tpu.memory_space<vmem>> -> memref<64xf32, #tpu.memory_space<vmem>>
          %dma_start3A_1119 = arith.constant 0 : i32
          %dma_start3A_1120 = tpu.memref_slice %arg4[%shift_right_arithmetic3A_1107, %dma_start3A_1119] : memref<1000000x64xf32, #tpu.memory_space<hbm>> -> memref<1x64xf32, #tpu.memory_space<hbm>>
          %dma_start3A_1121 = tpu.memref_squeeze %dma_start3A_1120 : memref<1x64xf32, #tpu.memory_space<hbm>> -> memref<64xf32, #tpu.memory_space<hbm>>
          tpu.enqueue_dma source(%dma_start3A_1121 : memref<64xf32, #tpu.memory_space<hbm>>) target(%dma_start3A_1118 : memref<64xf32, #tpu.memory_space<vmem>>) target_semaphore(%arg16 : memref<!tpu.dma_semaphore, #tpu.memory_space<semaphore_mem>>)
          %and3A_1122 = arith.constant 3 : i32
          %and3A_1123 = arith.andi %squeeze3A_1105, %and3A_1122 : i32
          %add3A_1124 = arith.constant 1 : i32
          %add3A_1125 = arith.addi %multiple_of3A_1067, %add3A_1124 : i32
          %swap3A_1126 = arith.index_cast %add3A_1125 : i32 to index
          %swap3A_1127 = memref.load %arg14[%swap3A_1126] : memref<200xi32, #tpu.memory_space<smem>>
          memref.store %and3A_1123, %arg14[%swap3A_1126] : memref<200xi32, #tpu.memory_space<smem>>
          %slice3A_1128 = vector.extract_strided_slice %add3A_1079 {offsets = [2], sizes = [1], strides = [1]} : vector<16xi32> to vector<1xi32>
          %squeeze3A_1129 = vector.extract %slice3A_1128[0] : i32 from vector<1xi32>
          %shift_right_arithmetic3A_1130 = arith.constant 2 : i32
          %shift_right_arithmetic3A_1131 = arith.shrsi %squeeze3A_1129, %shift_right_arithmetic3A_1130 : i32
          %add3A_1132 = arith.constant 2 : i32
          %add3A_1133 = arith.addi %multiple_of3A_1067, %add3A_1132 : i32
          %dma_start3A_1134 = arith.constant 0 : i32
          %dma_start3A_1135 = tpu.memref_slice %arg12[%add3A_1133, %dma_start3A_1134] : memref<200x64xf32, #tpu.memory_space<vmem>> -> memref<1x64xf32, #tpu.memory_space<vmem>>
          %dma_start3A_1136 = tpu.memref_squeeze %dma_start3A_1135 : memref<1x64xf32, #tpu.memory_space<vmem>> -> memref<64xf32, #tpu.memory_space<vmem>>
          %dma_start3A_1137 = arith.constant 0 : i32
          %dma_start3A_1138 = tpu.memref_slice %arg4[%shift_right_arithmetic3A_1131, %dma_start3A_1137] : memref<1000000x64xf32, #tpu.memory_space<hbm>> -> memref<1x64xf32, #tpu.memory_space<hbm>>
          %dma_start3A_1139 = tpu.memref_squeeze %dma_start3A_1138 : memref<1x64xf32, #tpu.memory_space<hbm>> -> memref<64xf32, #tpu.memory_space<hbm>>
          %dma_start3A_1140 = arith.constant 0 : i32
          %dma_start3A_1141 = tpu.memref_slice %arg12[%add3A_1133, %dma_start3A_1140] : memref<200x64xf32, #tpu.memory_space<vmem>> -> memref<1x64xf32, #tpu.memory_space<vmem>>
          %dma_start3A_1142 = tpu.memref_squeeze %dma_start3A_1141 : memref<1x64xf32, #tpu.memory_space<vmem>> -> memref<64xf32, #tpu.memory_space<vmem>>
          %dma_start3A_1143 = arith.constant 0 : i32
          %dma_start3A_1144 = tpu.memref_slice %arg4[%shift_right_arithmetic3A_1131, %dma_start3A_1143] : memref<1000000x64xf32, #tpu.memory_space<hbm>> -> memref<1x64xf32, #tpu.memory_space<hbm>>
          %dma_start3A_1145 = tpu.memref_squeeze %dma_start3A_1144 : memref<1x64xf32, #tpu.memory_space<hbm>> -> memref<64xf32, #tpu.memory_space<hbm>>
          tpu.enqueue_dma source(%dma_start3A_1145 : memref<64xf32, #tpu.memory_space<hbm>>) target(%dma_start3A_1142 : memref<64xf32, #tpu.memory_space<vmem>>) target_semaphore(%arg16 : memref<!tpu.dma_semaphore, #tpu.memory_space<semaphore_mem>>)
          %and3A_1146 = arith.constant 3 : i32
          %and3A_1147 = arith.andi %squeeze3A_1129, %and3A_1146 : i32
          %add3A_1148 = arith.constant 2 : i32
          %add3A_1149 = arith.addi %multiple_of3A_1067, %add3A_1148 : i32
          %swap3A_1150 = arith.index_cast %add3A_1149 : i32 to index
          %swap3A_1151 = memref.load %arg14[%swap3A_1150] : memref<200xi32, #tpu.memory_space<smem>>
          memref.store %and3A_1147, %arg14[%swap3A_1150] : memref<200xi32, #tpu.memory_space<smem>>
          %slice3A_1152 = vector.extract_strided_slice %add3A_1079 {offsets = [3], sizes = [1], strides = [1]} : vector<16xi32> to vector<1xi32>
          %squeeze3A_1153 = vector.extract %slice3A_1152[0] : i32 from vector<1xi32>
          %shift_right_arithmetic3A_1154 = arith.constant 2 : i32
          %shift_right_arithmetic3A_1155 = arith.shrsi %squeeze3A_1153, %shift_right_arithmetic3A_1154 : i32
          %add3A_1156 = arith.constant 3 : i32
          %add3A_1157 = arith.addi %multiple_of3A_1067, %add3A_1156 : i32
          %dma_start3A_1158 = arith.constant 0 : i32
          %dma_start3A_1159 = tpu.memref_slice %arg12[%add3A_1157, %dma_start3A_1158] : memref<200x64xf32, #tpu.memory_space<vmem>> -> memref<1x64xf32, #tpu.memory_space<vmem>>
          %dma_start3A_1160 = tpu.memref_squeeze %dma_start3A_1159 : memref<1x64xf32, #tpu.memory_space<vmem>> -> memref<64xf32, #tpu.memory_space<vmem>>
          %dma_start3A_1161 = arith.constant 0 : i32
          %dma_start3A_1162 = tpu.memref_slice %arg4[%shift_right_arithmetic3A_1155, %dma_start3A_1161] : memref<1000000x64xf32, #tpu.memory_space<hbm>> -> memref<1x64xf32, #tpu.memory_space<hbm>>
          %dma_start3A_1163 = tpu.memref_squeeze %dma_start3A_1162 : memref<1x64xf32, #tpu.memory_space<hbm>> -> memref<64xf32, #tpu.memory_space<hbm>>
          %dma_start3A_1164 = arith.constant 0 : i32
          %dma_start3A_1165 = tpu.memref_slice %arg12[%add3A_1157, %dma_start3A_1164] : memref<200x64xf32, #tpu.memory_space<vmem>> -> memref<1x64xf32, #tpu.memory_space<vmem>>
          %dma_start3A_1166 = tpu.memref_squeeze %dma_start3A_1165 : memref<1x64xf32, #tpu.memory_space<vmem>> -> memref<64xf32, #tpu.memory_space<vmem>>
          %dma_start3A_1167 = arith.constant 0 : i32
          %dma_start3A_1168 = tpu.memref_slice %arg4[%shift_right_arithmetic3A_1155, %dma_start3A_1167] : memref<1000000x64xf32, #tpu.memory_space<hbm>> -> memref<1x64xf32, #tpu.memory_space<hbm>>
          %dma_start3A_1169 = tpu.memref_squeeze %dma_start3A_1168 : memref<1x64xf32, #tpu.memory_space<hbm>> -> memref<64xf32, #tpu.memory_space<hbm>>
          tpu.enqueue_dma source(%dma_start3A_1169 : memref<64xf32, #tpu.memory_space<hbm>>) target(%dma_start3A_1166 : memref<64xf32, #tpu.memory_space<vmem>>) target_semaphore(%arg16 : memref<!tpu.dma_semaphore, #tpu.memory_space<semaphore_mem>>)
          %and3A_1170 = arith.constant 3 : i32
          %and3A_1171 = arith.andi %squeeze3A_1153, %and3A_1170 : i32
          %add3A_1172 = arith.constant 3 : i32
          %add3A_1173 = arith.addi %multiple_of3A_1067, %add3A_1172 : i32
          %swap3A_1174 = arith.index_cast %add3A_1173 : i32 to index
          %swap3A_1175 = memref.load %arg14[%swap3A_1174] : memref<200xi32, #tpu.memory_space<smem>>
          memref.store %and3A_1171, %arg14[%swap3A_1174] : memref<200xi32, #tpu.memory_space<smem>>
          %slice3A_1176 = vector.extract_strided_slice %add3A_1079 {offsets = [4], sizes = [1], strides = [1]} : vector<16xi32> to vector<1xi32>
          %squeeze3A_1177 = vector.extract %slice3A_1176[0] : i32 from vector<1xi32>
          %shift_right_arithmetic3A_1178 = arith.constant 2 : i32
          %shift_right_arithmetic3A_1179 = arith.shrsi %squeeze3A_1177, %shift_right_arithmetic3A_1178 : i32
          %add3A_1180 = arith.constant 4 : i32
          %add3A_1181 = arith.addi %multiple_of3A_1067, %add3A_1180 : i32
          %dma_start3A_1182 = arith.constant 0 : i32
          %dma_start3A_1183 = tpu.memref_slice %arg12[%add3A_1181, %dma_start3A_1182] : memref<200x64xf32, #tpu.memory_space<vmem>> -> memref<1x64xf32, #tpu.memory_space<vmem>>
          %dma_start3A_1184 = tpu.memref_squeeze %dma_start3A_1183 : memref<1x64xf32, #tpu.memory_space<vmem>> -> memref<64xf32, #tpu.memory_space<vmem>>
          %dma_start3A_1185 = arith.constant 0 : i32
          %dma_start3A_1186 = tpu.memref_slice %arg4[%shift_right_arithmetic3A_1179, %dma_start3A_1185] : memref<1000000x64xf32, #tpu.memory_space<hbm>> -> memref<1x64xf32, #tpu.memory_space<hbm>>
          %dma_start3A_1187 = tpu.memref_squeeze %dma_start3A_1186 : memref<1x64xf32, #tpu.memory_space<hbm>> -> memref<64xf32, #tpu.memory_space<hbm>>
          %dma_start3A_1188 = arith.constant 0 : i32
          %dma_start3A_1189 = tpu.memref_slice %arg12[%add3A_1181, %dma_start3A_1188] : memref<200x64xf32, #tpu.memory_space<vmem>> -> memref<1x64xf32, #tpu.memory_space<vmem>>
          %dma_start3A_1190 = tpu.memref_squeeze %dma_start3A_1189 : memref<1x64xf32, #tpu.memory_space<vmem>> -> memref<64xf32, #tpu.memory_space<vmem>>
          %dma_start3A_1191 = arith.constant 0 : i32
          %dma_start3A_1192 = tpu.memref_slice %arg4[%shift_right_arithmetic3A_1179, %dma_start3A_1191] : memref<1000000x64xf32, #tpu.memory_space<hbm>> -> memref<1x64xf32, #tpu.memory_space<hbm>>
          %dma_start3A_1193 = tpu.memref_squeeze %dma_start3A_1192 : memref<1x64xf32, #tpu.memory_space<hbm>> -> memref<64xf32, #tpu.memory_space<hbm>>
          tpu.enqueue_dma source(%dma_start3A_1193 : memref<64xf32, #tpu.memory_space<hbm>>) target(%dma_start3A_1190 : memref<64xf32, #tpu.memory_space<vmem>>) target_semaphore(%arg16 : memref<!tpu.dma_semaphore, #tpu.memory_space<semaphore_mem>>)
          %and3A_1194 = arith.constant 3 : i32
          %and3A_1195 = arith.andi %squeeze3A_1177, %and3A_1194 : i32
          %add3A_1196 = arith.constant 4 : i32
          %add3A_1197 = arith.addi %multiple_of3A_1067, %add3A_1196 : i32
          %swap3A_1198 = arith.index_cast %add3A_1197 : i32 to index
          %swap3A_1199 = memref.load %arg14[%swap3A_1198] : memref<200xi32, #tpu.memory_space<smem>>
          memref.store %and3A_1195, %arg14[%swap3A_1198] : memref<200xi32, #tpu.memory_space<smem>>
          %slice3A_1200 = vector.extract_strided_slice %add3A_1079 {offsets = [5], sizes = [1], strides = [1]} : vector<16xi32> to vector<1xi32>
          %squeeze3A_1201 = vector.extract %slice3A_1200[0] : i32 from vector<1xi32>
          %shift_right_arithmetic3A_1202 = arith.constant 2 : i32
          %shift_right_arithmetic3A_1203 = arith.shrsi %squeeze3A_1201, %shift_right_arithmetic3A_1202 : i32
          %add3A_1204 = arith.constant 5 : i32
          %add3A_1205 = arith.addi %multiple_of3A_1067, %add3A_1204 : i32
          %dma_start3A_1206 = arith.constant 0 : i32
          %dma_start3A_1207 = tpu.memref_slice %arg12[%add3A_1205, %dma_start3A_1206] : memref<200x64xf32, #tpu.memory_space<vmem>> -> memref<1x64xf32, #tpu.memory_space<vmem>>
          %dma_start3A_1208 = tpu.memref_squeeze %dma_start3A_1207 : memref<1x64xf32, #tpu.memory_space<vmem>> -> memref<64xf32, #tpu.memory_space<vmem>>
          %dma_start3A_1209 = arith.constant 0 : i32
          %dma_start3A_1210 = tpu.memref_slice %arg4[%shift_right_arithmetic3A_1203, %dma_start3A_1209] : memref<1000000x64xf32, #tpu.memory_space<hbm>> -> memref<1x64xf32, #tpu.memory_space<hbm>>
          %dma_start3A_1211 = tpu.memref_squeeze %dma_start3A_1210 : memref<1x64xf32, #tpu.memory_space<hbm>> -> memref<64xf32, #tpu.memory_space<hbm>>
          %dma_start3A_1212 = arith.constant 0 : i32
          %dma_start3A_1213 = tpu.memref_slice %arg12[%add3A_1205, %dma_start3A_1212] : memref<200x64xf32, #tpu.memory_space<vmem>> -> memref<1x64xf32, #tpu.memory_space<vmem>>
          %dma_start3A_1214 = tpu.memref_squeeze %dma_start3A_1213 : memref<1x64xf32, #tpu.memory_space<vmem>> -> memref<64xf32, #tpu.memory_space<vmem>>
          %dma_start3A_1215 = arith.constant 0 : i32
          %dma_start3A_1216 = tpu.memref_slice %arg4[%shift_right_arithmetic3A_1203, %dma_start3A_1215] : memref<1000000x64xf32, #tpu.memory_space<hbm>> -> memref<1x64xf32, #tpu.memory_space<hbm>>
          %dma_start3A_1217 = tpu.memref_squeeze %dma_start3A_1216 : memref<1x64xf32, #tpu.memory_space<hbm>> -> memref<64xf32, #tpu.memory_space<hbm>>
          tpu.enqueue_dma source(%dma_start3A_1217 : memref<64xf32, #tpu.memory_space<hbm>>) target(%dma_start3A_1214 : memref<64xf32, #tpu.memory_space<vmem>>) target_semaphore(%arg16 : memref<!tpu.dma_semaphore, #tpu.memory_space<semaphore_mem>>)
          %and3A_1218 = arith.constant 3 : i32
          %and3A_1219 = arith.andi %squeeze3A_1201, %and3A_1218 : i32
          %add3A_1220 = arith.constant 5 : i32
          %add3A_1221 = arith.addi %multiple_of3A_1067, %add3A_1220 : i32
          %swap3A_1222 = arith.index_cast %add3A_1221 : i32 to index
          %swap3A_1223 = memref.load %arg14[%swap3A_1222] : memref<200xi32, #tpu.memory_space<smem>>
          memref.store %and3A_1219, %arg14[%swap3A_1222] : memref<200xi32, #tpu.memory_space<smem>>
          %slice3A_1224 = vector.extract_strided_slice %add3A_1079 {offsets = [6], sizes = [1], strides = [1]} : vector<16xi32> to vector<1xi32>
          %squeeze3A_1225 = vector.extract %slice3A_1224[0] : i32 from vector<1xi32>
          %shift_right_arithmetic3A_1226 = arith.constant 2 : i32
          %shift_right_arithmetic3A_1227 = arith.shrsi %squeeze3A_1225, %shift_right_arithmetic3A_1226 : i32
          %add3A_1228 = arith.constant 6 : i32
          %add3A_1229 = arith.addi %multiple_of3A_1067, %add3A_1228 : i32
          %dma_start3A_1230 = arith.constant 0 : i32
          %dma_start3A_1231 = tpu.memref_slice %arg12[%add3A_1229, %dma_start3A_1230] : memref<200x64xf32, #tpu.memory_space<vmem>> -> memref<1x64xf32, #tpu.memory_space<vmem>>
          %dma_start3A_1232 = tpu.memref_squeeze %dma_start3A_1231 : memref<1x64xf32, #tpu.memory_space<vmem>> -> memref<64xf32, #tpu.memory_space<vmem>>
          %dma_start3A_1233 = arith.constant 0 : i32
          %dma_start3A_1234 = tpu.memref_slice %arg4[%shift_right_arithmetic3A_1227, %dma_start3A_1233] : memref<1000000x64xf32, #tpu.memory_space<hbm>> -> memref<1x64xf32, #tpu.memory_space<hbm>>
          %dma_start3A_1235 = tpu.memref_squeeze %dma_start3A_1234 : memref<1x64xf32, #tpu.memory_space<hbm>> -> memref<64xf32, #tpu.memory_space<hbm>>
          %dma_start3A_1236 = arith.constant 0 : i32
          %dma_start3A_1237 = tpu.memref_slice %arg12[%add3A_1229, %dma_start3A_1236] : memref<200x64xf32, #tpu.memory_space<vmem>> -> memref<1x64xf32, #tpu.memory_space<vmem>>
          %dma_start3A_1238 = tpu.memref_squeeze %dma_start3A_1237 : memref<1x64xf32, #tpu.memory_space<vmem>> -> memref<64xf32, #tpu.memory_space<vmem>>
          %dma_start3A_1239 = arith.constant 0 : i32
          %dma_start3A_1240 = tpu.memref_slice %arg4[%shift_right_arithmetic3A_1227, %dma_start3A_1239] : memref<1000000x64xf32, #tpu.memory_space<hbm>> -> memref<1x64xf32, #tpu.memory_space<hbm>>
          %dma_start3A_1241 = tpu.memref_squeeze %dma_start3A_1240 : memref<1x64xf32, #tpu.memory_space<hbm>> -> memref<64xf32, #tpu.memory_space<hbm>>
          tpu.enqueue_dma source(%dma_start3A_1241 : memref<64xf32, #tpu.memory_space<hbm>>) target(%dma_start3A_1238 : memref<64xf32, #tpu.memory_space<vmem>>) target_semaphore(%arg16 : memref<!tpu.dma_semaphore, #tpu.memory_space<semaphore_mem>>)
          %and3A_1242 = arith.constant 3 : i32
          %and3A_1243 = arith.andi %squeeze3A_1225, %and3A_1242 : i32
          %add3A_1244 = arith.constant 6 : i32
          %add3A_1245 = arith.addi %multiple_of3A_1067, %add3A_1244 : i32
          %swap3A_1246 = arith.index_cast %add3A_1245 : i32 to index
          %swap3A_1247 = memref.load %arg14[%swap3A_1246] : memref<200xi32, #tpu.memory_space<smem>>
          memref.store %and3A_1243, %arg14[%swap3A_1246] : memref<200xi32, #tpu.memory_space<smem>>
          %slice3A_1248 = vector.extract_strided_slice %add3A_1079 {offsets = [7], sizes = [1], strides = [1]} : vector<16xi32> to vector<1xi32>
          %squeeze3A_1249 = vector.extract %slice3A_1248[0] : i32 from vector<1xi32>
          %shift_right_arithmetic3A_1250 = arith.constant 2 : i32
          %shift_right_arithmetic3A_1251 = arith.shrsi %squeeze3A_1249, %shift_right_arithmetic3A_1250 : i32
          %add3A_1252 = arith.constant 7 : i32
          %add3A_1253 = arith.addi %multiple_of3A_1067, %add3A_1252 : i32
          %dma_start3A_1254 = arith.constant 0 : i32
          %dma_start3A_1255 = tpu.memref_slice %arg12[%add3A_1253, %dma_start3A_1254] : memref<200x64xf32, #tpu.memory_space<vmem>> -> memref<1x64xf32, #tpu.memory_space<vmem>>
          %dma_start3A_1256 = tpu.memref_squeeze %dma_start3A_1255 : memref<1x64xf32, #tpu.memory_space<vmem>> -> memref<64xf32, #tpu.memory_space<vmem>>
          %dma_start3A_1257 = arith.constant 0 : i32
          %dma_start3A_1258 = tpu.memref_slice %arg4[%shift_right_arithmetic3A_1251, %dma_start3A_1257] : memref<1000000x64xf32, #tpu.memory_space<hbm>> -> memref<1x64xf32, #tpu.memory_space<hbm>>
          %dma_start3A_1259 = tpu.memref_squeeze %dma_start3A_1258 : memref<1x64xf32, #tpu.memory_space<hbm>> -> memref<64xf32, #tpu.memory_space<hbm>>
          %dma_start3A_1260 = arith.constant 0 : i32
          %dma_start3A_1261 = tpu.memref_slice %arg12[%add3A_1253, %dma_start3A_1260] : memref<200x64xf32, #tpu.memory_space<vmem>> -> memref<1x64xf32, #tpu.memory_space<vmem>>
          %dma_start3A_1262 = tpu.memref_squeeze %dma_start3A_1261 : memref<1x64xf32, #tpu.memory_space<vmem>> -> memref<64xf32, #tpu.memory_space<vmem>>
          %dma_start3A_1263 = arith.constant 0 : i32
          %dma_start3A_1264 = tpu.memref_slice %arg4[%shift_right_arithmetic3A_1251, %dma_start3A_1263] : memref<1000000x64xf32, #tpu.memory_space<hbm>> -> memref<1x64xf32, #tpu.memory_space<hbm>>
          %dma_start3A_1265 = tpu.memref_squeeze %dma_start3A_1264 : memref<1x64xf32, #tpu.memory_space<hbm>> -> memref<64xf32, #tpu.memory_space<hbm>>
          tpu.enqueue_dma source(%dma_start3A_1265 : memref<64xf32, #tpu.memory_space<hbm>>) target(%dma_start3A_1262 : memref<64xf32, #tpu.memory_space<vmem>>) target_semaphore(%arg16 : memref<!tpu.dma_semaphore, #tpu.memory_space<semaphore_mem>>)
          %and3A_1266 = arith.constant 3 : i32
          %and3A_1267 = arith.andi %squeeze3A_1249, %and3A_1266 : i32
          %add3A_1268 = arith.constant 7 : i32
          %add3A_1269 = arith.addi %multiple_of3A_1067, %add3A_1268 : i32
          %swap3A_1270 = arith.index_cast %add3A_1269 : i32 to index
          %swap3A_1271 = memref.load %arg14[%swap3A_1270] : memref<200xi32, #tpu.memory_space<smem>>
          memref.store %and3A_1267, %arg14[%swap3A_1270] : memref<200xi32, #tpu.memory_space<smem>>
          %slice3A_1272 = vector.extract_strided_slice %add3A_1079 {offsets = [8], sizes = [1], strides = [1]} : vector<16xi32> to vector<1xi32>
          %squeeze3A_1273 = vector.extract %slice3A_1272[0] : i32 from vector<1xi32>
          %shift_right_arithmetic3A_1274 = arith.constant 2 : i32
          %shift_right_arithmetic3A_1275 = arith.shrsi %squeeze3A_1273, %shift_right_arithmetic3A_1274 : i32
          %add3A_1276 = arith.constant 8 : i32
          %add3A_1277 = arith.addi %multiple_of3A_1067, %add3A_1276 : i32
          %dma_start3A_1278 = arith.constant 0 : i32
          %dma_start3A_1279 = tpu.memref_slice %arg12[%add3A_1277, %dma_start3A_1278] : memref<200x64xf32, #tpu.memory_space<vmem>> -> memref<1x64xf32, #tpu.memory_space<vmem>>
          %dma_start3A_1280 = tpu.memref_squeeze %dma_start3A_1279 : memref<1x64xf32, #tpu.memory_space<vmem>> -> memref<64xf32, #tpu.memory_space<vmem>>
          %dma_start3A_1281 = arith.constant 0 : i32
          %dma_start3A_1282 = tpu.memref_slice %arg4[%shift_right_arithmetic3A_1275, %dma_start3A_1281] : memref<1000000x64xf32, #tpu.memory_space<hbm>> -> memref<1x64xf32, #tpu.memory_space<hbm>>
          %dma_start3A_1283 = tpu.memref_squeeze %dma_start3A_1282 : memref<1x64xf32, #tpu.memory_space<hbm>> -> memref<64xf32, #tpu.memory_space<hbm>>
          %dma_start3A_1284 = arith.constant 0 : i32
          %dma_start3A_1285 = tpu.memref_slice %arg12[%add3A_1277, %dma_start3A_1284] : memref<200x64xf32, #tpu.memory_space<vmem>> -> memref<1x64xf32, #tpu.memory_space<vmem>>
          %dma_start3A_1286 = tpu.memref_squeeze %dma_start3A_1285 : memref<1x64xf32, #tpu.memory_space<vmem>> -> memref<64xf32, #tpu.memory_space<vmem>>
          %dma_start3A_1287 = arith.constant 0 : i32
          %dma_start3A_1288 = tpu.memref_slice %arg4[%shift_right_arithmetic3A_1275, %dma_start3A_1287] : memref<1000000x64xf32, #tpu.memory_space<hbm>> -> memref<1x64xf32, #tpu.memory_space<hbm>>
          %dma_start3A_1289 = tpu.memref_squeeze %dma_start3A_1288 : memref<1x64xf32, #tpu.memory_space<hbm>> -> memref<64xf32, #tpu.memory_space<hbm>>
          tpu.enqueue_dma source(%dma_start3A_1289 : memref<64xf32, #tpu.memory_space<hbm>>) target(%dma_start3A_1286 : memref<64xf32, #tpu.memory_space<vmem>>) target_semaphore(%arg16 : memref<!tpu.dma_semaphore, #tpu.memory_space<semaphore_mem>>)
          %and3A_1290 = arith.constant 3 : i32
          %and3A_1291 = arith.andi %squeeze3A_1273, %and3A_1290 : i32
          %add3A_1292 = arith.constant 8 : i32
          %add3A_1293 = arith.addi %multiple_of3A_1067, %add3A_1292 : i32
          %swap3A_1294 = arith.index_cast %add3A_1293 : i32 to index
          %swap3A_1295 = memref.load %arg14[%swap3A_1294] : memref<200xi32, #tpu.memory_space<smem>>
          memref.store %and3A_1291, %arg14[%swap3A_1294] : memref<200xi32, #tpu.memory_space<smem>>
          %slice3A_1296 = vector.extract_strided_slice %add3A_1079 {offsets = [9], sizes = [1], strides = [1]} : vector<16xi32> to vector<1xi32>
          %squeeze3A_1297 = vector.extract %slice3A_1296[0] : i32 from vector<1xi32>
          %shift_right_arithmetic3A_1298 = arith.constant 2 : i32
          %shift_right_arithmetic3A_1299 = arith.shrsi %squeeze3A_1297, %shift_right_arithmetic3A_1298 : i32
          %add3A_1300 = arith.constant 9 : i32
          %add3A_1301 = arith.addi %multiple_of3A_1067, %add3A_1300 : i32
          %dma_start3A_1302 = arith.constant 0 : i32
          %dma_start3A_1303 = tpu.memref_slice %arg12[%add3A_1301, %dma_start3A_1302] : memref<200x64xf32, #tpu.memory_space<vmem>> -> memref<1x64xf32, #tpu.memory_space<vmem>>
          %dma_start3A_1304 = tpu.memref_squeeze %dma_start3A_1303 : memref<1x64xf32, #tpu.memory_space<vmem>> -> memref<64xf32, #tpu.memory_space<vmem>>
          %dma_start3A_1305 = arith.constant 0 : i32
          %dma_start3A_1306 = tpu.memref_slice %arg4[%shift_right_arithmetic3A_1299, %dma_start3A_1305] : memref<1000000x64xf32, #tpu.memory_space<hbm>> -> memref<1x64xf32, #tpu.memory_space<hbm>>
          %dma_start3A_1307 = tpu.memref_squeeze %dma_start3A_1306 : memref<1x64xf32, #tpu.memory_space<hbm>> -> memref<64xf32, #tpu.memory_space<hbm>>
          %dma_start3A_1308 = arith.constant 0 : i32
          %dma_start3A_1309 = tpu.memref_slice %arg12[%add3A_1301, %dma_start3A_1308] : memref<200x64xf32, #tpu.memory_space<vmem>> -> memref<1x64xf32, #tpu.memory_space<vmem>>
          %dma_start3A_1310 = tpu.memref_squeeze %dma_start3A_1309 : memref<1x64xf32, #tpu.memory_space<vmem>> -> memref<64xf32, #tpu.memory_space<vmem>>
          %dma_start3A_1311 = arith.constant 0 : i32
          %dma_start3A_1312 = tpu.memref_slice %arg4[%shift_right_arithmetic3A_1299, %dma_start3A_1311] : memref<1000000x64xf32, #tpu.memory_space<hbm>> -> memref<1x64xf32, #tpu.memory_space<hbm>>
          %dma_start3A_1313 = tpu.memref_squeeze %dma_start3A_1312 : memref<1x64xf32, #tpu.memory_space<hbm>> -> memref<64xf32, #tpu.memory_space<hbm>>
          tpu.enqueue_dma source(%dma_start3A_1313 : memref<64xf32, #tpu.memory_space<hbm>>) target(%dma_start3A_1310 : memref<64xf32, #tpu.memory_space<vmem>>) target_semaphore(%arg16 : memref<!tpu.dma_semaphore, #tpu.memory_space<semaphore_mem>>)
          %and3A_1314 = arith.constant 3 : i32
          %and3A_1315 = arith.andi %squeeze3A_1297, %and3A_1314 : i32
          %add3A_1316 = arith.constant 9 : i32
          %add3A_1317 = arith.addi %multiple_of3A_1067, %add3A_1316 : i32
          %swap3A_1318 = arith.index_cast %add3A_1317 : i32 to index
          %swap3A_1319 = memref.load %arg14[%swap3A_1318] : memref<200xi32, #tpu.memory_space<smem>>
          memref.store %and3A_1315, %arg14[%swap3A_1318] : memref<200xi32, #tpu.memory_space<smem>>
          %slice3A_1320 = vector.extract_strided_slice %add3A_1079 {offsets = [10], sizes = [1], strides = [1]} : vector<16xi32> to vector<1xi32>
          %squeeze3A_1321 = vector.extract %slice3A_1320[0] : i32 from vector<1xi32>
          %shift_right_arithmetic3A_1322 = arith.constant 2 : i32
          %shift_right_arithmetic3A_1323 = arith.shrsi %squeeze3A_1321, %shift_right_arithmetic3A_1322 : i32
          %add3A_1324 = arith.constant 10 : i32
          %add3A_1325 = arith.addi %multiple_of3A_1067, %add3A_1324 : i32
          %dma_start3A_1326 = arith.constant 0 : i32
          %dma_start3A_1327 = tpu.memref_slice %arg12[%add3A_1325, %dma_start3A_1326] : memref<200x64xf32, #tpu.memory_space<vmem>> -> memref<1x64xf32, #tpu.memory_space<vmem>>
          %dma_start3A_1328 = tpu.memref_squeeze %dma_start3A_1327 : memref<1x64xf32, #tpu.memory_space<vmem>> -> memref<64xf32, #tpu.memory_space<vmem>>
          %dma_start3A_1329 = arith.constant 0 : i32
          %dma_start3A_1330 = tpu.memref_slice %arg4[%shift_right_arithmetic3A_1323, %dma_start3A_1329] : memref<1000000x64xf32, #tpu.memory_space<hbm>> -> memref<1x64xf32, #tpu.memory_space<hbm>>
          %dma_start3A_1331 = tpu.memref_squeeze %dma_start3A_1330 : memref<1x64xf32, #tpu.memory_space<hbm>> -> memref<64xf32, #tpu.memory_space<hbm>>
          %dma_start3A_1332 = arith.constant 0 : i32
          %dma_start3A_1333 = tpu.memref_slice %arg12[%add3A_1325, %dma_start3A_1332] : memref<200x64xf32, #tpu.memory_space<vmem>> -> memref<1x64xf32, #tpu.memory_space<vmem>>
          %dma_start3A_1334 = tpu.memref_squeeze %dma_start3A_1333 : memref<1x64xf32, #tpu.memory_space<vmem>> -> memref<64xf32, #tpu.memory_space<vmem>>
          %dma_start3A_1335 = arith.constant 0 : i32
          %dma_start3A_1336 = tpu.memref_slice %arg4[%shift_right_arithmetic3A_1323, %dma_start3A_1335] : memref<1000000x64xf32, #tpu.memory_space<hbm>> -> memref<1x64xf32, #tpu.memory_space<hbm>>
          %dma_start3A_1337 = tpu.memref_squeeze %dma_start3A_1336 : memref<1x64xf32, #tpu.memory_space<hbm>> -> memref<64xf32, #tpu.memory_space<hbm>>
          tpu.enqueue_dma source(%dma_start3A_1337 : memref<64xf32, #tpu.memory_space<hbm>>) target(%dma_start3A_1334 : memref<64xf32, #tpu.memory_space<vmem>>) target_semaphore(%arg16 : memref<!tpu.dma_semaphore, #tpu.memory_space<semaphore_mem>>)
          %and3A_1338 = arith.constant 3 : i32
          %and3A_1339 = arith.andi %squeeze3A_1321, %and3A_1338 : i32
          %add3A_1340 = arith.constant 10 : i32
          %add3A_1341 = arith.addi %multiple_of3A_1067, %add3A_1340 : i32
          %swap3A_1342 = arith.index_cast %add3A_1341 : i32 to index
          %swap3A_1343 = memref.load %arg14[%swap3A_1342] : memref<200xi32, #tpu.memory_space<smem>>
          memref.store %and3A_1339, %arg14[%swap3A_1342] : memref<200xi32, #tpu.memory_space<smem>>
          %slice3A_1344 = vector.extract_strided_slice %add3A_1079 {offsets = [11], sizes = [1], strides = [1]} : vector<16xi32> to vector<1xi32>
          %squeeze3A_1345 = vector.extract %slice3A_1344[0] : i32 from vector<1xi32>
          %shift_right_arithmetic3A_1346 = arith.constant 2 : i32
          %shift_right_arithmetic3A_1347 = arith.shrsi %squeeze3A_1345, %shift_right_arithmetic3A_1346 : i32
          %add3A_1348 = arith.constant 11 : i32
          %add3A_1349 = arith.addi %multiple_of3A_1067, %add3A_1348 : i32
          %dma_start3A_1350 = arith.constant 0 : i32
          %dma_start3A_1351 = tpu.memref_slice %arg12[%add3A_1349, %dma_start3A_1350] : memref<200x64xf32, #tpu.memory_space<vmem>> -> memref<1x64xf32, #tpu.memory_space<vmem>>
          %dma_start3A_1352 = tpu.memref_squeeze %dma_start3A_1351 : memref<1x64xf32, #tpu.memory_space<vmem>> -> memref<64xf32, #tpu.memory_space<vmem>>
          %dma_start3A_1353 = arith.constant 0 : i32
          %dma_start3A_1354 = tpu.memref_slice %arg4[%shift_right_arithmetic3A_1347, %dma_start3A_1353] : memref<1000000x64xf32, #tpu.memory_space<hbm>> -> memref<1x64xf32, #tpu.memory_space<hbm>>
          %dma_start3A_1355 = tpu.memref_squeeze %dma_start3A_1354 : memref<1x64xf32, #tpu.memory_space<hbm>> -> memref<64xf32, #tpu.memory_space<hbm>>
          %dma_start3A_1356 = arith.constant 0 : i32
          %dma_start3A_1357 = tpu.memref_slice %arg12[%add3A_1349, %dma_start3A_1356] : memref<200x64xf32, #tpu.memory_space<vmem>> -> memref<1x64xf32, #tpu.memory_space<vmem>>
          %dma_start3A_1358 = tpu.memref_squeeze %dma_start3A_1357 : memref<1x64xf32, #tpu.memory_space<vmem>> -> memref<64xf32, #tpu.memory_space<vmem>>
          %dma_start3A_1359 = arith.constant 0 : i32
          %dma_start3A_1360 = tpu.memref_slice %arg4[%shift_right_arithmetic3A_1347, %dma_start3A_1359] : memref<1000000x64xf32, #tpu.memory_space<hbm>> -> memref<1x64xf32, #tpu.memory_space<hbm>>
          %dma_start3A_1361 = tpu.memref_squeeze %dma_start3A_1360 : memref<1x64xf32, #tpu.memory_space<hbm>> -> memref<64xf32, #tpu.memory_space<hbm>>
          tpu.enqueue_dma source(%dma_start3A_1361 : memref<64xf32, #tpu.memory_space<hbm>>) target(%dma_start3A_1358 : memref<64xf32, #tpu.memory_space<vmem>>) target_semaphore(%arg16 : memref<!tpu.dma_semaphore, #tpu.memory_space<semaphore_mem>>)
          %and3A_1362 = arith.constant 3 : i32
          %and3A_1363 = arith.andi %squeeze3A_1345, %and3A_1362 : i32
          %add3A_1364 = arith.constant 11 : i32
          %add3A_1365 = arith.addi %multiple_of3A_1067, %add3A_1364 : i32
          %swap3A_1366 = arith.index_cast %add3A_1365 : i32 to index
          %swap3A_1367 = memref.load %arg14[%swap3A_1366] : memref<200xi32, #tpu.memory_space<smem>>
          memref.store %and3A_1363, %arg14[%swap3A_1366] : memref<200xi32, #tpu.memory_space<smem>>
          %slice3A_1368 = vector.extract_strided_slice %add3A_1079 {offsets = [12], sizes = [1], strides = [1]} : vector<16xi32> to vector<1xi32>
          %squeeze3A_1369 = vector.extract %slice3A_1368[0] : i32 from vector<1xi32>
          %shift_right_arithmetic3A_1370 = arith.constant 2 : i32
          %shift_right_arithmetic3A_1371 = arith.shrsi %squeeze3A_1369, %shift_right_arithmetic3A_1370 : i32
          %add3A_1372 = arith.constant 12 : i32
          %add3A_1373 = arith.addi %multiple_of3A_1067, %add3A_1372 : i32
          %dma_start3A_1374 = arith.constant 0 : i32
          %dma_start3A_1375 = tpu.memref_slice %arg12[%add3A_1373, %dma_start3A_1374] : memref<200x64xf32, #tpu.memory_space<vmem>> -> memref<1x64xf32, #tpu.memory_space<vmem>>
          %dma_start3A_1376 = tpu.memref_squeeze %dma_start3A_1375 : memref<1x64xf32, #tpu.memory_space<vmem>> -> memref<64xf32, #tpu.memory_space<vmem>>
          %dma_start3A_1377 = arith.constant 0 : i32
          %dma_start3A_1378 = tpu.memref_slice %arg4[%shift_right_arithmetic3A_1371, %dma_start3A_1377] : memref<1000000x64xf32, #tpu.memory_space<hbm>> -> memref<1x64xf32, #tpu.memory_space<hbm>>
          %dma_start3A_1379 = tpu.memref_squeeze %dma_start3A_1378 : memref<1x64xf32, #tpu.memory_space<hbm>> -> memref<64xf32, #tpu.memory_space<hbm>>
          %dma_start3A_1380 = arith.constant 0 : i32
          %dma_start3A_1381 = tpu.memref_slice %arg12[%add3A_1373, %dma_start3A_1380] : memref<200x64xf32, #tpu.memory_space<vmem>> -> memref<1x64xf32, #tpu.memory_space<vmem>>
          %dma_start3A_1382 = tpu.memref_squeeze %dma_start3A_1381 : memref<1x64xf32, #tpu.memory_space<vmem>> -> memref<64xf32, #tpu.memory_space<vmem>>
          %dma_start3A_1383 = arith.constant 0 : i32
          %dma_start3A_1384 = tpu.memref_slice %arg4[%shift_right_arithmetic3A_1371, %dma_start3A_1383] : memref<1000000x64xf32, #tpu.memory_space<hbm>> -> memref<1x64xf32, #tpu.memory_space<hbm>>
          %dma_start3A_1385 = tpu.memref_squeeze %dma_start3A_1384 : memref<1x64xf32, #tpu.memory_space<hbm>> -> memref<64xf32, #tpu.memory_space<hbm>>
          tpu.enqueue_dma source(%dma_start3A_1385 : memref<64xf32, #tpu.memory_space<hbm>>) target(%dma_start3A_1382 : memref<64xf32, #tpu.memory_space<vmem>>) target_semaphore(%arg16 : memref<!tpu.dma_semaphore, #tpu.memory_space<semaphore_mem>>)
          %and3A_1386 = arith.constant 3 : i32
          %and3A_1387 = arith.andi %squeeze3A_1369, %and3A_1386 : i32
          %add3A_1388 = arith.constant 12 : i32
          %add3A_1389 = arith.addi %multiple_of3A_1067, %add3A_1388 : i32
          %swap3A_1390 = arith.index_cast %add3A_1389 : i32 to index
          %swap3A_1391 = memref.load %arg14[%swap3A_1390] : memref<200xi32, #tpu.memory_space<smem>>
          memref.store %and3A_1387, %arg14[%swap3A_1390] : memref<200xi32, #tpu.memory_space<smem>>
          %slice3A_1392 = vector.extract_strided_slice %add3A_1079 {offsets = [13], sizes = [1], strides = [1]} : vector<16xi32> to vector<1xi32>
          %squeeze3A_1393 = vector.extract %slice3A_1392[0] : i32 from vector<1xi32>
          %shift_right_arithmetic3A_1394 = arith.constant 2 : i32
          %shift_right_arithmetic3A_1395 = arith.shrsi %squeeze3A_1393, %shift_right_arithmetic3A_1394 : i32
          %add3A_1396 = arith.constant 13 : i32
          %add3A_1397 = arith.addi %multiple_of3A_1067, %add3A_1396 : i32
          %dma_start3A_1398 = arith.constant 0 : i32
          %dma_start3A_1399 = tpu.memref_slice %arg12[%add3A_1397, %dma_start3A_1398] : memref<200x64xf32, #tpu.memory_space<vmem>> -> memref<1x64xf32, #tpu.memory_space<vmem>>
          %dma_start3A_1400 = tpu.memref_squeeze %dma_start3A_1399 : memref<1x64xf32, #tpu.memory_space<vmem>> -> memref<64xf32, #tpu.memory_space<vmem>>
          %dma_start3A_1401 = arith.constant 0 : i32
          %dma_start3A_1402 = tpu.memref_slice %arg4[%shift_right_arithmetic3A_1395, %dma_start3A_1401] : memref<1000000x64xf32, #tpu.memory_space<hbm>> -> memref<1x64xf32, #tpu.memory_space<hbm>>
          %dma_start3A_1403 = tpu.memref_squeeze %dma_start3A_1402 : memref<1x64xf32, #tpu.memory_space<hbm>> -> memref<64xf32, #tpu.memory_space<hbm>>
          %dma_start3A_1404 = arith.constant 0 : i32
          %dma_start3A_1405 = tpu.memref_slice %arg12[%add3A_1397, %dma_start3A_1404] : memref<200x64xf32, #tpu.memory_space<vmem>> -> memref<1x64xf32, #tpu.memory_space<vmem>>
          %dma_start3A_1406 = tpu.memref_squeeze %dma_start3A_1405 : memref<1x64xf32, #tpu.memory_space<vmem>> -> memref<64xf32, #tpu.memory_space<vmem>>
          %dma_start3A_1407 = arith.constant 0 : i32
          %dma_start3A_1408 = tpu.memref_slice %arg4[%shift_right_arithmetic3A_1395, %dma_start3A_1407] : memref<1000000x64xf32, #tpu.memory_space<hbm>> -> memref<1x64xf32, #tpu.memory_space<hbm>>
          %dma_start3A_1409 = tpu.memref_squeeze %dma_start3A_1408 : memref<1x64xf32, #tpu.memory_space<hbm>> -> memref<64xf32, #tpu.memory_space<hbm>>
          tpu.enqueue_dma source(%dma_start3A_1409 : memref<64xf32, #tpu.memory_space<hbm>>) target(%dma_start3A_1406 : memref<64xf32, #tpu.memory_space<vmem>>) target_semaphore(%arg16 : memref<!tpu.dma_semaphore, #tpu.memory_space<semaphore_mem>>)
          %and3A_1410 = arith.constant 3 : i32
          %and3A_1411 = arith.andi %squeeze3A_1393, %and3A_1410 : i32
          %add3A_1412 = arith.constant 13 : i32
          %add3A_1413 = arith.addi %multiple_of3A_1067, %add3A_1412 : i32
          %swap3A_1414 = arith.index_cast %add3A_1413 : i32 to index
          %swap3A_1415 = memref.load %arg14[%swap3A_1414] : memref<200xi32, #tpu.memory_space<smem>>
          memref.store %and3A_1411, %arg14[%swap3A_1414] : memref<200xi32, #tpu.memory_space<smem>>
          %slice3A_1416 = vector.extract_strided_slice %add3A_1079 {offsets = [14], sizes = [1], strides = [1]} : vector<16xi32> to vector<1xi32>
          %squeeze3A_1417 = vector.extract %slice3A_1416[0] : i32 from vector<1xi32>
          %shift_right_arithmetic3A_1418 = arith.constant 2 : i32
          %shift_right_arithmetic3A_1419 = arith.shrsi %squeeze3A_1417, %shift_right_arithmetic3A_1418 : i32
          %add3A_1420 = arith.constant 14 : i32
          %add3A_1421 = arith.addi %multiple_of3A_1067, %add3A_1420 : i32
          %dma_start3A_1422 = arith.constant 0 : i32
          %dma_start3A_1423 = tpu.memref_slice %arg12[%add3A_1421, %dma_start3A_1422] : memref<200x64xf32, #tpu.memory_space<vmem>> -> memref<1x64xf32, #tpu.memory_space<vmem>>
          %dma_start3A_1424 = tpu.memref_squeeze %dma_start3A_1423 : memref<1x64xf32, #tpu.memory_space<vmem>> -> memref<64xf32, #tpu.memory_space<vmem>>
          %dma_start3A_1425 = arith.constant 0 : i32
          %dma_start3A_1426 = tpu.memref_slice %arg4[%shift_right_arithmetic3A_1419, %dma_start3A_1425] : memref<1000000x64xf32, #tpu.memory_space<hbm>> -> memref<1x64xf32, #tpu.memory_space<hbm>>
          %dma_start3A_1427 = tpu.memref_squeeze %dma_start3A_1426 : memref<1x64xf32, #tpu.memory_space<hbm>> -> memref<64xf32, #tpu.memory_space<hbm>>
          %dma_start3A_1428 = arith.constant 0 : i32
          %dma_start3A_1429 = tpu.memref_slice %arg12[%add3A_1421, %dma_start3A_1428] : memref<200x64xf32, #tpu.memory_space<vmem>> -> memref<1x64xf32, #tpu.memory_space<vmem>>
          %dma_start3A_1430 = tpu.memref_squeeze %dma_start3A_1429 : memref<1x64xf32, #tpu.memory_space<vmem>> -> memref<64xf32, #tpu.memory_space<vmem>>
          %dma_start3A_1431 = arith.constant 0 : i32
          %dma_start3A_1432 = tpu.memref_slice %arg4[%shift_right_arithmetic3A_1419, %dma_start3A_1431] : memref<1000000x64xf32, #tpu.memory_space<hbm>> -> memref<1x64xf32, #tpu.memory_space<hbm>>
          %dma_start3A_1433 = tpu.memref_squeeze %dma_start3A_1432 : memref<1x64xf32, #tpu.memory_space<hbm>> -> memref<64xf32, #tpu.memory_space<hbm>>
          tpu.enqueue_dma source(%dma_start3A_1433 : memref<64xf32, #tpu.memory_space<hbm>>) target(%dma_start3A_1430 : memref<64xf32, #tpu.memory_space<vmem>>) target_semaphore(%arg16 : memref<!tpu.dma_semaphore, #tpu.memory_space<semaphore_mem>>)
          %and3A_1434 = arith.constant 3 : i32
          %and3A_1435 = arith.andi %squeeze3A_1417, %and3A_1434 : i32
          %add3A_1436 = arith.constant 14 : i32
          %add3A_1437 = arith.addi %multiple_of3A_1067, %add3A_1436 : i32
          %swap3A_1438 = arith.index_cast %add3A_1437 : i32 to index
          %swap3A_1439 = memref.load %arg14[%swap3A_1438] : memref<200xi32, #tpu.memory_space<smem>>
          memref.store %and3A_1435, %arg14[%swap3A_1438] : memref<200xi32, #tpu.memory_space<smem>>
          %slice3A_1440 = vector.extract_strided_slice %add3A_1079 {offsets = [15], sizes = [1], strides = [1]} : vector<16xi32> to vector<1xi32>
          %squeeze3A_1441 = vector.extract %slice3A_1440[0] : i32 from vector<1xi32>
          %shift_right_arithmetic3A_1442 = arith.constant 2 : i32
          %shift_right_arithmetic3A_1443 = arith.shrsi %squeeze3A_1441, %shift_right_arithmetic3A_1442 : i32
          %add3A_1444 = arith.constant 15 : i32
          %add3A_1445 = arith.addi %multiple_of3A_1067, %add3A_1444 : i32
          %dma_start3A_1446 = arith.constant 0 : i32
          %dma_start3A_1447 = tpu.memref_slice %arg12[%add3A_1445, %dma_start3A_1446] : memref<200x64xf32, #tpu.memory_space<vmem>> -> memref<1x64xf32, #tpu.memory_space<vmem>>
          %dma_start3A_1448 = tpu.memref_squeeze %dma_start3A_1447 : memref<1x64xf32, #tpu.memory_space<vmem>> -> memref<64xf32, #tpu.memory_space<vmem>>
          %dma_start3A_1449 = arith.constant 0 : i32
          %dma_start3A_1450 = tpu.memref_slice %arg4[%shift_right_arithmetic3A_1443, %dma_start3A_1449] : memref<1000000x64xf32, #tpu.memory_space<hbm>> -> memref<1x64xf32, #tpu.memory_space<hbm>>
          %dma_start3A_1451 = tpu.memref_squeeze %dma_start3A_1450 : memref<1x64xf32, #tpu.memory_space<hbm>> -> memref<64xf32, #tpu.memory_space<hbm>>
          %dma_start3A_1452 = arith.constant 0 : i32
          %dma_start3A_1453 = tpu.memref_slice %arg12[%add3A_1445, %dma_start3A_1452] : memref<200x64xf32, #tpu.memory_space<vmem>> -> memref<1x64xf32, #tpu.memory_space<vmem>>
          %dma_start3A_1454 = tpu.memref_squeeze %dma_start3A_1453 : memref<1x64xf32, #tpu.memory_space<vmem>> -> memref<64xf32, #tpu.memory_space<vmem>>
          %dma_start3A_1455 = arith.constant 0 : i32
          %dma_start3A_1456 = tpu.memref_slice %arg4[%shift_right_arithmetic3A_1443, %dma_start3A_1455] : memref<1000000x64xf32, #tpu.memory_space<hbm>> -> memref<1x64xf32, #tpu.memory_space<hbm>>
          %dma_start3A_1457 = tpu.memref_squeeze %dma_start3A_1456 : memref<1x64xf32, #tpu.memory_space<hbm>> -> memref<64xf32, #tpu.memory_space<hbm>>
          tpu.enqueue_dma source(%dma_start3A_1457 : memref<64xf32, #tpu.memory_space<hbm>>) target(%dma_start3A_1454 : memref<64xf32, #tpu.memory_space<vmem>>) target_semaphore(%arg16 : memref<!tpu.dma_semaphore, #tpu.memory_space<semaphore_mem>>)
          %and3A_1458 = arith.constant 3 : i32
          %and3A_1459 = arith.andi %squeeze3A_1441, %and3A_1458 : i32
          %add3A_1460 = arith.constant 15 : i32
          %add3A_1461 = arith.addi %multiple_of3A_1067, %add3A_1460 : i32
          %swap3A_1462 = arith.index_cast %add3A_1461 : i32 to index
          %swap3A_1463 = memref.load %arg14[%swap3A_1462] : memref<200xi32, #tpu.memory_space<smem>>
          memref.store %and3A_1459, %arg14[%swap3A_1462] : memref<200xi32, #tpu.memory_space<smem>>
        }
        %scan3A_468 = arith.constant 6 : i32
        %get3A_469 = arith.index_cast %add3A_462 : i32 to index
        %get3A_470 = arith.constant 184 : index
        %get3A_471 = tpu.vector_load %arg8[%get3A_469, %get3A_470] {strides = array<i32>} : memref<32x200xi32, #tpu.memory_space<vmem>>, vector<1x16xi32>,
        %get3A_472 = vector.shape_cast %get3A_471 : vector<1x16xi32> to vector<16xi32>
        %get3A_473 = arith.index_cast %add3A_462 : i32 to index
        %get3A_474 = arith.constant 184 : index
        %get3A_475 = tpu.vector_load %arg9[%get3A_473, %get3A_474] {strides = array<i32>} : memref<32x200xi32, #tpu.memory_space<vmem>>, vector<1x16xi32>,
        %get3A_476 = vector.shape_cast %get3A_475 : vector<1x16xi32> to vector<16xi32>
        %mul3A_477 = arith.constant 4 : i32
        %mul3A_478 = vector.broadcast %mul3A_477 : i32 to vector<16xi32>
        %mul3A_479 = arith.muli %get3A_472, %mul3A_478 : vector<16xi32>
        %add3A_480 = arith.addi %mul3A_479, %get3A_476 : vector<16xi32>
        %slice3A_481 = vector.extract_strided_slice %add3A_480 {offsets = [8], sizes = [1], strides = [1]} : vector<16xi32> to vector<1xi32>
        %squeeze3A_482 = vector.extract %slice3A_481[0] : i32 from vector<1xi32>
        %shift_right_arithmetic3A_483 = arith.constant 2 : i32
        %shift_right_arithmetic3A_484 = arith.shrsi %squeeze3A_482, %shift_right_arithmetic3A_483 : i32
        %dma_start3A_485 = arith.constant 192 : i32
        %dma_start3A_486 = arith.constant 0 : i32
        %dma_start3A_487 = tpu.memref_slice %arg12[%dma_start3A_485, %dma_start3A_486] : memref<200x64xf32, #tpu.memory_space<vmem>> -> memref<1x64xf32, #tpu.memory_space<vmem>>
        %dma_start3A_488 = tpu.memref_squeeze %dma_start3A_487 : memref<1x64xf32, #tpu.memory_space<vmem>> -> memref<64xf32, #tpu.memory_space<vmem>>
        %dma_start3A_489 = arith.constant 0 : i32
        %dma_start3A_490 = tpu.memref_slice %arg4[%shift_right_arithmetic3A_484, %dma_start3A_489] : memref<1000000x64xf32, #tpu.memory_space<hbm>> -> memref<1x64xf32, #tpu.memory_space<hbm>>
        %dma_start3A_491 = tpu.memref_squeeze %dma_start3A_490 : memref<1x64xf32, #tpu.memory_space<hbm>> -> memref<64xf32, #tpu.memory_space<hbm>>
        %dma_start3A_492 = arith.constant 0 : i32
        %dma_start3A_493 = tpu.memref_slice %arg12[%dma_start3A_485, %dma_start3A_492] : memref<200x64xf32, #tpu.memory_space<vmem>> -> memref<1x64xf32, #tpu.memory_space<vmem>>
        %dma_start3A_494 = tpu.memref_squeeze %dma_start3A_493 : memref<1x64xf32, #tpu.memory_space<vmem>> -> memref<64xf32, #tpu.memory_space<vmem>>
        %dma_start3A_495 = arith.constant 0 : i32
        %dma_start3A_496 = tpu.memref_slice %arg4[%shift_right_arithmetic3A_484, %dma_start3A_495] : memref<1000000x64xf32, #tpu.memory_space<hbm>> -> memref<1x64xf32, #tpu.memory_space<hbm>>
        %dma_start3A_497 = tpu.memref_squeeze %dma_start3A_496 : memref<1x64xf32, #tpu.memory_space<hbm>> -> memref<64xf32, #tpu.memory_space<hbm>>
        tpu.enqueue_dma source(%dma_start3A_497 : memref<64xf32, #tpu.memory_space<hbm>>) target(%dma_start3A_494 : memref<64xf32, #tpu.memory_space<vmem>>) target_semaphore(%arg16 : memref<!tpu.dma_semaphore, #tpu.memory_space<semaphore_mem>>)
        %and3A_498 = arith.constant 3 : i32
        %and3A_499 = arith.andi %squeeze3A_482, %and3A_498 : i32
        %swap3A_500 = arith.constant 192 : i32
        %swap3A_501 = arith.index_cast %swap3A_500 : i32 to index
        %swap3A_502 = memref.load %arg14[%swap3A_501] : memref<200xi32, #tpu.memory_space<smem>>
        memref.store %and3A_499, %arg14[%swap3A_501] : memref<200xi32, #tpu.memory_space<smem>>
        %slice3A_503 = vector.extract_strided_slice %add3A_480 {offsets = [9], sizes = [1], strides = [1]} : vector<16xi32> to vector<1xi32>
        %squeeze3A_504 = vector.extract %slice3A_503[0] : i32 from vector<1xi32>
        %shift_right_arithmetic3A_505 = arith.constant 2 : i32
        %shift_right_arithmetic3A_506 = arith.shrsi %squeeze3A_504, %shift_right_arithmetic3A_505 : i32
        %dma_start3A_507 = arith.constant 193 : i32
        %dma_start3A_508 = arith.constant 0 : i32
        %dma_start3A_509 = tpu.memref_slice %arg12[%dma_start3A_507, %dma_start3A_508] : memref<200x64xf32, #tpu.memory_space<vmem>> -> memref<1x64xf32, #tpu.memory_space<vmem>>
        %dma_start3A_510 = tpu.memref_squeeze %dma_start3A_509 : memref<1x64xf32, #tpu.memory_space<vmem>> -> memref<64xf32, #tpu.memory_space<vmem>>
        %dma_start3A_511 = arith.constant 0 : i32
        %dma_start3A_512 = tpu.memref_slice %arg4[%shift_right_arithmetic3A_506, %dma_start3A_511] : memref<1000000x64xf32, #tpu.memory_space<hbm>> -> memref<1x64xf32, #tpu.memory_space<hbm>>
        %dma_start3A_513 = tpu.memref_squeeze %dma_start3A_512 : memref<1x64xf32, #tpu.memory_space<hbm>> -> memref<64xf32, #tpu.memory_space<hbm>>
        %dma_start3A_514 = arith.constant 0 : i32
        %dma_start3A_515 = tpu.memref_slice %arg12[%dma_start3A_507, %dma_start3A_514] : memref<200x64xf32, #tpu.memory_space<vmem>> -> memref<1x64xf32, #tpu.memory_space<vmem>>
        %dma_start3A_516 = tpu.memref_squeeze %dma_start3A_515 : memref<1x64xf32, #tpu.memory_space<vmem>> -> memref<64xf32, #tpu.memory_space<vmem>>
        %dma_start3A_517 = arith.constant 0 : i32
        %dma_start3A_518 = tpu.memref_slice %arg4[%shift_right_arithmetic3A_506, %dma_start3A_517] : memref<1000000x64xf32, #tpu.memory_space<hbm>> -> memref<1x64xf32, #tpu.memory_space<hbm>>
        %dma_start3A_519 = tpu.memref_squeeze %dma_start3A_518 : memref<1x64xf32, #tpu.memory_space<hbm>> -> memref<64xf32, #tpu.memory_space<hbm>>
        tpu.enqueue_dma source(%dma_start3A_519 : memref<64xf32, #tpu.memory_space<hbm>>) target(%dma_start3A_516 : memref<64xf32, #tpu.memory_space<vmem>>) target_semaphore(%arg16 : memref<!tpu.dma_semaphore, #tpu.memory_space<semaphore_mem>>)
        %and3A_520 = arith.constant 3 : i32
        %and3A_521 = arith.andi %squeeze3A_504, %and3A_520 : i32
        %swap3A_522 = arith.constant 193 : i32
        %swap3A_523 = arith.index_cast %swap3A_522 : i32 to index
        %swap3A_524 = memref.load %arg14[%swap3A_523] : memref<200xi32, #tpu.memory_space<smem>>
        memref.store %and3A_521, %arg14[%swap3A_523] : memref<200xi32, #tpu.memory_space<smem>>
        %slice3A_525 = vector.extract_strided_slice %add3A_480 {offsets = [10], sizes = [1], strides = [1]} : vector<16xi32> to vector<1xi32>
        %squeeze3A_526 = vector.extract %slice3A_525[0] : i32 from vector<1xi32>
        %shift_right_arithmetic3A_527 = arith.constant 2 : i32
        %shift_right_arithmetic3A_528 = arith.shrsi %squeeze3A_526, %shift_right_arithmetic3A_527 : i32
        %dma_start3A_529 = arith.constant 194 : i32
        %dma_start3A_530 = arith.constant 0 : i32
        %dma_start3A_531 = tpu.memref_slice %arg12[%dma_start3A_529, %dma_start3A_530] : memref<200x64xf32, #tpu.memory_space<vmem>> -> memref<1x64xf32, #tpu.memory_space<vmem>>
        %dma_start3A_532 = tpu.memref_squeeze %dma_start3A_531 : memref<1x64xf32, #tpu.memory_space<vmem>> -> memref<64xf32, #tpu.memory_space<vmem>>
        %dma_start3A_533 = arith.constant 0 : i32
        %dma_start3A_534 = tpu.memref_slice %arg4[%shift_right_arithmetic3A_528, %dma_start3A_533] : memref<1000000x64xf32, #tpu.memory_space<hbm>> -> memref<1x64xf32, #tpu.memory_space<hbm>>
        %dma_start3A_535 = tpu.memref_squeeze %dma_start3A_534 : memref<1x64xf32, #tpu.memory_space<hbm>> -> memref<64xf32, #tpu.memory_space<hbm>>
        %dma_start3A_536 = arith.constant 0 : i32
        %dma_start3A_537 = tpu.memref_slice %arg12[%dma_start3A_529, %dma_start3A_536] : memref<200x64xf32, #tpu.memory_space<vmem>> -> memref<1x64xf32, #tpu.memory_space<vmem>>
        %dma_start3A_538 = tpu.memref_squeeze %dma_start3A_537 : memref<1x64xf32, #tpu.memory_space<vmem>> -> memref<64xf32, #tpu.memory_space<vmem>>
        %dma_start3A_539 = arith.constant 0 : i32
        %dma_start3A_540 = tpu.memref_slice %arg4[%shift_right_arithmetic3A_528, %dma_start3A_539] : memref<1000000x64xf32, #tpu.memory_space<hbm>> -> memref<1x64xf32, #tpu.memory_space<hbm>>
        %dma_start3A_541 = tpu.memref_squeeze %dma_start3A_540 : memref<1x64xf32, #tpu.memory_space<hbm>> -> memref<64xf32, #tpu.memory_space<hbm>>
        tpu.enqueue_dma source(%dma_start3A_541 : memref<64xf32, #tpu.memory_space<hbm>>) target(%dma_start3A_538 : memref<64xf32, #tpu.memory_space<vmem>>) target_semaphore(%arg16 : memref<!tpu.dma_semaphore, #tpu.memory_space<semaphore_mem>>)
        %and3A_542 = arith.constant 3 : i32
        %and3A_543 = arith.andi %squeeze3A_526, %and3A_542 : i32
        %swap3A_544 = arith.constant 194 : i32
        %swap3A_545 = arith.index_cast %swap3A_544 : i32 to index
        %swap3A_546 = memref.load %arg14[%swap3A_545] : memref<200xi32, #tpu.memory_space<smem>>
        memref.store %and3A_543, %arg14[%swap3A_545] : memref<200xi32, #tpu.memory_space<smem>>
        %slice3A_547 = vector.extract_strided_slice %add3A_480 {offsets = [11], sizes = [1], strides = [1]} : vector<16xi32> to vector<1xi32>
        %squeeze3A_548 = vector.extract %slice3A_547[0] : i32 from vector<1xi32>
        %shift_right_arithmetic3A_549 = arith.constant 2 : i32
        %shift_right_arithmetic3A_550 = arith.shrsi %squeeze3A_548, %shift_right_arithmetic3A_549 : i32
        %dma_start3A_551 = arith.constant 195 : i32
        %dma_start3A_552 = arith.constant 0 : i32
        %dma_start3A_553 = tpu.memref_slice %arg12[%dma_start3A_551, %dma_start3A_552] : memref<200x64xf32, #tpu.memory_space<vmem>> -> memref<1x64xf32, #tpu.memory_space<vmem>>
        %dma_start3A_554 = tpu.memref_squeeze %dma_start3A_553 : memref<1x64xf32, #tpu.memory_space<vmem>> -> memref<64xf32, #tpu.memory_space<vmem>>
        %dma_start3A_555 = arith.constant 0 : i32
        %dma_start3A_556 = tpu.memref_slice %arg4[%shift_right_arithmetic3A_550, %dma_start3A_555] : memref<1000000x64xf32, #tpu.memory_space<hbm>> -> memref<1x64xf32, #tpu.memory_space<hbm>>
        %dma_start3A_557 = tpu.memref_squeeze %dma_start3A_556 : memref<1x64xf32, #tpu.memory_space<hbm>> -> memref<64xf32, #tpu.memory_space<hbm>>
        %dma_start3A_558 = arith.constant 0 : i32
        %dma_start3A_559 = tpu.memref_slice %arg12[%dma_start3A_551, %dma_start3A_558] : memref<200x64xf32, #tpu.memory_space<vmem>> -> memref<1x64xf32, #tpu.memory_space<vmem>>
        %dma_start3A_560 = tpu.memref_squeeze %dma_start3A_559 : memref<1x64xf32, #tpu.memory_space<vmem>> -> memref<64xf32, #tpu.memory_space<vmem>>
        %dma_start3A_561 = arith.constant 0 : i32
        %dma_start3A_562 = tpu.memref_slice %arg4[%shift_right_arithmetic3A_550, %dma_start3A_561] : memref<1000000x64xf32, #tpu.memory_space<hbm>> -> memref<1x64xf32, #tpu.memory_space<hbm>>
        %dma_start3A_563 = tpu.memref_squeeze %dma_start3A_562 : memref<1x64xf32, #tpu.memory_space<hbm>> -> memref<64xf32, #tpu.memory_space<hbm>>
        tpu.enqueue_dma source(%dma_start3A_563 : memref<64xf32, #tpu.memory_space<hbm>>) target(%dma_start3A_560 : memref<64xf32, #tpu.memory_space<vmem>>) target_semaphore(%arg16 : memref<!tpu.dma_semaphore, #tpu.memory_space<semaphore_mem>>)
        %and3A_564 = arith.constant 3 : i32
        %and3A_565 = arith.andi %squeeze3A_548, %and3A_564 : i32
        %swap3A_566 = arith.constant 195 : i32
        %swap3A_567 = arith.index_cast %swap3A_566 : i32 to index
        %swap3A_568 = memref.load %arg14[%swap3A_567] : memref<200xi32, #tpu.memory_space<smem>>
        memref.store %and3A_565, %arg14[%swap3A_567] : memref<200xi32, #tpu.memory_space<smem>>
        %slice3A_569 = vector.extract_strided_slice %add3A_480 {offsets = [12], sizes = [1], strides = [1]} : vector<16xi32> to vector<1xi32>
        %squeeze3A_570 = vector.extract %slice3A_569[0] : i32 from vector<1xi32>
        %shift_right_arithmetic3A_571 = arith.constant 2 : i32
        %shift_right_arithmetic3A_572 = arith.shrsi %squeeze3A_570, %shift_right_arithmetic3A_571 : i32
        %dma_start3A_573 = arith.constant 196 : i32
        %dma_start3A_574 = arith.constant 0 : i32
        %dma_start3A_575 = tpu.memref_slice %arg12[%dma_start3A_573, %dma_start3A_574] : memref<200x64xf32, #tpu.memory_space<vmem>> -> memref<1x64xf32, #tpu.memory_space<vmem>>
        %dma_start3A_576 = tpu.memref_squeeze %dma_start3A_575 : memref<1x64xf32, #tpu.memory_space<vmem>> -> memref<64xf32, #tpu.memory_space<vmem>>
        %dma_start3A_577 = arith.constant 0 : i32
        %dma_start3A_578 = tpu.memref_slice %arg4[%shift_right_arithmetic3A_572, %dma_start3A_577] : memref<1000000x64xf32, #tpu.memory_space<hbm>> -> memref<1x64xf32, #tpu.memory_space<hbm>>
        %dma_start3A_579 = tpu.memref_squeeze %dma_start3A_578 : memref<1x64xf32, #tpu.memory_space<hbm>> -> memref<64xf32, #tpu.memory_space<hbm>>
        %dma_start3A_580 = arith.constant 0 : i32
        %dma_start3A_581 = tpu.memref_slice %arg12[%dma_start3A_573, %dma_start3A_580] : memref<200x64xf32, #tpu.memory_space<vmem>> -> memref<1x64xf32, #tpu.memory_space<vmem>>
        %dma_start3A_582 = tpu.memref_squeeze %dma_start3A_581 : memref<1x64xf32, #tpu.memory_space<vmem>> -> memref<64xf32, #tpu.memory_space<vmem>>
        %dma_start3A_583 = arith.constant 0 : i32
        %dma_start3A_584 = tpu.memref_slice %arg4[%shift_right_arithmetic3A_572, %dma_start3A_583] : memref<1000000x64xf32, #tpu.memory_space<hbm>> -> memref<1x64xf32, #tpu.memory_space<hbm>>
        %dma_start3A_585 = tpu.memref_squeeze %dma_start3A_584 : memref<1x64xf32, #tpu.memory_space<hbm>> -> memref<64xf32, #tpu.memory_space<hbm>>
        tpu.enqueue_dma source(%dma_start3A_585 : memref<64xf32, #tpu.memory_space<hbm>>) target(%dma_start3A_582 : memref<64xf32, #tpu.memory_space<vmem>>) target_semaphore(%arg16 : memref<!tpu.dma_semaphore, #tpu.memory_space<semaphore_mem>>)
        %and3A_586 = arith.constant 3 : i32
        %and3A_587 = arith.andi %squeeze3A_570, %and3A_586 : i32
        %swap3A_588 = arith.constant 196 : i32
        %swap3A_589 = arith.index_cast %swap3A_588 : i32 to index
        %swap3A_590 = memref.load %arg14[%swap3A_589] : memref<200xi32, #tpu.memory_space<smem>>
        memref.store %and3A_587, %arg14[%swap3A_589] : memref<200xi32, #tpu.memory_space<smem>>
        %slice3A_591 = vector.extract_strided_slice %add3A_480 {offsets = [13], sizes = [1], strides = [1]} : vector<16xi32> to vector<1xi32>
        %squeeze3A_592 = vector.extract %slice3A_591[0] : i32 from vector<1xi32>
        %shift_right_arithmetic3A_593 = arith.constant 2 : i32
        %shift_right_arithmetic3A_594 = arith.shrsi %squeeze3A_592, %shift_right_arithmetic3A_593 : i32
        %dma_start3A_595 = arith.constant 197 : i32
        %dma_start3A_596 = arith.constant 0 : i32
        %dma_start3A_597 = tpu.memref_slice %arg12[%dma_start3A_595, %dma_start3A_596] : memref<200x64xf32, #tpu.memory_space<vmem>> -> memref<1x64xf32, #tpu.memory_space<vmem>>
        %dma_start3A_598 = tpu.memref_squeeze %dma_start3A_597 : memref<1x64xf32, #tpu.memory_space<vmem>> -> memref<64xf32, #tpu.memory_space<vmem>>
        %dma_start3A_599 = arith.constant 0 : i32
        %dma_start3A_600 = tpu.memref_slice %arg4[%shift_right_arithmetic3A_594, %dma_start3A_599] : memref<1000000x64xf32, #tpu.memory_space<hbm>> -> memref<1x64xf32, #tpu.memory_space<hbm>>
        %dma_start3A_601 = tpu.memref_squeeze %dma_start3A_600 : memref<1x64xf32, #tpu.memory_space<hbm>> -> memref<64xf32, #tpu.memory_space<hbm>>
        %dma_start3A_602 = arith.constant 0 : i32
        %dma_start3A_603 = tpu.memref_slice %arg12[%dma_start3A_595, %dma_start3A_602] : memref<200x64xf32, #tpu.memory_space<vmem>> -> memref<1x64xf32, #tpu.memory_space<vmem>>
        %dma_start3A_604 = tpu.memref_squeeze %dma_start3A_603 : memref<1x64xf32, #tpu.memory_space<vmem>> -> memref<64xf32, #tpu.memory_space<vmem>>
        %dma_start3A_605 = arith.constant 0 : i32
        %dma_start3A_606 = tpu.memref_slice %arg4[%shift_right_arithmetic3A_594, %dma_start3A_605] : memref<1000000x64xf32, #tpu.memory_space<hbm>> -> memref<1x64xf32, #tpu.memory_space<hbm>>
        %dma_start3A_607 = tpu.memref_squeeze %dma_start3A_606 : memref<1x64xf32, #tpu.memory_space<hbm>> -> memref<64xf32, #tpu.memory_space<hbm>>
        tpu.enqueue_dma source(%dma_start3A_607 : memref<64xf32, #tpu.memory_space<hbm>>) target(%dma_start3A_604 : memref<64xf32, #tpu.memory_space<vmem>>) target_semaphore(%arg16 : memref<!tpu.dma_semaphore, #tpu.memory_space<semaphore_mem>>)
        %and3A_608 = arith.constant 3 : i32
        %and3A_609 = arith.andi %squeeze3A_592, %and3A_608 : i32
        %swap3A_610 = arith.constant 197 : i32
        %swap3A_611 = arith.index_cast %swap3A_610 : i32 to index
        %swap3A_612 = memref.load %arg14[%swap3A_611] : memref<200xi32, #tpu.memory_space<smem>>
        memref.store %and3A_609, %arg14[%swap3A_611] : memref<200xi32, #tpu.memory_space<smem>>
        %slice3A_613 = vector.extract_strided_slice %add3A_480 {offsets = [14], sizes = [1], strides = [1]} : vector<16xi32> to vector<1xi32>
        %squeeze3A_614 = vector.extract %slice3A_613[0] : i32 from vector<1xi32>
        %shift_right_arithmetic3A_615 = arith.constant 2 : i32
        %shift_right_arithmetic3A_616 = arith.shrsi %squeeze3A_614, %shift_right_arithmetic3A_615 : i32
        %dma_start3A_617 = arith.constant 198 : i32
        %dma_start3A_618 = arith.constant 0 : i32
        %dma_start3A_619 = tpu.memref_slice %arg12[%dma_start3A_617, %dma_start3A_618] : memref<200x64xf32, #tpu.memory_space<vmem>> -> memref<1x64xf32, #tpu.memory_space<vmem>>
        %dma_start3A_620 = tpu.memref_squeeze %dma_start3A_619 : memref<1x64xf32, #tpu.memory_space<vmem>> -> memref<64xf32, #tpu.memory_space<vmem>>
        %dma_start3A_621 = arith.constant 0 : i32
        %dma_start3A_622 = tpu.memref_slice %arg4[%shift_right_arithmetic3A_616, %dma_start3A_621] : memref<1000000x64xf32, #tpu.memory_space<hbm>> -> memref<1x64xf32, #tpu.memory_space<hbm>>
        %dma_start3A_623 = tpu.memref_squeeze %dma_start3A_622 : memref<1x64xf32, #tpu.memory_space<hbm>> -> memref<64xf32, #tpu.memory_space<hbm>>
        %dma_start3A_624 = arith.constant 0 : i32
        %dma_start3A_625 = tpu.memref_slice %arg12[%dma_start3A_617, %dma_start3A_624] : memref<200x64xf32, #tpu.memory_space<vmem>> -> memref<1x64xf32, #tpu.memory_space<vmem>>
        %dma_start3A_626 = tpu.memref_squeeze %dma_start3A_625 : memref<1x64xf32, #tpu.memory_space<vmem>> -> memref<64xf32, #tpu.memory_space<vmem>>
        %dma_start3A_627 = arith.constant 0 : i32
        %dma_start3A_628 = tpu.memref_slice %arg4[%shift_right_arithmetic3A_616, %dma_start3A_627] : memref<1000000x64xf32, #tpu.memory_space<hbm>> -> memref<1x64xf32, #tpu.memory_space<hbm>>
        %dma_start3A_629 = tpu.memref_squeeze %dma_start3A_628 : memref<1x64xf32, #tpu.memory_space<hbm>> -> memref<64xf32, #tpu.memory_space<hbm>>
        tpu.enqueue_dma source(%dma_start3A_629 : memref<64xf32, #tpu.memory_space<hbm>>) target(%dma_start3A_626 : memref<64xf32, #tpu.memory_space<vmem>>) target_semaphore(%arg16 : memref<!tpu.dma_semaphore, #tpu.memory_space<semaphore_mem>>)
        %and3A_630 = arith.constant 3 : i32
        %and3A_631 = arith.andi %squeeze3A_614, %and3A_630 : i32
        %swap3A_632 = arith.constant 198 : i32
        %swap3A_633 = arith.index_cast %swap3A_632 : i32 to index
        %swap3A_634 = memref.load %arg14[%swap3A_633] : memref<200xi32, #tpu.memory_space<smem>>
        memref.store %and3A_631, %arg14[%swap3A_633] : memref<200xi32, #tpu.memory_space<smem>>
        %slice3A_635 = vector.extract_strided_slice %add3A_480 {offsets = [15], sizes = [1], strides = [1]} : vector<16xi32> to vector<1xi32>
        %squeeze3A_636 = vector.extract %slice3A_635[0] : i32 from vector<1xi32>
        %shift_right_arithmetic3A_637 = arith.constant 2 : i32
        %shift_right_arithmetic3A_638 = arith.shrsi %squeeze3A_636, %shift_right_arithmetic3A_637 : i32
        %dma_start3A_639 = arith.constant 199 : i32
        %dma_start3A_640 = arith.constant 0 : i32
        %dma_start3A_641 = tpu.memref_slice %arg12[%dma_start3A_639, %dma_start3A_640] : memref<200x64xf32, #tpu.memory_space<vmem>> -> memref<1x64xf32, #tpu.memory_space<vmem>>
        %dma_start3A_642 = tpu.memref_squeeze %dma_start3A_641 : memref<1x64xf32, #tpu.memory_space<vmem>> -> memref<64xf32, #tpu.memory_space<vmem>>
        %dma_start3A_643 = arith.constant 0 : i32
        %dma_start3A_644 = tpu.memref_slice %arg4[%shift_right_arithmetic3A_638, %dma_start3A_643] : memref<1000000x64xf32, #tpu.memory_space<hbm>> -> memref<1x64xf32, #tpu.memory_space<hbm>>
        %dma_start3A_645 = tpu.memref_squeeze %dma_start3A_644 : memref<1x64xf32, #tpu.memory_space<hbm>> -> memref<64xf32, #tpu.memory_space<hbm>>
        %dma_start3A_646 = arith.constant 0 : i32
        %dma_start3A_647 = tpu.memref_slice %arg12[%dma_start3A_639, %dma_start3A_646] : memref<200x64xf32, #tpu.memory_space<vmem>> -> memref<1x64xf32, #tpu.memory_space<vmem>>
        %dma_start3A_648 = tpu.memref_squeeze %dma_start3A_647 : memref<1x64xf32, #tpu.memory_space<vmem>> -> memref<64xf32, #tpu.memory_space<vmem>>
        %dma_start3A_649 = arith.constant 0 : i32
        %dma_start3A_650 = tpu.memref_slice %arg4[%shift_right_arithmetic3A_638, %dma_start3A_649] : memref<1000000x64xf32, #tpu.memory_space<hbm>> -> memref<1x64xf32, #tpu.memory_space<hbm>>
        %dma_start3A_651 = tpu.memref_squeeze %dma_start3A_650 : memref<1x64xf32, #tpu.memory_space<hbm>> -> memref<64xf32, #tpu.memory_space<hbm>>
        tpu.enqueue_dma source(%dma_start3A_651 : memref<64xf32, #tpu.memory_space<hbm>>) target(%dma_start3A_648 : memref<64xf32, #tpu.memory_space<vmem>>) target_semaphore(%arg16 : memref<!tpu.dma_semaphore, #tpu.memory_space<semaphore_mem>>)
        %and3A_652 = arith.constant 3 : i32
        %and3A_653 = arith.andi %squeeze3A_636, %and3A_652 : i32
        %swap3A_654 = arith.constant 199 : i32
        %swap3A_655 = arith.index_cast %swap3A_654 : i32 to index
        %swap3A_656 = memref.load %arg14[%swap3A_655] : memref<200xi32, #tpu.memory_space<smem>>
        memref.store %and3A_653, %arg14[%swap3A_655] : memref<200xi32, #tpu.memory_space<smem>>
      } else {
      }
    }
    %scan3A_202 = arith.constant 16 : i32
    %dma_wait3A = arith.constant 0 : i32
    %dma_wait3A_203 = arith.constant 0 : i32
    %dma_wait3A_204 = tpu.memref_slice %arg7[%dma_wait3A, %dma_wait3A_203] : memref<204800x64xf32, #tpu.memory_space<hbm>> -> memref<200x64xf32, #tpu.memory_space<hbm>>
    %dma_wait3A_205 = arith.constant 0 : i32
    %dma_wait3A_206 = arith.constant 0 : i32
    %dma_wait3A_207 = tpu.memref_slice %arg7[%dma_wait3A_205, %dma_wait3A_206] : memref<204800x64xf32, #tpu.memory_space<hbm>> -> memref<200x64xf32, #tpu.memory_space<hbm>>
    tpu.wait_dma2 semaphore(%arg19 : memref<!tpu.dma_semaphore, #tpu.memory_space<semaphore_mem>>) src(%arg13 : memref<200x64xf32, #tpu.memory_space<vmem>>) dst(%dma_wait3A_207 : memref<200x64xf32, #tpu.memory_space<hbm>>)
    return
  }
}

</mosaic_0001>

<sc_bundles>
// kernel: kernel.3.cloned.1.call-start
scs
__scs_entry_jumppad:
0x0: {  	(pc) =	sbr.rel $0x88, $3  }
0x1: {  	(tag) =	ssettag $0x0;
	lr =	simm.s32 $0x1  }
0x2: {  	[smem:$0x3F9C] =	sst lr;
	_ =	strace $0xD0000000  }
0x3: {  	_ = 	snop  }
0x4: {  	_ = 	snop  }
0x5: {  	_ = 	snop  }
0x6: {  	_ = 	snop  }
0x7: {  	_ = 	snop  }
__scs_overlays_trampoline_lowered:
0x8: {  	[smem:$0x3FAB] =	sst s0  }
0x9: {  	[smem:$0x3FAC] =	sst s1  }
0xa: {  	[smem:$0x3FAD] =	sst s2  }
0xb: {  	[smem:$0x3FAE] =	sst s3  }
0xc: {  	[smem:$0x3FAF] =	sst s4  }
0xd: {  	[smem:$0x3FB0] =	sst s5  }
0xe: {  	[smem:$0x3FB1] =	sst s6  }
0xf: {  	[smem:$0x3FB2] =	sst s7  }
0x10: {  	[smem:$0x3FB3] =	sst s8  }
0x11: {  	[smem:$0x3FB4] =	sst s9;
	s0 =	simm.s32 @!p0 $0x0  }
0x12: {  	s1 =	sld [smem:$0x3F9A];
	s0 =	simm.s32 @p0 $0x1  }
0x13: {  	[smem:$0x3FB5] =	sst s0;
	s0 =	simm.s32 @!p1 $0x0  }
0x14: {  	s2 =	sld [smem:$0x3F99];
	s0 =	simm.s32 @p1 $0x1  }
0x15: {  	[smem:$0x3FB6] =	sst s0;
	s0 =	simm.s32 @!p2 $0x0  }
0x16: {  	s3 =	sld [smem:$0x3FDB];
	s0 =	simm.s32 @p2 $0x1  }
0x17: {  	s4 =	simm.s32 $0x1BF5;
	[smem:$0x3FB8] =	sst s0  }
0x18: {  	s0 =	sld [smem:$0x3F9B];
	_ =	swait.ge [sflag:s4], $0x0  }
0x19: {  	s7 =	sld [smem:$0x3F9C]  }
0x1a: {  	s8 =	sadd.s32 $0xFFFFE003, lr  }
0x1b: {  	s9 =	sadd.s32 $0xFFFFFEF7, lr;
	s5 =	simm.s32 $0xFFFFFFFF;
	p2 =	slt.u32 s8, $0xFFFFF086  }
0x1c: {  	p1 =	slt.u32 s9, $0xF7A;
	s5 =	simm.s32 @!p2 $0x0  }
0x1d: {  	s5 =	simm.s32 @p1 $0x1;
	p0 =	seq.s32 s7, s2  }
0x1e: {  	s7 =	smul.u32 @!p0 $0xF7A, s2;
	p2 =	seq.s32 @!p0 s5, $0x0  }
0x1f: {  	s9 =	smul.u32 $0xF7A, s1;
	s8 =	simm.s32 @!p0 $0x1BF5;
	p2 =	por !p2, p0  }
0x20: {  	[sflag:s8] =	ssyncset.s32 @!p0 $0xFFFFF086;
	s6 =	sadd.s32 @!p0 s3, s7;
	s7 =	simm.s32 @!p0 $0x108  }
0x21: {  	s3 =	sadd.s32 s3, s9;
	s6 =	sadd.s32 @!p0 $0x88, s6;
	s7 =	simm.s32 @p2 $0x1082  }
0x22: {  	[simem:s7], [sflag:s8] =	dma.local @!p0 [hbm:s6], $0xF7A  }
0x23: {  	s9 =	sor.u32 $0xD0000000, s2;
	s6 =	simm.s32 $0x108;
	_ =	swait.ge @!p0 [sflag:s8], $0x0  }
0x24: {  	s3 =	sadd.s32 $0x88, s3;
	s6 =	simm.s32 @!p1 $0x1082;
	[sflag:s4] =	ssyncset.s32 $0xFFFFF086  }
0x25: {  	[simem:s6], [sflag:s4] =	dma.local [hbm:s3], $0xF7A  }
0x26: {  	[smem:$0x3F9C] =	sst s1;
	(tag) =	ssettag s2;
	_ =	strace s9  }
0x27: {  	s1 =	sld [smem:$0x3FAC]  }
0x28: {  	s2 =	sld [smem:$0x3FAD]  }
0x29: {  	s4 =	sld [smem:$0x3FAF]  }
0x2a: {  	p0 =	seq.s32 s5, $0x0;
	s5 =	sld [smem:$0x3FB0]  }
0x2b: {  	s6 =	sld [smem:$0x3FB1]  }
0x2c: {  	s7 =	sld [smem:$0x3FB2]  }
0x2d: {  	s3 =	simm.s32 $0x108;
	s8 =	sld [smem:$0x3FB3]  }
0x2e: {  	s3 =	simm.s32 @!p0 $0x1082;
	s9 =	sld [smem:$0x3FB4]  }
0x2f: {  	lr =	sadd.s32 s0, s3;
	s0 =	sld [smem:$0x3FAB]  }
0x30: {  	s3 =	sld [smem:$0x3FAE]  }
0x31: {  	[smem:$0x3FB7] =	sst s10  }
0x32: {  	s10 =	sld [smem:$0x3FB5];
	_ =	sdelay $0x3  }
0x33: {  	p0 =	seq.s32 s10, $0x1;
	s10 =	sld [smem:$0x3FB7];
	_ =	sdelay $0x3  }
0x34: {  	[smem:$0x3FB7] =	sst s10  }
0x35: {  	s10 =	sld [smem:$0x3FB6];
	_ =	sdelay $0x3  }
0x36: {  	p1 =	seq.s32 s10, $0x1;
	s10 =	sld [smem:$0x3FB7];
	_ =	sdelay $0x3  }
0x37: {  	[smem:$0x3FB7] =	sst s10  }
0x38: {  	s10 =	sld [smem:$0x3FB8]  }
0x39: {  	_ = 	snop;
	(pc) =	sbr.ind lr, $3  }
0x3a: {  	_ = 	snop  }
0x3b: {  	_ = 	snop  }
0x3c: {  	p2 =	seq.s32 s10, $0x1;
	s10 =	sld [smem:$0x3FB7]  }
0x3d: {  	_ =	shalt  }
0x3e: {  	_ =	shalt  }
0x3f: {  	_ =	shalt  }
0x40: {  	_ =	shalt  }
0x41: {  	_ =	shalt  }
0x42: {  	_ =	shalt  }
0x43: {  	_ =	shalt  }
0x44: {  	_ =	shalt  }
0x45: {  	_ =	shalt  }
0x46: {  	_ =	shalt  }
0x47: {  	_ =	shalt  }
0x48: {  	_ =	shalt  }
0x49: {  	_ =	shalt  }
0x4a: {  	_ =	shalt  }
0x4b: {  	_ =	shalt  }
0x4c: {  	_ =	shalt  }
0x4d: {  	_ =	shalt  }
0x4e: {  	_ =	shalt  }
0x4f: {  	_ =	shalt  }
0x50: {  	_ =	shalt  }
0x51: {  	_ =	shalt  }
0x52: {  	_ =	shalt  }
0x53: {  	_ =	shalt  }
0x54: {  	_ =	shalt  }
0x55: {  	_ =	shalt  }
0x56: {  	_ =	shalt  }
0x57: {  	_ =	shalt  }
0x58: {  	_ =	shalt  }
0x59: {  	_ =	shalt  }
0x5a: {  	_ =	shalt  }
0x5b: {  	_ =	shalt  }
0x5c: {  	_ =	shalt  }
0x5d: {  	_ =	shalt  }
0x5e: {  	_ =	shalt  }
0x5f: {  	_ =	shalt  }
0x60: {  	_ =	shalt  }
0x61: {  	_ =	shalt  }
0x62: {  	_ =	shalt  }
0x63: {  	_ =	shalt  }
0x64: {  	_ =	shalt  }
0x65: {  	_ =	shalt  }
0x66: {  	_ =	shalt  }
0x67: {  	_ =	shalt  }
0x68: {  	_ =	shalt  }
0x69: {  	_ =	shalt  }
0x6a: {  	_ =	shalt  }
0x6b: {  	_ =	shalt  }
0x6c: {  	_ =	shalt  }
0x6d: {  	_ =	shalt  }
0x6e: {  	_ =	shalt  }
0x6f: {  	_ =	shalt  }
0x70: {  	_ =	shalt  }
0x71: {  	_ =	shalt  }
0x72: {  	_ =	shalt  }
0x73: {  	_ =	shalt  }
0x74: {  	_ =	shalt  }
0x75: {  	_ =	shalt  }
0x76: {  	_ =	shalt  }
0x77: {  	_ =	shalt  }
0x78: {  	_ =	shalt  }
0x79: {  	_ =	shalt  }
0x7a: {  	_ =	shalt  }
0x7b: {  	_ =	shalt  }
0x7c: {  	_ =	shalt  }
0x7d: {  	_ =	shalt  }
0x7e: {  	_ =	shalt  }
0x7f: {  	_ =	shalt  }
0x80: {  	_ =	shalt  }
0x81: {  	_ =	shalt  }
0x82: {  	_ =	shalt  }
0x83: {  	_ =	shalt  }
0x84: {  	_ =	shalt  }
0x85: {  	_ =	shalt  }
0x86: {  	_ =	shalt  }
0x87: {  	_ =	shalt  }
.Lfunc_end0:
.L_simem_size_0:
called_computation.1_lowered:
.L_overlay_start_0:
0x88: {  	s2 =	sld [smem:$0x3FD9]  }
0x89: {  	s3 =	sld [smem:$0x3FFE];
	_ =	sdelay $0x1  }
0x8a: {  	s1 =	srdreg.scid  }
0x8b: {  	s0 =	sand.u32 $0x1, s1  }
0x8c: {  	s17 =	sshll.u32 s0, $0xA;
	s2 =	sadd.s32 s3, s2  }
0x8d: {  	s2 =	sadd.s32 s2, s17  }
0x8e: {  	[smem:$0x3FC3] =	sst s2  }
0x8f: {  	_ = 	snop  }
0x90: {  	s2 =	sld [smem:$0x3FC6]  }
0x91: {  	s18 =	sld [smem:$0x3FD0];
	(tm) =	ssettm $0x1  }
0x92: {  	s4 =	sld [smem:$0x3FFB];
	_ =	sdelay $0x3  }
0x93: {  	_ =	strace s4  }
0x94: {  	s4 =	sld [smem:$0x3FFC];
	_ =	sdelay $0x3  }
0x95: {  	_ =	strace s4  }
0x96: {  	s4 =	sld [smem:$0x3FFD];
	_ =	sdelay $0x3  }
0x97: {  	_ =	strace s4  }
0x98: {  	_ =	strace $0x8FFFFFFF  }
0x99: {  	s19 =	sld [smem:$0x3FDB];
	_ =	sdelay $0x1  }
0x9a: {  	s5 =	simm.s32 $_scs_section_size  }
0x9b: {  	s6 =	simm.s32 $_size__tile_overlayer_lowered;
	s7 =	simm.s32 $_tile_overlayer_lowered  }
0x9c: {  	s22 =	simm.s32 $0x1BFF;
	s21 =	sshll.u32 s7, $0x1;
	s4 =	sadd.s32 s5, s19  }
0x9d: {  	s8 =	simm.s32 $0x0;
	s20 =	sshll.u32 s6, $0x1;
	s6 =	sadd.s32 s21, s4  }
0x9e: {  	[timem:s8], [sflag:s22] =	dma.local [hbm:s6], s20  }
0x9f: {  	_ =	swait.ge [sflag:s22], s20  }
0xa0: {  	s5 =	ssub.s32 $0x0, s20;
	[sflag:s22] =	ssyncset.done $0x0  }
0xa1: {  	[sflag:s22] =	ssyncadd.s32 s5;
	_ =	sdelay $0x1  }
0xa2: {  	s23 =	simm.s32 $0x1B8B  }
0xa3: {  	_ =	swait.ge [sflag:s23], $0x1  }
0xa4: {  	[sflag:s23] =	ssyncset.done $0x0  }
0xa5: {  	s25 =	simm.s32 $0x1B8E;
	s24 =	sld [smem:$0x3FFE];
	[sflag:s23] =	ssyncadd.s32 $0xFFFFFFFF  }
0xa6: {  	s26 =	simm.s32 $execute0_lowered;
	[smem:$0x3FD2] =	sst s25  }
0xa7: {  	s6 =	sshll.u32 s26, $0x1;
	_ =	strace $0x80000046;
	[dreg:$0x1] =	wrdreg $0xFFFFFFFF  }
0xa8: {  	s28 =	simm.s32 $_size_execute0_lowered;
	s4 =	sadd.s32 s4, s6;
	[dreg:$0x0] =	wrdreg $0x0  }
0xa9: {  	s6 =	sshll.u32 s28, $0x1;
	[dreg:$0x2] =	wrdreg s4  }
0xaa: {  	[dreg:$0x3] =	wrdreg s6  }
0xab: {  	[dreg:$0x4] =	wrdreg $0xC0  }
0xac: {  	_ =	task [dreg:s8], $0x5FFFF  }
0xad: {  	[dreg:$0x1] =	wrdreg $0xFFFFFFFF  }
0xae: {  	[dreg:$0x0] =	wrdreg $0x60  }
0xaf: {  	[dreg:$0x2] =	wrdreg s18  }
0xb0: {  	[dreg:$0x3] =	wrdreg s24  }
0xb1: {  	[dreg:$0x4] =	wrdreg s2  }
0xb2: {  	[dreg:$0x5] =	wrdreg $0x9  }
0xb3: {  	_ =	task.clear_ibuf [dreg:s8], $0x6FFFF;
	_ =	strace $0x90000046  }
0xb4: {  	s29 =	simm.s32 $0x9;
	_ =	strace $0x80000048  }
0xb5: {  	_ =	swait.ge [sflag:s29], $0x1  }
0xb6: {  	[sflag:s29] =	ssyncadd.s32 $0xFFFFFFFF  }
0xb7: {  	_ =	strace $0x90000048  }
0xb8: {  	_ =	sfence  }
0xb9: {  	s30 =	sld [smem:$0x0];
	_ =	sdelay $0x2  }
0xba: {  	s31 =	sshll.u32 s1, $0xD;
	s1 =	sshrl.u32 s1, $0x2  }
0xbb: {  	s3 =	sand.u32 $0x4000, s31;
	s1 =	sadd.s32 s1, s30  }
0xbc: {  	s0 =	sor.u32 s3, s0;
	s1 =	sshll.u32 s1, $0x11  }
0xbd: {  	s0 =	sor.u32 s1, s0  }
0xbe: {  	s0 =	sadd.s32 $0x8F2B, s0  }
0xbf: {  	[sflag:s0] =	ssyncadd.remote.s32 $0x1  }
0xc0: {  	_ =	sfence.sel $0xFFFF  }
0xc1: {  	[dreg:$0x0] =	wrdreg $0xFFFFFFFF;
	(pc) =	sbr.abs _section_cstart, $3  }
0xc2: {  	[dreg:$0x1] =	wrdreg $0xFFFFFFFF  }
0xc3: {  	_ =	task.clear_ibuf [dreg:s8], $0x2FFFF;
	_ =	strace $0x9FFFFFFF  }
0xc4: {  	(tm) =	ssettm $0x7FFFFFFF  }
0xc5: {  	_ =	shalt  }
tec
execute0_lowered:
.L_overlay_start_1:
0x0: {  	(tag) =	ssettag $0x1  }
0x1: {  	s0 =	rddreg [dreg:$0x0]  }
0x2: {  	s1 =	rddreg [dreg:$0x1]  }
0x3: {  	s2 =	srdreg.scid;
	s3 =	stileid.u32;
	s12 =	simm.s32 $0x0  }
0x4: {  	s2 =	sand.u32 $0x1, s2;
	s3 =	sshll.u32 s3, $0x6;
	[smem:$0x7FF] =	sst s12  }
0x5: {  	s5 =	sadd.s32 $0xA800, s1;
	s6 =	sadd.s32 $0x800, s1;
	s4 =	sshll.u32 s2, $0x5  }
0x6: {  	_ =	strace $0x80000047;
	[dreg:$0x5] =	wrdreg s6;
	s3 =	sor.u32 s4, s3  }
0x7: {  	s2 =	ssub.s32 $0x2, s2;
	[dreg:$0x4] =	wrdreg s3;
	s3 =	sshll.u32 s3, $0x5  }
.Ltmp0:
0x8: {  	s28 =	sadd.s32 s3, s1;
	s1 =	sadd.s32 $0xF4CC00, s1;
	(pc) =	sbr.rel .LBB2_1-.Ltmp0, $4  }
0x9: {  	s29 =	sshrl.u32 s2, $0x1;
	s0 =	sadd.s32 s0, s3;
	[dreg:$0x6] =	wrdreg s1  }
0xa: {  	s1 =	ssub.s32 s2, s29;
	[dreg:$0x7] =	wrdreg s0;
	s30 =	sadd.s32 $0x2800, s28  }
0xb: {  	[dreg:$0x8] =	wrdreg s30;
	s31 =	smax.u32 s1, $0x1  }
0xc: {  	s2 =	simm.s32 $0x0;
	[dreg:$0x9] =	wrdreg s31  }
.LBB2_16:
0xd: {  	s1 =	simm.s32 $0x4  }
0xe: {  	_ =	swait.ge [sflag:s1], $0x6400  }
0xf: {  	s2 =	rddreg [dreg:$0xa]  }
0x10: {  	s0 =	rddreg [dreg:$0x9];
	s2 =	sadd.s32 $0x1, s2  }
0x11: {  	p0 =	sne.s32 s2, s0  }
.Ltmp1:
0x12: {  	_ = 	snop;
	(pc) =	sbr.rel @!p0 .LBB2_17-.Ltmp1, $3  }
0x13: {  	_ =	sdelay $0x1  }
0x14: {  	[sflag:s1] =	ssyncset.done $0x0  }
0x15: {  	[sflag:s1] =	ssyncadd.s32 $0xFFFF9C00  }
.LBB2_1:
0x16: {  	[dreg:$0xa] =	wrdreg s2  }
0x17: {  	s0 =	rddreg [dreg:$0x7];
	s1 =	simm.s32 $0x5  }
0x18: {  	[tilespmem:s12], [sflag:$0x5] =	stream.linear.gather [hbm4b:s0+s12], $0x2000, $0x38;
	[tilespmem:$0x1A000] =	vst v63  }
0x19: {  	_ =	swait.ge [sflag:s1], $0x2000  }
0x1a: {  	[sflag:s1] =	ssyncset.done $0x0  }
0x1b: {  	s25 =	simm.s32 $0x2000;
	s24 =	rddreg [dreg:$0x8];
	[sflag:s1] =	ssyncadd.s32 $0xFFFFE000  }
0x1c: {  	[tilespmem:s25], [sflag:$0x5] =	stream.linear.gather [hbm4b:s24+s12], $0x2000, $0x38;
	[tilespmem:$0x1A000] =	vst v63  }
0x1d: {  	_ =	swait.ge [sflag:s1], $0x2000  }
0x1e: {  	[sflag:s1] =	ssyncset.done $0x0  }
0x1f: {  	[sflag:s1] =	ssyncadd.s32 $0xFFFFE000  }
0x20: {  	s28 =	simm.s32 $0x4000;
	s26 =	rddreg [dreg:$0x2]  }
0x21: {  	[tilespmem:s28], [sflag:$0x5] =	stream.linear.gather [hbm4b:s26+s12], $0x180, $0x38;
	[tilespmem:$0x1A000] =	vst v63  }
0x22: {  	_ =	swait.ge [sflag:s1], $0x180  }
0x23: {  	[sflag:s1] =	ssyncset.done $0x0  }
0x24: {  	s30 =	simm.s32 $0xD800;
	s29 =	rddreg [dreg:$0x5];
	[sflag:s1] =	ssyncadd.s32 $0xFFFFFE80  }
0x25: {  	[tilespmem:s30], [sflag:$0x5] =	stream.linear.gather [hbm4b:s29+s12], $0x6400, $0x38;
	[tilespmem:$0x1A000] =	vst v63  }
0x26: {  	_ =	swait.ge [sflag:s1], $0x6400  }
0x27: {  	[sflag:s1] =	ssyncset.done $0x0  }
0x28: {  	s6 =	simm.s32 $0xD820;
	[sflag:s1] =	ssyncadd.s32 $0xFFFF9C00  }
0x29: {  	v0 =	vld [tilespmem:s6+$0xFFFFFFE0]  }
0x2a: {  	v1 =	vld [tilespmem:$0x4000];
	_ =	sdelay $0x4  }
0x2b: {  	v0 =	vadd.f32 v1, v0  }
0x2c: {  	s8 =	simm.s32 $0x4260  }
0x2d: {  	[tilespmem:s8+$0xFFFFFFA0] =	vst v0  }
0x2e: {  	v0 =	vld [tilespmem:$0x4010]  }
0x2f: {  	v1 =	vld [tilespmem:s6+$0xFFFFFFF0];
	_ =	sdelay $0x4  }
0x30: {  	v0 =	vadd.f32 v0, v1;
	_ =	sdelay $0x1  }
0x31: {  	[tilespmem:s8+$0xFFFFFFB0] =	vst v0  }
0x32: {  	v0 =	vld [tilespmem:s6+$0x0]  }
0x33: {  	v1 =	vld [tilespmem:$0x4020];
	_ =	sdelay $0x4  }
0x34: {  	v0 =	vadd.f32 v1, v0;
	_ =	sdelay $0x1  }
0x35: {  	[tilespmem:s8+$0xFFFFFFC0] =	vst v0  }
0x36: {  	v0 =	vld [tilespmem:s6+$0x10]  }
0x37: {  	v1 =	vld [tilespmem:$0x4030];
	_ =	sdelay $0x4  }
0x38: {  	v0 =	vadd.f32 v1, v0;
	_ =	sdelay $0x1  }
0x39: {  	[tilespmem:s8+$0xFFFFFFD0] =	vst v0  }
0x3a: {  	v0 =	vld [tilespmem:s6+$0xFFFFFFE0]  }
0x3b: {  	v1 =	vld [tilespmem:$0x4080];
	_ =	sdelay $0x4  }
0x3c: {  	v0 =	vadd.f32 v1, v0;
	_ =	sdelay $0x1  }
0x3d: {  	[tilespmem:s8+$0xFFFFFFE0] =	vst v0  }
0x3e: {  	v0 =	vld [tilespmem:s6+$0xFFFFFFF0]  }
0x3f: {  	v1 =	vld [tilespmem:$0x4090];
	_ =	sdelay $0x4  }
0x40: {  	v0 =	vadd.f32 v1, v0;
	_ =	sdelay $0x1  }
0x41: {  	[tilespmem:s8+$0xFFFFFFF0] =	vst v0  }
0x42: {  	v0 =	vld [tilespmem:s6+$0x0]  }
0x43: {  	v1 =	vld [tilespmem:$0x40A0];
	_ =	sdelay $0x4  }
0x44: {  	v0 =	vadd.f32 v1, v0;
	_ =	sdelay $0x1  }
0x45: {  	[tilespmem:s8+$0x0] =	vst v0  }
0x46: {  	v0 =	vld [tilespmem:s6+$0x10]  }
0x47: {  	v1 =	vld [tilespmem:$0x40B0];
	_ =	sdelay $0x4  }
0x48: {  	v0 =	vadd.f32 v1, v0;
	_ =	sdelay $0x1  }
0x49: {  	[tilespmem:s8+$0x10] =	vst v0  }
0x4a: {  	v0 =	vld [tilespmem:s6+$0xFFFFFFE0]  }
0x4b: {  	v1 =	vld [tilespmem:$0x4100];
	_ =	sdelay $0x4  }
0x4c: {  	v0 =	vadd.f32 v1, v0  }
0x4d: {  	s31 =	sand.u32 $0xFFC0, s12  }
0x4e: {  	[tilespmem:s31+$0x4280] =	vst v0  }
0x4f: {  	v0 =	vld [tilespmem:s6+$0xFFFFFFF0]  }
0x50: {  	v1 =	vld [tilespmem:$0x4110];
	_ =	sdelay $0x4  }
0x51: {  	v0 =	vadd.f32 v1, v0;
	_ =	sdelay $0x1  }
0x52: {  	[tilespmem:s8+$0x30] =	vst v0  }
0x53: {  	v0 =	vld [tilespmem:s6+$0x0]  }
0x54: {  	s9 =	simm.s32 $0xC0;
	s2 =	simm.s32 $0x4260;
	s10 =	simm.s32 $0xD820;
	v1 =	vld [tilespmem:$0x4120]  }
.LBB2_2:
0x55: {  	_ =	sdelay $0x3  }
0x56: {  	p0 =	sne.s32 s9, $0x9540;
	s6 =	sadd.s32 $0x80, s6;
	s8 =	sadd.s32 $0xC0, s8;
	v0 =	vadd.f32 v1, v0  }
0x57: {  	s0 =	smov.u32 s9;
	s9 =	sadd.s32 $0xC0, s9  }
0x58: {  	[tilespmem:s2+$0x40] =	vst v0  }
0x59: {  	v0 =	vld [tilespmem:s10+$0x10];
	s10 =	smov.u32 s6  }
0x5a: {  	v1 =	vld [tilespmem:$0x4130];
	_ =	sdelay $0x4  }
0x5b: {  	v0 =	vadd.f32 v1, v0;
	_ =	sdelay $0x1  }
0x5c: {  	[tilespmem:s2+$0x50] =	vst v0;
	s2 =	smov.u32 s8  }
0x5d: {  	v0 =	vld [tilespmem:s6+$0xFFFFFFE0]  }
0x5e: {  	v1 =	vld [tilespmem:$0x4000];
	_ =	sdelay $0x4  }
0x5f: {  	v0 =	vadd.f32 v1, v0;
	_ =	sdelay $0x1  }
0x60: {  	[tilespmem:s8+$0xFFFFFFA0] =	vst v0  }
0x61: {  	v0 =	vld [tilespmem:$0x4010]  }
0x62: {  	v1 =	vld [tilespmem:s6+$0xFFFFFFF0];
	_ =	sdelay $0x4  }
0x63: {  	v0 =	vadd.f32 v0, v1;
	_ =	sdelay $0x1  }
0x64: {  	[tilespmem:s8+$0xFFFFFFB0] =	vst v0  }
0x65: {  	v0 =	vld [tilespmem:s6+$0x0]  }
0x66: {  	v1 =	vld [tilespmem:$0x4020];
	_ =	sdelay $0x4  }
0x67: {  	v0 =	vadd.f32 v1, v0;
	_ =	sdelay $0x1  }
0x68: {  	[tilespmem:s8+$0xFFFFFFC0] =	vst v0  }
0x69: {  	v0 =	vld [tilespmem:s6+$0x10]  }
0x6a: {  	v1 =	vld [tilespmem:$0x4030];
	_ =	sdelay $0x4  }
0x6b: {  	v0 =	vadd.f32 v1, v0;
	_ =	sdelay $0x1  }
0x6c: {  	[tilespmem:s8+$0xFFFFFFD0] =	vst v0  }
0x6d: {  	v0 =	vld [tilespmem:s6+$0xFFFFFFE0]  }
0x6e: {  	v1 =	vld [tilespmem:$0x4080];
	_ =	sdelay $0x4  }
0x6f: {  	v0 =	vadd.f32 v1, v0;
	_ =	sdelay $0x1  }
0x70: {  	[tilespmem:s8+$0xFFFFFFE0] =	vst v0  }
0x71: {  	v0 =	vld [tilespmem:s6+$0xFFFFFFF0]  }
0x72: {  	v1 =	vld [tilespmem:$0x4090];
	_ =	sdelay $0x4  }
0x73: {  	v0 =	vadd.f32 v1, v0;
	_ =	sdelay $0x1  }
0x74: {  	[tilespmem:s8+$0xFFFFFFF0] =	vst v0  }
0x75: {  	v0 =	vld [tilespmem:s6+$0x0]  }
0x76: {  	v1 =	vld [tilespmem:$0x40A0];
	_ =	sdelay $0x4  }
0x77: {  	v0 =	vadd.f32 v1, v0;
	_ =	sdelay $0x1  }
0x78: {  	[tilespmem:s8+$0x0] =	vst v0  }
0x79: {  	v0 =	vld [tilespmem:s6+$0x10]  }
0x7a: {  	v1 =	vld [tilespmem:$0x40B0];
	_ =	sdelay $0x4  }
0x7b: {  	v0 =	vadd.f32 v1, v0;
	_ =	sdelay $0x1  }
0x7c: {  	s0 =	sand.u32 $0xFFC0, s0;
	[tilespmem:s8+$0x10] =	vst v0  }
0x7d: {  	v0 =	vld [tilespmem:s6+$0xFFFFFFE0]  }
0x7e: {  	v1 =	vld [tilespmem:$0x4100];
	_ =	sdelay $0x4  }
0x7f: {  	v0 =	vadd.f32 v1, v0;
	_ =	sdelay $0x1  }
0x80: {  	[tilespmem:s0+$0x4280] =	vst v0  }
0x81: {  	v0 =	vld [tilespmem:s6+$0xFFFFFFF0]  }
0x82: {  	v1 =	vld [tilespmem:$0x4110];
	_ =	sdelay $0x4  }
.Ltmp2:
0x83: {  	v0 =	vadd.f32 v1, v0;
	(pc) =	sbr.rel @p0 .LBB2_2-.Ltmp2, $4  }
0x84: {  	_ = 	snop  }
0x85: {  	[tilespmem:s8+$0x30] =	vst v0  }
0x86: {  	v0 =	vld [tilespmem:s6+$0x0]  }
0x87: {  	v1 =	vld [tilespmem:$0x4120]  }
0x88: {  	_ =	sdelay $0x3  }
0x89: {  	v0 =	vadd.f32 v1, v0;
	_ =	sdelay $0x1  }
0x8a: {  	[tilespmem:s2+$0x40] =	vst v0  }
0x8b: {  	v0 =	vld [tilespmem:s10+$0x10]  }
0x8c: {  	v63 =	vld [tilespmem:$0x4130];
	_ =	sdelay $0x4  }
0x8d: {  	v0 =	vadd.f32 v63, v0  }
0x8e: {  	s8 =	simm.s32 $0x0  }
0x8f: {  	s6 =	simm.s32 $0x10;
	s13 =	simm.s32 $0x0;
	s10 =	simm.s32 $0x0;
	[tilespmem:s2+$0x50] =	vst v0  }
.LBB2_4:
0x90: {  	s0 =	sand.u32 $0x60, s8;
	s1 =	sand.u32 $0x400, s13  }
0x91: {  	s0 =	sor.u32 s0, s1  }
0x92: {  	v0 =	vld [tilespmem:s0+$0x0]  }
0x93: {  	v1 =	vld [tilespmem:s0+$0x2000];
	_ =	sdelay $0x3  }
0x94: {  	v0 =	vshll.u32 v0, $0x2  }
0x95: {  	v0 =	vadd.s32 v1, v0  }
0x96: {  	(v2sf) =	vpush v0, $0x0  }
0x97: {  	(v2sf) =	vpush v0, $0x1;
	_ =	sdelay $0x1  }
0x98: {  	(v2sf) =	vpush v0, $0x2;
	_ =	sdelay $0x2  }
0x99: {  	(v2sf) =	vpush v0, $0x3;
	_ =	sdelay $0x8  }
0x9a: {  	s14 =	spop (v2sf)  }
0x9b: {  	s15 =	spop (v2sf);
	(v2sf) =	vpush v0, $0x4;
	_ =	sdelay $0x1  }
0x9c: {  	s17 =	spop (v2sf);
	(v2sf) =	vpush v0, $0x5;
	_ =	sdelay $0x2  }
0x9d: {  	s19 =	spop (v2sf);
	(v2sf) =	vpush v0, $0x6;
	_ =	sdelay $0x3  }
0x9e: {  	s0 =	sshll.u32 s14, $0x2  }
0x9f: {  	s11 =	sshra.s32 s10, $0x2;
	s0 =	sand.u32 $0x1FFFFFF0, s0  }
0xa0: {  	s2 =	sadd.s32 $0xD800, s11;
	s0 =	sadd.s32 s5, s0  }
0xa1: {  	[tilespmem:s2], [sflag:$0x1] =	stream.linear.gather [hbm4b:s0+s12], $0x80, $0x38;
	[tilespmem:$0x1A000] =	vst v63  }
0xa2: {  	s0 =	sshll.u32 s15, $0x2  }
0xa3: {  	s0 =	sand.u32 $0x1FFFFFF0, s0  }
0xa4: {  	s16 =	sadd.s32 $0xD880, s11;
	s0 =	sadd.s32 s5, s0;
	s21 =	spop (v2sf);
	(v2sf) =	vpush v0, $0x7  }
0xa5: {  	[tilespmem:s16], [sflag:$0x1] =	stream.linear.gather [hbm4b:s0+s12], $0x80, $0x38;
	[tilespmem:$0x1A000] =	vst v63  }
0xa6: {  	s23 =	spop (v2sf);
	(v2sf) =	vpush v0, $0x8  }
0xa7: {  	s0 =	sshll.u32 s17, $0x2  }
0xa8: {  	s0 =	sand.u32 $0x1FFFFFF0, s0  }
0xa9: {  	s18 =	sadd.s32 $0xD900, s11;
	s0 =	sadd.s32 s5, s0;
	s25 =	spop (v2sf);
	(v2sf) =	vpush v0, $0x9  }
0xaa: {  	[tilespmem:s18], [sflag:$0x1] =	stream.linear.gather [hbm4b:s0+s12], $0x80, $0x38;
	[tilespmem:$0x1A000] =	vst v63  }
0xab: {  	s0 =	sshll.u32 s19, $0x2  }
0xac: {  	s0 =	sand.u32 $0x1FFFFFF0, s0  }
0xad: {  	s20 =	sadd.s32 $0xD980, s11;
	s0 =	sadd.s32 s5, s0  }
0xae: {  	[tilespmem:s20], [sflag:$0x1] =	stream.linear.gather [hbm4b:s0+s12], $0x80, $0x38;
	[tilespmem:$0x1A000] =	vst v63  }
0xaf: {  	s0 =	sshll.u32 s21, $0x2  }
0xb0: {  	s0 =	sand.u32 $0x1FFFFFF0, s0  }
0xb1: {  	s22 =	sadd.s32 $0xDA00, s11;
	s0 =	sadd.s32 s5, s0  }
0xb2: {  	[tilespmem:s22], [sflag:$0x1] =	stream.linear.gather [hbm4b:s0+s12], $0x80, $0x38;
	[tilespmem:$0x1A000] =	vst v63  }
0xb3: {  	s28 =	spop (v2sf);
	(v2sf) =	vpush v0, $0xA  }
0xb4: {  	s0 =	sshll.u32 s23, $0x2  }
0xb5: {  	s0 =	sand.u32 $0x1FFFFFF0, s0;
	s30 =	spop (v2sf);
	(v2sf) =	vpush v0, $0xB  }
0xb6: {  	s24 =	sadd.s32 $0xDA80, s11;
	s0 =	sadd.s32 s5, s0  }
0xb7: {  	[tilespmem:s24], [sflag:$0x1] =	stream.linear.gather [hbm4b:s0+s12], $0x80, $0x38;
	[tilespmem:$0x1A000] =	vst v63  }
0xb8: {  	[dreg:$0x18] =	wrdreg s17;
	s0 =	sshll.u32 s25, $0x2;
	s17 =	spop (v2sf);
	(v2sf) =	vpush v0, $0xC  }
0xb9: {  	s0 =	sand.u32 $0x1FFFFFF0, s0  }
0xba: {  	s26 =	sadd.s32 $0xDB00, s11;
	s0 =	sadd.s32 s5, s0  }
0xbb: {  	[tilespmem:s26], [sflag:$0x1] =	stream.linear.gather [hbm4b:s0+s12], $0x80, $0x38;
	[tilespmem:$0x1A000] =	vst v63  }
0xbc: {  	s0 =	sshll.u32 s28, $0x2  }
0xbd: {  	s0 =	sand.u32 $0x1FFFFFF0, s0  }
0xbe: {  	s29 =	sadd.s32 $0xDB80, s11;
	s0 =	sadd.s32 s5, s0  }
0xbf: {  	[tilespmem:s29], [sflag:$0x1] =	stream.linear.gather [hbm4b:s0+s12], $0x80, $0x38;
	[tilespmem:$0x1A000] =	vst v63  }
0xc0: {  	s0 =	sshll.u32 s30, $0x2  }
0xc1: {  	s31 =	sadd.s32 $0xDC00, s11;
	s0 =	sand.u32 $0x1FFFFFF0, s0  }
0xc2: {  	s2 =	sshll.u32 s17, $0x2;
	s0 =	sadd.s32 s5, s0;
	s18 =	spop (v2sf);
	(v2sf) =	vpush v0, $0xD  }
0xc3: {  	[tilespmem:s31], [sflag:$0x1] =	stream.linear.gather [hbm4b:s0+s12], $0x80, $0x38;
	[tilespmem:$0x1A000] =	vst v63  }
0xc4: {  	[dreg:$0x1b] =	wrdreg s19;
	s0 =	sand.u32 $0x1FFFFFF0, s2;
	s19 =	spop (v2sf);
	(v2sf) =	vpush v0, $0xE  }
0xc5: {  	s3 =	sadd.s32 $0xDC80, s11;
	s0 =	sadd.s32 s5, s0  }
0xc6: {  	[tilespmem:s3], [sflag:$0x1] =	stream.linear.gather [hbm4b:s0+s12], $0x80, $0x38;
	[tilespmem:$0x1A000] =	vst v63  }
0xc7: {  	[dreg:$0x1e] =	wrdreg s21;
	s4 =	sshll.u32 s18, $0x2;
	s21 =	spop (v2sf);
	(v2sf) =	vpush v0, $0xF  }
0xc8: {  	s0 =	sand.u32 $0x1FFFFFF0, s4  }
0xc9: {  	s7 =	sadd.s32 $0xDD00, s11;
	s9 =	sshll.u32 s19, $0x2;
	s0 =	sadd.s32 s5, s0  }
0xca: {  	[tilespmem:s7], [sflag:$0x1] =	stream.linear.gather [hbm4b:s0+s12], $0x80, $0x38;
	[tilespmem:$0x1A000] =	vst v63  }
0xcb: {  	[dreg:$0x12] =	wrdreg s14;
	s14 =	sadd.s32 $0xDD80, s11;
	s0 =	sand.u32 $0x1FFFFFF0, s9  }
0xcc: {  	[dreg:$0x15] =	wrdreg s15;
	s15 =	sshll.u32 s21, $0x2;
	s0 =	sadd.s32 s5, s0  }
0xcd: {  	[tilespmem:s14], [sflag:$0x1] =	stream.linear.gather [hbm4b:s0+s12], $0x80, $0x38;
	[tilespmem:$0x1A000] =	vst v63  }
0xce: {  	s0 =	sand.u32 $0x1FFFFFF0, s15  }
0xcf: {  	s16 =	sadd.s32 $0xDE00, s11;
	s0 =	sadd.s32 s5, s0  }
0xd0: {  	[tilespmem:s16], [sflag:$0x1] =	stream.linear.gather [hbm4b:s0+s12], $0x80, $0x38;
	[tilespmem:$0x1A000] =	vst v63  }
0xd1: {  	s22 =	spop (v2sf)  }
0xd2: {  	s20 =	sshll.u32 s22, $0x2  }
0xd3: {  	[smem:$0x7FA] =	sst s23;
	s14 =	spop (v2sf);
	s0 =	sand.u32 $0x1FFFFFF0, s20  }
0xd4: {  	s23 =	sadd.s32 $0xDE80, s11;
	s24 =	sshll.u32 s14, $0x2;
	s0 =	sadd.s32 s5, s0  }
0xd5: {  	[tilespmem:s23], [sflag:$0x1] =	stream.linear.gather [hbm4b:s0+s12], $0x80, $0x38;
	[tilespmem:$0x1A000] =	vst v63  }
0xd6: {  	[smem:$0x7FB] =	sst s25;
	s2 =	spop (v2sf);
	s0 =	sand.u32 $0x1FFFFFF0, s24  }
0xd7: {  	s25 =	sadd.s32 $0xDF00, s11;
	s26 =	sshll.u32 s2, $0x2;
	s0 =	sadd.s32 s5, s0  }
0xd8: {  	[tilespmem:s25], [sflag:$0x1] =	stream.linear.gather [hbm4b:s0+s12], $0x80, $0x38;
	[tilespmem:$0x1A000] =	vst v63  }
0xd9: {  	[smem:$0x7FC] =	sst s28;
	s0 =	sand.u32 $0x1FFFFFF0, s26  }
0xda: {  	s28 =	sadd.s32 $0x10, s8;
	s3 =	sadd.s32 $0xDF80, s11;
	s0 =	sadd.s32 s5, s0  }
0xdb: {  	[tilespmem:s3], [sflag:$0x1] =	stream.linear.gather [hbm4b:s0+s12], $0x80, $0x38;
	[tilespmem:$0x1A000] =	vst v63  }
0xdc: {  	s0 =	sand.u32 $0x70, s28  }
0xdd: {  	s0 =	sor.u32 s1, s0  }
0xde: {  	v62 =	vld [tilespmem:s0+$0x0]  }
0xdf: {  	v63 =	vld [tilespmem:s0+$0x2000];
	_ =	sdelay $0x3  }
0xe0: {  	v0 =	vshll.u32 v62, $0x2  }
0xe1: {  	v0 =	vadd.s32 v63, v0  }
0xe2: {  	(v2sf) =	vpush v0, $0x0;
	_ =	sdelay $0x1  }
0xe3: {  	(v2sf) =	vpush v0, $0x1;
	_ =	sdelay $0x5  }
0xe4: {  	(v2sf) =	vpush v0, $0x2;
	_ =	sdelay $0x3  }
0xe5: {  	(v2sf) =	vpush v0, $0x3;
	_ =	sdelay $0x2  }
0xe6: {  	s26 =	spop (v2sf)  }
0xe7: {  	s29 =	sshll.u32 s26, $0x2  }
0xe8: {  	[smem:$0x7FD] =	sst s30;
	s16 =	spop (v2sf);
	s0 =	sand.u32 $0x1FFFFFF0, s29  }
0xe9: {  	s30 =	sadd.s32 $0xE000, s11;
	(v2sf) =	vpush v0, $0x4;
	s31 =	sshll.u32 s16, $0x2;
	s0 =	sadd.s32 s5, s0  }
0xea: {  	[tilespmem:s30], [sflag:$0x1] =	stream.linear.gather [hbm4b:s0+s12], $0x80, $0x38;
	[tilespmem:$0x1A000] =	vst v63  }
0xeb: {  	s0 =	sand.u32 $0x1FFFFFF0, s31  }
0xec: {  	s1 =	sadd.s32 $0xE080, s11;
	s0 =	sadd.s32 s5, s0  }
0xed: {  	[tilespmem:s1], [sflag:$0x1] =	stream.linear.gather [hbm4b:s0+s12], $0x80, $0x38;
	[tilespmem:$0x1A000] =	vst v63  }
0xee: {  	s12 =	spop (v2sf);
	(v2sf) =	vpush v0, $0x5;
	_ =	sdelay $0x2  }
0xef: {  	s4 =	sshll.u32 s12, $0x2  }
0xf0: {  	s0 =	sand.u32 $0x1FFFFFF0, s4;
	s4 =	spop (v2sf);
	(v2sf) =	vpush v0, $0x6;
	_ =	sdelay $0x3  }
0xf1: {  	s7 =	sadd.s32 $0xE100, s11;
	s1 =	simm.s32 $0x0;
	s0 =	sadd.s32 s5, s0  }
0xf2: {  	[tilespmem:s7], [sflag:$0x1] =	stream.linear.gather [hbm4b:s0+s1], $0x80, $0x38;
	[tilespmem:$0x1A000] =	vst v63  }
0xf3: {  	s9 =	sshll.u32 s4, $0x2;
	s7 =	spop (v2sf);
	(v2sf) =	vpush v0, $0x7  }
0xf4: {  	s0 =	sand.u32 $0x1FFFFFF0, s9  }
0xf5: {  	s15 =	sadd.s32 $0xE180, s11;
	s0 =	sadd.s32 s5, s0  }
0xf6: {  	[tilespmem:s15], [sflag:$0x1] =	stream.linear.gather [hbm4b:s0+s1], $0x80, $0x38;
	[tilespmem:$0x1A000] =	vst v63  }
0xf7: {  	s20 =	sshll.u32 s7, $0x2  }
0xf8: {  	s0 =	sand.u32 $0x1FFFFFF0, s20;
	s28 =	spop (v2sf);
	(v2sf) =	vpush v0, $0x8  }
0xf9: {  	s23 =	sadd.s32 $0xE200, s11;
	s0 =	sadd.s32 s5, s0  }
0xfa: {  	[tilespmem:s23], [sflag:$0x1] =	stream.linear.gather [hbm4b:s0+s1], $0x80, $0x38;
	[tilespmem:$0x1A000] =	vst v63  }
0xfb: {  	s24 =	sshll.u32 s28, $0x2  }
0xfc: {  	s0 =	sand.u32 $0x1FFFFFF0, s24;
	s30 =	spop (v2sf)  }
0xfd: {  	s25 =	sadd.s32 $0xE280, s11;
	(v2sf) =	vpush v0, $0x9;
	s0 =	sadd.s32 s5, s0;
	s29 =	sshll.u32 s30, $0x2  }
0xfe: {  	[tilespmem:s25], [sflag:$0x1] =	stream.linear.gather [hbm4b:s0+s1], $0x80, $0x38;
	[tilespmem:$0x1A000] =	vst v63  }
0xff: {  	s0 =	sand.u32 $0x1FFFFFF0, s29  }
0x100: {  	s31 =	sadd.s32 $0xE300, s11;
	s0 =	sadd.s32 s5, s0  }
0x101: {  	[tilespmem:s31], [sflag:$0x1] =	stream.linear.gather [hbm4b:s0+s1], $0x80, $0x38;
	[tilespmem:$0x1A000] =	vst v63  }
0x102: {  	s31 =	spop (v2sf);
	(v2sf) =	vpush v0, $0xA  }
0x103: {  	s9 =	sshll.u32 s31, $0x2  }
0x104: {  	(v2sf) =	vpush v0, $0xB;
	s0 =	sand.u32 $0x1FFFFFF0, s9  }
0x105: {  	s15 =	sadd.s32 $0xE380, s11;
	s0 =	sadd.s32 s5, s0  }
0x106: {  	[tilespmem:s15], [sflag:$0x1] =	stream.linear.gather [hbm4b:s0+s1], $0x80, $0x38;
	[tilespmem:$0x1A000] =	vst v63  }
0x107: {  	s0 =	spop (v2sf)  }
0x108: {  	s20 =	sshll.u32 s0, $0x2  }
0x109: {  	s3 =	sand.u32 $0x1FFFFFF0, s20  }
0x10a: {  	s9 =	sadd.s32 $0xE400, s11;
	(v2sf) =	vpush v0, $0xC;
	s3 =	sadd.s32 s5, s3  }
0x10b: {  	[tilespmem:s9], [sflag:$0x1] =	stream.linear.gather [hbm4b:s3+s1], $0x80, $0x38;
	[tilespmem:$0x1A000] =	vst v63  }
0x10c: {  	s9 =	spop (v2sf)  }
0x10d: {  	s23 =	sshll.u32 s9, $0x2  }
0x10e: {  	s3 =	sand.u32 $0x1FFFFFF0, s23  }
0x10f: {  	s20 =	sadd.s32 $0xE480, s11;
	(v2sf) =	vpush v0, $0xD;
	s3 =	sadd.s32 s5, s3  }
0x110: {  	[tilespmem:s20], [sflag:$0x1] =	stream.linear.gather [hbm4b:s3+s1], $0x80, $0x38;
	[tilespmem:$0x1A000] =	vst v63  }
0x111: {  	s23 =	spop (v2sf)  }
0x112: {  	s24 =	sshll.u32 s23, $0x2  }
0x113: {  	s3 =	sand.u32 $0x1FFFFFF0, s24;
	s24 =	spop (v2sf)  }
0x114: {  	s25 =	sadd.s32 $0xE500, s11;
	(v2sf) =	vpush v0, $0xE;
	s3 =	sadd.s32 s5, s3;
	s29 =	sshll.u32 s24, $0x2  }
0x115: {  	[tilespmem:s25], [sflag:$0x1] =	stream.linear.gather [hbm4b:s3+s1], $0x80, $0x38;
	[tilespmem:$0x1A000] =	vst v63  }
0x116: {  	s3 =	sand.u32 $0x1FFFFFF0, s29  }
0x117: {  	s15 =	sadd.s32 $0xE580, s11;
	s3 =	sadd.s32 s5, s3  }
0x118: {  	[tilespmem:s15], [sflag:$0x1] =	stream.linear.gather [hbm4b:s3+s1], $0x80, $0x38;
	[tilespmem:$0x1A000] =	vst v63  }
0x119: {  	s25 =	spop (v2sf)  }
0x11a: {  	s20 =	sshll.u32 s25, $0x2  }
0x11b: {  	s3 =	sand.u32 $0x1FFFFFF0, s20  }
0x11c: {  	s29 =	sadd.s32 $0xE600, s11;
	s3 =	sadd.s32 s5, s3  }
0x11d: {  	[tilespmem:s29], [sflag:$0x1] =	stream.linear.gather [hbm4b:s3+s1], $0x80, $0x38;
	[tilespmem:$0x1A000] =	vst v63  }
0x11e: {  	s20 =	spop (v2sf)  }
0x11f: {  	s15 =	sshll.u32 s20, $0x2  }
0x120: {  	s3 =	sand.u32 $0x1FFFFFF0, s15  }
0x121: {  	s15 =	sadd.s32 $0xE680, s11;
	s3 =	sadd.s32 s5, s3  }
0x122: {  	[tilespmem:s15], [sflag:$0x1] =	stream.linear.gather [hbm4b:s3+s1], $0x80, $0x38;
	[tilespmem:$0x1A000] =	vst v63  }
0x123: {  	s3 =	spop (v2sf)  }
0x124: {  	s29 =	sshll.u32 s3, $0x2  }
0x125: {  	s15 =	sand.u32 $0x1FFFFFF0, s29  }
0x126: {  	s29 =	sadd.s32 $0xE700, s11;
	s15 =	sadd.s32 s5, s15  }
0x127: {  	[tilespmem:s29], [sflag:$0x1] =	stream.linear.gather [hbm4b:s15+s1], $0x80, $0x38;
	[tilespmem:$0x1A000] =	vst v63  }
0x128: {  	s29 =	rddreg [dreg:$0x12]  }
0x129: {  	s1 =	sand.u32 $0x3, s29;
	s29 =	rddreg [dreg:$0x15]  }
0x12a: {  	[smem:s6+$0xFFFFFFF0] =	sst s1  }
0x12b: {  	s1 =	sand.u32 $0x3, s29;
	s29 =	rddreg [dreg:$0x18]  }
0x12c: {  	[smem:s6+$0xFFFFFFF1] =	sst s1  }
0x12d: {  	s1 =	sand.u32 $0x3, s29;
	s29 =	rddreg [dreg:$0x1b]  }
0x12e: {  	[smem:s6+$0xFFFFFFF2] =	sst s1  }
0x12f: {  	s1 =	sand.u32 $0x3, s29;
	s29 =	rddreg [dreg:$0x1e]  }
0x130: {  	[smem:s6+$0xFFFFFFF3] =	sst s1  }
0x131: {  	s1 =	sand.u32 $0x3, s29;
	s29 =	sld [smem:$0x7FA];
	_ =	sdelay $0x1  }
0x132: {  	[smem:s6+$0xFFFFFFF4] =	sst s1  }
0x133: {  	s1 =	sand.u32 $0x3, s29;
	s29 =	sld [smem:$0x7FB];
	_ =	sdelay $0x1  }
0x134: {  	[smem:s6+$0xFFFFFFF5] =	sst s1  }
0x135: {  	s1 =	sand.u32 $0x3, s29;
	s29 =	sld [smem:$0x7FC];
	_ =	sdelay $0x1  }
0x136: {  	[smem:s6+$0xFFFFFFF6] =	sst s1  }
0x137: {  	s1 =	sand.u32 $0x3, s29;
	s29 =	sld [smem:$0x7FD];
	_ =	sdelay $0x2  }
0x138: {  	(v2sf) =	vpush v0, $0xF;
	[smem:s6+$0xFFFFFFF7] =	sst s1;
	s1 =	sand.u32 $0x3, s29  }
0x139: {  	s17 =	sand.u32 $0x3, s17;
	[smem:s6+$0xFFFFFFF8] =	sst s1  }
0x13a: {  	s18 =	sand.u32 $0x3, s18;
	[smem:s6+$0xFFFFFFF9] =	sst s17  }
0x13b: {  	s19 =	sand.u32 $0x3, s19;
	[smem:s6+$0xFFFFFFFA] =	sst s18  }
0x13c: {  	s21 =	sand.u32 $0x3, s21;
	[smem:s6+$0xFFFFFFFB] =	sst s19  }
0x13d: {  	s22 =	sand.u32 $0x3, s22;
	[smem:s6+$0xFFFFFFFC] =	sst s21  }
0x13e: {  	s14 =	sand.u32 $0x3, s14;
	[smem:s6+$0xFFFFFFFD] =	sst s22  }
0x13f: {  	s2 =	sand.u32 $0x3, s2;
	[smem:s6+$0xFFFFFFFE] =	sst s14  }
0x140: {  	s26 =	sand.u32 $0x3, s26;
	[smem:s6+$0xFFFFFFFF] =	sst s2  }
0x141: {  	s29 =	sand.u32 $0x3, s16;
	[smem:s6] =	sst s26  }
0x142: {  	s2 =	sand.u32 $0x3, s12;
	[smem:s6+$0x1] =	sst s29  }
0x143: {  	s14 =	sand.u32 $0x3, s4;
	[smem:s6+$0x2] =	sst s2  }
0x144: {  	s0 =	sand.u32 $0x3, s0;
	s15 =	sand.u32 $0x3, s7;
	[smem:s6+$0x3] =	sst s14  }
0x145: {  	s16 =	sand.u32 $0x3, s28;
	s17 =	sand.u32 $0x3, s30;
	[smem:s6+$0x4] =	sst s15  }
0x146: {  	s30 =	sadd.s32 $0xE780, s11;
	s18 =	sand.u32 $0x3, s31;
	[smem:s6+$0x5] =	sst s16  }
0x147: {  	s22 =	sand.u32 $0x3, s24;
	s24 =	spop (v2sf);
	[smem:s6+$0x6] =	sst s17  }
0x148: {  	s19 =	sand.u32 $0x3, s9;
	s26 =	sshll.u32 s24, $0x2;
	[smem:s6+$0x7] =	sst s18  }
0x149: {  	s21 =	sand.u32 $0x3, s23;
	s28 =	sand.u32 $0x1FFFFFF0, s26;
	[smem:s6+$0x8] =	sst s0  }
0x14a: {  	s12 =	simm.s32 $0x0;
	s0 =	sadd.s32 s5, s28;
	[smem:s6+$0x9] =	sst s19  }
0x14b: {  	[tilespmem:s30], [sflag:$0x1] =	stream.linear.gather [hbm4b:s0+s12], $0x80, $0x38;
	[tilespmem:$0x1A000] =	vst v63  }
0x14c: {  	p0 =	sne.s32 s10, $0x14000;
	[smem:s6+$0xA] =	sst s21  }
.Ltmp3:
0x14d: {  	s23 =	sand.u32 $0x3, s25;
	[smem:s6+$0xB] =	sst s22;
	(pc) =	sbr.rel @p0 .LBB2_4-.Ltmp3, $4  }
0x14e: {  	s25 =	sand.u32 $0x3, s20;
	[smem:s6+$0xC] =	sst s23  }
0x14f: {  	s13 =	sadd.s32 $0x100, s13;
	s29 =	sand.u32 $0x3, s3;
	[smem:s6+$0xD] =	sst s25  }
0x150: {  	s10 =	sadd.s32 $0x4000, s10;
	s31 =	sand.u32 $0x3, s24;
	[smem:s6+$0xE] =	sst s29  }
0x151: {  	s8 =	sadd.s32 $0x20, s8;
	[smem:s6+$0xF] =	sst s31;
	s6 =	sadd.s32 $0x20, s6  }
0x152: {  	v0 =	vld.msk [tilespmem:$0x440], $0xff  }
0x153: {  	v1 =	vld.msk [tilespmem:$0x2440], $0xff;
	_ =	sdelay $0x3  }
0x154: {  	v0 =	vshll.u32 v0, $0x2  }
0x155: {  	v0 =	vadd.s32 v1, v0  }
0x156: {  	(v2sf) =	vpush v0, $0x0;
	_ =	sdelay $0x5  }
0x157: {  	(v2sf) =	vpush v0, $0x1;
	_ =	sdelay $0x2  }
0x158: {  	(v2sf) =	vpush v0, $0x2;
	_ =	sdelay $0x5  }
0x159: {  	s0 =	spop (v2sf);
	(v2sf) =	vpush v0, $0x3;
	_ =	sdelay $0x2  }
0x15a: {  	(v2sf) =	vpush v0, $0x4;
	_ =	sdelay $0x2  }
0x15b: {  	s29 =	spop (v2sf);
	(v2sf) =	vpush v0, $0x5  }
0x15c: {  	s1 =	sshll.u32 s0, $0x2  }
0x15d: {  	s11 =	simm.s32 $0x0;
	s2 =	simm.s32 $0x13800;
	s1 =	sand.u32 $0x1FFFFFF0, s1  }
0x15e: {  	s30 =	sshll.u32 s29, $0x2;
	s31 =	spop (v2sf);
	s1 =	sadd.s32 s5, s1;
	(v2sf) =	vpush v0, $0x6  }
0x15f: {  	[tilespmem:s2], [sflag:$0x1] =	stream.linear.gather [hbm4b:s1+s11], $0x80, $0x38;
	[tilespmem:$0x1A000] =	vst v63  }
0x160: {  	s2 =	sand.u32 $0x1FFFFFF0, s30  }
0x161: {  	s3 =	simm.s32 $0x13880;
	s13 =	sshll.u32 s31, $0x2;
	s2 =	sadd.s32 s5, s2  }
0x162: {  	[tilespmem:s3], [sflag:$0x1] =	stream.linear.gather [hbm4b:s2+s11], $0x80, $0x38;
	[tilespmem:$0x1A000] =	vst v63  }
0x163: {  	s4 =	simm.s32 $0x13900;
	s3 =	sand.u32 $0x1FFFFFF0, s13  }
0x164: {  	s7 =	simm.s32 $0x13980;
	s3 =	sadd.s32 s5, s3;
	s14 =	spop (v2sf);
	(v2sf) =	vpush v0, $0x7  }
0x165: {  	[tilespmem:s4], [sflag:$0x1] =	stream.linear.gather [hbm4b:s3+s11], $0x80, $0x38;
	[tilespmem:$0x1A000] =	vst v63  }
0x166: {  	s8 =	simm.s32 $0x13A00;
	s9 =	simm.s32 $0x13A80;
	s15 =	sshll.u32 s14, $0x2  }
0x167: {  	s21 =	simm.s32 $0x13B00;
	s6 =	spop (v2sf);
	s4 =	sand.u32 $0x1FFFFFF0, s15  }
0x168: {  	s0 =	sand.u32 $0x3, s0;
	s16 =	sshll.u32 s6, $0x2;
	s4 =	sadd.s32 s5, s4  }
0x169: {  	[tilespmem:s7], [sflag:$0x1] =	stream.linear.gather [hbm4b:s4+s11], $0x80, $0x38;
	[tilespmem:$0x1A000] =	vst v63  }
0x16a: {  	[smem:$0xC0] =	sst s0;
	s17 =	spop (v2sf);
	s4 =	sand.u32 $0x1FFFFFF0, s16  }
0x16b: {  	s24 =	sand.u32 $0x3, s29;
	s18 =	sshll.u32 s17, $0x2;
	s4 =	sadd.s32 s5, s4  }
0x16c: {  	[tilespmem:s8], [sflag:$0x1] =	stream.linear.gather [hbm4b:s4+s11], $0x80, $0x38;
	[tilespmem:$0x1A000] =	vst v63  }
0x16d: {  	[smem:$0xC1] =	sst s24;
	s19 =	spop (v2sf);
	s4 =	sand.u32 $0x1FFFFFF0, s18  }
0x16e: {  	s25 =	sand.u32 $0x3, s31;
	s20 =	sshll.u32 s19, $0x2;
	s4 =	sadd.s32 s5, s4  }
0x16f: {  	[tilespmem:s9], [sflag:$0x1] =	stream.linear.gather [hbm4b:s4+s11], $0x80, $0x38;
	[tilespmem:$0x1A000] =	vst v63  }
0x170: {  	[smem:$0xC2] =	sst s25;
	s26 =	sand.u32 $0x3, s14;
	s4 =	sand.u32 $0x1FFFFFF0, s20  }
0x171: {  	[smem:$0xC3] =	sst s26;
	s28 =	sand.u32 $0x3, s6;
	s4 =	sadd.s32 s5, s4  }
0x172: {  	[tilespmem:s21], [sflag:$0x1] =	stream.linear.gather [hbm4b:s4+s11], $0x80, $0x38;
	[tilespmem:$0x1A000] =	vst v63  }
0x173: {  	[smem:$0xC4] =	sst s28;
	s29 =	sand.u32 $0x3, s17;
	s22 =	spop (v2sf)  }
0x174: {  	[smem:$0xC5] =	sst s29;
	s30 =	sand.u32 $0x3, s19;
	s23 =	sshll.u32 s22, $0x2  }
0x175: {  	[smem:$0xC6] =	sst s30;
	s31 =	sand.u32 $0x3, s22;
	s9 =	sand.u32 $0x1FFFFFF0, s23  }
0x176: {  	s10 =	simm.s32 $0x13B80;
	[smem:$0xC7] =	sst s31;
	s9 =	sadd.s32 s5, s9  }
0x177: {  	[tilespmem:s10], [sflag:$0x1] =	stream.linear.gather [hbm4b:s9+s11], $0x80, $0x38;
	[tilespmem:$0x1A000] =	vst v63  }
.LBB2_6:
0x178: {  	s1 =	sshll.u32 s11, $0x1;
	p0 =	seq.s32 s11, $0x0  }
0x179: {  	s29 =	sshll.u32 s11, $0x9;
	s6 =	simm.s32 $0x0;
	s31 =	simm.s32 $0x0  }
0x17a: {  	s0 =	simm.s32 @!p0 $0x4;
	[dreg:$0xc] =	wrdreg s1;
	s2 =	sor.u32 $0x1, s1  }
0x17b: {  	_ =	swait.ge @!p0 [sflag:s0], $0x6400;
	[dreg:$0xd] =	wrdreg s2;
	s2 =	sshll.u32 s2, $0x7  }
0x17c: {  	s24 =	simm.s32 $0x0;
	s1 =	sand.u32 $0x1800, s29;
	s2 =	sand.u32 $0x380, s2  }
0x17d: {  	[dreg:$0xb] =	wrdreg s11;
	[sflag:s0] =	ssyncset.done @!p0 $0x0;
	s30 =	sor.u32 s1, s2  }
0x17e: {  	s11 =	simm.s32 $0x110;
	[sflag:s0] =	ssyncadd.s32 @!p0 $0xFFFF9C00;
	[dreg:$0xf] =	wrdreg s30  }
.LBB2_7:
0x17f: {  	s4 =	rddreg [dreg:$0xf]  }
0x180: {  	s1 =	sand.u32 $0x400, s31;
	s0 =	sor.u32 s6, s4  }
0x181: {  	s0 =	sor.u32 s1, s0  }
0x182: {  	v0 =	vld [tilespmem:s0+$0x0]  }
0x183: {  	v1 =	vld [tilespmem:s0+$0x2000];
	_ =	sdelay $0x3  }
0x184: {  	v0 =	vshll.u32 v0, $0x2  }
0x185: {  	v0 =	vadd.s32 v1, v0  }
0x186: {  	(v2sf) =	vpush v0, $0x0;
	_ =	sdelay $0x1  }
0x187: {  	(v2sf) =	vpush v0, $0x1;
	_ =	sdelay $0x2  }
0x188: {  	(v2sf) =	vpush v0, $0x2;
	_ =	sdelay $0x2  }
0x189: {  	(v2sf) =	vpush v0, $0x3;
	_ =	sdelay $0x6  }
0x18a: {  	s28 =	spop (v2sf)  }
0x18b: {  	s0 =	sshll.u32 s28, $0x2  }
0x18c: {  	s25 =	sshra.s32 s24, $0x2;
	s29 =	spop (v2sf);
	(v2sf) =	vpush v0, $0x4;
	s0 =	sand.u32 $0x1FFFFFF0, s0  }
0x18d: {  	s2 =	sadd.s32 $0x13C00, s25;
	s0 =	sadd.s32 s5, s0  }
0x18e: {  	[tilespmem:s2], [sflag:$0x2] =	stream.linear.gather [hbm4b:s0+s12], $0x80, $0x38;
	[tilespmem:$0x1A000] =	vst v63  }
0x18f: {  	s2 =	spop (v2sf);
	(v2sf) =	vpush v0, $0x5;
	_ =	sdelay $0x2  }
0x190: {  	s7 =	spop (v2sf);
	(v2sf) =	vpush v0, $0x6;
	_ =	sdelay $0x4  }
0x191: {  	s0 =	sshll.u32 s29, $0x2  }
0x192: {  	s0 =	sand.u32 $0x1FFFFFF0, s0  }
0x193: {  	s30 =	sadd.s32 $0x13C80, s25;
	s0 =	sadd.s32 s5, s0  }
0x194: {  	[tilespmem:s30], [sflag:$0x2] =	stream.linear.gather [hbm4b:s0+s12], $0x80, $0x38;
	[tilespmem:$0x1A000] =	vst v63  }
0x195: {  	s9 =	spop (v2sf);
	(v2sf) =	vpush v0, $0x7  }
0x196: {  	s0 =	sshll.u32 s2, $0x2  }
0x197: {  	s0 =	sand.u32 $0x1FFFFFF0, s0  }
0x198: {  	s3 =	sadd.s32 $0x13D00, s25;
	s0 =	sadd.s32 s5, s0;
	s13 =	spop (v2sf);
	(v2sf) =	vpush v0, $0x8  }
0x199: {  	[tilespmem:s3], [sflag:$0x2] =	stream.linear.gather [hbm4b:s0+s12], $0x80, $0x38;
	[tilespmem:$0x1A000] =	vst v63  }
0x19a: {  	s0 =	sshll.u32 s7, $0x2  }
0x19b: {  	s0 =	sand.u32 $0x1FFFFFF0, s0;
	s15 =	spop (v2sf);
	(v2sf) =	vpush v0, $0x9  }
0x19c: {  	s8 =	sadd.s32 $0x13D80, s25;
	s0 =	sadd.s32 s5, s0  }
0x19d: {  	[tilespmem:s8], [sflag:$0x2] =	stream.linear.gather [hbm4b:s0+s12], $0x80, $0x38;
	[tilespmem:$0x1A000] =	vst v63  }
0x19e: {  	s0 =	sshll.u32 s9, $0x2  }
0x19f: {  	s0 =	sand.u32 $0x1FFFFFF0, s0  }
0x1a0: {  	s10 =	sadd.s32 $0x13E00, s25;
	s0 =	sadd.s32 s5, s0  }
0x1a1: {  	[tilespmem:s10], [sflag:$0x2] =	stream.linear.gather [hbm4b:s0+s12], $0x80, $0x38;
	[tilespmem:$0x1A000] =	vst v63  }
0x1a2: {  	s0 =	sshll.u32 s13, $0x2  }
0x1a3: {  	s0 =	sand.u32 $0x1FFFFFF0, s0  }
0x1a4: {  	s14 =	sadd.s32 $0x13E80, s25;
	s0 =	sadd.s32 s5, s0;
	s17 =	spop (v2sf);
	(v2sf) =	vpush v0, $0xA  }
0x1a5: {  	[tilespmem:s14], [sflag:$0x2] =	stream.linear.gather [hbm4b:s0+s12], $0x80, $0x38;
	[tilespmem:$0x1A000] =	vst v63  }
0x1a6: {  	s0 =	sshll.u32 s15, $0x2  }
0x1a7: {  	s0 =	sand.u32 $0x1FFFFFF0, s0;
	s26 =	spop (v2sf);
	(v2sf) =	vpush v0, $0xB  }
0x1a8: {  	s16 =	sadd.s32 $0x13F00, s25;
	s0 =	sadd.s32 s5, s0  }
0x1a9: {  	[tilespmem:s16], [sflag:$0x2] =	stream.linear.gather [hbm4b:s0+s12], $0x80, $0x38;
	[tilespmem:$0x1A000] =	vst v63  }
0x1aa: {  	[smem:$0x7F8] =	sst s17;
	s0 =	sshll.u32 s17, $0x2;
	s17 =	spop (v2sf);
	(v2sf) =	vpush v0, $0xC  }
0x1ab: {  	_ = 	snop  }
0x1ac: {  	s0 =	sand.u32 $0x1FFFFFF0, s0  }
0x1ad: {  	s18 =	sadd.s32 $0x13F80, s25;
	s0 =	sadd.s32 s5, s0  }
0x1ae: {  	[tilespmem:s18], [sflag:$0x2] =	stream.linear.gather [hbm4b:s0+s12], $0x80, $0x38;
	[tilespmem:$0x1A000] =	vst v63  }
0x1af: {  	s19 =	sshll.u32 s26, $0x2  }
0x1b0: {  	s0 =	sand.u32 $0x1FFFFFF0, s19  }
0x1b1: {  	s20 =	sadd.s32 $0x14000, s25;
	s21 =	sshll.u32 s17, $0x2;
	s0 =	sadd.s32 s5, s0  }
0x1b2: {  	[tilespmem:s20], [sflag:$0x2] =	stream.linear.gather [hbm4b:s0+s12], $0x80, $0x38;
	[tilespmem:$0x1A000] =	vst v63  }
0x1b3: {  	[smem:$0x7F7] =	sst s15;
	s0 =	sand.u32 $0x1FFFFFF0, s21;
	s15 =	spop (v2sf);
	(v2sf) =	vpush v0, $0xD  }
0x1b4: {  	s22 =	sadd.s32 $0x14080, s25;
	s0 =	sadd.s32 s5, s0  }
0x1b5: {  	[tilespmem:s22], [sflag:$0x2] =	stream.linear.gather [hbm4b:s0+s12], $0x80, $0x38;
	[tilespmem:$0x1A000] =	vst v63  }
0x1b6: {  	[dreg:$0x13] =	wrdreg s29;
	s29 =	spop (v2sf);
	(v2sf) =	vpush v0, $0xE  }
0x1b7: {  	s23 =	sshll.u32 s15, $0x2  }
0x1b8: {  	[dreg:$0x10] =	wrdreg s28;
	s0 =	sand.u32 $0x1FFFFFF0, s23  }
0x1b9: {  	s28 =	sadd.s32 $0x14100, s25;
	s0 =	sadd.s32 s5, s0;
	s21 =	spop (v2sf);
	(v2sf) =	vpush v0, $0xF  }
0x1ba: {  	[tilespmem:s28], [sflag:$0x2] =	stream.linear.gather [hbm4b:s0+s12], $0x80, $0x38;
	[tilespmem:$0x1A000] =	vst v63  }
0x1bb: {  	s0 =	sshll.u32 s29, $0x2  }
0x1bc: {  	[dreg:$0x16] =	wrdreg s2;
	s0 =	sand.u32 $0x1FFFFFF0, s0  }
0x1bd: {  	s30 =	sadd.s32 $0x14180, s25;
	s2 =	sshll.u32 s21, $0x2;
	s0 =	sadd.s32 s5, s0  }
0x1be: {  	[tilespmem:s30], [sflag:$0x2] =	stream.linear.gather [hbm4b:s0+s12], $0x80, $0x38;
	[tilespmem:$0x1A000] =	vst v63  }
0x1bf: {  	s0 =	sand.u32 $0x1FFFFFF0, s2  }
0x1c0: {  	s3 =	sadd.s32 $0x14200, s25;
	s0 =	sadd.s32 s5, s0  }
0x1c1: {  	[tilespmem:s3], [sflag:$0x2] =	stream.linear.gather [hbm4b:s0+s12], $0x80, $0x38;
	[tilespmem:$0x1A000] =	vst v63  }
0x1c2: {  	s22 =	spop (v2sf)  }
0x1c3: {  	[dreg:$0x19] =	wrdreg s7;
	s7 =	sshll.u32 s22, $0x2  }
0x1c4: {  	s0 =	sand.u32 $0x1FFFFFF0, s7  }
0x1c5: {  	s8 =	sadd.s32 $0x14280, s25;
	s0 =	sadd.s32 s5, s0;
	s14 =	spop (v2sf)  }
0x1c6: {  	[tilespmem:s8], [sflag:$0x2] =	stream.linear.gather [hbm4b:s0+s12], $0x80, $0x38;
	[tilespmem:$0x1A000] =	vst v63  }
0x1c7: {  	[dreg:$0x1c] =	wrdreg s9;
	s9 =	sshll.u32 s14, $0x2  }
0x1c8: {  	[dreg:$0x1f] =	wrdreg s13;
	s2 =	spop (v2sf);
	s0 =	sand.u32 $0x1FFFFFF0, s9  }
0x1c9: {  	s10 =	sadd.s32 $0x14300, s25;
	s13 =	sshll.u32 s2, $0x2;
	s0 =	sadd.s32 s5, s0  }
0x1ca: {  	[tilespmem:s10], [sflag:$0x2] =	stream.linear.gather [hbm4b:s0+s12], $0x80, $0x38;
	[tilespmem:$0x1A000] =	vst v63  }
0x1cb: {  	s0 =	sand.u32 $0x1FFFFFF0, s13  }
0x1cc: {  	s16 =	sadd.s32 $0x10, s6;
	s3 =	sadd.s32 $0x14380, s25;
	s0 =	sadd.s32 s5, s0  }
0x1cd: {  	[tilespmem:s3], [sflag:$0x2] =	stream.linear.gather [hbm4b:s0+s12], $0x80, $0x38;
	[tilespmem:$0x1A000] =	vst v63  }
0x1ce: {  	s0 =	sand.u32 $0x70, s16  }
0x1cf: {  	s0 =	sor.u32 s4, s0  }
0x1d0: {  	s0 =	sor.u32 s1, s0  }
0x1d1: {  	v62 =	vld [tilespmem:s0+$0x0]  }
0x1d2: {  	v63 =	vld [tilespmem:s0+$0x2000];
	_ =	sdelay $0x3  }
0x1d3: {  	v0 =	vshll.u32 v62, $0x2  }
0x1d4: {  	v0 =	vadd.s32 v63, v0  }
0x1d5: {  	(v2sf) =	vpush v0, $0x0;
	_ =	sdelay $0x4  }
0x1d6: {  	(v2sf) =	vpush v0, $0x1  }
0x1d7: {  	(v2sf) =	vpush v0, $0x2;
	_ =	sdelay $0x2  }
0x1d8: {  	(v2sf) =	vpush v0, $0x3;
	_ =	sdelay $0x5  }
0x1d9: {  	s19 =	spop (v2sf);
	(v2sf) =	vpush v0, $0x4  }
0x1da: {  	s18 =	sshll.u32 s19, $0x2  }
0x1db: {  	s0 =	sand.u32 $0x1FFFFFF0, s18  }
0x1dc: {  	s20 =	sadd.s32 $0x14400, s25;
	s0 =	sadd.s32 s5, s0  }
0x1dd: {  	[tilespmem:s20], [sflag:$0x2] =	stream.linear.gather [hbm4b:s0+s12], $0x80, $0x38;
	[tilespmem:$0x1A000] =	vst v63  }
0x1de: {  	s12 =	spop (v2sf)  }
0x1df: {  	s4 =	spop (v2sf);
	(v2sf) =	vpush v0, $0x5;
	_ =	sdelay $0x2  }
0x1e0: {  	s7 =	spop (v2sf);
	(v2sf) =	vpush v0, $0x6  }
0x1e1: {  	s23 =	sshll.u32 s12, $0x2  }
0x1e2: {  	[smem:$0x7F9] =	sst s29;
	s28 =	sadd.s32 $0x14480, s25;
	s0 =	sand.u32 $0x1FFFFFF0, s23  }
0x1e3: {  	s1 =	simm.s32 $0x0;
	s29 =	sshll.u32 s4, $0x2;
	s0 =	sadd.s32 s5, s0  }
0x1e4: {  	[tilespmem:s28], [sflag:$0x2] =	stream.linear.gather [hbm4b:s0+s1], $0x80, $0x38;
	[tilespmem:$0x1A000] =	vst v63  }
0x1e5: {  	s30 =	sadd.s32 $0x14500, s25;
	s0 =	sand.u32 $0x1FFFFFF0, s29  }
0x1e6: {  	s3 =	sshll.u32 s7, $0x2;
	s0 =	sadd.s32 s5, s0;
	s10 =	spop (v2sf);
	(v2sf) =	vpush v0, $0x7  }
0x1e7: {  	[tilespmem:s30], [sflag:$0x2] =	stream.linear.gather [hbm4b:s0+s1], $0x80, $0x38;
	[tilespmem:$0x1A000] =	vst v63  }
0x1e8: {  	s0 =	sand.u32 $0x1FFFFFF0, s3  }
0x1e9: {  	s8 =	sadd.s32 $0x14580, s25;
	s0 =	sadd.s32 s5, s0  }
0x1ea: {  	[tilespmem:s8], [sflag:$0x2] =	stream.linear.gather [hbm4b:s0+s1], $0x80, $0x38;
	[tilespmem:$0x1A000] =	vst v63  }
0x1eb: {  	s9 =	sshll.u32 s10, $0x2  }
0x1ec: {  	s0 =	sand.u32 $0x1FFFFFF0, s9;
	s9 =	spop (v2sf);
	(v2sf) =	vpush v0, $0x8  }
0x1ed: {  	s13 =	sadd.s32 $0x14600, s25;
	s0 =	sadd.s32 s5, s0  }
0x1ee: {  	[tilespmem:s13], [sflag:$0x2] =	stream.linear.gather [hbm4b:s0+s1], $0x80, $0x38;
	[tilespmem:$0x1A000] =	vst v63  }
0x1ef: {  	s8 =	spop (v2sf);
	(v2sf) =	vpush v0, $0x9  }
0x1f0: {  	s16 =	sshll.u32 s9, $0x2  }
0x1f1: {  	s0 =	sand.u32 $0x1FFFFFF0, s16  }
0x1f2: {  	s18 =	sadd.s32 $0x14680, s25;
	s20 =	sshll.u32 s8, $0x2;
	s0 =	sadd.s32 s5, s0  }
0x1f3: {  	[tilespmem:s18], [sflag:$0x2] =	stream.linear.gather [hbm4b:s0+s1], $0x80, $0x38;
	[tilespmem:$0x1A000] =	vst v63  }
0x1f4: {  	s0 =	sand.u32 $0x1FFFFFF0, s20  }
0x1f5: {  	s23 =	sadd.s32 $0x14700, s25;
	s0 =	sadd.s32 s5, s0;
	s13 =	spop (v2sf);
	(v2sf) =	vpush v0, $0xA  }
0x1f6: {  	[tilespmem:s23], [sflag:$0x2] =	stream.linear.gather [hbm4b:s0+s1], $0x80, $0x38;
	[tilespmem:$0x1A000] =	vst v63  }
0x1f7: {  	s28 =	sshll.u32 s13, $0x2  }
0x1f8: {  	s0 =	sand.u32 $0x1FFFFFF0, s28  }
0x1f9: {  	s29 =	sadd.s32 $0x14780, s25;
	s0 =	sadd.s32 s5, s0  }
0x1fa: {  	(v2sf) =	vpush v0, $0xB;
	[tilespmem:s29], [sflag:$0x2] =	stream.linear.gather [hbm4b:s0+s1], $0x80, $0x38;
	[tilespmem:$0x1A000] =	vst v63  }
0x1fb: {  	s3 =	spop (v2sf)  }
0x1fc: {  	s30 =	sshll.u32 s3, $0x2  }
0x1fd: {  	s0 =	sand.u32 $0x1FFFFFF0, s30  }
0x1fe: {  	s16 =	sadd.s32 $0x14800, s25;
	s28 =	spop (v2sf);
	s0 =	sadd.s32 s5, s0  }
0x1ff: {  	(v2sf) =	vpush v0, $0xC;
	[tilespmem:s16], [sflag:$0x2] =	stream.linear.gather [hbm4b:s0+s1], $0x80, $0x38;
	[tilespmem:$0x1A000] =	vst v63  }
0x200: {  	s16 =	sshll.u32 s28, $0x2  }
0x201: {  	s0 =	sand.u32 $0x1FFFFFF0, s16  }
0x202: {  	s18 =	sadd.s32 $0x14880, s25;
	s0 =	sadd.s32 s5, s0  }
0x203: {  	[tilespmem:s18], [sflag:$0x2] =	stream.linear.gather [hbm4b:s0+s1], $0x80, $0x38;
	[tilespmem:$0x1A000] =	vst v63  }
0x204: {  	(v2sf) =	vpush v0, $0xD;
	s16 =	spop (v2sf)  }
0x205: {  	s20 =	sshll.u32 s16, $0x2  }
0x206: {  	s0 =	sand.u32 $0x1FFFFFF0, s20  }
0x207: {  	s18 =	sadd.s32 $0x14900, s25;
	s0 =	sadd.s32 s5, s0  }
0x208: {  	[tilespmem:s18], [sflag:$0x2] =	stream.linear.gather [hbm4b:s0+s1], $0x80, $0x38;
	[tilespmem:$0x1A000] =	vst v63  }
0x209: {  	(v2sf) =	vpush v0, $0xE;
	s18 =	spop (v2sf)  }
0x20a: {  	s23 =	sshll.u32 s18, $0x2  }
0x20b: {  	s0 =	sand.u32 $0x1FFFFFF0, s23  }
0x20c: {  	s20 =	sadd.s32 $0x14980, s25;
	s0 =	sadd.s32 s5, s0  }
0x20d: {  	[tilespmem:s20], [sflag:$0x2] =	stream.linear.gather [hbm4b:s0+s1], $0x80, $0x38;
	[tilespmem:$0x1A000] =	vst v63  }
0x20e: {  	s20 =	spop (v2sf)  }
0x20f: {  	s29 =	sshll.u32 s20, $0x2  }
0x210: {  	s0 =	sand.u32 $0x1FFFFFF0, s29  }
0x211: {  	s23 =	sadd.s32 $0x14A00, s25;
	s0 =	sadd.s32 s5, s0  }
0x212: {  	[tilespmem:s23], [sflag:$0x2] =	stream.linear.gather [hbm4b:s0+s1], $0x80, $0x38;
	[tilespmem:$0x1A000] =	vst v63  }
0x213: {  	s0 =	spop (v2sf)  }
0x214: {  	s30 =	sshll.u32 s0, $0x2  }
0x215: {  	s23 =	sand.u32 $0x1FFFFFF0, s30  }
0x216: {  	s30 =	sadd.s32 $0x14A80, s25;
	s23 =	sadd.s32 s5, s23  }
0x217: {  	[tilespmem:s30], [sflag:$0x2] =	stream.linear.gather [hbm4b:s23+s1], $0x80, $0x38;
	[tilespmem:$0x1A000] =	vst v63  }
0x218: {  	s23 =	spop (v2sf)  }
0x219: {  	s29 =	sshll.u32 s23, $0x2  }
0x21a: {  	s30 =	sand.u32 $0x1FFFFFF0, s29  }
0x21b: {  	s29 =	sadd.s32 $0x14B00, s25;
	s30 =	sadd.s32 s5, s30  }
0x21c: {  	[tilespmem:s29], [sflag:$0x2] =	stream.linear.gather [hbm4b:s30+s1], $0x80, $0x38;
	[tilespmem:$0x1A000] =	vst v63  }
0x21d: {  	s30 =	rddreg [dreg:$0x10]  }
0x21e: {  	s1 =	sand.u32 $0x3, s30;
	s30 =	rddreg [dreg:$0x13]  }
0x21f: {  	[smem:s11+$0xFFFFFFF0] =	sst s1  }
0x220: {  	s1 =	sand.u32 $0x3, s30;
	s30 =	rddreg [dreg:$0x16]  }
0x221: {  	[smem:s11+$0xFFFFFFF1] =	sst s1  }
0x222: {  	s1 =	sand.u32 $0x3, s30;
	s30 =	rddreg [dreg:$0x19]  }
0x223: {  	[smem:s11+$0xFFFFFFF2] =	sst s1  }
0x224: {  	s1 =	sand.u32 $0x3, s30;
	s30 =	rddreg [dreg:$0x1c]  }
0x225: {  	[smem:s11+$0xFFFFFFF3] =	sst s1  }
0x226: {  	s1 =	sand.u32 $0x3, s30;
	s30 =	rddreg [dreg:$0x1f]  }
0x227: {  	[smem:s11+$0xFFFFFFF4] =	sst s1  }
0x228: {  	s1 =	sand.u32 $0x3, s30;
	s30 =	sld [smem:$0x7F7];
	_ =	sdelay $0x1  }
0x229: {  	[smem:s11+$0xFFFFFFF5] =	sst s1  }
0x22a: {  	s1 =	sand.u32 $0x3, s30;
	s30 =	sld [smem:$0x7F8];
	_ =	sdelay $0x2  }
0x22b: {  	[smem:s11+$0xFFFFFFF6] =	sst s1;
	s1 =	sand.u32 $0x3, s30  }
0x22c: {  	s26 =	sand.u32 $0x3, s26;
	[smem:s11+$0xFFFFFFF7] =	sst s1  }
0x22d: {  	s17 =	sand.u32 $0x3, s17;
	[smem:s11+$0xFFFFFFF8] =	sst s26  }
0x22e: {  	s15 =	sand.u32 $0x3, s15;
	[smem:s11+$0xFFFFFFF9] =	sst s17  }
0x22f: {  	[smem:s11+$0xFFFFFFFA] =	sst s15  }
0x230: {  	s15 =	sld [smem:$0x7F9];
	_ =	sdelay $0x2  }
0x231: {  	s17 =	sand.u32 $0x3, s15  }
0x232: {  	s21 =	sand.u32 $0x3, s21;
	(v2sf) =	vpush v0, $0xF;
	[smem:s11+$0xFFFFFFFB] =	sst s17  }
0x233: {  	s26 =	sand.u32 $0x3, s22;
	[smem:s11+$0xFFFFFFFC] =	sst s21  }
0x234: {  	s14 =	sand.u32 $0x3, s14;
	[smem:s11+$0xFFFFFFFD] =	sst s26  }
0x235: {  	s2 =	sand.u32 $0x3, s2;
	[smem:s11+$0xFFFFFFFE] =	sst s14  }
0x236: {  	s29 =	sand.u32 $0x3, s19;
	[smem:s11+$0xFFFFFFFF] =	sst s2  }
0x237: {  	s30 =	sand.u32 $0x3, s12;
	[smem:s11] =	sst s29  }
0x238: {  	s2 =	sand.u32 $0x3, s4;
	[smem:s11+$0x1] =	sst s30  }
0x239: {  	s4 =	sand.u32 $0x3, s7;
	[smem:s11+$0x2] =	sst s2  }
0x23a: {  	s7 =	sand.u32 $0x3, s10;
	[smem:s11+$0x3] =	sst s4  }
0x23b: {  	s9 =	sand.u32 $0x3, s9;
	[smem:s11+$0x4] =	sst s7  }
0x23c: {  	s31 =	sadd.s32 $0x100, s31;
	s10 =	sand.u32 $0x3, s8;
	[smem:s11+$0x5] =	sst s9  }
0x23d: {  	p0 =	sne.s32 s24, $0x14000;
	s13 =	sand.u32 $0x3, s13;
	[smem:s11+$0x6] =	sst s10  }
0x23e: {  	s20 =	sand.u32 $0x3, s20;
	s14 =	sand.u32 $0x3, s3;
	[smem:s11+$0x7] =	sst s13  }
0x23f: {  	s0 =	sand.u32 $0x3, s0;
	s15 =	sand.u32 $0x3, s28;
	[smem:s11+$0x8] =	sst s14  }
0x240: {  	s19 =	sand.u32 $0x3, s18;
	s17 =	sand.u32 $0x3, s16;
	[smem:s11+$0x9] =	sst s15  }
0x241: {  	s12 =	simm.s32 $0x0;
	s21 =	spop (v2sf);
	[smem:s11+$0xA] =	sst s17  }
0x242: {  	s28 =	sand.u32 $0x3, s23;
	s22 =	sshll.u32 s21, $0x2;
	[smem:s11+$0xB] =	sst s19  }
.Ltmp4:
0x243: {  	s26 =	sand.u32 $0x1FFFFFF0, s22;
	[smem:s11+$0xC] =	sst s20;
	(pc) =	sbr.rel @p0 .LBB2_7-.Ltmp4, $4  }
0x244: {  	s29 =	sadd.s32 $0x14B80, s25;
	[smem:s11+$0xD] =	sst s0;
	s0 =	sadd.s32 s5, s26  }
0x245: {  	[tilespmem:s29], [sflag:$0x2] =	stream.linear.gather [hbm4b:s0+s12], $0x80, $0x38;
	[tilespmem:$0x1A000] =	vst v63  }
0x246: {  	s24 =	sadd.s32 $0x4000, s24;
	s30 =	sand.u32 $0x3, s21;
	[smem:s11+$0xE] =	sst s28  }
0x247: {  	s6 =	sadd.s32 $0x20, s6;
	[smem:s11+$0xF] =	sst s30;
	s11 =	sadd.s32 $0x20, s11  }
0x248: {  	s1 =	rddreg [dreg:$0xf]  }
0x249: {  	s0 =	sor.u32 $0x440, s1  }
0x24a: {  	s17 =	sor.u32 $0x2440, s1;
	v0 =	vld.msk [tilespmem:s0+$0x0], $0xff  }
0x24b: {  	v1 =	vld.msk [tilespmem:s17+$0x0], $0xff;
	_ =	sdelay $0x3  }
0x24c: {  	v0 =	vshll.u32 v0, $0x2  }
0x24d: {  	v0 =	vadd.s32 v1, v0  }
0x24e: {  	(v2sf) =	vpush v0, $0x0;
	_ =	sdelay $0x4  }
0x24f: {  	(v2sf) =	vpush v0, $0x1;
	_ =	sdelay $0x1  }
0x250: {  	(v2sf) =	vpush v0, $0x2;
	_ =	sdelay $0x7  }
0x251: {  	s18 =	spop (v2sf);
	(v2sf) =	vpush v0, $0x3;
	_ =	sdelay $0x1  }
0x252: {  	(v2sf) =	vpush v0, $0x4;
	_ =	sdelay $0x2  }
0x253: {  	s19 =	sshll.u32 s18, $0x2;
	s20 =	spop (v2sf);
	(v2sf) =	vpush v0, $0x5  }
0x254: {  	s6 =	simm.s32 $0x0;
	s2 =	simm.s32 $0x19C00;
	s1 =	sand.u32 $0x1FFFFFF0, s19  }
0x255: {  	s21 =	sshll.u32 s20, $0x2;
	s22 =	spop (v2sf);
	s1 =	sadd.s32 s5, s1  }
0x256: {  	(v2sf) =	vpush v0, $0x6;
	[tilespmem:s2], [sflag:$0x2] =	stream.linear.gather [hbm4b:s1+s6], $0x80, $0x38;
	[tilespmem:$0x1A000] =	vst v63  }
0x257: {  	s2 =	sand.u32 $0x1FFFFFF0, s21  }
0x258: {  	s3 =	simm.s32 $0x19C80;
	s23 =	sshll.u32 s22, $0x2;
	s2 =	sadd.s32 s5, s2  }
0x259: {  	[tilespmem:s3], [sflag:$0x2] =	stream.linear.gather [hbm4b:s2+s6], $0x80, $0x38;
	[tilespmem:$0x1A000] =	vst v63  }
0x25a: {  	s3 =	sand.u32 $0x1FFFFFF0, s23  }
0x25b: {  	s4 =	simm.s32 $0x19D00;
	s3 =	sadd.s32 s5, s3  }
0x25c: {  	[tilespmem:s4], [sflag:$0x2] =	stream.linear.gather [hbm4b:s3+s6], $0x80, $0x38;
	[tilespmem:$0x1A000] =	vst v63  }
0x25d: {  	s24 =	spop (v2sf)  }
0x25e: {  	(v2sf) =	vpush v0, $0x7;
	s25 =	sshll.u32 s24, $0x2  }
0x25f: {  	s7 =	spop (v2sf);
	s4 =	sand.u32 $0x1FFFFFF0, s25  }
0x260: {  	s8 =	simm.s32 $0x19D80;
	s26 =	sshll.u32 s7, $0x2;
	s4 =	sadd.s32 s5, s4  }
0x261: {  	[tilespmem:s8], [sflag:$0x2] =	stream.linear.gather [hbm4b:s4+s6], $0x80, $0x38;
	[tilespmem:$0x1A000] =	vst v63  }
0x262: {  	s9 =	simm.s32 $0x19E00;
	s28 =	spop (v2sf);
	s4 =	sand.u32 $0x1FFFFFF0, s26  }
0x263: {  	s10 =	simm.s32 $0x19E80;
	s29 =	sshll.u32 s28, $0x2;
	s4 =	sadd.s32 s5, s4  }
0x264: {  	[tilespmem:s9], [sflag:$0x2] =	stream.linear.gather [hbm4b:s4+s6], $0x80, $0x38;
	[tilespmem:$0x1A000] =	vst v63  }
0x265: {  	s14 =	simm.s32 $0x19F00;
	s30 =	spop (v2sf);
	s4 =	sand.u32 $0x1FFFFFF0, s29  }
0x266: {  	s0 =	sand.u32 $0x3, s18;
	s31 =	sshll.u32 s30, $0x2;
	s4 =	sadd.s32 s5, s4  }
0x267: {  	[tilespmem:s10], [sflag:$0x2] =	stream.linear.gather [hbm4b:s4+s6], $0x80, $0x38;
	[tilespmem:$0x1A000] =	vst v63  }
0x268: {  	[smem:$0x1C0] =	sst s0;
	s11 =	sand.u32 $0x1FFFFFF0, s31;
	s10 =	sand.u32 $0x3, s20  }
0x269: {  	s13 =	sand.u32 $0x3, s22;
	s1 =	sadd.s32 s5, s11;
	[smem:$0x1C1] =	sst s10  }
0x26a: {  	[tilespmem:s14], [sflag:$0x2] =	stream.linear.gather [hbm4b:s1+s6], $0x80, $0x38;
	[tilespmem:$0x1A000] =	vst v63  }
0x26b: {  	s15 =	sand.u32 $0x3, s24;
	[smem:$0x1C2] =	sst s13  }
0x26c: {  	s21 =	simm.s32 $0x19F80;
	s17 =	sand.u32 $0x3, s7;
	[smem:$0x1C3] =	sst s15  }
0x26d: {  	s19 =	sand.u32 $0x3, s28;
	[smem:$0x1C4] =	sst s17;
	s16 =	spop (v2sf)  }
0x26e: {  	s20 =	sand.u32 $0x3, s30;
	[smem:$0x1C5] =	sst s19;
	s18 =	sshll.u32 s16, $0x2  }
0x26f: {  	[smem:$0x1C6] =	sst s20;
	s22 =	sand.u32 $0x3, s16;
	s2 =	sand.u32 $0x1FFFFFF0, s18  }
0x270: {  	s23 =	simm.s32 $0x1;
	[smem:$0x1C7] =	sst s22;
	s2 =	sadd.s32 s5, s2  }
0x271: {  	[tilespmem:s21], [sflag:$0x2] =	stream.linear.gather [hbm4b:s2+s6], $0x80, $0x38;
	[tilespmem:$0x1A000] =	vst v63  }
0x272: {  	_ =	swait.ge [sflag:s23], $0x6400  }
0x273: {  	[sflag:s23] =	ssyncset.done $0x0  }
0x274: {  	[sflag:s23] =	ssyncadd.s32 $0xFFFF9C00  }
0x275: {  	s0 =	sld [smem:$0x0];
	_ =	sdelay $0x2  }
0x276: {  	s0 =	sadd.s32 $0x0, s0  }
0x277: {  	s0 =	sshll.u32 s0, $0x8  }
0x278: {  	s0 =	sshra.s32 s0, $0x2  }
0x279: {  	v0 =	vld [tilespmem:s0+$0x4200];
	_ =	sdelay $0x3  }
0x27a: {  	s11 =	simm.s32 $0x0  }
0x27b: {  	[tilespmem:s11+$0xD800] =	vst.add.f32.msk $0xffff, v0  }
0x27c: {  	v0 =	vld [tilespmem:s0+$0x4210];
	_ =	sdelay $0x4  }
0x27d: {  	[tilespmem:s11+$0xD810] =	vst.add.f32.msk $0xffff, v0  }
0x27e: {  	v0 =	vld [tilespmem:s0+$0x4220];
	_ =	sdelay $0x4  }
0x27f: {  	[tilespmem:s11+$0xD820] =	vst.add.f32.msk $0xffff, v0  }
0x280: {  	s24 =	sld [smem:$0x1]  }
0x281: {  	v0 =	vld [tilespmem:s0+$0x4230];
	_ =	sdelay $0x1  }
0x282: {  	s25 =	sadd.s32 $0x0, s24  }
0x283: {  	s0 =	sshll.u32 s25, $0x8  }
0x284: {  	s0 =	sadd.s32 $0x300, s0  }
0x285: {  	[tilespmem:s11+$0xD830] =	vst.add.f32.msk $0xffff, v0;
	s0 =	sshra.s32 s0, $0x2  }
0x286: {  	v0 =	vld [tilespmem:s0+$0x4200];
	_ =	sdelay $0x4  }
0x287: {  	[tilespmem:s11+$0xD880] =	vst.add.f32.msk $0xffff, v0  }
0x288: {  	v0 =	vld [tilespmem:s0+$0x4210];
	_ =	sdelay $0x4  }
0x289: {  	[tilespmem:s11+$0xD890] =	vst.add.f32.msk $0xffff, v0  }
0x28a: {  	v0 =	vld [tilespmem:s0+$0x4220];
	_ =	sdelay $0x4  }
0x28b: {  	[tilespmem:s11+$0xD8A0] =	vst.add.f32.msk $0xffff, v0  }
0x28c: {  	s26 =	sld [smem:$0x2]  }
0x28d: {  	v0 =	vld [tilespmem:s0+$0x4230];
	_ =	sdelay $0x1  }
0x28e: {  	s28 =	sadd.s32 $0x0, s26  }
0x28f: {  	s0 =	sshll.u32 s28, $0x8  }
0x290: {  	s0 =	sadd.s32 $0x600, s0  }
0x291: {  	[tilespmem:s11+$0xD8B0] =	vst.add.f32.msk $0xffff, v0;
	s0 =	sshra.s32 s0, $0x2  }
0x292: {  	v0 =	vld [tilespmem:s0+$0x4200];
	_ =	sdelay $0x4  }
0x293: {  	[tilespmem:s11+$0xD900] =	vst.add.f32.msk $0xffff, v0  }
0x294: {  	v0 =	vld [tilespmem:s0+$0x4210];
	_ =	sdelay $0x4  }
0x295: {  	[tilespmem:s11+$0xD910] =	vst.add.f32.msk $0xffff, v0  }
0x296: {  	v0 =	vld [tilespmem:s0+$0x4220];
	_ =	sdelay $0x4  }
0x297: {  	[tilespmem:s11+$0xD920] =	vst.add.f32.msk $0xffff, v0  }
0x298: {  	s29 =	sld [smem:$0x3]  }
0x299: {  	v0 =	vld [tilespmem:s0+$0x4230];
	_ =	sdelay $0x1  }
0x29a: {  	s30 =	sadd.s32 $0x0, s29  }
0x29b: {  	s0 =	sshll.u32 s30, $0x8  }
0x29c: {  	s0 =	sadd.s32 $0x900, s0  }
0x29d: {  	[tilespmem:s11+$0xD930] =	vst.add.f32.msk $0xffff, v0;
	s31 =	sshra.s32 s0, $0x2  }
0x29e: {  	v0 =	vld [tilespmem:s31+$0x4200];
	_ =	sdelay $0x4  }
0x29f: {  	[tilespmem:s11+$0xD980] =	vst.add.f32.msk $0xffff, v0  }
0x2a0: {  	v0 =	vld [tilespmem:s31+$0x4210];
	_ =	sdelay $0x4  }
0x2a1: {  	[tilespmem:s11+$0xD990] =	vst.add.f32.msk $0xffff, v0  }
0x2a2: {  	v0 =	vld [tilespmem:s31+$0x4220];
	_ =	sdelay $0x4  }
0x2a3: {  	s13 =	simm.s32 $0x6;
	[tilespmem:s11+$0xD9A0] =	vst.add.f32.msk $0xffff, v0  }
0x2a4: {  	s15 =	simm.s32 $0x1000;
	s2 =	simm.s32 $0x800;
	s0 =	sld [smem:$0x4];
	v0 =	vld [tilespmem:s31+$0x4230]  }
.LBB2_9:
0x2a5: {  	p0 =	sne.s32 s15, $0x18800  }
0x2a6: {  	s6 =	sadd.s32 $0xC, s6  }
0x2a7: {  	s0 =	sadd.s32 s0, s6  }
0x2a8: {  	s0 =	sshll.u32 s0, $0x8  }
0x2a9: {  	s0 =	sshra.s32 s0, $0x2;
	[tilespmem:s11+$0xD9B0] =	vst.add.f32.msk $0xffff, v0  }
0x2aa: {  	v0 =	vld [tilespmem:s0+$0x4200];
	_ =	sdelay $0x3  }
0x2ab: {  	s11 =	sshra.s32 s2, $0x2;
	s2 =	smov.u32 s15  }
0x2ac: {  	[tilespmem:s11+$0xD800] =	vst.add.f32.msk $0xffff, v0  }
0x2ad: {  	v0 =	vld [tilespmem:s0+$0x4210];
	_ =	sdelay $0x4  }
0x2ae: {  	[tilespmem:s11+$0xD810] =	vst.add.f32.msk $0xffff, v0  }
0x2af: {  	v0 =	vld [tilespmem:s0+$0x4220];
	_ =	sdelay $0x4  }
0x2b0: {  	[tilespmem:s11+$0xD820] =	vst.add.f32.msk $0xffff, v0;
	s1 =	sld [smem:s13+$0xFFFFFFFF]  }
0x2b1: {  	v0 =	vld [tilespmem:s0+$0x4230];
	_ =	sdelay $0x1  }
0x2b2: {  	s0 =	sadd.s32 s1, s6  }
0x2b3: {  	s0 =	sshll.u32 s0, $0x8  }
0x2b4: {  	s0 =	sadd.s32 $0x300, s0  }
0x2b5: {  	[tilespmem:s11+$0xD830] =	vst.add.f32.msk $0xffff, v0;
	s0 =	sshra.s32 s0, $0x2  }
0x2b6: {  	v0 =	vld [tilespmem:s0+$0x4200];
	_ =	sdelay $0x4  }
0x2b7: {  	[tilespmem:s11+$0xD880] =	vst.add.f32.msk $0xffff, v0  }
0x2b8: {  	v0 =	vld [tilespmem:s0+$0x4210];
	_ =	sdelay $0x4  }
0x2b9: {  	[tilespmem:s11+$0xD890] =	vst.add.f32.msk $0xffff, v0  }
0x2ba: {  	v0 =	vld [tilespmem:s0+$0x4220];
	_ =	sdelay $0x4  }
0x2bb: {  	[tilespmem:s11+$0xD8A0] =	vst.add.f32.msk $0xffff, v0;
	s1 =	sld [smem:s13+$0x0]  }
0x2bc: {  	v0 =	vld [tilespmem:s0+$0x4230];
	_ =	sdelay $0x1  }
0x2bd: {  	s0 =	sadd.s32 s1, s6  }
0x2be: {  	s0 =	sshll.u32 s0, $0x8  }
0x2bf: {  	s0 =	sadd.s32 $0x600, s0  }
0x2c0: {  	[tilespmem:s11+$0xD8B0] =	vst.add.f32.msk $0xffff, v0;
	s0 =	sshra.s32 s0, $0x2  }
0x2c1: {  	v0 =	vld [tilespmem:s0+$0x4200];
	_ =	sdelay $0x4  }
0x2c2: {  	[tilespmem:s11+$0xD900] =	vst.add.f32.msk $0xffff, v0  }
0x2c3: {  	v0 =	vld [tilespmem:s0+$0x4210];
	_ =	sdelay $0x4  }
0x2c4: {  	[tilespmem:s11+$0xD910] =	vst.add.f32.msk $0xffff, v0  }
0x2c5: {  	v0 =	vld [tilespmem:s0+$0x4220];
	_ =	sdelay $0x4  }
0x2c6: {  	[tilespmem:s11+$0xD920] =	vst.add.f32.msk $0xffff, v0;
	s1 =	sld [smem:s13+$0x1]  }
0x2c7: {  	v0 =	vld [tilespmem:s0+$0x4230];
	_ =	sdelay $0x1  }
0x2c8: {  	s0 =	sadd.s32 s1, s6  }
0x2c9: {  	s0 =	sshll.u32 s0, $0x8  }
0x2ca: {  	s0 =	sadd.s32 $0x900, s0  }
0x2cb: {  	[tilespmem:s11+$0xD930] =	vst.add.f32.msk $0xffff, v0;
	s1 =	sshra.s32 s0, $0x2  }
0x2cc: {  	v0 =	vld [tilespmem:s1+$0x4200];
	_ =	sdelay $0x4  }
0x2cd: {  	[tilespmem:s11+$0xD980] =	vst.add.f32.msk $0xffff, v0  }
0x2ce: {  	v0 =	vld [tilespmem:s1+$0x4210];
	_ =	sdelay $0x4  }
0x2cf: {  	[tilespmem:s11+$0xD990] =	vst.add.f32.msk $0xffff, v0  }
0x2d0: {  	v0 =	vld [tilespmem:s1+$0x4220];
	_ =	sdelay $0x1  }
.Ltmp5:
0x2d1: {  	(pc) =	sbr.rel @p0 .LBB2_9-.Ltmp5, $3  }
0x2d2: {  	_ =	sdelay $0x1  }
0x2d3: {  	s13 =	sadd.s32 $0x4, s13;
	[tilespmem:s11+$0xD9A0] =	vst.add.f32.msk $0xffff, v0  }
0x2d4: {  	s15 =	sadd.s32 $0x800, s15;
	s0 =	sld [smem:s13+$0xFFFFFFFE];
	v0 =	vld [tilespmem:s1+$0x4230]  }
0x2d5: {  	_ = 	snop  }
0x2d6: {  	s1 =	sadd.s32 $0xC, s6  }
0x2d7: {  	s0 =	sadd.s32 s0, s1  }
0x2d8: {  	s0 =	sshll.u32 s0, $0x8  }
0x2d9: {  	s0 =	sshra.s32 s0, $0x2;
	[tilespmem:s11+$0xD9B0] =	vst.add.f32.msk $0xffff, v0  }
0x2da: {  	v0 =	vld [tilespmem:s0+$0x4200];
	_ =	sdelay $0x3  }
0x2db: {  	s2 =	sshra.s32 s2, $0x2  }
0x2dc: {  	[tilespmem:s2+$0xD800] =	vst.add.f32.msk $0xffff, v0  }
0x2dd: {  	v0 =	vld [tilespmem:s0+$0x4210];
	_ =	sdelay $0x4  }
0x2de: {  	[tilespmem:s2+$0xD810] =	vst.add.f32.msk $0xffff, v0  }
0x2df: {  	v0 =	vld [tilespmem:s0+$0x4220];
	_ =	sdelay $0x4  }
0x2e0: {  	s3 =	sld [smem:s13+$0xFFFFFFFF];
	[tilespmem:s2+$0xD820] =	vst.add.f32.msk $0xffff, v0  }
0x2e1: {  	v0 =	vld [tilespmem:s0+$0x4230];
	_ =	sdelay $0x1  }
0x2e2: {  	s15 =	sadd.s32 s3, s1  }
0x2e3: {  	s0 =	sshll.u32 s15, $0x8  }
0x2e4: {  	s0 =	sadd.s32 $0x300, s0  }
0x2e5: {  	s0 =	sshra.s32 s0, $0x2;
	[tilespmem:s2+$0xD830] =	vst.add.f32.msk $0xffff, v0  }
0x2e6: {  	v0 =	vld [tilespmem:s0+$0x4200];
	_ =	sdelay $0x4  }
0x2e7: {  	[tilespmem:s2+$0xD880] =	vst.add.f32.msk $0xffff, v0  }
0x2e8: {  	v0 =	vld [tilespmem:s0+$0x4210];
	_ =	sdelay $0x4  }
0x2e9: {  	[tilespmem:s2+$0xD890] =	vst.add.f32.msk $0xffff, v0  }
0x2ea: {  	v0 =	vld [tilespmem:s0+$0x4220];
	_ =	sdelay $0x4  }
0x2eb: {  	s16 =	sld [smem:s13+$0x0];
	[tilespmem:s2+$0xD8A0] =	vst.add.f32.msk $0xffff, v0  }
0x2ec: {  	v0 =	vld [tilespmem:s0+$0x4230];
	_ =	sdelay $0x1  }
0x2ed: {  	s17 =	sadd.s32 s16, s1  }
0x2ee: {  	s0 =	sshll.u32 s17, $0x8  }
0x2ef: {  	s0 =	sadd.s32 $0x600, s0  }
0x2f0: {  	s0 =	sshra.s32 s0, $0x2;
	[tilespmem:s2+$0xD8B0] =	vst.add.f32.msk $0xffff, v0  }
0x2f1: {  	v0 =	vld [tilespmem:s0+$0x4200];
	_ =	sdelay $0x4  }
0x2f2: {  	[tilespmem:s2+$0xD900] =	vst.add.f32.msk $0xffff, v0  }
0x2f3: {  	v0 =	vld [tilespmem:s0+$0x4210];
	_ =	sdelay $0x4  }
0x2f4: {  	[tilespmem:s2+$0xD910] =	vst.add.f32.msk $0xffff, v0  }
0x2f5: {  	v0 =	vld [tilespmem:s0+$0x4220];
	_ =	sdelay $0x4  }
0x2f6: {  	s18 =	sld [smem:s13+$0x1];
	[tilespmem:s2+$0xD920] =	vst.add.f32.msk $0xffff, v0  }
0x2f7: {  	v0 =	vld [tilespmem:s0+$0x4230];
	_ =	sdelay $0x1  }
0x2f8: {  	s19 =	sadd.s32 s18, s1  }
0x2f9: {  	s0 =	sshll.u32 s19, $0x8  }
0x2fa: {  	s0 =	sadd.s32 $0x900, s0  }
0x2fb: {  	s0 =	sshra.s32 s0, $0x2;
	[tilespmem:s2+$0xD930] =	vst.add.f32.msk $0xffff, v0  }
0x2fc: {  	v0 =	vld [tilespmem:s0+$0x4200];
	_ =	sdelay $0x4  }
0x2fd: {  	[tilespmem:s2+$0xD980] =	vst.add.f32.msk $0xffff, v0  }
0x2fe: {  	v0 =	vld [tilespmem:s0+$0x4210];
	_ =	sdelay $0x4  }
0x2ff: {  	[tilespmem:s2+$0xD990] =	vst.add.f32.msk $0xffff, v0  }
0x300: {  	v0 =	vld [tilespmem:s0+$0x4220];
	_ =	sdelay $0x4  }
0x301: {  	[tilespmem:s2+$0xD9A0] =	vst.add.f32.msk $0xffff, v0  }
0x302: {  	s20 =	rddreg [dreg:$0x4];
	v0 =	vld [tilespmem:s0+$0x4230]  }
0x303: {  	s4 =	rddreg [dreg:$0xc]  }
0x304: {  	s0 =	sadd.s32 s20, s4  }
0x305: {  	s0 =	smul.u32 $0xC80, s0  }
0x306: {  	s21 =	rddreg [dreg:$0x6];
	s6 =	simm.s32 $0x0  }
0x307: {  	s22 =	simm.s32 $0xD800;
	s23 =	simm.s32 $0x2;
	s0 =	sadd.s32 s21, s0;
	[tilespmem:s2+$0xD9B0] =	vst.add.f32.msk $0xffff, v0  }
0x308: {  	[hbm4b:s0+s6] =	stream.linear.scatter [tilespmem:s22], [sflag:$0x3], $0x6400, $0x38;
	[tilespmem:$0x1A000] =	vst v63  }
0x309: {  	_ =	swait.ge [sflag:s23], $0x6400  }
0x30a: {  	[sflag:s23] =	ssyncset.done $0x0  }
0x30b: {  	[sflag:s23] =	ssyncadd.s32 $0xFFFF9C00  }
0x30c: {  	s0 =	sld [smem:$0x100];
	_ =	sdelay $0x2  }
0x30d: {  	s0 =	sadd.s32 $0x0, s0  }
0x30e: {  	s0 =	sshll.u32 s0, $0x8  }
0x30f: {  	s0 =	sshra.s32 s0, $0x2  }
0x310: {  	v0 =	vld [tilespmem:s0+$0x4200];
	_ =	sdelay $0x3  }
0x311: {  	s11 =	simm.s32 $0x0  }
0x312: {  	[tilespmem:s11+$0x13C00] =	vst.add.f32.msk $0xffff, v0  }
0x313: {  	v0 =	vld [tilespmem:s0+$0x4210];
	_ =	sdelay $0x4  }
0x314: {  	[tilespmem:s11+$0x13C10] =	vst.add.f32.msk $0xffff, v0  }
0x315: {  	v0 =	vld [tilespmem:s0+$0x4220];
	_ =	sdelay $0x4  }
0x316: {  	[tilespmem:s11+$0x13C20] =	vst.add.f32.msk $0xffff, v0  }
0x317: {  	s24 =	sld [smem:$0x101]  }
0x318: {  	v0 =	vld [tilespmem:s0+$0x4230];
	_ =	sdelay $0x1  }
0x319: {  	s25 =	sadd.s32 $0x0, s24  }
0x31a: {  	s0 =	sshll.u32 s25, $0x8  }
0x31b: {  	s0 =	sadd.s32 $0x300, s0  }
0x31c: {  	[tilespmem:s11+$0x13C30] =	vst.add.f32.msk $0xffff, v0;
	s0 =	sshra.s32 s0, $0x2  }
0x31d: {  	v0 =	vld [tilespmem:s0+$0x4200];
	_ =	sdelay $0x4  }
0x31e: {  	[tilespmem:s11+$0x13C80] =	vst.add.f32.msk $0xffff, v0  }
0x31f: {  	v0 =	vld [tilespmem:s0+$0x4210];
	_ =	sdelay $0x4  }
0x320: {  	[tilespmem:s11+$0x13C90] =	vst.add.f32.msk $0xffff, v0  }
0x321: {  	v0 =	vld [tilespmem:s0+$0x4220];
	_ =	sdelay $0x4  }
0x322: {  	[tilespmem:s11+$0x13CA0] =	vst.add.f32.msk $0xffff, v0  }
0x323: {  	s26 =	sld [smem:$0x102]  }
0x324: {  	v0 =	vld [tilespmem:s0+$0x4230];
	_ =	sdelay $0x1  }
0x325: {  	s28 =	sadd.s32 $0x0, s26  }
0x326: {  	s0 =	sshll.u32 s28, $0x8  }
0x327: {  	s0 =	sadd.s32 $0x600, s0  }
0x328: {  	[tilespmem:s11+$0x13CB0] =	vst.add.f32.msk $0xffff, v0;
	s0 =	sshra.s32 s0, $0x2  }
0x329: {  	v0 =	vld [tilespmem:s0+$0x4200];
	_ =	sdelay $0x4  }
0x32a: {  	[tilespmem:s11+$0x13D00] =	vst.add.f32.msk $0xffff, v0  }
0x32b: {  	v0 =	vld [tilespmem:s0+$0x4210];
	_ =	sdelay $0x4  }
0x32c: {  	[tilespmem:s11+$0x13D10] =	vst.add.f32.msk $0xffff, v0  }
0x32d: {  	v0 =	vld [tilespmem:s0+$0x4220];
	_ =	sdelay $0x4  }
0x32e: {  	[tilespmem:s11+$0x13D20] =	vst.add.f32.msk $0xffff, v0  }
0x32f: {  	s29 =	sld [smem:$0x103]  }
0x330: {  	v0 =	vld [tilespmem:s0+$0x4230];
	_ =	sdelay $0x1  }
0x331: {  	s30 =	sadd.s32 $0x0, s29  }
0x332: {  	s0 =	sshll.u32 s30, $0x8  }
0x333: {  	s0 =	sadd.s32 $0x900, s0  }
0x334: {  	[tilespmem:s11+$0x13D30] =	vst.add.f32.msk $0xffff, v0;
	s31 =	sshra.s32 s0, $0x2  }
0x335: {  	v0 =	vld [tilespmem:s31+$0x4200];
	_ =	sdelay $0x4  }
0x336: {  	[tilespmem:s11+$0x13D80] =	vst.add.f32.msk $0xffff, v0  }
0x337: {  	v0 =	vld [tilespmem:s31+$0x4210];
	_ =	sdelay $0x4  }
0x338: {  	[tilespmem:s11+$0x13D90] =	vst.add.f32.msk $0xffff, v0  }
0x339: {  	v0 =	vld [tilespmem:s31+$0x4220];
	_ =	sdelay $0x4  }
0x33a: {  	s13 =	simm.s32 $0x106;
	[tilespmem:s11+$0x13DA0] =	vst.add.f32.msk $0xffff, v0  }
0x33b: {  	s15 =	simm.s32 $0x1000;
	s2 =	simm.s32 $0x800;
	s0 =	sld [smem:$0x104];
	v0 =	vld [tilespmem:s31+$0x4230]  }
.LBB2_11:
0x33c: {  	p0 =	sne.s32 s15, $0x18800  }
0x33d: {  	s6 =	sadd.s32 $0xC, s6  }
0x33e: {  	s0 =	sadd.s32 s0, s6  }
0x33f: {  	s0 =	sshll.u32 s0, $0x8  }
0x340: {  	s0 =	sshra.s32 s0, $0x2;
	[tilespmem:s11+$0x13DB0] =	vst.add.f32.msk $0xffff, v0  }
0x341: {  	v0 =	vld [tilespmem:s0+$0x4200];
	_ =	sdelay $0x3  }
0x342: {  	s11 =	sshra.s32 s2, $0x2;
	s2 =	smov.u32 s15  }
0x343: {  	[tilespmem:s11+$0x13C00] =	vst.add.f32.msk $0xffff, v0  }
0x344: {  	v0 =	vld [tilespmem:s0+$0x4210];
	_ =	sdelay $0x4  }
0x345: {  	[tilespmem:s11+$0x13C10] =	vst.add.f32.msk $0xffff, v0  }
0x346: {  	v0 =	vld [tilespmem:s0+$0x4220];
	_ =	sdelay $0x4  }
0x347: {  	[tilespmem:s11+$0x13C20] =	vst.add.f32.msk $0xffff, v0;
	s1 =	sld [smem:s13+$0xFFFFFFFF]  }
0x348: {  	v0 =	vld [tilespmem:s0+$0x4230];
	_ =	sdelay $0x1  }
0x349: {  	s0 =	sadd.s32 s1, s6  }
0x34a: {  	s0 =	sshll.u32 s0, $0x8  }
0x34b: {  	s0 =	sadd.s32 $0x300, s0  }
0x34c: {  	[tilespmem:s11+$0x13C30] =	vst.add.f32.msk $0xffff, v0;
	s0 =	sshra.s32 s0, $0x2  }
0x34d: {  	v0 =	vld [tilespmem:s0+$0x4200];
	_ =	sdelay $0x4  }
0x34e: {  	[tilespmem:s11+$0x13C80] =	vst.add.f32.msk $0xffff, v0  }
0x34f: {  	v0 =	vld [tilespmem:s0+$0x4210];
	_ =	sdelay $0x4  }
0x350: {  	[tilespmem:s11+$0x13C90] =	vst.add.f32.msk $0xffff, v0  }
0x351: {  	v0 =	vld [tilespmem:s0+$0x4220];
	_ =	sdelay $0x4  }
0x352: {  	[tilespmem:s11+$0x13CA0] =	vst.add.f32.msk $0xffff, v0;
	s1 =	sld [smem:s13+$0x0]  }
0x353: {  	v0 =	vld [tilespmem:s0+$0x4230];
	_ =	sdelay $0x1  }
0x354: {  	s0 =	sadd.s32 s1, s6  }
0x355: {  	s0 =	sshll.u32 s0, $0x8  }
0x356: {  	s0 =	sadd.s32 $0x600, s0  }
0x357: {  	[tilespmem:s11+$0x13CB0] =	vst.add.f32.msk $0xffff, v0;
	s0 =	sshra.s32 s0, $0x2  }
0x358: {  	v0 =	vld [tilespmem:s0+$0x4200];
	_ =	sdelay $0x4  }
0x359: {  	[tilespmem:s11+$0x13D00] =	vst.add.f32.msk $0xffff, v0  }
0x35a: {  	v0 =	vld [tilespmem:s0+$0x4210];
	_ =	sdelay $0x4  }
0x35b: {  	[tilespmem:s11+$0x13D10] =	vst.add.f32.msk $0xffff, v0  }
0x35c: {  	v0 =	vld [tilespmem:s0+$0x4220];
	_ =	sdelay $0x4  }
0x35d: {  	[tilespmem:s11+$0x13D20] =	vst.add.f32.msk $0xffff, v0;
	s1 =	sld [smem:s13+$0x1]  }
0x35e: {  	v0 =	vld [tilespmem:s0+$0x4230];
	_ =	sdelay $0x1  }
0x35f: {  	s0 =	sadd.s32 s1, s6  }
0x360: {  	s0 =	sshll.u32 s0, $0x8  }
0x361: {  	s0 =	sadd.s32 $0x900, s0  }
0x362: {  	[tilespmem:s11+$0x13D30] =	vst.add.f32.msk $0xffff, v0;
	s1 =	sshra.s32 s0, $0x2  }
0x363: {  	v0 =	vld [tilespmem:s1+$0x4200];
	_ =	sdelay $0x4  }
0x364: {  	[tilespmem:s11+$0x13D80] =	vst.add.f32.msk $0xffff, v0  }
0x365: {  	v0 =	vld [tilespmem:s1+$0x4210];
	_ =	sdelay $0x4  }
0x366: {  	[tilespmem:s11+$0x13D90] =	vst.add.f32.msk $0xffff, v0  }
0x367: {  	v0 =	vld [tilespmem:s1+$0x4220];
	_ =	sdelay $0x1  }
.Ltmp6:
0x368: {  	(pc) =	sbr.rel @p0 .LBB2_11-.Ltmp6, $3  }
0x369: {  	_ =	sdelay $0x1  }
0x36a: {  	s13 =	sadd.s32 $0x4, s13;
	[tilespmem:s11+$0x13DA0] =	vst.add.f32.msk $0xffff, v0  }
0x36b: {  	s15 =	sadd.s32 $0x800, s15;
	s0 =	sld [smem:s13+$0xFFFFFFFE];
	v0 =	vld [tilespmem:s1+$0x4230]  }
0x36c: {  	_ = 	snop  }
0x36d: {  	s1 =	sadd.s32 $0xC, s6  }
0x36e: {  	s0 =	sadd.s32 s0, s1  }
0x36f: {  	s0 =	sshll.u32 s0, $0x8  }
0x370: {  	s0 =	sshra.s32 s0, $0x2;
	[tilespmem:s11+$0x13DB0] =	vst.add.f32.msk $0xffff, v0  }
0x371: {  	v0 =	vld [tilespmem:s0+$0x4200];
	_ =	sdelay $0x3  }
0x372: {  	s2 =	sshra.s32 s2, $0x2  }
0x373: {  	[tilespmem:s2+$0x13C00] =	vst.add.f32.msk $0xffff, v0  }
0x374: {  	v0 =	vld [tilespmem:s0+$0x4210];
	_ =	sdelay $0x4  }
0x375: {  	[tilespmem:s2+$0x13C10] =	vst.add.f32.msk $0xffff, v0  }
0x376: {  	v0 =	vld [tilespmem:s0+$0x4220];
	_ =	sdelay $0x4  }
0x377: {  	s3 =	sld [smem:s13+$0xFFFFFFFF];
	[tilespmem:s2+$0x13C20] =	vst.add.f32.msk $0xffff, v0  }
0x378: {  	v0 =	vld [tilespmem:s0+$0x4230];
	_ =	sdelay $0x1  }
0x379: {  	s21 =	sadd.s32 s3, s1  }
0x37a: {  	s0 =	sshll.u32 s21, $0x8  }
0x37b: {  	s0 =	sadd.s32 $0x300, s0  }
0x37c: {  	s0 =	sshra.s32 s0, $0x2;
	[tilespmem:s2+$0x13C30] =	vst.add.f32.msk $0xffff, v0  }
0x37d: {  	v0 =	vld [tilespmem:s0+$0x4200];
	_ =	sdelay $0x4  }
0x37e: {  	[tilespmem:s2+$0x13C80] =	vst.add.f32.msk $0xffff, v0  }
0x37f: {  	v0 =	vld [tilespmem:s0+$0x4210];
	_ =	sdelay $0x4  }
0x380: {  	[tilespmem:s2+$0x13C90] =	vst.add.f32.msk $0xffff, v0  }
0x381: {  	v0 =	vld [tilespmem:s0+$0x4220];
	_ =	sdelay $0x4  }
0x382: {  	s22 =	sld [smem:s13+$0x0];
	[tilespmem:s2+$0x13CA0] =	vst.add.f32.msk $0xffff, v0  }
0x383: {  	v0 =	vld [tilespmem:s0+$0x4230];
	_ =	sdelay $0x1  }
0x384: {  	s23 =	sadd.s32 s22, s1  }
0x385: {  	s0 =	sshll.u32 s23, $0x8  }
0x386: {  	s0 =	sadd.s32 $0x600, s0  }
0x387: {  	s0 =	sshra.s32 s0, $0x2;
	[tilespmem:s2+$0x13CB0] =	vst.add.f32.msk $0xffff, v0  }
0x388: {  	v0 =	vld [tilespmem:s0+$0x4200];
	_ =	sdelay $0x4  }
0x389: {  	[tilespmem:s2+$0x13D00] =	vst.add.f32.msk $0xffff, v0  }
0x38a: {  	v0 =	vld [tilespmem:s0+$0x4210];
	_ =	sdelay $0x4  }
0x38b: {  	[tilespmem:s2+$0x13D10] =	vst.add.f32.msk $0xffff, v0  }
0x38c: {  	v0 =	vld [tilespmem:s0+$0x4220];
	_ =	sdelay $0x4  }
0x38d: {  	s24 =	sld [smem:s13+$0x1];
	[tilespmem:s2+$0x13D20] =	vst.add.f32.msk $0xffff, v0  }
0x38e: {  	v0 =	vld [tilespmem:s0+$0x4230];
	_ =	sdelay $0x1  }
0x38f: {  	s25 =	sadd.s32 s24, s1  }
0x390: {  	s0 =	sshll.u32 s25, $0x8  }
0x391: {  	s0 =	sadd.s32 $0x900, s0  }
0x392: {  	s0 =	sshra.s32 s0, $0x2;
	[tilespmem:s2+$0x13D30] =	vst.add.f32.msk $0xffff, v0  }
0x393: {  	v0 =	vld [tilespmem:s0+$0x4200];
	_ =	sdelay $0x4  }
0x394: {  	[tilespmem:s2+$0x13D80] =	vst.add.f32.msk $0xffff, v0  }
0x395: {  	v0 =	vld [tilespmem:s0+$0x4210];
	_ =	sdelay $0x4  }
0x396: {  	[tilespmem:s2+$0x13D90] =	vst.add.f32.msk $0xffff, v0  }
0x397: {  	v0 =	vld [tilespmem:s0+$0x4220];
	_ =	sdelay $0x4  }
0x398: {  	[tilespmem:s2+$0x13DA0] =	vst.add.f32.msk $0xffff, v0  }
0x399: {  	s26 =	rddreg [dreg:$0x4];
	v0 =	vld [tilespmem:s0+$0x4230]  }
0x39a: {  	s28 =	rddreg [dreg:$0xd]  }
0x39b: {  	s0 =	sadd.s32 s26, s28  }
0x39c: {  	s0 =	smul.u32 $0xC80, s0  }
0x39d: {  	s29 =	rddreg [dreg:$0x6]  }
0x39e: {  	s30 =	simm.s32 $0x13C00;
	s31 =	simm.s32 $0x3;
	s0 =	sadd.s32 s29, s0;
	[tilespmem:s2+$0x13DB0] =	vst.add.f32.msk $0xffff, v0  }
0x39f: {  	[hbm4b:s0+s12] =	stream.linear.scatter [tilespmem:s30], [sflag:$0x4], $0x6400, $0x38;
	[tilespmem:$0x1A000] =	vst v63  }
0x3a0: {  	_ =	swait.ge [sflag:s31], $0x6400  }
0x3a1: {  	s2 =	rddreg [dreg:$0xb]  }
0x3a2: {  	p0 =	seq.s32 s2, $0xF  }
.Ltmp7:
0x3a3: {  	_ = 	snop;
	(pc) =	sbr.rel @p0 .LBB2_16-.Ltmp7, $3  }
0x3a4: {  	_ =	sdelay $0x1  }
0x3a5: {  	[sflag:s31] =	ssyncset.done $0x0  }
0x3a6: {  	[sflag:s31] =	ssyncadd.s32 $0xFFFF9C00  }
0x3a7: {  	s0 =	sadd.s32 $0x2, s4  }
0x3a8: {  	s2 =	sadd.s32 $0x1, s2;
	s1 =	sshll.u32 s0, $0x8;
	s0 =	sshll.u32 s0, $0x7  }
0x3a9: {  	s10 =	simm.s32 $0x0;
	s1 =	sand.u32 $0x3800, s1;
	s0 =	sand.u32 $0x300, s0  }
0x3aa: {  	s11 =	simm.s32 $0x10;
	[dreg:$0xb] =	wrdreg s2;
	s0 =	sor.u32 s1, s0  }
0x3ab: {  	s28 =	simm.s32 $0x0;
	s13 =	simm.s32 $0x0;
	[dreg:$0xe] =	wrdreg s0  }
.LBB2_14:
0x3ac: {  	s0 =	sand.u32 $0x60, s10;
	s6 =	rddreg [dreg:$0xe]  }
0x3ad: {  	s1 =	sand.u32 $0x400, s28;
	s0 =	sor.u32 s6, s0  }
0x3ae: {  	s0 =	sor.u32 s1, s0  }
0x3af: {  	v0 =	vld [tilespmem:s0+$0x0]  }
0x3b0: {  	v1 =	vld [tilespmem:s0+$0x2000];
	_ =	sdelay $0x3  }
0x3b1: {  	v0 =	vshll.u32 v0, $0x2  }
0x3b2: {  	v0 =	vadd.s32 v1, v0  }
0x3b3: {  	(v2sf) =	vpush v0, $0x0  }
0x3b4: {  	(v2sf) =	vpush v0, $0x1;
	_ =	sdelay $0x1  }
0x3b5: {  	(v2sf) =	vpush v0, $0x2;
	_ =	sdelay $0x4  }
0x3b6: {  	(v2sf) =	vpush v0, $0x3;
	_ =	sdelay $0x6  }
0x3b7: {  	s20 =	spop (v2sf)  }
0x3b8: {  	s21 =	spop (v2sf);
	(v2sf) =	vpush v0, $0x4  }
0x3b9: {  	s0 =	sshll.u32 s20, $0x2  }
0x3ba: {  	s23 =	sshra.s32 s13, $0x2;
	s0 =	sand.u32 $0x1FFFFFF0, s0;
	s24 =	spop (v2sf);
	(v2sf) =	vpush v0, $0x5  }
0x3bb: {  	s2 =	sadd.s32 $0xD800, s23;
	s0 =	sadd.s32 s5, s0  }
0x3bc: {  	[tilespmem:s2], [sflag:$0x1] =	stream.linear.gather [hbm4b:s0+s12], $0x80, $0x38;
	[tilespmem:$0x1A000] =	vst v63  }
0x3bd: {  	s0 =	sshll.u32 s21, $0x2  }
0x3be: {  	s0 =	sand.u32 $0x1FFFFFF0, s0  }
0x3bf: {  	s22 =	sadd.s32 $0xD880, s23;
	s26 =	spop (v2sf);
	s0 =	sadd.s32 s5, s0  }
0x3c0: {  	(v2sf) =	vpush v0, $0x6;
	[tilespmem:s22], [sflag:$0x1] =	stream.linear.gather [hbm4b:s0+s12], $0x80, $0x38;
	[tilespmem:$0x1A000] =	vst v63  }
0x3c1: {  	s0 =	sshll.u32 s24, $0x2  }
0x3c2: {  	s0 =	sand.u32 $0x1FFFFFF0, s0  }
0x3c3: {  	s25 =	sadd.s32 $0xD900, s23;
	s0 =	sadd.s32 s5, s0  }
0x3c4: {  	[tilespmem:s25], [sflag:$0x1] =	stream.linear.gather [hbm4b:s0+s12], $0x80, $0x38;
	[tilespmem:$0x1A000] =	vst v63  }
0x3c5: {  	s0 =	sshll.u32 s26, $0x2  }
0x3c6: {  	s0 =	sand.u32 $0x1FFFFFF0, s0  }
0x3c7: {  	s29 =	sadd.s32 $0xD980, s23;
	s0 =	sadd.s32 s5, s0;
	s30 =	spop (v2sf);
	(v2sf) =	vpush v0, $0x7  }
0x3c8: {  	[tilespmem:s29], [sflag:$0x1] =	stream.linear.gather [hbm4b:s0+s12], $0x80, $0x38;
	[tilespmem:$0x1A000] =	vst v63  }
0x3c9: {  	s2 =	spop (v2sf);
	(v2sf) =	vpush v0, $0x8  }
0x3ca: {  	s0 =	sshll.u32 s30, $0x2  }
0x3cb: {  	s0 =	sand.u32 $0x1FFFFFF0, s0  }
0x3cc: {  	s31 =	sadd.s32 $0xDA00, s23;
	s0 =	sadd.s32 s5, s0  }
0x3cd: {  	[tilespmem:s31], [sflag:$0x1] =	stream.linear.gather [hbm4b:s0+s12], $0x80, $0x38;
	[tilespmem:$0x1A000] =	vst v63  }
0x3ce: {  	s0 =	sshll.u32 s2, $0x2  }
0x3cf: {  	s4 =	spop (v2sf);
	(v2sf) =	vpush v0, $0x9;
	s0 =	sand.u32 $0x1FFFFFF0, s0  }
0x3d0: {  	s3 =	sadd.s32 $0xDA80, s23;
	s0 =	sadd.s32 s5, s0  }
0x3d1: {  	[tilespmem:s3], [sflag:$0x1] =	stream.linear.gather [hbm4b:s0+s12], $0x80, $0x38;
	[tilespmem:$0x1A000] =	vst v63  }
0x3d2: {  	s0 =	sshll.u32 s4, $0x2  }
0x3d3: {  	s0 =	sand.u32 $0x1FFFFFF0, s0  }
0x3d4: {  	s7 =	sadd.s32 $0xDB00, s23;
	s0 =	sadd.s32 s5, s0  }
0x3d5: {  	[tilespmem:s7], [sflag:$0x1] =	stream.linear.gather [hbm4b:s0+s12], $0x80, $0x38;
	[tilespmem:$0x1A000] =	vst v63  }
0x3d6: {  	s8 =	spop (v2sf);
	(v2sf) =	vpush v0, $0xA  }
0x3d7: {  	s0 =	sshll.u32 s8, $0x2  }
0x3d8: {  	s16 =	spop (v2sf);
	(v2sf) =	vpush v0, $0xB;
	s0 =	sand.u32 $0x1FFFFFF0, s0  }
0x3d9: {  	s9 =	sadd.s32 $0xDB80, s23;
	s14 =	sshll.u32 s16, $0x2;
	s0 =	sadd.s32 s5, s0  }
0x3da: {  	[tilespmem:s9], [sflag:$0x1] =	stream.linear.gather [hbm4b:s0+s12], $0x80, $0x38;
	[tilespmem:$0x1A000] =	vst v63  }
0x3db: {  	s0 =	sand.u32 $0x1FFFFFF0, s14  }
0x3dc: {  	s15 =	sadd.s32 $0xDC00, s23;
	s0 =	sadd.s32 s5, s0  }
0x3dd: {  	[tilespmem:s15], [sflag:$0x1] =	stream.linear.gather [hbm4b:s0+s12], $0x80, $0x38;
	[tilespmem:$0x1A000] =	vst v63  }
0x3de: {  	s15 =	spop (v2sf);
	(v2sf) =	vpush v0, $0xC;
	_ =	sdelay $0x6  }
0x3df: {  	s17 =	sshll.u32 s15, $0x2;
	s19 =	spop (v2sf);
	(v2sf) =	vpush v0, $0xD  }
0x3e0: {  	s0 =	sand.u32 $0x1FFFFFF0, s17  }
0x3e1: {  	s18 =	sadd.s32 $0xDC80, s23;
	s0 =	sadd.s32 s5, s0;
	s3 =	spop (v2sf);
	(v2sf) =	vpush v0, $0xE  }
0x3e2: {  	[tilespmem:s18], [sflag:$0x1] =	stream.linear.gather [hbm4b:s0+s12], $0x80, $0x38;
	[tilespmem:$0x1A000] =	vst v63  }
0x3e3: {  	s0 =	sshll.u32 s19, $0x2  }
0x3e4: {  	[dreg:$0x11] =	wrdreg s20;
	s20 =	sadd.s32 $0xDD00, s23;
	s0 =	sand.u32 $0x1FFFFFF0, s0  }
0x3e5: {  	[dreg:$0x14] =	wrdreg s21;
	s21 =	sshll.u32 s3, $0x2;
	s0 =	sadd.s32 s5, s0  }
0x3e6: {  	[tilespmem:s20], [sflag:$0x1] =	stream.linear.gather [hbm4b:s0+s12], $0x80, $0x38;
	[tilespmem:$0x1A000] =	vst v63  }
0x3e7: {  	s0 =	sand.u32 $0x1FFFFFF0, s21;
	s21 =	spop (v2sf);
	(v2sf) =	vpush v0, $0xF  }
0x3e8: {  	s22 =	sadd.s32 $0xDD80, s23;
	s0 =	sadd.s32 s5, s0  }
0x3e9: {  	[tilespmem:s22], [sflag:$0x1] =	stream.linear.gather [hbm4b:s0+s12], $0x80, $0x38;
	[tilespmem:$0x1A000] =	vst v63  }
0x3ea: {  	[dreg:$0x17] =	wrdreg s24;
	s24 =	sshll.u32 s21, $0x2  }
0x3eb: {  	s0 =	sand.u32 $0x1FFFFFF0, s24  }
0x3ec: {  	s25 =	sadd.s32 $0xDE00, s23;
	s0 =	sadd.s32 s5, s0  }
0x3ed: {  	[tilespmem:s25], [sflag:$0x1] =	stream.linear.gather [hbm4b:s0+s12], $0x80, $0x38;
	[tilespmem:$0x1A000] =	vst v63  }
0x3ee: {  	s22 =	spop (v2sf)  }
0x3ef: {  	[dreg:$0x1a] =	wrdreg s26;
	s26 =	sshll.u32 s22, $0x2  }
0x3f0: {  	s29 =	sadd.s32 $0xDE80, s23;
	s18 =	spop (v2sf);
	s0 =	sand.u32 $0x1FFFFFF0, s26  }
0x3f1: {  	[dreg:$0x1d] =	wrdreg s30;
	s30 =	sshll.u32 s18, $0x2;
	s0 =	sadd.s32 s5, s0  }
0x3f2: {  	[tilespmem:s29], [sflag:$0x1] =	stream.linear.gather [hbm4b:s0+s12], $0x80, $0x38;
	[tilespmem:$0x1A000] =	vst v63  }
0x3f3: {  	s0 =	sand.u32 $0x1FFFFFF0, s30  }
0x3f4: {  	s31 =	sadd.s32 $0xDF00, s23;
	s0 =	sadd.s32 s5, s0  }
0x3f5: {  	[tilespmem:s31], [sflag:$0x1] =	stream.linear.gather [hbm4b:s0+s12], $0x80, $0x38;
	[tilespmem:$0x1A000] =	vst v63  }
0x3f6: {  	[smem:$0x7F3] =	sst s2;
	s2 =	spop (v2sf)  }
0x3f7: {  	[smem:$0x7F4] =	sst s4;
	s4 =	sshll.u32 s2, $0x2  }
0x3f8: {  	s0 =	sand.u32 $0x1FFFFFF0, s4  }
0x3f9: {  	s7 =	sadd.s32 $0x10, s10;
	s4 =	sadd.s32 $0xDF80, s23;
	s0 =	sadd.s32 s5, s0  }
0x3fa: {  	[tilespmem:s4], [sflag:$0x1] =	stream.linear.gather [hbm4b:s0+s12], $0x80, $0x38;
	[tilespmem:$0x1A000] =	vst v63  }
0x3fb: {  	s0 =	sand.u32 $0x70, s7  }
0x3fc: {  	s0 =	sor.u32 s6, s0  }
0x3fd: {  	s0 =	sor.u32 s1, s0  }
0x3fe: {  	v62 =	vld [tilespmem:s0+$0x0]  }
0x3ff: {  	v63 =	vld [tilespmem:s0+$0x2000];
	_ =	sdelay $0x3  }
0x400: {  	v0 =	vshll.u32 v62, $0x2  }
0x401: {  	v0 =	vadd.s32 v63, v0  }
0x402: {  	(v2sf) =	vpush v0, $0x0;
	_ =	sdelay $0x4  }
0x403: {  	(v2sf) =	vpush v0, $0x1  }
0x404: {  	(v2sf) =	vpush v0, $0x2;
	_ =	sdelay $0x3  }
0x405: {  	(v2sf) =	vpush v0, $0x3;
	_ =	sdelay $0x4  }
0x406: {  	s14 =	spop (v2sf)  }
0x407: {  	[smem:$0x7F5] =	sst s8;
	(v2sf) =	vpush v0, $0x4;
	s8 =	sshll.u32 s14, $0x2  }
0x408: {  	s0 =	sand.u32 $0x1FFFFFF0, s8  }
0x409: {  	s9 =	sadd.s32 $0xE000, s23;
	s0 =	sadd.s32 s5, s0  }
0x40a: {  	[tilespmem:s9], [sflag:$0x1] =	stream.linear.gather [hbm4b:s0+s12], $0x80, $0x38;
	[tilespmem:$0x1A000] =	vst v63  }
0x40b: {  	s12 =	spop (v2sf)  }
0x40c: {  	s17 =	sshll.u32 s12, $0x2;
	s4 =	spop (v2sf);
	(v2sf) =	vpush v0, $0x5  }
0x40d: {  	[smem:$0x7F6] =	sst s19;
	s19 =	sadd.s32 $0xE080, s23;
	s0 =	sand.u32 $0x1FFFFFF0, s17  }
0x40e: {  	s1 =	simm.s32 $0x0;
	s20 =	sshll.u32 s4, $0x2;
	s0 =	sadd.s32 s5, s0  }
0x40f: {  	[tilespmem:s19], [sflag:$0x1] =	stream.linear.gather [hbm4b:s0+s1], $0x80, $0x38;
	[tilespmem:$0x1A000] =	vst v63  }
0x410: {  	s7 =	spop (v2sf);
	(v2sf) =	vpush v0, $0x6;
	s0 =	sand.u32 $0x1FFFFFF0, s20  }
0x411: {  	s24 =	sadd.s32 $0xE100, s23;
	s25 =	sshll.u32 s7, $0x2;
	s0 =	sadd.s32 s5, s0  }
0x412: {  	[tilespmem:s24], [sflag:$0x1] =	stream.linear.gather [hbm4b:s0+s1], $0x80, $0x38;
	[tilespmem:$0x1A000] =	vst v63  }
0x413: {  	s0 =	sand.u32 $0x1FFFFFF0, s25  }
0x414: {  	s26 =	sadd.s32 $0xE180, s23;
	s0 =	sadd.s32 s5, s0  }
0x415: {  	[tilespmem:s26], [sflag:$0x1] =	stream.linear.gather [hbm4b:s0+s1], $0x80, $0x38;
	[tilespmem:$0x1A000] =	vst v63  }
0x416: {  	s30 =	spop (v2sf);
	(v2sf) =	vpush v0, $0x7  }
0x417: {  	s29 =	sshll.u32 s30, $0x2  }
0x418: {  	s0 =	sand.u32 $0x1FFFFFF0, s29  }
0x419: {  	s31 =	sadd.s32 $0xE200, s23;
	s0 =	sadd.s32 s5, s0  }
0x41a: {  	[tilespmem:s31], [sflag:$0x1] =	stream.linear.gather [hbm4b:s0+s1], $0x80, $0x38;
	[tilespmem:$0x1A000] =	vst v63  }
0x41b: {  	s31 =	spop (v2sf);
	(v2sf) =	vpush v0, $0x8;
	_ =	sdelay $0x2  }
0x41c: {  	s8 =	sshll.u32 s31, $0x2  }
0x41d: {  	s0 =	sand.u32 $0x1FFFFFF0, s8;
	s8 =	spop (v2sf)  }
0x41e: {  	s9 =	sadd.s32 $0xE280, s23;
	(v2sf) =	vpush v0, $0x9;
	s0 =	sadd.s32 s5, s0;
	s17 =	sshll.u32 s8, $0x2  }
0x41f: {  	[tilespmem:s9], [sflag:$0x1] =	stream.linear.gather [hbm4b:s0+s1], $0x80, $0x38;
	[tilespmem:$0x1A000] =	vst v63  }
0x420: {  	s0 =	sand.u32 $0x1FFFFFF0, s17  }
0x421: {  	s19 =	sadd.s32 $0xE300, s23;
	s0 =	sadd.s32 s5, s0  }
0x422: {  	[tilespmem:s19], [sflag:$0x1] =	stream.linear.gather [hbm4b:s0+s1], $0x80, $0x38;
	[tilespmem:$0x1A000] =	vst v63  }
0x423: {  	s9 =	spop (v2sf);
	(v2sf) =	vpush v0, $0xA  }
0x424: {  	s20 =	sshll.u32 s9, $0x2  }
0x425: {  	(v2sf) =	vpush v0, $0xB;
	s0 =	sand.u32 $0x1FFFFFF0, s20  }
0x426: {  	s24 =	sadd.s32 $0xE380, s23;
	s0 =	sadd.s32 s5, s0  }
0x427: {  	[tilespmem:s24], [sflag:$0x1] =	stream.linear.gather [hbm4b:s0+s1], $0x80, $0x38;
	[tilespmem:$0x1A000] =	vst v63  }
0x428: {  	s26 =	spop (v2sf)  }
0x429: {  	(v2sf) =	vpush v0, $0xC;
	s25 =	sshll.u32 s26, $0x2  }
0x42a: {  	s0 =	sand.u32 $0x1FFFFFF0, s25  }
0x42b: {  	s29 =	sadd.s32 $0xE400, s23;
	s0 =	sadd.s32 s5, s0  }
0x42c: {  	[tilespmem:s29], [sflag:$0x1] =	stream.linear.gather [hbm4b:s0+s1], $0x80, $0x38;
	[tilespmem:$0x1A000] =	vst v63  }
0x42d: {  	s29 =	spop (v2sf)  }
0x42e: {  	s6 =	sshll.u32 s29, $0x2  }
0x42f: {  	(v2sf) =	vpush v0, $0xD;
	s0 =	sand.u32 $0x1FFFFFF0, s6  }
0x430: {  	s17 =	sadd.s32 $0xE480, s23;
	s0 =	sadd.s32 s5, s0  }
0x431: {  	[tilespmem:s17], [sflag:$0x1] =	stream.linear.gather [hbm4b:s0+s1], $0x80, $0x38;
	[tilespmem:$0x1A000] =	vst v63  }
0x432: {  	s17 =	spop (v2sf)  }
0x433: {  	s19 =	sshll.u32 s17, $0x2  }
0x434: {  	(v2sf) =	vpush v0, $0xE;
	s0 =	sand.u32 $0x1FFFFFF0, s19;
	s19 =	spop (v2sf)  }
0x435: {  	s20 =	sadd.s32 $0xE500, s23;
	s0 =	sadd.s32 s5, s0;
	s24 =	sshll.u32 s19, $0x2  }
0x436: {  	[tilespmem:s20], [sflag:$0x1] =	stream.linear.gather [hbm4b:s0+s1], $0x80, $0x38;
	[tilespmem:$0x1A000] =	vst v63  }
0x437: {  	s0 =	sand.u32 $0x1FFFFFF0, s24  }
0x438: {  	s25 =	sadd.s32 $0xE580, s23;
	s0 =	sadd.s32 s5, s0;
	s20 =	spop (v2sf)  }
0x439: {  	[tilespmem:s25], [sflag:$0x1] =	stream.linear.gather [hbm4b:s0+s1], $0x80, $0x38;
	[tilespmem:$0x1A000] =	vst v63  }
0x43a: {  	s6 =	sshll.u32 s20, $0x2  }
0x43b: {  	s0 =	sand.u32 $0x1FFFFFF0, s6  }
0x43c: {  	s24 =	sadd.s32 $0xE600, s23;
	s0 =	sadd.s32 s5, s0  }
0x43d: {  	[tilespmem:s24], [sflag:$0x1] =	stream.linear.gather [hbm4b:s0+s1], $0x80, $0x38;
	[tilespmem:$0x1A000] =	vst v63  }
0x43e: {  	s0 =	spop (v2sf)  }
0x43f: {  	s25 =	sshll.u32 s0, $0x2  }
0x440: {  	s6 =	sand.u32 $0x1FFFFFF0, s25  }
0x441: {  	s25 =	sadd.s32 $0xE680, s23;
	s6 =	sadd.s32 s5, s6  }
0x442: {  	[tilespmem:s25], [sflag:$0x1] =	stream.linear.gather [hbm4b:s6+s1], $0x80, $0x38;
	[tilespmem:$0x1A000] =	vst v63  }
0x443: {  	s6 =	spop (v2sf)  }
0x444: {  	s24 =	sshll.u32 s6, $0x2  }
0x445: {  	s25 =	sand.u32 $0x1FFFFFF0, s24  }
0x446: {  	s24 =	sadd.s32 $0xE700, s23;
	s25 =	sadd.s32 s5, s25  }
0x447: {  	[tilespmem:s24], [sflag:$0x1] =	stream.linear.gather [hbm4b:s25+s1], $0x80, $0x38;
	[tilespmem:$0x1A000] =	vst v63  }
0x448: {  	s25 =	rddreg [dreg:$0x11]  }
0x449: {  	s1 =	sand.u32 $0x3, s25;
	s25 =	rddreg [dreg:$0x14]  }
0x44a: {  	[smem:s11+$0xFFFFFFF0] =	sst s1  }
0x44b: {  	s1 =	sand.u32 $0x3, s25;
	s25 =	rddreg [dreg:$0x17]  }
0x44c: {  	[smem:s11+$0xFFFFFFF1] =	sst s1  }
0x44d: {  	s1 =	sand.u32 $0x3, s25;
	s25 =	rddreg [dreg:$0x1a]  }
0x44e: {  	[smem:s11+$0xFFFFFFF2] =	sst s1  }
0x44f: {  	s1 =	sand.u32 $0x3, s25;
	s25 =	rddreg [dreg:$0x1d]  }
0x450: {  	[smem:s11+$0xFFFFFFF3] =	sst s1  }
0x451: {  	s1 =	sand.u32 $0x3, s25;
	s25 =	sld [smem:$0x7F3];
	_ =	sdelay $0x1  }
0x452: {  	[smem:s11+$0xFFFFFFF4] =	sst s1  }
0x453: {  	s1 =	sand.u32 $0x3, s25;
	s25 =	sld [smem:$0x7F4];
	_ =	sdelay $0x1  }
0x454: {  	[smem:s11+$0xFFFFFFF5] =	sst s1  }
0x455: {  	s1 =	sand.u32 $0x3, s25;
	s25 =	sld [smem:$0x7F5];
	_ =	sdelay $0x1  }
0x456: {  	[smem:s11+$0xFFFFFFF6] =	sst s1  }
0x457: {  	s1 =	sand.u32 $0x3, s25;
	s25 =	sld [smem:$0x7F6]  }
0x458: {  	s16 =	sand.u32 $0x3, s16;
	[smem:s11+$0xFFFFFFF7] =	sst s1  }
0x459: {  	s15 =	sand.u32 $0x3, s15;
	[smem:s11+$0xFFFFFFF8] =	sst s16  }
0x45a: {  	[smem:s11+$0xFFFFFFF9] =	sst s15;
	s1 =	sand.u32 $0x3, s25  }
0x45b: {  	s3 =	sand.u32 $0x3, s3;
	[smem:s11+$0xFFFFFFFA] =	sst s1  }
0x45c: {  	(v2sf) =	vpush v0, $0xF;
	s16 =	sand.u32 $0x3, s21;
	[smem:s11+$0xFFFFFFFB] =	sst s3  }
0x45d: {  	s21 =	sand.u32 $0x3, s22;
	[smem:s11+$0xFFFFFFFC] =	sst s16  }
0x45e: {  	s22 =	sand.u32 $0x3, s18;
	[smem:s11+$0xFFFFFFFD] =	sst s21  }
0x45f: {  	s2 =	sand.u32 $0x3, s2;
	[smem:s11+$0xFFFFFFFE] =	sst s22  }
0x460: {  	s24 =	sand.u32 $0x3, s14;
	[smem:s11+$0xFFFFFFFF] =	sst s2  }
0x461: {  	s25 =	sand.u32 $0x3, s12;
	[smem:s11] =	sst s24  }
0x462: {  	s2 =	sand.u32 $0x3, s4;
	[smem:s11+$0x1] =	sst s25  }
0x463: {  	s3 =	sand.u32 $0x3, s7;
	[smem:s11+$0x2] =	sst s2  }
0x464: {  	s4 =	sand.u32 $0x3, s30;
	[smem:s11+$0x3] =	sst s3  }
0x465: {  	s7 =	sand.u32 $0x3, s31;
	[smem:s11+$0x4] =	sst s4  }
0x466: {  	s28 =	sadd.s32 $0x100, s28;
	s8 =	sand.u32 $0x3, s8;
	[smem:s11+$0x5] =	sst s7  }
0x467: {  	p0 =	sne.s32 s13, $0x14000;
	s14 =	sand.u32 $0x3, s9;
	[smem:s11+$0x6] =	sst s8  }
0x468: {  	s0 =	sand.u32 $0x3, s0;
	s15 =	sand.u32 $0x3, s26;
	[smem:s11+$0x7] =	sst s14  }
0x469: {  	s18 =	sand.u32 $0x3, s17;
	s16 =	sand.u32 $0x3, s29;
	[smem:s11+$0x8] =	sst s15  }
0x46a: {  	s12 =	simm.s32 $0x0;
	s29 =	sand.u32 $0x3, s6;
	[smem:s11+$0x9] =	sst s16  }
0x46b: {  	s21 =	sand.u32 $0x3, s19;
	s24 =	spop (v2sf);
	[smem:s11+$0xA] =	sst s18  }
0x46c: {  	s22 =	sand.u32 $0x3, s20;
	s25 =	sshll.u32 s24, $0x2;
	[smem:s11+$0xB] =	sst s21  }
.Ltmp8:
0x46d: {  	s26 =	sand.u32 $0x1FFFFFF0, s25;
	[smem:s11+$0xC] =	sst s22;
	(pc) =	sbr.rel @p0 .LBB2_14-.Ltmp8, $4  }
0x46e: {  	s30 =	sadd.s32 $0xE780, s23;
	[smem:s11+$0xD] =	sst s0;
	s0 =	sadd.s32 s5, s26  }
0x46f: {  	[tilespmem:s30], [sflag:$0x1] =	stream.linear.gather [hbm4b:s0+s12], $0x80, $0x38;
	[tilespmem:$0x1A000] =	vst v63  }
0x470: {  	s13 =	sadd.s32 $0x4000, s13;
	s31 =	sand.u32 $0x3, s24;
	[smem:s11+$0xE] =	sst s29  }
0x471: {  	s10 =	sadd.s32 $0x20, s10;
	[smem:s11+$0xF] =	sst s31;
	s11 =	sadd.s32 $0x20, s11  }
0x472: {  	s1 =	rddreg [dreg:$0xe]  }
0x473: {  	s0 =	sor.u32 $0x440, s1  }
0x474: {  	v0 =	vld.msk [tilespmem:s0+$0x0], $0xff  }
0x475: {  	v1 =	vld.msk [tilespmem:s1+$0x2440], $0xff;
	_ =	sdelay $0x3  }
0x476: {  	v0 =	vshll.u32 v0, $0x2  }
0x477: {  	v0 =	vadd.s32 v1, v0  }
0x478: {  	(v2sf) =	vpush v0, $0x0;
	_ =	sdelay $0x5  }
0x479: {  	(v2sf) =	vpush v0, $0x1;
	_ =	sdelay $0x2  }
0x47a: {  	(v2sf) =	vpush v0, $0x2;
	_ =	sdelay $0x5  }
0x47b: {  	s29 =	spop (v2sf);
	(v2sf) =	vpush v0, $0x3;
	_ =	sdelay $0x2  }
0x47c: {  	(v2sf) =	vpush v0, $0x4;
	_ =	sdelay $0x2  }
0x47d: {  	s31 =	spop (v2sf);
	(v2sf) =	vpush v0, $0x5  }
0x47e: {  	s2 =	simm.s32 $0x13800;
	s30 =	sshll.u32 s29, $0x2  }
0x47f: {  	s3 =	simm.s32 $0x13880;
	s4 =	simm.s32 $0x13900;
	s1 =	sand.u32 $0x1FFFFFF0, s30  }
0x480: {  	s10 =	sshll.u32 s31, $0x2;
	s11 =	spop (v2sf);
	s1 =	sadd.s32 s5, s1;
	(v2sf) =	vpush v0, $0x6  }
0x481: {  	[tilespmem:s2], [sflag:$0x1] =	stream.linear.gather [hbm4b:s1+s12], $0x80, $0x38;
	[tilespmem:$0x1A000] =	vst v63  }
0x482: {  	s7 =	simm.s32 $0x13980;
	s8 =	simm.s32 $0x13A00;
	s2 =	sand.u32 $0x1FFFFFF0, s10  }
0x483: {  	s0 =	sand.u32 $0x3, s29;
	s13 =	sshll.u32 s11, $0x2;
	s2 =	sadd.s32 s5, s2  }
0x484: {  	[tilespmem:s3], [sflag:$0x1] =	stream.linear.gather [hbm4b:s2+s12], $0x80, $0x38;
	[tilespmem:$0x1A000] =	vst v63  }
0x485: {  	s9 =	simm.s32 $0x13A80;
	[smem:$0xC0] =	sst s0;
	s3 =	sand.u32 $0x1FFFFFF0, s13  }
0x486: {  	s24 =	sand.u32 $0x3, s31;
	s3 =	sadd.s32 s5, s3;
	s14 =	spop (v2sf);
	(v2sf) =	vpush v0, $0x7  }
0x487: {  	[tilespmem:s4], [sflag:$0x1] =	stream.linear.gather [hbm4b:s3+s12], $0x80, $0x38;
	[tilespmem:$0x1A000] =	vst v63  }
0x488: {  	s21 =	simm.s32 $0x13B00;
	[smem:$0xC1] =	sst s24;
	s15 =	sshll.u32 s14, $0x2  }
0x489: {  	s25 =	sand.u32 $0x3, s11;
	s6 =	spop (v2sf);
	s4 =	sand.u32 $0x1FFFFFF0, s15  }
0x48a: {  	s11 =	rddreg [dreg:$0xb];
	s16 =	sshll.u32 s6, $0x2;
	s4 =	sadd.s32 s5, s4  }
0x48b: {  	[tilespmem:s7], [sflag:$0x1] =	stream.linear.gather [hbm4b:s4+s12], $0x80, $0x38;
	[tilespmem:$0x1A000] =	vst v63  }
0x48c: {  	[smem:$0xC2] =	sst s25;
	s17 =	spop (v2sf);
	s4 =	sand.u32 $0x1FFFFFF0, s16  }
0x48d: {  	s26 =	sand.u32 $0x3, s14;
	s18 =	sshll.u32 s17, $0x2;
	s4 =	sadd.s32 s5, s4  }
0x48e: {  	[tilespmem:s8], [sflag:$0x1] =	stream.linear.gather [hbm4b:s4+s12], $0x80, $0x38;
	[tilespmem:$0x1A000] =	vst v63  }
0x48f: {  	[smem:$0xC3] =	sst s26;
	s19 =	spop (v2sf);
	s4 =	sand.u32 $0x1FFFFFF0, s18  }
0x490: {  	s28 =	sand.u32 $0x3, s6;
	s20 =	sshll.u32 s19, $0x2;
	s4 =	sadd.s32 s5, s4  }
0x491: {  	[tilespmem:s9], [sflag:$0x1] =	stream.linear.gather [hbm4b:s4+s12], $0x80, $0x38;
	[tilespmem:$0x1A000] =	vst v63  }
0x492: {  	[smem:$0xC4] =	sst s28;
	s29 =	sand.u32 $0x3, s17;
	s4 =	sand.u32 $0x1FFFFFF0, s20  }
0x493: {  	p0 =	sne.s32 s11, $0x10;
	[smem:$0xC5] =	sst s29;
	s4 =	sadd.s32 s5, s4  }
0x494: {  	[tilespmem:s21], [sflag:$0x1] =	stream.linear.gather [hbm4b:s4+s12], $0x80, $0x38;
	[tilespmem:$0x1A000] =	vst v63  }
.Ltmp9:
0x495: {  	s22 =	spop (v2sf);
	(pc) =	sbr.rel @p0 .LBB2_6-.Ltmp9, $4  }
.Ltmp10:
0x496: {  	s30 =	sand.u32 $0x3, s19;
	s23 =	sshll.u32 s22, $0x2;
	(pc) =	sbr.rel @!p0 .LBB2_16-.Ltmp10, $4  }
0x497: {  	[smem:$0xC6] =	sst s30;
	s31 =	sand.u32 $0x3, s22;
	s9 =	sand.u32 $0x1FFFFFF0, s23  }
0x498: {  	s10 =	simm.s32 $0x13B80;
	[smem:$0xC7] =	sst s31;
	s9 =	sadd.s32 s5, s9  }
0x499: {  	[tilespmem:s10], [sflag:$0x1] =	stream.linear.gather [hbm4b:s9+s12], $0x80, $0x38;
	[tilespmem:$0x1A000] =	vst v63  }
0x49a: {  	_ = 	snop  }
.LBB2_17:
0x49b: {  	_ =	sfence.sel $0x180000  }
0x49c: {  	[bflag:$0x0] =	sbarrier.arrive $0xFFFF  }
0x49d: {  	_ =	strace $0x90000047  }
0x49e: {  	s0 =	stileid.u32;
	[bflag:$0x2] =	sbarrier.arrive $0xFFFF  }
0x49f: {  	p0 =	sne.s32 s0, $0x0;
	s0 =	rddreg [dreg:$0x3]  }
0x4a0: {  	s0 =	sadd.s32 @!p0 $0x100000, s0  }
0x4a1: {  	[sflag:s0] =	ssyncadd.tile.s32 @!p0 $0x1;
	_ =	shalt  }
.Lfunc_end2:
_tile_overlayer_lowered:
.L_overlay_start_2:
0x4a2: {  	(tag) =	ssettag $0x2  }
0x4a3: {  	s0 =	rddreg [dreg:$0x0];
	s2 =	stileid.u32  }
0x4a4: {  	s1 =	rddreg [dreg:$0x1];
	p0 =	sne.s32 s2, $0x0  }
0x4a5: {  	s3 =	rddreg [dreg:$0x2];
	[bflag:$0x3] =	sbarrier.arrive $0xFFFF;
	s2 =	simm.s32 @!p0 $0x1C05  }
0x4a6: {  	[timem:s3], [sflag:s2] =	dma.local @!p0 [hbm:s0], s1  }
0x4a7: {  	s0 =	simm.s32 @!p0 $0x5  }
0x4a8: {  	_ =	swait.ge @!p0 [sflag:s0], s1  }
0x4a9: {  	s1 =	ssub.s32 @!p0 $0x0, s1;
	[sflag:s0] =	ssyncset.done @!p0 $0x0  }
0x4aa: {  	[sflag:s0] =	ssyncadd.s32 @!p0 s1  }
0x4ab: {  	[bflag:$0x3] =	sbarrier.arrive $0xFFFF  }
0x4ac: {  	_ =	shalt  }

// kernel: sparse-core-data-format-call.cloned.1.call-start
scs
called_computation_lowered:
.L_overlay_start_0:
0x0: {  	s2 =	sld [smem:$0x3FD9]  }
0x1: {  	s3 =	sld [smem:$0x3FFE];
	_ =	sdelay $0x1  }
0x2: {  	s1 =	srdreg.scid  }
0x3: {  	s0 =	sand.u32 $0x1, s1  }
0x4: {  	s18 =	sshll.u32 s0, $0xA;
	s2 =	sadd.s32 s3, s2  }
0x5: {  	s2 =	sadd.s32 s2, s18  }
0x6: {  	[smem:$0x3FC3] =	sst s2  }
0x7: {  	_ = 	snop  }
0x8: {  	s2 =	sld [smem:$0x3FD0];
	(tm) =	ssettm $0x1  }
0x9: {  	s19 =	sld [smem:$0x3FFB];
	_ =	sdelay $0x3  }
0xa: {  	_ =	strace s19  }
0xb: {  	s3 =	sld [smem:$0x3FFC];
	_ =	sdelay $0x3  }
0xc: {  	_ =	strace s3  }
0xd: {  	s3 =	sld [smem:$0x3FFD];
	_ =	sdelay $0x3  }
0xe: {  	_ =	strace s3  }
0xf: {  	_ =	strace $0x8FFFFFFF  }
0x10: {  	s20 =	sld [smem:$0x3FDB];
	_ =	sdelay $0x1  }
0x11: {  	s4 =	simm.s32 $_scs_section_size  }
0x12: {  	s5 =	simm.s32 $_size__tile_overlayer_lowered;
	s6 =	simm.s32 $_tile_overlayer_lowered  }
0x13: {  	s23 =	simm.s32 $0x1BFF;
	s22 =	sshll.u32 s6, $0x1;
	s3 =	sadd.s32 s4, s20  }
0x14: {  	s7 =	simm.s32 $0x0;
	s21 =	sshll.u32 s5, $0x1;
	s5 =	sadd.s32 s22, s3  }
0x15: {  	[timem:s7], [sflag:s23] =	dma.local [hbm:s5], s21  }
0x16: {  	_ =	swait.ge [sflag:s23], s21  }
0x17: {  	s4 =	ssub.s32 $0x0, s21;
	[sflag:s23] =	ssyncset.done $0x0  }
0x18: {  	[sflag:s23] =	ssyncadd.s32 s4;
	_ =	sdelay $0x1  }
0x19: {  	s24 =	simm.s32 $0x1B8B  }
0x1a: {  	_ =	swait.ge [sflag:s24], $0x1  }
0x1b: {  	[sflag:s24] =	ssyncset.done $0x0  }
0x1c: {  	s26 =	simm.s32 $0x1B8E;
	s25 =	sld [smem:$0x3FFE];
	[sflag:s24] =	ssyncadd.s32 $0xFFFFFFFF  }
0x1d: {  	s27 =	simm.s32 $execute0_lowered;
	[smem:$0x3FD2] =	sst s26  }
0x1e: {  	s5 =	sshll.u32 s27, $0x1;
	_ =	strace $0x80000049;
	[dreg:$0x1] =	wrdreg $0xFFFFFFFF  }
0x1f: {  	s28 =	simm.s32 $_size_execute0_lowered;
	s3 =	sadd.s32 s3, s5;
	[dreg:$0x0] =	wrdreg $0x0  }
0x20: {  	s5 =	sshll.u32 s28, $0x1;
	[dreg:$0x2] =	wrdreg s3  }
0x21: {  	[dreg:$0x3] =	wrdreg s5  }
0x22: {  	[dreg:$0x4] =	wrdreg $0xC0  }
0x23: {  	_ =	task [dreg:s7], $0x5FFFF  }
0x24: {  	[dreg:$0x1] =	wrdreg $0xFFFFFFFF  }
0x25: {  	[dreg:$0x0] =	wrdreg $0x60  }
0x26: {  	[dreg:$0x2] =	wrdreg s25  }
0x27: {  	[dreg:$0x3] =	wrdreg s2  }
0x28: {  	[dreg:$0x4] =	wrdreg $0x9  }
0x29: {  	_ =	task.clear_ibuf [dreg:s7], $0x5FFFF;
	_ =	strace $0x90000049  }
0x2a: {  	s29 =	simm.s32 $0x9;
	_ =	strace $0x8000004B  }
0x2b: {  	_ =	swait.ge [sflag:s29], $0x1  }
0x2c: {  	[sflag:s29] =	ssyncadd.s32 $0xFFFFFFFF  }
0x2d: {  	_ =	strace $0x9000004B  }
0x2e: {  	_ =	sfence  }
0x2f: {  	s30 =	sld [smem:$0x0];
	_ =	sdelay $0x2  }
0x30: {  	s31 =	sshll.u32 s1, $0xD;
	s1 =	sshrl.u32 s1, $0x2  }
0x31: {  	s3 =	sand.u32 $0x4000, s31;
	s1 =	sadd.s32 s1, s30  }
0x32: {  	s0 =	sor.u32 s3, s0;
	s1 =	sshll.u32 s1, $0x11  }
0x33: {  	s0 =	sor.u32 s1, s0  }
0x34: {  	s0 =	sadd.s32 $0x8F2B, s0  }
0x35: {  	[sflag:s0] =	ssyncadd.remote.s32 $0x1  }
0x36: {  	_ =	sfence.sel $0xFFFF  }
0x37: {  	[dreg:$0x0] =	wrdreg $0xFFFFFFFF;
	(pc) =	sbr.abs _section_cstart, $3  }
0x38: {  	[dreg:$0x1] =	wrdreg $0xFFFFFFFF  }
0x39: {  	_ =	task.clear_ibuf [dreg:s7], $0x2FFFF;
	_ =	strace $0x9FFFFFFF  }
0x3a: {  	(tm) =	ssettm $0x7FFFFFFF  }
0x3b: {  	_ =	shalt  }
tec
execute0_lowered:
.L_overlay_start_1:
0x0: {  	(tag) =	ssettag $0x1  }
0x1: {  	s0 =	stileid.u32;
	s6 =	rddreg [dreg:$0x0]  }
0x2: {  	s2 =	rddreg [dreg:$0x1];
	s5 =	srdreg.scid  }
0x3: {  	s31 =	simm.s32 $0x2;
	s13 =	simm.s32 $0x0;
	s1 =	sshll.u32 s0, $0x7  }
0x4: {  	s14 =	simm.s32 $0x0;
	s12 =	simm.s32 $0x0;
	s3 =	sand.u32 $0x380, s1  }
0x5: {  	s5 =	sshll.u32 s5, $0x4;
	s6 =	sadd.s32 $0xF4CC00, s6;
	s4 =	ssub.s32 $0x400, s3  }
0x6: {  	s1 =	rddreg [dreg:$0x2];
	_ =	strace $0x8000004A;
	s7 =	sand.u32 $0x380, s4  }
0x7: {  	s5 =	sand.u32 $0x10, s5;
	p0 =	sne.s32 s7, $0x0;
	s7 =	simm.s32 $0x1  }
.Ltmp0:
0x8: {  	s8 =	sshrl.u32 s4, $0xA;
	s7 =	simm.s32 @!p0 $0x0;
	(pc) =	sbr.rel .LBB1_1-.Ltmp0, $4  }
0x9: {  	s9 =	sor.u32 s0, s5;
	s4 =	simm.s32 $0x1;
	s30 =	sadd.s32 s7, s8  }
0xa: {  	s11 =	smov.u32 s3;
	[sflag:s4] =	ssyncpa.u1 $0x0;
	s5 =	smul.u32 $0x32, s30  }
0xb: {  	[sflag:s31] =	ssyncpa.u1 $0x0;
	p0 =	por $0x0, $0x0;
	s7 =	sshrl.u32 s9, $0x3  }
0xc: {  	s9 =	simm.s32 $0x2000;
	s10 =	smov.u32 s7;
	s8 =	sor.u32 $0x1, s5  }
.LBB1_4:
0xd: {  	s17 =	sand.u32 $0x1F80, s14;
	s13 =	sshll.u32 s13, $0xD  }
0xe: {  	[tilespmem:s16+$0x810 ss:$0x81] =	vst.msk $0xffff, v2;
	s18 =	sshrl.u32 s14, $0x3;
	s31 =	sand.u32 $0x7, s14;
	s17 =	sadd.s32 s2, s17  }
0xf: {  	[tilespmem:s16+$0x1020 ss:$0x81] =	vst.msk $0xffff, v0;
	s18 =	sand.u32 $0xF, s18;
	s14 =	sshll.u32 s31, $0x12;
	s13 =	sadd.s32 s13, s17  }
0x10: {  	[tilespmem:s16+$0x0 ss:$0x81] =	vst.msk $0xffff, v1;
	s14 =	sor.u32 $0x400, s14;
	s13 =	sadd.s32 s18, s13  }
0x11: {  	[hbm4b:s13+s14] =	stream.strided.scatter [tilespmem:s15], [sflag:$0x2], $0x2000, s9, s14, $0x20;
	[tilespmem:$0x8080] =	vst v63  }
.LBB1_5:
0x12: {  	s15 =	sadd.s32 $0x4, s10  }
0x13: {  	s13 =	sadd.s32 $0x400, s11;
	s17 =	smov.u32 s11;
	p2 =	sgt.s32 s15, $0xC7  }
0x14: {  	s17 =	smov.u32 @p2 s13  }
0x15: {  	s15 =	smov.u32 @p2 s7;
	p2 =	sgt.s32 s17, $0x3FF  }
0x16: {  	s17 =	smov.u32 @p2 s3;
	p2 =	sne.s32 s12, s8  }
.Ltmp1:
0x17: {  	p1 =	slt.u32 s12, $0x2;
	(pc) =	sbr.rel @!p2 .LBB1_6-.Ltmp1, $4  }
0x18: {  	s16 =	simm.s32 @!p1 $0x2  }
0x19: {  	s14 =	smov.u32 s11;
	p0 =	por !p0, !p0;
	_ =	swait.ge @!p1 [sflag:s16], $0x2000  }
0x1a: {  	s13 =	smov.u32 s10;
	[sflag:s16] =	ssyncset.done @!p1 $0x0;
	s10 =	smov.u32 s15  }
0x1b: {  	s12 =	sadd.s32 $0x1, s12;
	[sflag:s16] =	ssyncadd.s32 @!p1 $0xFFFFE000;
	s11 =	smov.u32 s17  }
.LBB1_1:
0x1c: {  	p1 =	sge.u32 s12, s5  }
0x1d: {  	s15 =	sand.u32 @!p1 $0x1FFFFFF, s10  }
0x1e: {  	s16 =	smulhi.u32 @!p1 $0x147AE15, s15;
	_ =	sdelay $0x1  }
0x1f: {  	s16 =	smul.u32 @!p1 $0xC8, s16  }
0x20: {  	s17 =	sxor.u32 @!p1 $0xFFFFFFFF, s12;
	s18 =	smul.u32 @!p1 $0xC80, s11  }
0x21: {  	s31 =	sadd.s32 $0xFFFFFFFF, s12;
	s17 =	sshll.u32 @!p1 s17, $0xD;
	s15 =	ssub.s32 @!p1 s15, s16  }
0x22: {  	s16 =	sand.u32 @!p1 $0x2000, s17;
	s17 =	sadd.s32 @!p1 s6, s18;
	s15 =	sshll.u32 @!p1 s15, $0x4  }
0x23: {  	s18 =	simm.s32 @!p1 $0x6400;
	s15 =	sadd.s32 @!p1 s15, s17;
	s17 =	simm.s32 @!p1 $0x40  }
0x24: {  	[tilespmem:s16], [sflag:$0x1] =	stream.strided.gather @!p1 [hbm4b:s15+s17], $0x2000, s18, s17, $0x38;
	[tilespmem:$0x8080] =	vst v63  }
0x25: {  	p1 =	sge.u32 s31, s5  }
.Ltmp2:
0x26: {  	_ = 	snop;
	(pc) =	sbr.rel @p1 .LBB1_5-.Ltmp2, $1  }
0x27: {  	_ =	sdelay $0x3  }
0x28: {  	s15 =	simm.s32 $0x1  }
0x29: {  	_ =	swait.ge [sflag:s4], $0x2000;
	s15 =	simm.s32 @!p0 $0x0  }
0x2a: {  	[sflag:s4] =	ssyncset.done $0x0;
	s16 =	sshll.u32 s15, $0xD  }
0x2b: {  	[sflag:s4] =	ssyncadd.s32 $0xFFFFE000;
	s19 =	sor.u32 $0x20, s16  }
0x2c: {  	s15 =	smul.u32 $0x8100, s15;
	v3 =	vld [tilespmem:s19+$0x10]  }
0x2d: {  	s30 =	sand.u32 $0x1, s12;
	v2 =	vld [tilespmem:s19+$0xFFFFFFF0]  }
0x2e: {  	s16 =	smul.u32 $0x8100, s30;
	s15 =	sshrl.u32 s15, $0x2;
	v0 =	vld [tilespmem:s19+$0x0]  }
0x2f: {  	v1 =	vld [tilespmem:s19+$0xFFFFFFE0];
	s17 =	sor.u32 $0x4000, s15  }
0x30: {  	s31 =	sshrl.u32 s16, $0x2;
	s16 =	sadd.s32 $0x0, s17  }
0x31: {  	s18 =	simm.s32 $0x4;
	s19 =	sadd.s32 $0x40, s19;
	s15 =	sor.u32 $0x4000, s31;
	[tilespmem:s16+$0x1830 ss:$0x81] =	vst.msk $0xffff, v3  }
.LBB1_3:
0x32: {  	v3 =	vld [tilespmem:s19+$0x10];
	p1 =	sne.s32 s18, $0x1FC;
	[tilespmem:s16+$0x810 ss:$0x81] =	vst.msk $0xffff, v2;
	s20 =	smov.u32 s18;
	s18 =	sadd.s32 $0x4, s18  }
.Ltmp3:
0x33: {  	v2 =	vld [tilespmem:s19+$0xFFFFFFF0];
	[tilespmem:s16+$0x1020 ss:$0x81] =	vst.msk $0xffff, v0;
	(pc) =	sbr.rel @p1 .LBB1_3-.Ltmp3, $4  }
0x34: {  	v0 =	vld [tilespmem:s19+$0x0];
	[tilespmem:s16+$0x0 ss:$0x81] =	vst.msk $0xffff, v1  }
0x35: {  	s16 =	sshra.s32 s20, $0x2;
	v1 =	vld [tilespmem:s19+$0xFFFFFFE0]  }
0x36: {  	s16 =	sadd.s32 s16, s17  }
0x37: {  	s19 =	sadd.s32 $0x40, s19;
	[tilespmem:s16+$0x1830 ss:$0x81] =	vst.msk $0xffff, v3  }
.Ltmp4:
0x38: {  	_ = 	snop;
	(pc) =	sbr.rel .LBB1_4-.Ltmp4, $1  }
0x39: {  	_ =	sdelay $0x3  }
.LBB1_6:
0x3a: {  	_ =	sfence.sel $0x180000  }
0x3b: {  	s2 =	simm.s32 $0x1;
	[bflag:$0x0] =	sbarrier.arrive $0xFFFF  }
0x3c: {  	s31 =	simm.s32 $0x2;
	[sflag:s2] =	ssyncpa.u1 $0x1  }
0x3d: {  	[sflag:s31] =	ssyncpa.u1 $0x1  }
0x3e: {  	p0 =	sne.s32 s0, $0x0;
	_ =	strace $0x9000004A  }
0x3f: {  	s0 =	sadd.s32 @!p0 $0x100000, s1;
	[bflag:$0x2] =	sbarrier.arrive $0xFFFF  }
0x40: {  	[sflag:s0] =	ssyncadd.tile.s32 @!p0 $0x1;
	_ =	shalt  }
.Lfunc_end1:
_tile_overlayer_lowered:
.L_overlay_start_2:
0x41: {  	(tag) =	ssettag $0x2  }
0x42: {  	s0 =	rddreg [dreg:$0x0];
	s2 =	stileid.u32  }
0x43: {  	s1 =	rddreg [dreg:$0x1];
	p0 =	sne.s32 s2, $0x0  }
0x44: {  	s3 =	rddreg [dreg:$0x2];
	[bflag:$0x3] =	sbarrier.arrive $0xFFFF;
	s2 =	simm.s32 @!p0 $0x1C01  }
0x45: {  	[timem:s3], [sflag:s2] =	dma.local @!p0 [hbm:s0], s1  }
0x46: {  	s0 =	simm.s32 @!p0 $0x1  }
0x47: {  	_ =	swait.ge @!p0 [sflag:s0], s1  }
0x48: {  	s1 =	ssub.s32 @!p0 $0x0, s1;
	[sflag:s0] =	ssyncset.done @!p0 $0x0  }
0x49: {  	[sflag:s0] =	ssyncadd.s32 @!p0 s1  }
0x4a: {  	[bflag:$0x3] =	sbarrier.arrive $0xFFFF  }
0x4b: {  	_ =	shalt  }

</sc_bundles>
